<compile_context>
chip_gen: v7x
topology: tpu7x:2x2x1
jax: 0.10.2.dev20260603
libtpu: 0.0.44.dev20260713+nightly
codegen_flags: <defaults>
</compile_context>

<pallas_src>
import functools

import jax
import jax.numpy as jnp
from jax import lax
from jax.experimental import pallas as pl
from jax.experimental.pallas import tpu as pltpu
from jax.experimental.pallas import tpu_sc as plsc

N = 10000
F = 128
G = 128
NC = 2
NS = 16
NW = NC * NS
C = 128
NP = 10112
SLAB = NP // NS
EC = 3 * C

MCK_L = 80
MCK_S = 40
NKP_L = NW * (MCK_L + 4)
NKP_S = NW * (MCK_S + 4)

_mesh = plsc.VectorSubcoreMesh(core_axis_name="c", subcore_axis_name="s")
_sc_params = pltpu.CompilerParams(needs_layout_passes=False)


@functools.partial(
    pl.kernel,
    out_type=(
        jax.ShapeDtypeStruct((NC * NP,), jnp.float32),
        jax.ShapeDtypeStruct((NC * NP,), jnp.float32),
    ),
    mesh=_mesh,
    compiler_params=_sc_params,
    scratch_types=[
        pltpu.VMEM_SHARED((NP,), jnp.float32),
        pltpu.VMEM_SHARED((NP,), jnp.float32),
        pltpu.VMEM((4 * EC,), jnp.int32),
        pltpu.VMEM((C,), jnp.int32),
        pltpu.VMEM((C,), jnp.float32),
        pltpu.SemaphoreType.DMA,
        pltpu.SemaphoreType.DMA,
        pltpu.SemaphoreType.DMA,
        pltpu.SemaphoreType.DMA,
    ],
)
def _deg_kernel(ed_l, ed_s, z1, degp_l, degp_s,
                acc_l, acc_s, ebuf, dstb, ewb, es0, es1, es2, es3):
    c = lax.axis_index("c")
    s = lax.axis_index("s")
    w = s * NC + c
    esems = (es0, es1, es2, es3)

    @pl.when(s == 0)
    def _():
        pltpu.sync_copy(z1, acc_l)
        pltpu.sync_copy(z1, acc_s)

    plsc.subcore_barrier()

    def run(ed_hbm, mck, acc):
        for r in range(4):
            pltpu.async_copy(ed_hbm.at[pl.ds((w + r * NW) * EC, EC)],
                             ebuf.at[pl.ds(r * EC, EC)], esems[r])

        def sub(jj, r):
            pltpu.make_async_copy(ed_hbm.at[pl.ds(0, EC)],
                                  ebuf.at[pl.ds(r * EC, EC)],
                                  esems[r]).wait()
            for t in range(C // 16):
                dstb[pl.ds(t * 16, 16)] = ebuf[pl.ds(r * EC + C + t * 16, 16)]
                ewb[pl.ds(t * 16, 16)] = lax.bitcast_convert_type(
                    ebuf[pl.ds(r * EC + 2 * C + t * 16, 16)], jnp.float32)
            pltpu.sync_copy(ewb, acc.at[dstb], add=True)
            pltpu.async_copy(ed_hbm.at[pl.ds((w + (jj + 4) * NW) * EC, EC)],
                             ebuf.at[pl.ds(r * EC, EC)], esems[r])

        def body(i, _):
            sub(4 * i, 0)
            sub(4 * i + 1, 1)
            sub(4 * i + 2, 2)
            sub(4 * i + 3, 3)
            return 0

        lax.fori_loop(0, mck // 4, body, 0)
        for r in range(4):
            pltpu.make_async_copy(ed_hbm.at[pl.ds(0, EC)],
                                  ebuf.at[pl.ds(r * EC, EC)],
                                  esems[r]).wait()

    run(ed_l, MCK_L, acc_l)
    run(ed_s, MCK_S, acc_s)
    plsc.subcore_barrier()

    @pl.when(s == 0)
    def _():
        pltpu.sync_copy(acc_l, degp_l.at[pl.ds(c * NP, NP)])
        pltpu.sync_copy(acc_s, degp_s.at[pl.ds(c * NP, NP)])


def _mm_body(xl_ref, wa_ref, xs_ref, wb_ref, hl_ref, hs_ref):
    hl_ref[...] = jnp.dot(xl_ref[...], wa_ref[...],
                          preferred_element_type=jnp.float32)
    hs_ref[...] = jnp.dot(xs_ref[...], wb_ref[...],
                          preferred_element_type=jnp.float32)


def _dinv_body(dl_ref, ds_ref, ol_ref, os_ref):
    degl = dl_ref[0] + dl_ref[1]
    ol_ref[...] = jnp.where(degl > 0, lax.rsqrt(degl), 0.0)
    degs = ds_ref[0] + ds_ref[1]
    os_ref[...] = jnp.where(degs > 0, lax.rsqrt(degs), 0.0)


@functools.partial(
    pl.kernel,
    out_type=(
        jax.ShapeDtypeStruct((NC, NP, F), jnp.float32),
        jax.ShapeDtypeStruct((NC, NP, F), jnp.float32),
    ),
    mesh=_mesh,
    compiler_params=_sc_params,
    scratch_types=[
        pltpu.VMEM_SHARED((NP, F), jnp.float32),
        pltpu.VMEM((4 * EC,), jnp.int32),
        pltpu.VMEM((C, F), jnp.float32),
        pltpu.VMEM((C, F), jnp.float32),
        pltpu.VMEM((C,), jnp.float32),
        pltpu.VMEM((C,), jnp.float32),
        pltpu.VMEM((C,), jnp.int32),
        pltpu.VMEM((C,), jnp.int32),
        pltpu.VMEM((C,), jnp.int32),
        pltpu.SemaphoreType.DMA,
        pltpu.SemaphoreType.DMA,
        pltpu.SemaphoreType.DMA,
        pltpu.SemaphoreType.DMA,
        pltpu.SemaphoreType.DMA,
        pltpu.SemaphoreType.DMA,
        pltpu.SemaphoreType.DMA,
        pltpu.SemaphoreType.DMA,
    ],
)
def _msg_kernel(h_l, h_s, dinv_l, dinv_s, ed_l, ed_s, z128,
                accp_l, accp_s,
                acc, ebuf, rows0, rows1, dinvb0, dinvb1, srcb0, srcb1, dstb,
                es0, es1, es2, es3, gs0, gs1, ds0, ds1):
    c = lax.axis_index("c")
    s = lax.axis_index("s")
    w = s * NC + c
    esems = (es0, es1, es2, es3)

    def graph_pass(h_hbm, dinv_hbm, ed_hbm, mck, out_hbm):
        pltpu.sync_copy(z128.at[pl.ds(s * SLAB, SLAB)],
                        acc.at[pl.ds(s * SLAB, SLAB)])
        for r in range(4):
            pltpu.async_copy(ed_hbm.at[pl.ds((w + r * NW) * EC, EC)],
                             ebuf.at[pl.ds(r * EC, EC)], esems[r])
        for r, srcb, rows, dinvb, gsem, dsem in (
                (0, srcb0, rows0, dinvb0, gs0, ds0),
                (1, srcb1, rows1, dinvb1, gs1, ds1)):
            pltpu.make_async_copy(ed_hbm.at[pl.ds(0, EC)],
                                  ebuf.at[pl.ds(r * EC, EC)],
                                  esems[r]).wait()
            for t in range(C // 16):
                srcb[pl.ds(t * 16, 16)] = ebuf[pl.ds(r * EC + t * 16, 16)]
            pltpu.async_copy(h_hbm.at[srcb], rows, gsem)
            pltpu.async_copy(dinv_hbm.at[srcb], dinvb, dsem)
        plsc.subcore_barrier()

        def sub(jj, r, r2, rows, dinvb, srcb, gsem, dsem):
            pltpu.make_async_copy(dinv_hbm.at[srcb], dinvb, dsem).wait()
            pltpu.make_async_copy(h_hbm.at[srcb], rows, gsem).wait()
            for t in range(C // 16):
                ewv = lax.bitcast_convert_type(
                    ebuf[pl.ds(r * EC + 2 * C + t * 16, 16)], jnp.float32)
                dinvb[pl.ds(t * 16, 16)] = dinvb[pl.ds(t * 16, 16)] * ewv
                dstb[pl.ds(t * 16, 16)] = ebuf[pl.ds(r * EC + C + t * 16, 16)]

            def scale(e, _):
                nspl = plsc.load_gather(dinvb, [lax.broadcast(e, (16,))])
                for f in range(F // 16):
                    rows[e, pl.ds(f * 16, 16)] = (
                        rows[e, pl.ds(f * 16, 16)] * nspl)
                return 0

            lax.fori_loop(0, C, scale, 0)
            pltpu.sync_copy(rows, acc.at[dstb], add=True)
            pltpu.make_async_copy(ed_hbm.at[pl.ds(0, EC)],
                                  ebuf.at[pl.ds(r2 * EC, EC)],
                                  esems[r2]).wait()
            for t in range(C // 16):
                srcb[pl.ds(t * 16, 16)] = ebuf[pl.ds(r2 * EC + t * 16, 16)]
            pltpu.async_copy(h_hbm.at[srcb], rows, gsem)
            pltpu.async_copy(dinv_hbm.at[srcb], dinvb, dsem)
            pltpu.async_copy(ed_hbm.at[pl.ds((w + (jj + 4) * NW) * EC, EC)],
                             ebuf.at[pl.ds(r * EC, EC)], esems[r])

        def body(i, _):
            sub(4 * i, 0, 2, rows0, dinvb0, srcb0, gs0, ds0)
            sub(4 * i + 1, 1, 3, rows1, dinvb1, srcb1, gs1, ds1)
            sub(4 * i + 2, 2, 0, rows0, dinvb0, srcb0, gs0, ds0)
            sub(4 * i + 3, 3, 1, rows1, dinvb1, srcb1, gs1, ds1)
            return 0

        lax.fori_loop(0, mck // 4, body, 0)
        for r, srcb, rows, dinvb, gsem, dsem in (
                (2, srcb0, rows0, dinvb0, gs0, ds0),
                (3, srcb1, rows1, dinvb1, gs1, ds1)):
            pltpu.make_async_copy(ed_hbm.at[pl.ds(0, EC)],
                                  ebuf.at[pl.ds(r * EC, EC)],
                                  esems[r]).wait()
            pltpu.make_async_copy(h_hbm.at[srcb], rows, gsem).wait()
            pltpu.make_async_copy(dinv_hbm.at[srcb], dinvb, dsem).wait()
        plsc.subcore_barrier()
        pltpu.sync_copy(acc.at[pl.ds(s * SLAB, SLAB)],
                        out_hbm.at[c, pl.ds(s * SLAB, SLAB)])
        plsc.subcore_barrier()

    graph_pass(h_l, dinv_l, ed_l, MCK_L, accp_l)
    graph_pass(h_s, dinv_s, ed_s, MCK_S, accp_s)


def _head_body(accp_l_ref, accp_s_ref, degp_l_ref, degp_s_ref,
               batch_l_ref, batch_s_ref, b1a_ref, b1b_ref,
               wl1_ref, bl1_ref, wl2_ref, bl2_ref,
               gamma_ref, beta_ref, wo_ref, bo_ref,
               out_ref, hidden_ref):
    def pooled(accp_ref, degp_ref, batch_ref, b_ref):
        acc = accp_ref[0] + accp_ref[1]
        deg = degp_ref[0] + degp_ref[1]
        dinv = jnp.where(deg > 0, lax.rsqrt(deg), 0.0)
        node = jnp.maximum(acc * dinv + b_ref[...], 0.0)
        iota = lax.broadcasted_iota(jnp.int32, (G, NP), 0)
        pt = (iota == batch_ref[...]).astype(jnp.float32)
        seg = jnp.dot(pt, node, preferred_element_type=jnp.float32,
                      precision=lax.Precision.HIGHEST)
        cnt = jnp.sum(pt, axis=1, keepdims=True)
        return seg / jnp.maximum(cnt, 1.0)

    h1 = pooled(accp_l_ref, degp_l_ref, batch_l_ref, b1a_ref)
    h2 = pooled(accp_s_ref, degp_s_ref, batch_s_ref, b1b_ref)
    hid = jnp.concatenate([h1, h2], axis=1)
    hid = jnp.dot(hid, wl1_ref[...],
                  preferred_element_type=jnp.float32) + bl1_ref[...]
    hid = jnp.dot(hid, wl2_ref[...],
                  preferred_element_type=jnp.float32) + bl2_ref[...]
    mean = jnp.mean(hid, axis=0, keepdims=True)
    var = jnp.mean((hid - mean) ** 2, axis=0, keepdims=True)
    hid = gamma_ref[...] * (hid - mean) / jnp.sqrt(var + 1e-5) + beta_ref[...]
    hid = jnp.maximum(hid, 0.0)
    hidden_ref[...] = hid
    out_ref[...] = jnp.dot(hid, wo_ref[...],
                           preferred_element_type=jnp.float32) + bo_ref[...]


def _pad_deg(degp_flat):
    return degp_flat.reshape(NC, NP, 1)


def _pad_batch(batch):
    return jnp.pad(batch, (0, NP - N), constant_values=-1).reshape(1, NP)


def _pack_edges(edge_index, edge_weight, nkpad):
    nk = edge_weight.shape[0] // C

    def chunk(a):
        return jnp.pad(a.reshape(nk, 1, C), ((0, nkpad - nk), (0, 0), (0, 0)))

    ed = jnp.concatenate(
        [chunk(edge_index[0]), chunk(edge_index[1]),
         chunk(lax.bitcast_convert_type(edge_weight, jnp.int32))], axis=1)
    return ed.reshape(-1)


def kernel(x_l, edge_index_l, edge_weight_l, x_s, edge_index_s, edge_weight_s,
           batch_index_l, batch_index_s,
           W1a, b1a, W1b, b1b, Wl1, bl1, Wl2, bl2, gamma, beta, Wo, bo):
    ed_l = _pack_edges(edge_index_l, edge_weight_l, NKP_L)
    ed_s = _pack_edges(edge_index_s, edge_weight_s, NKP_S)
    z1 = jnp.zeros((NP,), jnp.float32)
    z128 = jnp.zeros((NP, F), jnp.float32)

    degp_l, degp_s = _deg_kernel(ed_l, ed_s, z1)

    h_l, h_s = pl.pallas_call(
        _mm_body,
        out_shape=(jax.ShapeDtypeStruct((N, F), jnp.float32),
                   jax.ShapeDtypeStruct((N, F), jnp.float32)),
    )(x_l, W1a, x_s, W1b)

    dinv_l, dinv_s = pl.pallas_call(
        _dinv_body,
        out_shape=(jax.ShapeDtypeStruct((NP // 128, 128), jnp.float32),
                   jax.ShapeDtypeStruct((NP // 128, 128), jnp.float32)),
    )(degp_l.reshape(NC, NP // 128, 128), degp_s.reshape(NC, NP // 128, 128))

    accp_l, accp_s = _msg_kernel(h_l, h_s,
                                 dinv_l.reshape(NP), dinv_s.reshape(NP),
                                 ed_l, ed_s, z128)

    out, hidden = pl.pallas_call(
        _head_body,
        out_shape=(jax.ShapeDtypeStruct((G, 1), jnp.float32),
                   jax.ShapeDtypeStruct((G, F), jnp.float32)),
    )(accp_l, accp_s,
      _pad_deg(degp_l), _pad_deg(degp_s),
      _pad_batch(batch_index_l), _pad_batch(batch_index_s),
      b1a.reshape(1, F), b1b.reshape(1, F),
      Wl1, bl1.reshape(1, 2 * F), Wl2, bl2.reshape(1, F),
      gamma.reshape(1, F), beta.reshape(1, F), Wo, bo.reshape(1, 1))
    return (out, hidden)

# --- scband reference (transcript-rebuilt; emitter-appended) ---
"""Pipeline reference for scband-gcn-11871289606369 (READ-ONLY COPY).

The authoritative reference and input builder live on the scoring server;
editing this copy changes nothing except your own understanding.
"""

import jax, jax.numpy as jnp
import numpy as np

N_NODES = 10000
NUM_GRAPHS = 128


def _gcn_conv(x, edge_index, edge_weight, W, b):
    n = x.shape[0]
    h = x @ W
    src = edge_index[0]
    dst = edge_index[1]
    deg = jnp.zeros((n,), x.dtype).at[dst].add(edge_weight)
    dinv = jnp.where(deg > 0, 1.0 / jnp.sqrt(deg), 0.0)
    norm = dinv[src] * edge_weight * dinv[dst]
    msg = h[src] * norm[:, None]
    out = jnp.zeros_like(h).at[dst].add(msg)
    return out + b


def _gap(h, batch, num_segments):
    s = jax.ops.segment_sum(h, batch, num_segments=num_segments)
    cnt = jax.ops.segment_sum(jnp.ones((h.shape[0],), h.dtype), batch, num_segments=num_segments)
    return s / jnp.maximum(cnt, 1.0)[:, None]


def setup_inputs(seed: int = 0) -> dict:
    key = jax.random.key(seed)
    ks = [jax.random.fold_in(key, i) for i in range(32)]
    x_l = jax.random.normal(ks[0], (N_NODES, 128), dtype=jnp.float32)
    edge_index_l = jax.random.randint(ks[1], (2, 320000), 0, N_NODES, dtype=jnp.int64 if jax.config.jax_enable_x64 else jnp.int32)
    edge_weight_l = jax.random.uniform(ks[2], (320000,), dtype=jnp.float32)
    x_s = jax.random.normal(ks[3], (N_NODES, 128), dtype=jnp.float32)
    edge_index_s = jax.random.randint(ks[4], (2, 160000), 0, N_NODES, dtype=jnp.int64 if jax.config.jax_enable_x64 else jnp.int32)
    edge_weight_s = jax.random.uniform(ks[5], (160000,), dtype=jnp.float32)
    batch_index_l = jnp.sort(jax.random.randint(ks[6], (N_NODES,), 0, NUM_GRAPHS))
    batch_index_s = jnp.sort(jax.random.randint(ks[7], (N_NODES,), 0, NUM_GRAPHS))
    sc = 0.05
    W1a = jax.random.normal(ks[8], (128, 128), dtype=jnp.float32) * sc
    b1a = jnp.zeros((128,), jnp.float32)
    W1b = jax.random.normal(ks[9], (128, 128), dtype=jnp.float32) * sc
    b1b = jnp.zeros((128,), jnp.float32)
    Wl1 = jax.random.normal(ks[10], (256, 256), dtype=jnp.float32) * sc
    bl1 = jnp.zeros((256,), jnp.float32)
    Wl2 = jax.random.normal(ks[11], (256, 128), dtype=jnp.float32) * sc
    bl2 = jnp.zeros((128,), jnp.float32)
    gamma = jnp.ones((128,), jnp.float32)
    beta = jnp.zeros((128,), jnp.float32)
    Wo = jax.random.normal(ks[12], (128, 1), dtype=jnp.float32) * sc
    bo = jnp.zeros((1,), jnp.float32)
    return {"x_l": x_l, "edge_index_l": edge_index_l, "edge_weight_l": edge_weight_l,
            "x_s": x_s, "edge_index_s": edge_index_s, "edge_weight_s": edge_weight_s,
            "batch_index_l": batch_index_l, "batch_index_s": batch_index_s,
            "W1a": W1a, "b1a": b1a, "W1b": W1b, "b1b": b1b,
            "Wl1": Wl1, "bl1": bl1, "Wl2": Wl2, "bl2": bl2,
            "gamma": gamma, "beta": beta, "Wo": Wo, "bo": bo}


def reference(x_l, edge_index_l, edge_weight_l, x_s, edge_index_s, edge_weight_s,
              batch_index_l, batch_index_s,
              W1a, b1a, W1b, b1b, Wl1, bl1, Wl2, bl2, gamma, beta, Wo, bo):
    h1 = jax.nn.relu(_gcn_conv(x_l, edge_index_l, edge_weight_l, W1a, b1a))
    h1 = _gap(h1, batch_index_l, NUM_GRAPHS)
    h2 = jax.nn.relu(_gcn_conv(x_s, edge_index_s, edge_weight_s, W1b, b1b))
    h2 = _gap(h2, batch_index_s, NUM_GRAPHS)
    hidden = jnp.concatenate([h1, h2], axis=1)
    hidden = hidden @ Wl1 + bl1
    hidden = hidden @ Wl2 + bl2
    mean = jnp.mean(hidden, axis=0)
    var = jnp.var(hidden, axis=0)
    hidden = gamma * (hidden - mean) / jnp.sqrt(var + 1e-5) + beta
    hidden = jax.nn.relu(hidden)
    out = hidden @ Wo + bo
    return (out, hidden)

if __name__ == "__main__":
    import jax
    _d = setup_inputs()
    print(jax.jit(kernel)(*tuple(_d.values())))

</pallas_src>

<mosaic_0001>
#map = affine_map<(d0, d1) -> (0)>
module attributes {stable_mosaic.version = 14 : i64} {
  func.func @_deg_kernel(%arg0: i32, %arg1: i32, %arg2: memref<1032192xi32, #tpu.memory_space<hbm>>, %arg3: memref<540672xi32, #tpu.memory_space<hbm>>, %arg4: memref<10112xf32, #tpu.memory_space<hbm>>, %arg5: memref<20224xf32, #tpu.memory_space<hbm>>, %arg6: memref<20224xf32, #tpu.memory_space<hbm>>, %arg7: memref<10112xf32, #tpu.memory_space<vmem_shared>>, %arg8: memref<10112xf32, #tpu.memory_space<vmem_shared>>, %arg9: memref<1536xi32, #tpu.memory_space<vmem>>, %arg10: memref<128xi32, #tpu.memory_space<vmem>>, %arg11: memref<128xf32, #tpu.memory_space<vmem>>, %arg12: memref<!tpu.dma_semaphore, #tpu.memory_space<semaphore_mem>>, %arg13: memref<!tpu.dma_semaphore, #tpu.memory_space<semaphore_mem>>, %arg14: memref<!tpu.dma_semaphore, #tpu.memory_space<semaphore_mem>>, %arg15: memref<!tpu.dma_semaphore, #tpu.memory_space<semaphore_mem>>) attributes {dimension_semantics = [#tpu.dimension_semantics<core_parallel>, #tpu.dimension_semantics<subcore_parallel>], iteration_bounds = array<i64: 2, 16>, scalar_prefetch = 0 : i64, scratch_operands = 9 : i64, tpu.core_type = #tpu.core_type<sc_vector_subcore>, window_params = [{transform_indices = #map}, {transform_indices = #map}, {transform_indices = #map}, {transform_indices = #map}, {transform_indices = #map}]} {
    %mul3A = arith.constant 2 : i32
    %mul3A_0 = arith.muli %arg1, %mul3A : i32
    %add3A = arith.addi %mul3A_0, %arg0 : i32
    %eq3A = arith.constant 0 : i32
    %eq3A_1 = arith.cmpi eq, %arg1, %eq3A : i32
    %convert_element_type3A = arith.extui %eq3A_1 : i1 to i32
    %cond3A = arith.constant 0 : i32
    %cond3A_2 = arith.cmpi ne, %convert_element_type3A, %cond3A : i32
    scf.if %cond3A_2 {
      "tpu.region"() ({
        %run_scoped3A = tpu.sem_alloc : memref<!tpu.dma_semaphore, #tpu.memory_space<semaphore_mem>>
        tpu.enqueue_dma source(%arg4 : memref<10112xf32, #tpu.memory_space<hbm>>) target(%arg7 : memref<10112xf32, #tpu.memory_space<vmem_shared>>) target_semaphore(%run_scoped3A : memref<!tpu.dma_semaphore, #tpu.memory_space<semaphore_mem>>)
        tpu.wait_dma2 semaphore(%run_scoped3A : memref<!tpu.dma_semaphore, #tpu.memory_space<semaphore_mem>>) src(%arg4 : memref<10112xf32, #tpu.memory_space<hbm>>) dst(%arg7 : memref<10112xf32, #tpu.memory_space<vmem_shared>>)
        tpu.yield
      }) : () -> ()
      "tpu.region"() ({
        %run_scoped3A = tpu.sem_alloc : memref<!tpu.dma_semaphore, #tpu.memory_space<semaphore_mem>>
        tpu.enqueue_dma source(%arg4 : memref<10112xf32, #tpu.memory_space<hbm>>) target(%arg8 : memref<10112xf32, #tpu.memory_space<vmem_shared>>) target_semaphore(%run_scoped3A : memref<!tpu.dma_semaphore, #tpu.memory_space<semaphore_mem>>)
        tpu.wait_dma2 semaphore(%run_scoped3A : memref<!tpu.dma_semaphore, #tpu.memory_space<semaphore_mem>>) src(%arg4 : memref<10112xf32, #tpu.memory_space<hbm>>) dst(%arg8 : memref<10112xf32, #tpu.memory_space<vmem_shared>>)
        tpu.yield
      }) : () -> ()
    } else {
    }
    %barrier3A = arith.constant 0 : index
    tpu.barrier barrier_id(%barrier3A)
    %add3A_3 = arith.constant 0 : i32
    %add3A_4 = arith.addi %add3A, %add3A_3 : i32
    %mul3A_5 = arith.constant 384 : i32
    %mul3A_6 = arith.muli %add3A_4, %mul3A_5 : i32
    %dma_start3A = arith.constant 0 : i32
    %dma_start3A_7 = tpu.memref_slice %arg9[%dma_start3A] : memref<1536xi32, #tpu.memory_space<vmem>> -> memref<384xi32, #tpu.memory_space<vmem>>
    %dma_start3A_8 = tpu.memref_slice %arg2[%mul3A_6] : memref<1032192xi32, #tpu.memory_space<hbm>> -> memref<384xi32, #tpu.memory_space<hbm>>
    %dma_start3A_9 = arith.constant 0 : i32
    %dma_start3A_10 = tpu.memref_slice %arg9[%dma_start3A_9] : memref<1536xi32, #tpu.memory_space<vmem>> -> memref<384xi32, #tpu.memory_space<vmem>>
    %dma_start3A_11 = tpu.memref_slice %arg2[%mul3A_6] : memref<1032192xi32, #tpu.memory_space<hbm>> -> memref<384xi32, #tpu.memory_space<hbm>>
    tpu.enqueue_dma source(%dma_start3A_11 : memref<384xi32, #tpu.memory_space<hbm>>) target(%dma_start3A_10 : memref<384xi32, #tpu.memory_space<vmem>>) target_semaphore(%arg12 : memref<!tpu.dma_semaphore, #tpu.memory_space<semaphore_mem>>)
    %add3A_12 = arith.constant 32 : i32
    %add3A_13 = arith.addi %add3A, %add3A_12 : i32
    %mul3A_14 = arith.constant 384 : i32
    %mul3A_15 = arith.muli %add3A_13, %mul3A_14 : i32
    %dma_start3A_16 = arith.constant 384 : i32
    %dma_start3A_17 = tpu.memref_slice %arg9[%dma_start3A_16] : memref<1536xi32, #tpu.memory_space<vmem>> -> memref<384xi32, #tpu.memory_space<vmem>>
    %dma_start3A_18 = tpu.memref_slice %arg2[%mul3A_15] : memref<1032192xi32, #tpu.memory_space<hbm>> -> memref<384xi32, #tpu.memory_space<hbm>>
    %dma_start3A_19 = arith.constant 384 : i32
    %dma_start3A_20 = tpu.memref_slice %arg9[%dma_start3A_19] : memref<1536xi32, #tpu.memory_space<vmem>> -> memref<384xi32, #tpu.memory_space<vmem>>
    %dma_start3A_21 = tpu.memref_slice %arg2[%mul3A_15] : memref<1032192xi32, #tpu.memory_space<hbm>> -> memref<384xi32, #tpu.memory_space<hbm>>
    tpu.enqueue_dma source(%dma_start3A_21 : memref<384xi32, #tpu.memory_space<hbm>>) target(%dma_start3A_20 : memref<384xi32, #tpu.memory_space<vmem>>) target_semaphore(%arg13 : memref<!tpu.dma_semaphore, #tpu.memory_space<semaphore_mem>>)
    %add3A_22 = arith.constant 64 : i32
    %add3A_23 = arith.addi %add3A, %add3A_22 : i32
    %mul3A_24 = arith.constant 384 : i32
    %mul3A_25 = arith.muli %add3A_23, %mul3A_24 : i32
    %dma_start3A_26 = arith.constant 768 : i32
    %dma_start3A_27 = tpu.memref_slice %arg9[%dma_start3A_26] : memref<1536xi32, #tpu.memory_space<vmem>> -> memref<384xi32, #tpu.memory_space<vmem>>
    %dma_start3A_28 = tpu.memref_slice %arg2[%mul3A_25] : memref<1032192xi32, #tpu.memory_space<hbm>> -> memref<384xi32, #tpu.memory_space<hbm>>
    %dma_start3A_29 = arith.constant 768 : i32
    %dma_start3A_30 = tpu.memref_slice %arg9[%dma_start3A_29] : memref<1536xi32, #tpu.memory_space<vmem>> -> memref<384xi32, #tpu.memory_space<vmem>>
    %dma_start3A_31 = tpu.memref_slice %arg2[%mul3A_25] : memref<1032192xi32, #tpu.memory_space<hbm>> -> memref<384xi32, #tpu.memory_space<hbm>>
    tpu.enqueue_dma source(%dma_start3A_31 : memref<384xi32, #tpu.memory_space<hbm>>) target(%dma_start3A_30 : memref<384xi32, #tpu.memory_space<vmem>>) target_semaphore(%arg14 : memref<!tpu.dma_semaphore, #tpu.memory_space<semaphore_mem>>)
    %add3A_32 = arith.constant 96 : i32
    %add3A_33 = arith.addi %add3A, %add3A_32 : i32
    %mul3A_34 = arith.constant 384 : i32
    %mul3A_35 = arith.muli %add3A_33, %mul3A_34 : i32
    %dma_start3A_36 = arith.constant 1152 : i32
    %dma_start3A_37 = tpu.memref_slice %arg9[%dma_start3A_36] : memref<1536xi32, #tpu.memory_space<vmem>> -> memref<384xi32, #tpu.memory_space<vmem>>
    %dma_start3A_38 = tpu.memref_slice %arg2[%mul3A_35] : memref<1032192xi32, #tpu.memory_space<hbm>> -> memref<384xi32, #tpu.memory_space<hbm>>
    %dma_start3A_39 = arith.constant 1152 : i32
    %dma_start3A_40 = tpu.memref_slice %arg9[%dma_start3A_39] : memref<1536xi32, #tpu.memory_space<vmem>> -> memref<384xi32, #tpu.memory_space<vmem>>
    %dma_start3A_41 = tpu.memref_slice %arg2[%mul3A_35] : memref<1032192xi32, #tpu.memory_space<hbm>> -> memref<384xi32, #tpu.memory_space<hbm>>
    tpu.enqueue_dma source(%dma_start3A_41 : memref<384xi32, #tpu.memory_space<hbm>>) target(%dma_start3A_40 : memref<384xi32, #tpu.memory_space<vmem>>) target_semaphore(%arg15 : memref<!tpu.dma_semaphore, #tpu.memory_space<semaphore_mem>>)
    %scan3A = arith.constant 0 : i32
    %scan3A_42 = arith.constant 0 : i32
    %scan3A_43 = arith.constant 20 : i32
    %scan3A_44 = arith.addi %scan3A_42, %scan3A_43 : i32
    %scan3A_45 = arith.constant 1 : i32
    %scan3A_46 = scf.for %scan3A_164 = %scan3A_42 to %scan3A_44 step %scan3A_45 iter_args(%scan3A_165 = %scan3A) -> (i32)  : i32 {
      %mul3A_166 = arith.constant 4 : i32
      %mul3A_167 = arith.muli %mul3A_166, %scan3A_164 : i32
      %dma_wait3A_168 = arith.constant 0 : i32
      %dma_wait3A_169 = tpu.memref_slice %arg9[%dma_wait3A_168] : memref<1536xi32, #tpu.memory_space<vmem>> -> memref<384xi32, #tpu.memory_space<vmem>>
      %dma_wait3A_170 = arith.constant 0 : i32
      %dma_wait3A_171 = tpu.memref_slice %arg2[%dma_wait3A_170] : memref<1032192xi32, #tpu.memory_space<hbm>> -> memref<384xi32, #tpu.memory_space<hbm>>
      %dma_wait3A_172 = arith.constant 0 : i32
      %dma_wait3A_173 = tpu.memref_slice %arg9[%dma_wait3A_172] : memref<1536xi32, #tpu.memory_space<vmem>> -> memref<384xi32, #tpu.memory_space<vmem>>
      %dma_wait3A_174 = arith.constant 0 : i32
      %dma_wait3A_175 = tpu.memref_slice %arg2[%dma_wait3A_174] : memref<1032192xi32, #tpu.memory_space<hbm>> -> memref<384xi32, #tpu.memory_space<hbm>>
      tpu.wait_dma2 semaphore(%arg12 : memref<!tpu.dma_semaphore, #tpu.memory_space<semaphore_mem>>) src(%dma_wait3A_175 : memref<384xi32, #tpu.memory_space<hbm>>) dst(%dma_wait3A_173 : memref<384xi32, #tpu.memory_space<vmem>>)
      %get3A = arith.constant 128 : index
      %get3A_176 = tpu.vector_load %arg9[%get3A] {strides = array<i32>} : memref<1536xi32, #tpu.memory_space<vmem>>, vector<16xi32>,
      %swap3A = arith.constant 0 : index
      %swap3A_177 = tpu.vector_load %arg10[%swap3A] {strides = array<i32>} : memref<128xi32, #tpu.memory_space<vmem>>, vector<16xi32>,
      tpu.vector_store %arg10[%swap3A], %get3A_176 {strides = array<i32>} : memref<128xi32, #tpu.memory_space<vmem>>, vector<16xi32>,
      %get3A_178 = arith.constant 256 : index
      %get3A_179 = tpu.vector_load %arg9[%get3A_178] {strides = array<i32>} : memref<1536xi32, #tpu.memory_space<vmem>>, vector<16xi32>,
      %bitcast_convert_type3A = tpu.bitcast %get3A_179 : vector<16xi32> -> vector<16xf32>
      %swap3A_180 = arith.constant 0 : index
      %swap3A_181 = tpu.vector_load %arg11[%swap3A_180] {strides = array<i32>} : memref<128xf32, #tpu.memory_space<vmem>>, vector<16xf32>,
      tpu.vector_store %arg11[%swap3A_180], %bitcast_convert_type3A {strides = array<i32>} : memref<128xf32, #tpu.memory_space<vmem>>, vector<16xf32>,
      %get3A_182 = arith.constant 144 : index
      %get3A_183 = tpu.vector_load %arg9[%get3A_182] {strides = array<i32>} : memref<1536xi32, #tpu.memory_space<vmem>>, vector<16xi32>,
      %swap3A_184 = arith.constant 16 : index
      %swap3A_185 = tpu.vector_load %arg10[%swap3A_184] {strides = array<i32>} : memref<128xi32, #tpu.memory_space<vmem>>, vector<16xi32>,
      tpu.vector_store %arg10[%swap3A_184], %get3A_183 {strides = array<i32>} : memref<128xi32, #tpu.memory_space<vmem>>, vector<16xi32>,
      %get3A_186 = arith.constant 272 : index
      %get3A_187 = tpu.vector_load %arg9[%get3A_186] {strides = array<i32>} : memref<1536xi32, #tpu.memory_space<vmem>>, vector<16xi32>,
      %bitcast_convert_type3A_188 = tpu.bitcast %get3A_187 : vector<16xi32> -> vector<16xf32>
      %swap3A_189 = arith.constant 16 : index
      %swap3A_190 = tpu.vector_load %arg11[%swap3A_189] {strides = array<i32>} : memref<128xf32, #tpu.memory_space<vmem>>, vector<16xf32>,
      tpu.vector_store %arg11[%swap3A_189], %bitcast_convert_type3A_188 {strides = array<i32>} : memref<128xf32, #tpu.memory_space<vmem>>, vector<16xf32>,
      %get3A_191 = arith.constant 160 : index
      %get3A_192 = tpu.vector_load %arg9[%get3A_191] {strides = array<i32>} : memref<1536xi32, #tpu.memory_space<vmem>>, vector<16xi32>,
      %swap3A_193 = arith.constant 32 : index
      %swap3A_194 = tpu.vector_load %arg10[%swap3A_193] {strides = array<i32>} : memref<128xi32, #tpu.memory_space<vmem>>, vector<16xi32>,
      tpu.vector_store %arg10[%swap3A_193], %get3A_192 {strides = array<i32>} : memref<128xi32, #tpu.memory_space<vmem>>, vector<16xi32>,
      %get3A_195 = arith.constant 288 : index
      %get3A_196 = tpu.vector_load %arg9[%get3A_195] {strides = array<i32>} : memref<1536xi32, #tpu.memory_space<vmem>>, vector<16xi32>,
      %bitcast_convert_type3A_197 = tpu.bitcast %get3A_196 : vector<16xi32> -> vector<16xf32>
      %swap3A_198 = arith.constant 32 : index
      %swap3A_199 = tpu.vector_load %arg11[%swap3A_198] {strides = array<i32>} : memref<128xf32, #tpu.memory_space<vmem>>, vector<16xf32>,
      tpu.vector_store %arg11[%swap3A_198], %bitcast_convert_type3A_197 {strides = array<i32>} : memref<128xf32, #tpu.memory_space<vmem>>, vector<16xf32>,
      %get3A_200 = arith.constant 176 : index
      %get3A_201 = tpu.vector_load %arg9[%get3A_200] {strides = array<i32>} : memref<1536xi32, #tpu.memory_space<vmem>>, vector<16xi32>,
      %swap3A_202 = arith.constant 48 : index
      %swap3A_203 = tpu.vector_load %arg10[%swap3A_202] {strides = array<i32>} : memref<128xi32, #tpu.memory_space<vmem>>, vector<16xi32>,
      tpu.vector_store %arg10[%swap3A_202], %get3A_201 {strides = array<i32>} : memref<128xi32, #tpu.memory_space<vmem>>, vector<16xi32>,
      %get3A_204 = arith.constant 304 : index
      %get3A_205 = tpu.vector_load %arg9[%get3A_204] {strides = array<i32>} : memref<1536xi32, #tpu.memory_space<vmem>>, vector<16xi32>,
      %bitcast_convert_type3A_206 = tpu.bitcast %get3A_205 : vector<16xi32> -> vector<16xf32>
      %swap3A_207 = arith.constant 48 : index
      %swap3A_208 = tpu.vector_load %arg11[%swap3A_207] {strides = array<i32>} : memref<128xf32, #tpu.memory_space<vmem>>, vector<16xf32>,
      tpu.vector_store %arg11[%swap3A_207], %bitcast_convert_type3A_206 {strides = array<i32>} : memref<128xf32, #tpu.memory_space<vmem>>, vector<16xf32>,
      %get3A_209 = arith.constant 192 : index
      %get3A_210 = tpu.vector_load %arg9[%get3A_209] {strides = array<i32>} : memref<1536xi32, #tpu.memory_space<vmem>>, vector<16xi32>,
      %swap3A_211 = arith.constant 64 : index
      %swap3A_212 = tpu.vector_load %arg10[%swap3A_211] {strides = array<i32>} : memref<128xi32, #tpu.memory_space<vmem>>, vector<16xi32>,
      tpu.vector_store %arg10[%swap3A_211], %get3A_210 {strides = array<i32>} : memref<128xi32, #tpu.memory_space<vmem>>, vector<16xi32>,
      %get3A_213 = arith.constant 320 : index
      %get3A_214 = tpu.vector_load %arg9[%get3A_213] {strides = array<i32>} : memref<1536xi32, #tpu.memory_space<vmem>>, vector<16xi32>,
      %bitcast_convert_type3A_215 = tpu.bitcast %get3A_214 : vector<16xi32> -> vector<16xf32>
      %swap3A_216 = arith.constant 64 : index
      %swap3A_217 = tpu.vector_load %arg11[%swap3A_216] {strides = array<i32>} : memref<128xf32, #tpu.memory_space<vmem>>, vector<16xf32>,
      tpu.vector_store %arg11[%swap3A_216], %bitcast_convert_type3A_215 {strides = array<i32>} : memref<128xf32, #tpu.memory_space<vmem>>, vector<16xf32>,
      %get3A_218 = arith.constant 208 : index
      %get3A_219 = tpu.vector_load %arg9[%get3A_218] {strides = array<i32>} : memref<1536xi32, #tpu.memory_space<vmem>>, vector<16xi32>,
      %swap3A_220 = arith.constant 80 : index
      %swap3A_221 = tpu.vector_load %arg10[%swap3A_220] {strides = array<i32>} : memref<128xi32, #tpu.memory_space<vmem>>, vector<16xi32>,
      tpu.vector_store %arg10[%swap3A_220], %get3A_219 {strides = array<i32>} : memref<128xi32, #tpu.memory_space<vmem>>, vector<16xi32>,
      %get3A_222 = arith.constant 336 : index
      %get3A_223 = tpu.vector_load %arg9[%get3A_222] {strides = array<i32>} : memref<1536xi32, #tpu.memory_space<vmem>>, vector<16xi32>,
      %bitcast_convert_type3A_224 = tpu.bitcast %get3A_223 : vector<16xi32> -> vector<16xf32>
      %swap3A_225 = arith.constant 80 : index
      %swap3A_226 = tpu.vector_load %arg11[%swap3A_225] {strides = array<i32>} : memref<128xf32, #tpu.memory_space<vmem>>, vector<16xf32>,
      tpu.vector_store %arg11[%swap3A_225], %bitcast_convert_type3A_224 {strides = array<i32>} : memref<128xf32, #tpu.memory_space<vmem>>, vector<16xf32>,
      %get3A_227 = arith.constant 224 : index
      %get3A_228 = tpu.vector_load %arg9[%get3A_227] {strides = array<i32>} : memref<1536xi32, #tpu.memory_space<vmem>>, vector<16xi32>,
      %swap3A_229 = arith.constant 96 : index
      %swap3A_230 = tpu.vector_load %arg10[%swap3A_229] {strides = array<i32>} : memref<128xi32, #tpu.memory_space<vmem>>, vector<16xi32>,
      tpu.vector_store %arg10[%swap3A_229], %get3A_228 {strides = array<i32>} : memref<128xi32, #tpu.memory_space<vmem>>, vector<16xi32>,
      %get3A_231 = arith.constant 352 : index
      %get3A_232 = tpu.vector_load %arg9[%get3A_231] {strides = array<i32>} : memref<1536xi32, #tpu.memory_space<vmem>>, vector<16xi32>,
      %bitcast_convert_type3A_233 = tpu.bitcast %get3A_232 : vector<16xi32> -> vector<16xf32>
      %swap3A_234 = arith.constant 96 : index
      %swap3A_235 = tpu.vector_load %arg11[%swap3A_234] {strides = array<i32>} : memref<128xf32, #tpu.memory_space<vmem>>, vector<16xf32>,
      tpu.vector_store %arg11[%swap3A_234], %bitcast_convert_type3A_233 {strides = array<i32>} : memref<128xf32, #tpu.memory_space<vmem>>, vector<16xf32>,
      %get3A_236 = arith.constant 240 : index
      %get3A_237 = tpu.vector_load %arg9[%get3A_236] {strides = array<i32>} : memref<1536xi32, #tpu.memory_space<vmem>>, vector<16xi32>,
      %swap3A_238 = arith.constant 112 : index
      %swap3A_239 = tpu.vector_load %arg10[%swap3A_238] {strides = array<i32>} : memref<128xi32, #tpu.memory_space<vmem>>, vector<16xi32>,
      tpu.vector_store %arg10[%swap3A_238], %get3A_237 {strides = array<i32>} : memref<128xi32, #tpu.memory_space<vmem>>, vector<16xi32>,
      %get3A_240 = arith.constant 368 : index
      %get3A_241 = tpu.vector_load %arg9[%get3A_240] {strides = array<i32>} : memref<1536xi32, #tpu.memory_space<vmem>>, vector<16xi32>,
      %bitcast_convert_type3A_242 = tpu.bitcast %get3A_241 : vector<16xi32> -> vector<16xf32>
      %swap3A_243 = arith.constant 112 : index
      %swap3A_244 = tpu.vector_load %arg11[%swap3A_243] {strides = array<i32>} : memref<128xf32, #tpu.memory_space<vmem>>, vector<16xf32>,
      tpu.vector_store %arg11[%swap3A_243], %bitcast_convert_type3A_242 {strides = array<i32>} : memref<128xf32, #tpu.memory_space<vmem>>, vector<16xf32>,
      "tpu.region"() ({
        %run_scoped3A = tpu.sem_alloc : memref<!tpu.dma_semaphore, #tpu.memory_space<semaphore_mem>>
        %dma_start3A_550 = arith.constant 0 : i32
        %dma_start3A_551 = tpu.memref_slice %arg7[%dma_start3A_550] : memref<10112xf32, #tpu.memory_space<vmem_shared>> -> memref<10112xf32, #tpu.memory_space<vmem_shared>>
        tpu.enqueue_indirect_dma source(%arg11 : memref<128xf32, #tpu.memory_space<vmem>>) target(%dma_start3A_551 : memref<10112xf32, #tpu.memory_space<vmem_shared>>) offsets(%arg10 : memref<128xi32, #tpu.memory_space<vmem>>) semaphore(%run_scoped3A : memref<!tpu.dma_semaphore, #tpu.memory_space<semaphore_mem>>) {add = true}
        %dma_wait3A_552 = arith.constant 0 : i32
        %dma_wait3A_553 = tpu.memref_slice %arg7[%dma_wait3A_552] : memref<10112xf32, #tpu.memory_space<vmem_shared>> -> memref<10112xf32, #tpu.memory_space<vmem_shared>>
        tpu.wait_indirect_dma semaphore(%run_scoped3A : memref<!tpu.dma_semaphore, #tpu.memory_space<semaphore_mem>>) src(%arg11 : memref<128xf32, #tpu.memory_space<vmem>>) dst(%dma_wait3A_553 : memref<10112xf32, #tpu.memory_space<vmem_shared>>)
        tpu.yield
      }) : () -> ()
      %add3A_245 = arith.constant 4 : i32
      %add3A_246 = arith.addi %mul3A_167, %add3A_245 : i32
      %mul3A_247 = arith.constant 32 : i32
      %mul3A_248 = arith.muli %add3A_246, %mul3A_247 : i32
      %add3A_249 = arith.addi %add3A, %mul3A_248 : i32
      %mul3A_250 = arith.constant 384 : i32
      %mul3A_251 = arith.muli %add3A_249, %mul3A_250 : i32
      %dma_start3A_252 = arith.constant 0 : i32
      %dma_start3A_253 = tpu.memref_slice %arg9[%dma_start3A_252] : memref<1536xi32, #tpu.memory_space<vmem>> -> memref<384xi32, #tpu.memory_space<vmem>>
      %dma_start3A_254 = tpu.memref_slice %arg2[%mul3A_251] : memref<1032192xi32, #tpu.memory_space<hbm>> -> memref<384xi32, #tpu.memory_space<hbm>>
      %dma_start3A_255 = arith.constant 0 : i32
      %dma_start3A_256 = tpu.memref_slice %arg9[%dma_start3A_255] : memref<1536xi32, #tpu.memory_space<vmem>> -> memref<384xi32, #tpu.memory_space<vmem>>
      %dma_start3A_257 = tpu.memref_slice %arg2[%mul3A_251] : memref<1032192xi32, #tpu.memory_space<hbm>> -> memref<384xi32, #tpu.memory_space<hbm>>
      tpu.enqueue_dma source(%dma_start3A_257 : memref<384xi32, #tpu.memory_space<hbm>>) target(%dma_start3A_256 : memref<384xi32, #tpu.memory_space<vmem>>) target_semaphore(%arg12 : memref<!tpu.dma_semaphore, #tpu.memory_space<semaphore_mem>>)
      %mul3A_258 = arith.constant 4 : i32
      %mul3A_259 = arith.muli %mul3A_258, %scan3A_164 : i32
      %add3A_260 = arith.constant 1 : i32
      %add3A_261 = arith.addi %mul3A_259, %add3A_260 : i32
      %dma_wait3A_262 = arith.constant 384 : i32
      %dma_wait3A_263 = tpu.memref_slice %arg9[%dma_wait3A_262] : memref<1536xi32, #tpu.memory_space<vmem>> -> memref<384xi32, #tpu.memory_space<vmem>>
      %dma_wait3A_264 = arith.constant 0 : i32
      %dma_wait3A_265 = tpu.memref_slice %arg2[%dma_wait3A_264] : memref<1032192xi32, #tpu.memory_space<hbm>> -> memref<384xi32, #tpu.memory_space<hbm>>
      %dma_wait3A_266 = arith.constant 384 : i32
      %dma_wait3A_267 = tpu.memref_slice %arg9[%dma_wait3A_266] : memref<1536xi32, #tpu.memory_space<vmem>> -> memref<384xi32, #tpu.memory_space<vmem>>
      %dma_wait3A_268 = arith.constant 0 : i32
      %dma_wait3A_269 = tpu.memref_slice %arg2[%dma_wait3A_268] : memref<1032192xi32, #tpu.memory_space<hbm>> -> memref<384xi32, #tpu.memory_space<hbm>>
      tpu.wait_dma2 semaphore(%arg13 : memref<!tpu.dma_semaphore, #tpu.memory_space<semaphore_mem>>) src(%dma_wait3A_269 : memref<384xi32, #tpu.memory_space<hbm>>) dst(%dma_wait3A_267 : memref<384xi32, #tpu.memory_space<vmem>>)
      %get3A_270 = arith.constant 512 : index
      %get3A_271 = tpu.vector_load %arg9[%get3A_270] {strides = array<i32>} : memref<1536xi32, #tpu.memory_space<vmem>>, vector<16xi32>,
      %swap3A_272 = arith.constant 0 : index
      %swap3A_273 = tpu.vector_load %arg10[%swap3A_272] {strides = array<i32>} : memref<128xi32, #tpu.memory_space<vmem>>, vector<16xi32>,
      tpu.vector_store %arg10[%swap3A_272], %get3A_271 {strides = array<i32>} : memref<128xi32, #tpu.memory_space<vmem>>, vector<16xi32>,
      %get3A_274 = arith.constant 640 : index
      %get3A_275 = tpu.vector_load %arg9[%get3A_274] {strides = array<i32>} : memref<1536xi32, #tpu.memory_space<vmem>>, vector<16xi32>,
      %bitcast_convert_type3A_276 = tpu.bitcast %get3A_275 : vector<16xi32> -> vector<16xf32>
      %swap3A_277 = arith.constant 0 : index
      %swap3A_278 = tpu.vector_load %arg11[%swap3A_277] {strides = array<i32>} : memref<128xf32, #tpu.memory_space<vmem>>, vector<16xf32>,
      tpu.vector_store %arg11[%swap3A_277], %bitcast_convert_type3A_276 {strides = array<i32>} : memref<128xf32, #tpu.memory_space<vmem>>, vector<16xf32>,
      %get3A_279 = arith.constant 528 : index
      %get3A_280 = tpu.vector_load %arg9[%get3A_279] {strides = array<i32>} : memref<1536xi32, #tpu.memory_space<vmem>>, vector<16xi32>,
      %swap3A_281 = arith.constant 16 : index
      %swap3A_282 = tpu.vector_load %arg10[%swap3A_281] {strides = array<i32>} : memref<128xi32, #tpu.memory_space<vmem>>, vector<16xi32>,
      tpu.vector_store %arg10[%swap3A_281], %get3A_280 {strides = array<i32>} : memref<128xi32, #tpu.memory_space<vmem>>, vector<16xi32>,
      %get3A_283 = arith.constant 656 : index
      %get3A_284 = tpu.vector_load %arg9[%get3A_283] {strides = array<i32>} : memref<1536xi32, #tpu.memory_space<vmem>>, vector<16xi32>,
      %bitcast_convert_type3A_285 = tpu.bitcast %get3A_284 : vector<16xi32> -> vector<16xf32>
      %swap3A_286 = arith.constant 16 : index
      %swap3A_287 = tpu.vector_load %arg11[%swap3A_286] {strides = array<i32>} : memref<128xf32, #tpu.memory_space<vmem>>, vector<16xf32>,
      tpu.vector_store %arg11[%swap3A_286], %bitcast_convert_type3A_285 {strides = array<i32>} : memref<128xf32, #tpu.memory_space<vmem>>, vector<16xf32>,
      %get3A_288 = arith.constant 544 : index
      %get3A_289 = tpu.vector_load %arg9[%get3A_288] {strides = array<i32>} : memref<1536xi32, #tpu.memory_space<vmem>>, vector<16xi32>,
      %swap3A_290 = arith.constant 32 : index
      %swap3A_291 = tpu.vector_load %arg10[%swap3A_290] {strides = array<i32>} : memref<128xi32, #tpu.memory_space<vmem>>, vector<16xi32>,
      tpu.vector_store %arg10[%swap3A_290], %get3A_289 {strides = array<i32>} : memref<128xi32, #tpu.memory_space<vmem>>, vector<16xi32>,
      %get3A_292 = arith.constant 672 : index
      %get3A_293 = tpu.vector_load %arg9[%get3A_292] {strides = array<i32>} : memref<1536xi32, #tpu.memory_space<vmem>>, vector<16xi32>,
      %bitcast_convert_type3A_294 = tpu.bitcast %get3A_293 : vector<16xi32> -> vector<16xf32>
      %swap3A_295 = arith.constant 32 : index
      %swap3A_296 = tpu.vector_load %arg11[%swap3A_295] {strides = array<i32>} : memref<128xf32, #tpu.memory_space<vmem>>, vector<16xf32>,
      tpu.vector_store %arg11[%swap3A_295], %bitcast_convert_type3A_294 {strides = array<i32>} : memref<128xf32, #tpu.memory_space<vmem>>, vector<16xf32>,
      %get3A_297 = arith.constant 560 : index
      %get3A_298 = tpu.vector_load %arg9[%get3A_297] {strides = array<i32>} : memref<1536xi32, #tpu.memory_space<vmem>>, vector<16xi32>,
      %swap3A_299 = arith.constant 48 : index
      %swap3A_300 = tpu.vector_load %arg10[%swap3A_299] {strides = array<i32>} : memref<128xi32, #tpu.memory_space<vmem>>, vector<16xi32>,
      tpu.vector_store %arg10[%swap3A_299], %get3A_298 {strides = array<i32>} : memref<128xi32, #tpu.memory_space<vmem>>, vector<16xi32>,
      %get3A_301 = arith.constant 688 : index
      %get3A_302 = tpu.vector_load %arg9[%get3A_301] {strides = array<i32>} : memref<1536xi32, #tpu.memory_space<vmem>>, vector<16xi32>,
      %bitcast_convert_type3A_303 = tpu.bitcast %get3A_302 : vector<16xi32> -> vector<16xf32>
      %swap3A_304 = arith.constant 48 : index
      %swap3A_305 = tpu.vector_load %arg11[%swap3A_304] {strides = array<i32>} : memref<128xf32, #tpu.memory_space<vmem>>, vector<16xf32>,
      tpu.vector_store %arg11[%swap3A_304], %bitcast_convert_type3A_303 {strides = array<i32>} : memref<128xf32, #tpu.memory_space<vmem>>, vector<16xf32>,
      %get3A_306 = arith.constant 576 : index
      %get3A_307 = tpu.vector_load %arg9[%get3A_306] {strides = array<i32>} : memref<1536xi32, #tpu.memory_space<vmem>>, vector<16xi32>,
      %swap3A_308 = arith.constant 64 : index
      %swap3A_309 = tpu.vector_load %arg10[%swap3A_308] {strides = array<i32>} : memref<128xi32, #tpu.memory_space<vmem>>, vector<16xi32>,
      tpu.vector_store %arg10[%swap3A_308], %get3A_307 {strides = array<i32>} : memref<128xi32, #tpu.memory_space<vmem>>, vector<16xi32>,
      %get3A_310 = arith.constant 704 : index
      %get3A_311 = tpu.vector_load %arg9[%get3A_310] {strides = array<i32>} : memref<1536xi32, #tpu.memory_space<vmem>>, vector<16xi32>,
      %bitcast_convert_type3A_312 = tpu.bitcast %get3A_311 : vector<16xi32> -> vector<16xf32>
      %swap3A_313 = arith.constant 64 : index
      %swap3A_314 = tpu.vector_load %arg11[%swap3A_313] {strides = array<i32>} : memref<128xf32, #tpu.memory_space<vmem>>, vector<16xf32>,
      tpu.vector_store %arg11[%swap3A_313], %bitcast_convert_type3A_312 {strides = array<i32>} : memref<128xf32, #tpu.memory_space<vmem>>, vector<16xf32>,
      %get3A_315 = arith.constant 592 : index
      %get3A_316 = tpu.vector_load %arg9[%get3A_315] {strides = array<i32>} : memref<1536xi32, #tpu.memory_space<vmem>>, vector<16xi32>,
      %swap3A_317 = arith.constant 80 : index
      %swap3A_318 = tpu.vector_load %arg10[%swap3A_317] {strides = array<i32>} : memref<128xi32, #tpu.memory_space<vmem>>, vector<16xi32>,
      tpu.vector_store %arg10[%swap3A_317], %get3A_316 {strides = array<i32>} : memref<128xi32, #tpu.memory_space<vmem>>, vector<16xi32>,
      %get3A_319 = arith.constant 720 : index
      %get3A_320 = tpu.vector_load %arg9[%get3A_319] {strides = array<i32>} : memref<1536xi32, #tpu.memory_space<vmem>>, vector<16xi32>,
      %bitcast_convert_type3A_321 = tpu.bitcast %get3A_320 : vector<16xi32> -> vector<16xf32>
      %swap3A_322 = arith.constant 80 : index
      %swap3A_323 = tpu.vector_load %arg11[%swap3A_322] {strides = array<i32>} : memref<128xf32, #tpu.memory_space<vmem>>, vector<16xf32>,
      tpu.vector_store %arg11[%swap3A_322], %bitcast_convert_type3A_321 {strides = array<i32>} : memref<128xf32, #tpu.memory_space<vmem>>, vector<16xf32>,
      %get3A_324 = arith.constant 608 : index
      %get3A_325 = tpu.vector_load %arg9[%get3A_324] {strides = array<i32>} : memref<1536xi32, #tpu.memory_space<vmem>>, vector<16xi32>,
      %swap3A_326 = arith.constant 96 : index
      %swap3A_327 = tpu.vector_load %arg10[%swap3A_326] {strides = array<i32>} : memref<128xi32, #tpu.memory_space<vmem>>, vector<16xi32>,
      tpu.vector_store %arg10[%swap3A_326], %get3A_325 {strides = array<i32>} : memref<128xi32, #tpu.memory_space<vmem>>, vector<16xi32>,
      %get3A_328 = arith.constant 736 : index
      %get3A_329 = tpu.vector_load %arg9[%get3A_328] {strides = array<i32>} : memref<1536xi32, #tpu.memory_space<vmem>>, vector<16xi32>,
      %bitcast_convert_type3A_330 = tpu.bitcast %get3A_329 : vector<16xi32> -> vector<16xf32>
      %swap3A_331 = arith.constant 96 : index
      %swap3A_332 = tpu.vector_load %arg11[%swap3A_331] {strides = array<i32>} : memref<128xf32, #tpu.memory_space<vmem>>, vector<16xf32>,
      tpu.vector_store %arg11[%swap3A_331], %bitcast_convert_type3A_330 {strides = array<i32>} : memref<128xf32, #tpu.memory_space<vmem>>, vector<16xf32>,
      %get3A_333 = arith.constant 624 : index
      %get3A_334 = tpu.vector_load %arg9[%get3A_333] {strides = array<i32>} : memref<1536xi32, #tpu.memory_space<vmem>>, vector<16xi32>,
      %swap3A_335 = arith.constant 112 : index
      %swap3A_336 = tpu.vector_load %arg10[%swap3A_335] {strides = array<i32>} : memref<128xi32, #tpu.memory_space<vmem>>, vector<16xi32>,
      tpu.vector_store %arg10[%swap3A_335], %get3A_334 {strides = array<i32>} : memref<128xi32, #tpu.memory_space<vmem>>, vector<16xi32>,
      %get3A_337 = arith.constant 752 : index
      %get3A_338 = tpu.vector_load %arg9[%get3A_337] {strides = array<i32>} : memref<1536xi32, #tpu.memory_space<vmem>>, vector<16xi32>,
      %bitcast_convert_type3A_339 = tpu.bitcast %get3A_338 : vector<16xi32> -> vector<16xf32>
      %swap3A_340 = arith.constant 112 : index
      %swap3A_341 = tpu.vector_load %arg11[%swap3A_340] {strides = array<i32>} : memref<128xf32, #tpu.memory_space<vmem>>, vector<16xf32>,
      tpu.vector_store %arg11[%swap3A_340], %bitcast_convert_type3A_339 {strides = array<i32>} : memref<128xf32, #tpu.memory_space<vmem>>, vector<16xf32>,
      "tpu.region"() ({
        %run_scoped3A = tpu.sem_alloc : memref<!tpu.dma_semaphore, #tpu.memory_space<semaphore_mem>>
        %dma_start3A_550 = arith.constant 0 : i32
        %dma_start3A_551 = tpu.memref_slice %arg7[%dma_start3A_550] : memref<10112xf32, #tpu.memory_space<vmem_shared>> -> memref<10112xf32, #tpu.memory_space<vmem_shared>>
        tpu.enqueue_indirect_dma source(%arg11 : memref<128xf32, #tpu.memory_space<vmem>>) target(%dma_start3A_551 : memref<10112xf32, #tpu.memory_space<vmem_shared>>) offsets(%arg10 : memref<128xi32, #tpu.memory_space<vmem>>) semaphore(%run_scoped3A : memref<!tpu.dma_semaphore, #tpu.memory_space<semaphore_mem>>) {add = true}
        %dma_wait3A_552 = arith.constant 0 : i32
        %dma_wait3A_553 = tpu.memref_slice %arg7[%dma_wait3A_552] : memref<10112xf32, #tpu.memory_space<vmem_shared>> -> memref<10112xf32, #tpu.memory_space<vmem_shared>>
        tpu.wait_indirect_dma semaphore(%run_scoped3A : memref<!tpu.dma_semaphore, #tpu.memory_space<semaphore_mem>>) src(%arg11 : memref<128xf32, #tpu.memory_space<vmem>>) dst(%dma_wait3A_553 : memref<10112xf32, #tpu.memory_space<vmem_shared>>)
        tpu.yield
      }) : () -> ()
      %add3A_342 = arith.constant 4 : i32
      %add3A_343 = arith.addi %add3A_261, %add3A_342 : i32
      %mul3A_344 = arith.constant 32 : i32
      %mul3A_345 = arith.muli %add3A_343, %mul3A_344 : i32
      %add3A_346 = arith.addi %add3A, %mul3A_345 : i32
      %mul3A_347 = arith.constant 384 : i32
      %mul3A_348 = arith.muli %add3A_346, %mul3A_347 : i32
      %dma_start3A_349 = arith.constant 384 : i32
      %dma_start3A_350 = tpu.memref_slice %arg9[%dma_start3A_349] : memref<1536xi32, #tpu.memory_space<vmem>> -> memref<384xi32, #tpu.memory_space<vmem>>
      %dma_start3A_351 = tpu.memref_slice %arg2[%mul3A_348] : memref<1032192xi32, #tpu.memory_space<hbm>> -> memref<384xi32, #tpu.memory_space<hbm>>
      %dma_start3A_352 = arith.constant 384 : i32
      %dma_start3A_353 = tpu.memref_slice %arg9[%dma_start3A_352] : memref<1536xi32, #tpu.memory_space<vmem>> -> memref<384xi32, #tpu.memory_space<vmem>>
      %dma_start3A_354 = tpu.memref_slice %arg2[%mul3A_348] : memref<1032192xi32, #tpu.memory_space<hbm>> -> memref<384xi32, #tpu.memory_space<hbm>>
      tpu.enqueue_dma source(%dma_start3A_354 : memref<384xi32, #tpu.memory_space<hbm>>) target(%dma_start3A_353 : memref<384xi32, #tpu.memory_space<vmem>>) target_semaphore(%arg13 : memref<!tpu.dma_semaphore, #tpu.memory_space<semaphore_mem>>)
      %mul3A_355 = arith.constant 4 : i32
      %mul3A_356 = arith.muli %mul3A_355, %scan3A_164 : i32
      %add3A_357 = arith.constant 2 : i32
      %add3A_358 = arith.addi %mul3A_356, %add3A_357 : i32
      %dma_wait3A_359 = arith.constant 768 : i32
      %dma_wait3A_360 = tpu.memref_slice %arg9[%dma_wait3A_359] : memref<1536xi32, #tpu.memory_space<vmem>> -> memref<384xi32, #tpu.memory_space<vmem>>
      %dma_wait3A_361 = arith.constant 0 : i32
      %dma_wait3A_362 = tpu.memref_slice %arg2[%dma_wait3A_361] : memref<1032192xi32, #tpu.memory_space<hbm>> -> memref<384xi32, #tpu.memory_space<hbm>>
      %dma_wait3A_363 = arith.constant 768 : i32
      %dma_wait3A_364 = tpu.memref_slice %arg9[%dma_wait3A_363] : memref<1536xi32, #tpu.memory_space<vmem>> -> memref<384xi32, #tpu.memory_space<vmem>>
      %dma_wait3A_365 = arith.constant 0 : i32
      %dma_wait3A_366 = tpu.memref_slice %arg2[%dma_wait3A_365] : memref<1032192xi32, #tpu.memory_space<hbm>> -> memref<384xi32, #tpu.memory_space<hbm>>
      tpu.wait_dma2 semaphore(%arg14 : memref<!tpu.dma_semaphore, #tpu.memory_space<semaphore_mem>>) src(%dma_wait3A_366 : memref<384xi32, #tpu.memory_space<hbm>>) dst(%dma_wait3A_364 : memref<384xi32, #tpu.memory_space<vmem>>)
      %get3A_367 = arith.constant 896 : index
      %get3A_368 = tpu.vector_load %arg9[%get3A_367] {strides = array<i32>} : memref<1536xi32, #tpu.memory_space<vmem>>, vector<16xi32>,
      %swap3A_369 = arith.constant 0 : index
      %swap3A_370 = tpu.vector_load %arg10[%swap3A_369] {strides = array<i32>} : memref<128xi32, #tpu.memory_space<vmem>>, vector<16xi32>,
      tpu.vector_store %arg10[%swap3A_369], %get3A_368 {strides = array<i32>} : memref<128xi32, #tpu.memory_space<vmem>>, vector<16xi32>,
      %get3A_371 = arith.constant 1024 : index
      %get3A_372 = tpu.vector_load %arg9[%get3A_371] {strides = array<i32>} : memref<1536xi32, #tpu.memory_space<vmem>>, vector<16xi32>,
      %bitcast_convert_type3A_373 = tpu.bitcast %get3A_372 : vector<16xi32> -> vector<16xf32>
      %swap3A_374 = arith.constant 0 : index
      %swap3A_375 = tpu.vector_load %arg11[%swap3A_374] {strides = array<i32>} : memref<128xf32, #tpu.memory_space<vmem>>, vector<16xf32>,
      tpu.vector_store %arg11[%swap3A_374], %bitcast_convert_type3A_373 {strides = array<i32>} : memref<128xf32, #tpu.memory_space<vmem>>, vector<16xf32>,
      %get3A_376 = arith.constant 912 : index
      %get3A_377 = tpu.vector_load %arg9[%get3A_376] {strides = array<i32>} : memref<1536xi32, #tpu.memory_space<vmem>>, vector<16xi32>,
      %swap3A_378 = arith.constant 16 : index
      %swap3A_379 = tpu.vector_load %arg10[%swap3A_378] {strides = array<i32>} : memref<128xi32, #tpu.memory_space<vmem>>, vector<16xi32>,
      tpu.vector_store %arg10[%swap3A_378], %get3A_377 {strides = array<i32>} : memref<128xi32, #tpu.memory_space<vmem>>, vector<16xi32>,
      %get3A_380 = arith.constant 1040 : index
      %get3A_381 = tpu.vector_load %arg9[%get3A_380] {strides = array<i32>} : memref<1536xi32, #tpu.memory_space<vmem>>, vector<16xi32>,
      %bitcast_convert_type3A_382 = tpu.bitcast %get3A_381 : vector<16xi32> -> vector<16xf32>
      %swap3A_383 = arith.constant 16 : index
      %swap3A_384 = tpu.vector_load %arg11[%swap3A_383] {strides = array<i32>} : memref<128xf32, #tpu.memory_space<vmem>>, vector<16xf32>,
      tpu.vector_store %arg11[%swap3A_383], %bitcast_convert_type3A_382 {strides = array<i32>} : memref<128xf32, #tpu.memory_space<vmem>>, vector<16xf32>,
      %get3A_385 = arith.constant 928 : index
      %get3A_386 = tpu.vector_load %arg9[%get3A_385] {strides = array<i32>} : memref<1536xi32, #tpu.memory_space<vmem>>, vector<16xi32>,
      %swap3A_387 = arith.constant 32 : index
      %swap3A_388 = tpu.vector_load %arg10[%swap3A_387] {strides = array<i32>} : memref<128xi32, #tpu.memory_space<vmem>>, vector<16xi32>,
      tpu.vector_store %arg10[%swap3A_387], %get3A_386 {strides = array<i32>} : memref<128xi32, #tpu.memory_space<vmem>>, vector<16xi32>,
      %get3A_389 = arith.constant 1056 : index
      %get3A_390 = tpu.vector_load %arg9[%get3A_389] {strides = array<i32>} : memref<1536xi32, #tpu.memory_space<vmem>>, vector<16xi32>,
      %bitcast_convert_type3A_391 = tpu.bitcast %get3A_390 : vector<16xi32> -> vector<16xf32>
      %swap3A_392 = arith.constant 32 : index
      %swap3A_393 = tpu.vector_load %arg11[%swap3A_392] {strides = array<i32>} : memref<128xf32, #tpu.memory_space<vmem>>, vector<16xf32>,
      tpu.vector_store %arg11[%swap3A_392], %bitcast_convert_type3A_391 {strides = array<i32>} : memref<128xf32, #tpu.memory_space<vmem>>, vector<16xf32>,
      %get3A_394 = arith.constant 944 : index
      %get3A_395 = tpu.vector_load %arg9[%get3A_394] {strides = array<i32>} : memref<1536xi32, #tpu.memory_space<vmem>>, vector<16xi32>,
      %swap3A_396 = arith.constant 48 : index
      %swap3A_397 = tpu.vector_load %arg10[%swap3A_396] {strides = array<i32>} : memref<128xi32, #tpu.memory_space<vmem>>, vector<16xi32>,
      tpu.vector_store %arg10[%swap3A_396], %get3A_395 {strides = array<i32>} : memref<128xi32, #tpu.memory_space<vmem>>, vector<16xi32>,
      %get3A_398 = arith.constant 1072 : index
      %get3A_399 = tpu.vector_load %arg9[%get3A_398] {strides = array<i32>} : memref<1536xi32, #tpu.memory_space<vmem>>, vector<16xi32>,
      %bitcast_convert_type3A_400 = tpu.bitcast %get3A_399 : vector<16xi32> -> vector<16xf32>
      %swap3A_401 = arith.constant 48 : index
      %swap3A_402 = tpu.vector_load %arg11[%swap3A_401] {strides = array<i32>} : memref<128xf32, #tpu.memory_space<vmem>>, vector<16xf32>,
      tpu.vector_store %arg11[%swap3A_401], %bitcast_convert_type3A_400 {strides = array<i32>} : memref<128xf32, #tpu.memory_space<vmem>>, vector<16xf32>,
      %get3A_403 = arith.constant 960 : index
      %get3A_404 = tpu.vector_load %arg9[%get3A_403] {strides = array<i32>} : memref<1536xi32, #tpu.memory_space<vmem>>, vector<16xi32>,
      %swap3A_405 = arith.constant 64 : index
      %swap3A_406 = tpu.vector_load %arg10[%swap3A_405] {strides = array<i32>} : memref<128xi32, #tpu.memory_space<vmem>>, vector<16xi32>,
      tpu.vector_store %arg10[%swap3A_405], %get3A_404 {strides = array<i32>} : memref<128xi32, #tpu.memory_space<vmem>>, vector<16xi32>,
      %get3A_407 = arith.constant 1088 : index
      %get3A_408 = tpu.vector_load %arg9[%get3A_407] {strides = array<i32>} : memref<1536xi32, #tpu.memory_space<vmem>>, vector<16xi32>,
      %bitcast_convert_type3A_409 = tpu.bitcast %get3A_408 : vector<16xi32> -> vector<16xf32>
      %swap3A_410 = arith.constant 64 : index
      %swap3A_411 = tpu.vector_load %arg11[%swap3A_410] {strides = array<i32>} : memref<128xf32, #tpu.memory_space<vmem>>, vector<16xf32>,
      tpu.vector_store %arg11[%swap3A_410], %bitcast_convert_type3A_409 {strides = array<i32>} : memref<128xf32, #tpu.memory_space<vmem>>, vector<16xf32>,
      %get3A_412 = arith.constant 976 : index
      %get3A_413 = tpu.vector_load %arg9[%get3A_412] {strides = array<i32>} : memref<1536xi32, #tpu.memory_space<vmem>>, vector<16xi32>,
      %swap3A_414 = arith.constant 80 : index
      %swap3A_415 = tpu.vector_load %arg10[%swap3A_414] {strides = array<i32>} : memref<128xi32, #tpu.memory_space<vmem>>, vector<16xi32>,
      tpu.vector_store %arg10[%swap3A_414], %get3A_413 {strides = array<i32>} : memref<128xi32, #tpu.memory_space<vmem>>, vector<16xi32>,
      %get3A_416 = arith.constant 1104 : index
      %get3A_417 = tpu.vector_load %arg9[%get3A_416] {strides = array<i32>} : memref<1536xi32, #tpu.memory_space<vmem>>, vector<16xi32>,
      %bitcast_convert_type3A_418 = tpu.bitcast %get3A_417 : vector<16xi32> -> vector<16xf32>
      %swap3A_419 = arith.constant 80 : index
      %swap3A_420 = tpu.vector_load %arg11[%swap3A_419] {strides = array<i32>} : memref<128xf32, #tpu.memory_space<vmem>>, vector<16xf32>,
      tpu.vector_store %arg11[%swap3A_419], %bitcast_convert_type3A_418 {strides = array<i32>} : memref<128xf32, #tpu.memory_space<vmem>>, vector<16xf32>,
      %get3A_421 = arith.constant 992 : index
      %get3A_422 = tpu.vector_load %arg9[%get3A_421] {strides = array<i32>} : memref<1536xi32, #tpu.memory_space<vmem>>, vector<16xi32>,
      %swap3A_423 = arith.constant 96 : index
      %swap3A_424 = tpu.vector_load %arg10[%swap3A_423] {strides = array<i32>} : memref<128xi32, #tpu.memory_space<vmem>>, vector<16xi32>,
      tpu.vector_store %arg10[%swap3A_423], %get3A_422 {strides = array<i32>} : memref<128xi32, #tpu.memory_space<vmem>>, vector<16xi32>,
      %get3A_425 = arith.constant 1120 : index
      %get3A_426 = tpu.vector_load %arg9[%get3A_425] {strides = array<i32>} : memref<1536xi32, #tpu.memory_space<vmem>>, vector<16xi32>,
      %bitcast_convert_type3A_427 = tpu.bitcast %get3A_426 : vector<16xi32> -> vector<16xf32>
      %swap3A_428 = arith.constant 96 : index
      %swap3A_429 = tpu.vector_load %arg11[%swap3A_428] {strides = array<i32>} : memref<128xf32, #tpu.memory_space<vmem>>, vector<16xf32>,
      tpu.vector_store %arg11[%swap3A_428], %bitcast_convert_type3A_427 {strides = array<i32>} : memref<128xf32, #tpu.memory_space<vmem>>, vector<16xf32>,
      %get3A_430 = arith.constant 1008 : index
      %get3A_431 = tpu.vector_load %arg9[%get3A_430] {strides = array<i32>} : memref<1536xi32, #tpu.memory_space<vmem>>, vector<16xi32>,
      %swap3A_432 = arith.constant 112 : index
      %swap3A_433 = tpu.vector_load %arg10[%swap3A_432] {strides = array<i32>} : memref<128xi32, #tpu.memory_space<vmem>>, vector<16xi32>,
      tpu.vector_store %arg10[%swap3A_432], %get3A_431 {strides = array<i32>} : memref<128xi32, #tpu.memory_space<vmem>>, vector<16xi32>,
      %get3A_434 = arith.constant 1136 : index
      %get3A_435 = tpu.vector_load %arg9[%get3A_434] {strides = array<i32>} : memref<1536xi32, #tpu.memory_space<vmem>>, vector<16xi32>,
      %bitcast_convert_type3A_436 = tpu.bitcast %get3A_435 : vector<16xi32> -> vector<16xf32>
      %swap3A_437 = arith.constant 112 : index
      %swap3A_438 = tpu.vector_load %arg11[%swap3A_437] {strides = array<i32>} : memref<128xf32, #tpu.memory_space<vmem>>, vector<16xf32>,
      tpu.vector_store %arg11[%swap3A_437], %bitcast_convert_type3A_436 {strides = array<i32>} : memref<128xf32, #tpu.memory_space<vmem>>, vector<16xf32>,
      "tpu.region"() ({
        %run_scoped3A = tpu.sem_alloc : memref<!tpu.dma_semaphore, #tpu.memory_space<semaphore_mem>>
        %dma_start3A_550 = arith.constant 0 : i32
        %dma_start3A_551 = tpu.memref_slice %arg7[%dma_start3A_550] : memref<10112xf32, #tpu.memory_space<vmem_shared>> -> memref<10112xf32, #tpu.memory_space<vmem_shared>>
        tpu.enqueue_indirect_dma source(%arg11 : memref<128xf32, #tpu.memory_space<vmem>>) target(%dma_start3A_551 : memref<10112xf32, #tpu.memory_space<vmem_shared>>) offsets(%arg10 : memref<128xi32, #tpu.memory_space<vmem>>) semaphore(%run_scoped3A : memref<!tpu.dma_semaphore, #tpu.memory_space<semaphore_mem>>) {add = true}
        %dma_wait3A_552 = arith.constant 0 : i32
        %dma_wait3A_553 = tpu.memref_slice %arg7[%dma_wait3A_552] : memref<10112xf32, #tpu.memory_space<vmem_shared>> -> memref<10112xf32, #tpu.memory_space<vmem_shared>>
        tpu.wait_indirect_dma semaphore(%run_scoped3A : memref<!tpu.dma_semaphore, #tpu.memory_space<semaphore_mem>>) src(%arg11 : memref<128xf32, #tpu.memory_space<vmem>>) dst(%dma_wait3A_553 : memref<10112xf32, #tpu.memory_space<vmem_shared>>)
        tpu.yield
      }) : () -> ()
      %add3A_439 = arith.constant 4 : i32
      %add3A_440 = arith.addi %add3A_358, %add3A_439 : i32
      %mul3A_441 = arith.constant 32 : i32
      %mul3A_442 = arith.muli %add3A_440, %mul3A_441 : i32
      %add3A_443 = arith.addi %add3A, %mul3A_442 : i32
      %mul3A_444 = arith.constant 384 : i32
      %mul3A_445 = arith.muli %add3A_443, %mul3A_444 : i32
      %dma_start3A_446 = arith.constant 768 : i32
      %dma_start3A_447 = tpu.memref_slice %arg9[%dma_start3A_446] : memref<1536xi32, #tpu.memory_space<vmem>> -> memref<384xi32, #tpu.memory_space<vmem>>
      %dma_start3A_448 = tpu.memref_slice %arg2[%mul3A_445] : memref<1032192xi32, #tpu.memory_space<hbm>> -> memref<384xi32, #tpu.memory_space<hbm>>
      %dma_start3A_449 = arith.constant 768 : i32
      %dma_start3A_450 = tpu.memref_slice %arg9[%dma_start3A_449] : memref<1536xi32, #tpu.memory_space<vmem>> -> memref<384xi32, #tpu.memory_space<vmem>>
      %dma_start3A_451 = tpu.memref_slice %arg2[%mul3A_445] : memref<1032192xi32, #tpu.memory_space<hbm>> -> memref<384xi32, #tpu.memory_space<hbm>>
      tpu.enqueue_dma source(%dma_start3A_451 : memref<384xi32, #tpu.memory_space<hbm>>) target(%dma_start3A_450 : memref<384xi32, #tpu.memory_space<vmem>>) target_semaphore(%arg14 : memref<!tpu.dma_semaphore, #tpu.memory_space<semaphore_mem>>)
      %mul3A_452 = arith.constant 4 : i32
      %mul3A_453 = arith.muli %mul3A_452, %scan3A_164 : i32
      %add3A_454 = arith.constant 3 : i32
      %add3A_455 = arith.addi %mul3A_453, %add3A_454 : i32
      %dma_wait3A_456 = arith.constant 1152 : i32
      %dma_wait3A_457 = tpu.memref_slice %arg9[%dma_wait3A_456] : memref<1536xi32, #tpu.memory_space<vmem>> -> memref<384xi32, #tpu.memory_space<vmem>>
      %dma_wait3A_458 = arith.constant 0 : i32
      %dma_wait3A_459 = tpu.memref_slice %arg2[%dma_wait3A_458] : memref<1032192xi32, #tpu.memory_space<hbm>> -> memref<384xi32, #tpu.memory_space<hbm>>
      %dma_wait3A_460 = arith.constant 1152 : i32
      %dma_wait3A_461 = tpu.memref_slice %arg9[%dma_wait3A_460] : memref<1536xi32, #tpu.memory_space<vmem>> -> memref<384xi32, #tpu.memory_space<vmem>>
      %dma_wait3A_462 = arith.constant 0 : i32
      %dma_wait3A_463 = tpu.memref_slice %arg2[%dma_wait3A_462] : memref<1032192xi32, #tpu.memory_space<hbm>> -> memref<384xi32, #tpu.memory_space<hbm>>
      tpu.wait_dma2 semaphore(%arg15 : memref<!tpu.dma_semaphore, #tpu.memory_space<semaphore_mem>>) src(%dma_wait3A_463 : memref<384xi32, #tpu.memory_space<hbm>>) dst(%dma_wait3A_461 : memref<384xi32, #tpu.memory_space<vmem>>)
      %get3A_464 = arith.constant 1280 : index
      %get3A_465 = tpu.vector_load %arg9[%get3A_464] {strides = array<i32>} : memref<1536xi32, #tpu.memory_space<vmem>>, vector<16xi32>,
      %swap3A_466 = arith.constant 0 : index
      %swap3A_467 = tpu.vector_load %arg10[%swap3A_466] {strides = array<i32>} : memref<128xi32, #tpu.memory_space<vmem>>, vector<16xi32>,
      tpu.vector_store %arg10[%swap3A_466], %get3A_465 {strides = array<i32>} : memref<128xi32, #tpu.memory_space<vmem>>, vector<16xi32>,
      %get3A_468 = arith.constant 1408 : index
      %get3A_469 = tpu.vector_load %arg9[%get3A_468] {strides = array<i32>} : memref<1536xi32, #tpu.memory_space<vmem>>, vector<16xi32>,
      %bitcast_convert_type3A_470 = tpu.bitcast %get3A_469 : vector<16xi32> -> vector<16xf32>
      %swap3A_471 = arith.constant 0 : index
      %swap3A_472 = tpu.vector_load %arg11[%swap3A_471] {strides = array<i32>} : memref<128xf32, #tpu.memory_space<vmem>>, vector<16xf32>,
      tpu.vector_store %arg11[%swap3A_471], %bitcast_convert_type3A_470 {strides = array<i32>} : memref<128xf32, #tpu.memory_space<vmem>>, vector<16xf32>,
      %get3A_473 = arith.constant 1296 : index
      %get3A_474 = tpu.vector_load %arg9[%get3A_473] {strides = array<i32>} : memref<1536xi32, #tpu.memory_space<vmem>>, vector<16xi32>,
      %swap3A_475 = arith.constant 16 : index
      %swap3A_476 = tpu.vector_load %arg10[%swap3A_475] {strides = array<i32>} : memref<128xi32, #tpu.memory_space<vmem>>, vector<16xi32>,
      tpu.vector_store %arg10[%swap3A_475], %get3A_474 {strides = array<i32>} : memref<128xi32, #tpu.memory_space<vmem>>, vector<16xi32>,
      %get3A_477 = arith.constant 1424 : index
      %get3A_478 = tpu.vector_load %arg9[%get3A_477] {strides = array<i32>} : memref<1536xi32, #tpu.memory_space<vmem>>, vector<16xi32>,
      %bitcast_convert_type3A_479 = tpu.bitcast %get3A_478 : vector<16xi32> -> vector<16xf32>
      %swap3A_480 = arith.constant 16 : index
      %swap3A_481 = tpu.vector_load %arg11[%swap3A_480] {strides = array<i32>} : memref<128xf32, #tpu.memory_space<vmem>>, vector<16xf32>,
      tpu.vector_store %arg11[%swap3A_480], %bitcast_convert_type3A_479 {strides = array<i32>} : memref<128xf32, #tpu.memory_space<vmem>>, vector<16xf32>,
      %get3A_482 = arith.constant 1312 : index
      %get3A_483 = tpu.vector_load %arg9[%get3A_482] {strides = array<i32>} : memref<1536xi32, #tpu.memory_space<vmem>>, vector<16xi32>,
      %swap3A_484 = arith.constant 32 : index
      %swap3A_485 = tpu.vector_load %arg10[%swap3A_484] {strides = array<i32>} : memref<128xi32, #tpu.memory_space<vmem>>, vector<16xi32>,
      tpu.vector_store %arg10[%swap3A_484], %get3A_483 {strides = array<i32>} : memref<128xi32, #tpu.memory_space<vmem>>, vector<16xi32>,
      %get3A_486 = arith.constant 1440 : index
      %get3A_487 = tpu.vector_load %arg9[%get3A_486] {strides = array<i32>} : memref<1536xi32, #tpu.memory_space<vmem>>, vector<16xi32>,
      %bitcast_convert_type3A_488 = tpu.bitcast %get3A_487 : vector<16xi32> -> vector<16xf32>
      %swap3A_489 = arith.constant 32 : index
      %swap3A_490 = tpu.vector_load %arg11[%swap3A_489] {strides = array<i32>} : memref<128xf32, #tpu.memory_space<vmem>>, vector<16xf32>,
      tpu.vector_store %arg11[%swap3A_489], %bitcast_convert_type3A_488 {strides = array<i32>} : memref<128xf32, #tpu.memory_space<vmem>>, vector<16xf32>,
      %get3A_491 = arith.constant 1328 : index
      %get3A_492 = tpu.vector_load %arg9[%get3A_491] {strides = array<i32>} : memref<1536xi32, #tpu.memory_space<vmem>>, vector<16xi32>,
      %swap3A_493 = arith.constant 48 : index
      %swap3A_494 = tpu.vector_load %arg10[%swap3A_493] {strides = array<i32>} : memref<128xi32, #tpu.memory_space<vmem>>, vector<16xi32>,
      tpu.vector_store %arg10[%swap3A_493], %get3A_492 {strides = array<i32>} : memref<128xi32, #tpu.memory_space<vmem>>, vector<16xi32>,
      %get3A_495 = arith.constant 1456 : index
      %get3A_496 = tpu.vector_load %arg9[%get3A_495] {strides = array<i32>} : memref<1536xi32, #tpu.memory_space<vmem>>, vector<16xi32>,
      %bitcast_convert_type3A_497 = tpu.bitcast %get3A_496 : vector<16xi32> -> vector<16xf32>
      %swap3A_498 = arith.constant 48 : index
      %swap3A_499 = tpu.vector_load %arg11[%swap3A_498] {strides = array<i32>} : memref<128xf32, #tpu.memory_space<vmem>>, vector<16xf32>,
      tpu.vector_store %arg11[%swap3A_498], %bitcast_convert_type3A_497 {strides = array<i32>} : memref<128xf32, #tpu.memory_space<vmem>>, vector<16xf32>,
      %get3A_500 = arith.constant 1344 : index
      %get3A_501 = tpu.vector_load %arg9[%get3A_500] {strides = array<i32>} : memref<1536xi32, #tpu.memory_space<vmem>>, vector<16xi32>,
      %swap3A_502 = arith.constant 64 : index
      %swap3A_503 = tpu.vector_load %arg10[%swap3A_502] {strides = array<i32>} : memref<128xi32, #tpu.memory_space<vmem>>, vector<16xi32>,
      tpu.vector_store %arg10[%swap3A_502], %get3A_501 {strides = array<i32>} : memref<128xi32, #tpu.memory_space<vmem>>, vector<16xi32>,
      %get3A_504 = arith.constant 1472 : index
      %get3A_505 = tpu.vector_load %arg9[%get3A_504] {strides = array<i32>} : memref<1536xi32, #tpu.memory_space<vmem>>, vector<16xi32>,
      %bitcast_convert_type3A_506 = tpu.bitcast %get3A_505 : vector<16xi32> -> vector<16xf32>
      %swap3A_507 = arith.constant 64 : index
      %swap3A_508 = tpu.vector_load %arg11[%swap3A_507] {strides = array<i32>} : memref<128xf32, #tpu.memory_space<vmem>>, vector<16xf32>,
      tpu.vector_store %arg11[%swap3A_507], %bitcast_convert_type3A_506 {strides = array<i32>} : memref<128xf32, #tpu.memory_space<vmem>>, vector<16xf32>,
      %get3A_509 = arith.constant 1360 : index
      %get3A_510 = tpu.vector_load %arg9[%get3A_509] {strides = array<i32>} : memref<1536xi32, #tpu.memory_space<vmem>>, vector<16xi32>,
      %swap3A_511 = arith.constant 80 : index
      %swap3A_512 = tpu.vector_load %arg10[%swap3A_511] {strides = array<i32>} : memref<128xi32, #tpu.memory_space<vmem>>, vector<16xi32>,
      tpu.vector_store %arg10[%swap3A_511], %get3A_510 {strides = array<i32>} : memref<128xi32, #tpu.memory_space<vmem>>, vector<16xi32>,
      %get3A_513 = arith.constant 1488 : index
      %get3A_514 = tpu.vector_load %arg9[%get3A_513] {strides = array<i32>} : memref<1536xi32, #tpu.memory_space<vmem>>, vector<16xi32>,
      %bitcast_convert_type3A_515 = tpu.bitcast %get3A_514 : vector<16xi32> -> vector<16xf32>
      %swap3A_516 = arith.constant 80 : index
      %swap3A_517 = tpu.vector_load %arg11[%swap3A_516] {strides = array<i32>} : memref<128xf32, #tpu.memory_space<vmem>>, vector<16xf32>,
      tpu.vector_store %arg11[%swap3A_516], %bitcast_convert_type3A_515 {strides = array<i32>} : memref<128xf32, #tpu.memory_space<vmem>>, vector<16xf32>,
      %get3A_518 = arith.constant 1376 : index
      %get3A_519 = tpu.vector_load %arg9[%get3A_518] {strides = array<i32>} : memref<1536xi32, #tpu.memory_space<vmem>>, vector<16xi32>,
      %swap3A_520 = arith.constant 96 : index
      %swap3A_521 = tpu.vector_load %arg10[%swap3A_520] {strides = array<i32>} : memref<128xi32, #tpu.memory_space<vmem>>, vector<16xi32>,
      tpu.vector_store %arg10[%swap3A_520], %get3A_519 {strides = array<i32>} : memref<128xi32, #tpu.memory_space<vmem>>, vector<16xi32>,
      %get3A_522 = arith.constant 1504 : index
      %get3A_523 = tpu.vector_load %arg9[%get3A_522] {strides = array<i32>} : memref<1536xi32, #tpu.memory_space<vmem>>, vector<16xi32>,
      %bitcast_convert_type3A_524 = tpu.bitcast %get3A_523 : vector<16xi32> -> vector<16xf32>
      %swap3A_525 = arith.constant 96 : index
      %swap3A_526 = tpu.vector_load %arg11[%swap3A_525] {strides = array<i32>} : memref<128xf32, #tpu.memory_space<vmem>>, vector<16xf32>,
      tpu.vector_store %arg11[%swap3A_525], %bitcast_convert_type3A_524 {strides = array<i32>} : memref<128xf32, #tpu.memory_space<vmem>>, vector<16xf32>,
      %get3A_527 = arith.constant 1392 : index
      %get3A_528 = tpu.vector_load %arg9[%get3A_527] {strides = array<i32>} : memref<1536xi32, #tpu.memory_space<vmem>>, vector<16xi32>,
      %swap3A_529 = arith.constant 112 : index
      %swap3A_530 = tpu.vector_load %arg10[%swap3A_529] {strides = array<i32>} : memref<128xi32, #tpu.memory_space<vmem>>, vector<16xi32>,
      tpu.vector_store %arg10[%swap3A_529], %get3A_528 {strides = array<i32>} : memref<128xi32, #tpu.memory_space<vmem>>, vector<16xi32>,
      %get3A_531 = arith.constant 1520 : index
      %get3A_532 = tpu.vector_load %arg9[%get3A_531] {strides = array<i32>} : memref<1536xi32, #tpu.memory_space<vmem>>, vector<16xi32>,
      %bitcast_convert_type3A_533 = tpu.bitcast %get3A_532 : vector<16xi32> -> vector<16xf32>
      %swap3A_534 = arith.constant 112 : index
      %swap3A_535 = tpu.vector_load %arg11[%swap3A_534] {strides = array<i32>} : memref<128xf32, #tpu.memory_space<vmem>>, vector<16xf32>,
      tpu.vector_store %arg11[%swap3A_534], %bitcast_convert_type3A_533 {strides = array<i32>} : memref<128xf32, #tpu.memory_space<vmem>>, vector<16xf32>,
      "tpu.region"() ({
        %run_scoped3A = tpu.sem_alloc : memref<!tpu.dma_semaphore, #tpu.memory_space<semaphore_mem>>
        %dma_start3A_550 = arith.constant 0 : i32
        %dma_start3A_551 = tpu.memref_slice %arg7[%dma_start3A_550] : memref<10112xf32, #tpu.memory_space<vmem_shared>> -> memref<10112xf32, #tpu.memory_space<vmem_shared>>
        tpu.enqueue_indirect_dma source(%arg11 : memref<128xf32, #tpu.memory_space<vmem>>) target(%dma_start3A_551 : memref<10112xf32, #tpu.memory_space<vmem_shared>>) offsets(%arg10 : memref<128xi32, #tpu.memory_space<vmem>>) semaphore(%run_scoped3A : memref<!tpu.dma_semaphore, #tpu.memory_space<semaphore_mem>>) {add = true}
        %dma_wait3A_552 = arith.constant 0 : i32
        %dma_wait3A_553 = tpu.memref_slice %arg7[%dma_wait3A_552] : memref<10112xf32, #tpu.memory_space<vmem_shared>> -> memref<10112xf32, #tpu.memory_space<vmem_shared>>
        tpu.wait_indirect_dma semaphore(%run_scoped3A : memref<!tpu.dma_semaphore, #tpu.memory_space<semaphore_mem>>) src(%arg11 : memref<128xf32, #tpu.memory_space<vmem>>) dst(%dma_wait3A_553 : memref<10112xf32, #tpu.memory_space<vmem_shared>>)
        tpu.yield
      }) : () -> ()
      %add3A_536 = arith.constant 4 : i32
      %add3A_537 = arith.addi %add3A_455, %add3A_536 : i32
      %mul3A_538 = arith.constant 32 : i32
      %mul3A_539 = arith.muli %add3A_537, %mul3A_538 : i32
      %add3A_540 = arith.addi %add3A, %mul3A_539 : i32
      %mul3A_541 = arith.constant 384 : i32
      %mul3A_542 = arith.muli %add3A_540, %mul3A_541 : i32
      %dma_start3A_543 = arith.constant 1152 : i32
      %dma_start3A_544 = tpu.memref_slice %arg9[%dma_start3A_543] : memref<1536xi32, #tpu.memory_space<vmem>> -> memref<384xi32, #tpu.memory_space<vmem>>
      %dma_start3A_545 = tpu.memref_slice %arg2[%mul3A_542] : memref<1032192xi32, #tpu.memory_space<hbm>> -> memref<384xi32, #tpu.memory_space<hbm>>
      %dma_start3A_546 = arith.constant 1152 : i32
      %dma_start3A_547 = tpu.memref_slice %arg9[%dma_start3A_546] : memref<1536xi32, #tpu.memory_space<vmem>> -> memref<384xi32, #tpu.memory_space<vmem>>
      %dma_start3A_548 = tpu.memref_slice %arg2[%mul3A_542] : memref<1032192xi32, #tpu.memory_space<hbm>> -> memref<384xi32, #tpu.memory_space<hbm>>
      tpu.enqueue_dma source(%dma_start3A_548 : memref<384xi32, #tpu.memory_space<hbm>>) target(%dma_start3A_547 : memref<384xi32, #tpu.memory_space<vmem>>) target_semaphore(%arg15 : memref<!tpu.dma_semaphore, #tpu.memory_space<semaphore_mem>>)
      %scan3A_549 = arith.constant 0 : i32
      scf.yield %scan3A_549 : i32
    }
    %scan3A_47 = arith.constant 20 : i32
    %dma_wait3A = arith.constant 0 : i32
    %dma_wait3A_48 = tpu.memref_slice %arg9[%dma_wait3A] : memref<1536xi32, #tpu.memory_space<vmem>> -> memref<384xi32, #tpu.memory_space<vmem>>
    %dma_wait3A_49 = arith.constant 0 : i32
    %dma_wait3A_50 = tpu.memref_slice %arg2[%dma_wait3A_49] : memref<1032192xi32, #tpu.memory_space<hbm>> -> memref<384xi32, #tpu.memory_space<hbm>>
    %dma_wait3A_51 = arith.constant 0 : i32
    %dma_wait3A_52 = tpu.memref_slice %arg9[%dma_wait3A_51] : memref<1536xi32, #tpu.memory_space<vmem>> -> memref<384xi32, #tpu.memory_space<vmem>>
    %dma_wait3A_53 = arith.constant 0 : i32
    %dma_wait3A_54 = tpu.memref_slice %arg2[%dma_wait3A_53] : memref<1032192xi32, #tpu.memory_space<hbm>> -> memref<384xi32, #tpu.memory_space<hbm>>
    tpu.wait_dma2 semaphore(%arg12 : memref<!tpu.dma_semaphore, #tpu.memory_space<semaphore_mem>>) src(%dma_wait3A_54 : memref<384xi32, #tpu.memory_space<hbm>>) dst(%dma_wait3A_52 : memref<384xi32, #tpu.memory_space<vmem>>)
    %dma_wait3A_55 = arith.constant 384 : i32
    %dma_wait3A_56 = tpu.memref_slice %arg9[%dma_wait3A_55] : memref<1536xi32, #tpu.memory_space<vmem>> -> memref<384xi32, #tpu.memory_space<vmem>>
    %dma_wait3A_57 = arith.constant 0 : i32
    %dma_wait3A_58 = tpu.memref_slice %arg2[%dma_wait3A_57] : memref<1032192xi32, #tpu.memory_space<hbm>> -> memref<384xi32, #tpu.memory_space<hbm>>
    %dma_wait3A_59 = arith.constant 384 : i32
    %dma_wait3A_60 = tpu.memref_slice %arg9[%dma_wait3A_59] : memref<1536xi32, #tpu.memory_space<vmem>> -> memref<384xi32, #tpu.memory_space<vmem>>
    %dma_wait3A_61 = arith.constant 0 : i32
    %dma_wait3A_62 = tpu.memref_slice %arg2[%dma_wait3A_61] : memref<1032192xi32, #tpu.memory_space<hbm>> -> memref<384xi32, #tpu.memory_space<hbm>>
    tpu.wait_dma2 semaphore(%arg13 : memref<!tpu.dma_semaphore, #tpu.memory_space<semaphore_mem>>) src(%dma_wait3A_62 : memref<384xi32, #tpu.memory_space<hbm>>) dst(%dma_wait3A_60 : memref<384xi32, #tpu.memory_space<vmem>>)
    %dma_wait3A_63 = arith.constant 768 : i32
    %dma_wait3A_64 = tpu.memref_slice %arg9[%dma_wait3A_63] : memref<1536xi32, #tpu.memory_space<vmem>> -> memref<384xi32, #tpu.memory_space<vmem>>
    %dma_wait3A_65 = arith.constant 0 : i32
    %dma_wait3A_66 = tpu.memref_slice %arg2[%dma_wait3A_65] : memref<1032192xi32, #tpu.memory_space<hbm>> -> memref<384xi32, #tpu.memory_space<hbm>>
    %dma_wait3A_67 = arith.constant 768 : i32
    %dma_wait3A_68 = tpu.memref_slice %arg9[%dma_wait3A_67] : memref<1536xi32, #tpu.memory_space<vmem>> -> memref<384xi32, #tpu.memory_space<vmem>>
    %dma_wait3A_69 = arith.constant 0 : i32
    %dma_wait3A_70 = tpu.memref_slice %arg2[%dma_wait3A_69] : memref<1032192xi32, #tpu.memory_space<hbm>> -> memref<384xi32, #tpu.memory_space<hbm>>
    tpu.wait_dma2 semaphore(%arg14 : memref<!tpu.dma_semaphore, #tpu.memory_space<semaphore_mem>>) src(%dma_wait3A_70 : memref<384xi32, #tpu.memory_space<hbm>>) dst(%dma_wait3A_68 : memref<384xi32, #tpu.memory_space<vmem>>)
    %dma_wait3A_71 = arith.constant 1152 : i32
    %dma_wait3A_72 = tpu.memref_slice %arg9[%dma_wait3A_71] : memref<1536xi32, #tpu.memory_space<vmem>> -> memref<384xi32, #tpu.memory_space<vmem>>
    %dma_wait3A_73 = arith.constant 0 : i32
    %dma_wait3A_74 = tpu.memref_slice %arg2[%dma_wait3A_73] : memref<1032192xi32, #tpu.memory_space<hbm>> -> memref<384xi32, #tpu.memory_space<hbm>>
    %dma_wait3A_75 = arith.constant 1152 : i32
    %dma_wait3A_76 = tpu.memref_slice %arg9[%dma_wait3A_75] : memref<1536xi32, #tpu.memory_space<vmem>> -> memref<384xi32, #tpu.memory_space<vmem>>
    %dma_wait3A_77 = arith.constant 0 : i32
    %dma_wait3A_78 = tpu.memref_slice %arg2[%dma_wait3A_77] : memref<1032192xi32, #tpu.memory_space<hbm>> -> memref<384xi32, #tpu.memory_space<hbm>>
    tpu.wait_dma2 semaphore(%arg15 : memref<!tpu.dma_semaphore, #tpu.memory_space<semaphore_mem>>) src(%dma_wait3A_78 : memref<384xi32, #tpu.memory_space<hbm>>) dst(%dma_wait3A_76 : memref<384xi32, #tpu.memory_space<vmem>>)
    %add3A_79 = arith.constant 0 : i32
    %add3A_80 = arith.addi %add3A, %add3A_79 : i32
    %mul3A_81 = arith.constant 384 : i32
    %mul3A_82 = arith.muli %add3A_80, %mul3A_81 : i32
    %dma_start3A_83 = arith.constant 0 : i32
    %dma_start3A_84 = tpu.memref_slice %arg9[%dma_start3A_83] : memref<1536xi32, #tpu.memory_space<vmem>> -> memref<384xi32, #tpu.memory_space<vmem>>
    %dma_start3A_85 = tpu.memref_slice %arg3[%mul3A_82] : memref<540672xi32, #tpu.memory_space<hbm>> -> memref<384xi32, #tpu.memory_space<hbm>>
    %dma_start3A_86 = arith.constant 0 : i32
    %dma_start3A_87 = tpu.memref_slice %arg9[%dma_start3A_86] : memref<1536xi32, #tpu.memory_space<vmem>> -> memref<384xi32, #tpu.memory_space<vmem>>
    %dma_start3A_88 = tpu.memref_slice %arg3[%mul3A_82] : memref<540672xi32, #tpu.memory_space<hbm>> -> memref<384xi32, #tpu.memory_space<hbm>>
    tpu.enqueue_dma source(%dma_start3A_88 : memref<384xi32, #tpu.memory_space<hbm>>) target(%dma_start3A_87 : memref<384xi32, #tpu.memory_space<vmem>>) target_semaphore(%arg12 : memref<!tpu.dma_semaphore, #tpu.memory_space<semaphore_mem>>)
    %add3A_89 = arith.constant 32 : i32
    %add3A_90 = arith.addi %add3A, %add3A_89 : i32
    %mul3A_91 = arith.constant 384 : i32
    %mul3A_92 = arith.muli %add3A_90, %mul3A_91 : i32
    %dma_start3A_93 = arith.constant 384 : i32
    %dma_start3A_94 = tpu.memref_slice %arg9[%dma_start3A_93] : memref<1536xi32, #tpu.memory_space<vmem>> -> memref<384xi32, #tpu.memory_space<vmem>>
    %dma_start3A_95 = tpu.memref_slice %arg3[%mul3A_92] : memref<540672xi32, #tpu.memory_space<hbm>> -> memref<384xi32, #tpu.memory_space<hbm>>
    %dma_start3A_96 = arith.constant 384 : i32
    %dma_start3A_97 = tpu.memref_slice %arg9[%dma_start3A_96] : memref<1536xi32, #tpu.memory_space<vmem>> -> memref<384xi32, #tpu.memory_space<vmem>>
    %dma_start3A_98 = tpu.memref_slice %arg3[%mul3A_92] : memref<540672xi32, #tpu.memory_space<hbm>> -> memref<384xi32, #tpu.memory_space<hbm>>
    tpu.enqueue_dma source(%dma_start3A_98 : memref<384xi32, #tpu.memory_space<hbm>>) target(%dma_start3A_97 : memref<384xi32, #tpu.memory_space<vmem>>) target_semaphore(%arg13 : memref<!tpu.dma_semaphore, #tpu.memory_space<semaphore_mem>>)
    %add3A_99 = arith.constant 64 : i32
    %add3A_100 = arith.addi %add3A, %add3A_99 : i32
    %mul3A_101 = arith.constant 384 : i32
    %mul3A_102 = arith.muli %add3A_100, %mul3A_101 : i32
    %dma_start3A_103 = arith.constant 768 : i32
    %dma_start3A_104 = tpu.memref_slice %arg9[%dma_start3A_103] : memref<1536xi32, #tpu.memory_space<vmem>> -> memref<384xi32, #tpu.memory_space<vmem>>
    %dma_start3A_105 = tpu.memref_slice %arg3[%mul3A_102] : memref<540672xi32, #tpu.memory_space<hbm>> -> memref<384xi32, #tpu.memory_space<hbm>>
    %dma_start3A_106 = arith.constant 768 : i32
    %dma_start3A_107 = tpu.memref_slice %arg9[%dma_start3A_106] : memref<1536xi32, #tpu.memory_space<vmem>> -> memref<384xi32, #tpu.memory_space<vmem>>
    %dma_start3A_108 = tpu.memref_slice %arg3[%mul3A_102] : memref<540672xi32, #tpu.memory_space<hbm>> -> memref<384xi32, #tpu.memory_space<hbm>>
    tpu.enqueue_dma source(%dma_start3A_108 : memref<384xi32, #tpu.memory_space<hbm>>) target(%dma_start3A_107 : memref<384xi32, #tpu.memory_space<vmem>>) target_semaphore(%arg14 : memref<!tpu.dma_semaphore, #tpu.memory_space<semaphore_mem>>)
    %add3A_109 = arith.constant 96 : i32
    %add3A_110 = arith.addi %add3A, %add3A_109 : i32
    %mul3A_111 = arith.constant 384 : i32
    %mul3A_112 = arith.muli %add3A_110, %mul3A_111 : i32
    %dma_start3A_113 = arith.constant 1152 : i32
    %dma_start3A_114 = tpu.memref_slice %arg9[%dma_start3A_113] : memref<1536xi32, #tpu.memory_space<vmem>> -> memref<384xi32, #tpu.memory_space<vmem>>
    %dma_start3A_115 = tpu.memref_slice %arg3[%mul3A_112] : memref<540672xi32, #tpu.memory_space<hbm>> -> memref<384xi32, #tpu.memory_space<hbm>>
    %dma_start3A_116 = arith.constant 1152 : i32
    %dma_start3A_117 = tpu.memref_slice %arg9[%dma_start3A_116] : memref<1536xi32, #tpu.memory_space<vmem>> -> memref<384xi32, #tpu.memory_space<vmem>>
    %dma_start3A_118 = tpu.memref_slice %arg3[%mul3A_112] : memref<540672xi32, #tpu.memory_space<hbm>> -> memref<384xi32, #tpu.memory_space<hbm>>
    tpu.enqueue_dma source(%dma_start3A_118 : memref<384xi32, #tpu.memory_space<hbm>>) target(%dma_start3A_117 : memref<384xi32, #tpu.memory_space<vmem>>) target_semaphore(%arg15 : memref<!tpu.dma_semaphore, #tpu.memory_space<semaphore_mem>>)
    %scan3A_119 = arith.constant 0 : i32
    %scan3A_120 = arith.constant 0 : i32
    %scan3A_121 = arith.constant 10 : i32
    %scan3A_122 = arith.addi %scan3A_120, %scan3A_121 : i32
    %scan3A_123 = arith.constant 1 : i32
    %scan3A_124 = scf.for %scan3A_164 = %scan3A_120 to %scan3A_122 step %scan3A_123 iter_args(%scan3A_165 = %scan3A_119) -> (i32)  : i32 {
      %mul3A_166 = arith.constant 4 : i32
      %mul3A_167 = arith.muli %mul3A_166, %scan3A_164 : i32
      %dma_wait3A_168 = arith.constant 0 : i32
      %dma_wait3A_169 = tpu.memref_slice %arg9[%dma_wait3A_168] : memref<1536xi32, #tpu.memory_space<vmem>> -> memref<384xi32, #tpu.memory_space<vmem>>
      %dma_wait3A_170 = arith.constant 0 : i32
      %dma_wait3A_171 = tpu.memref_slice %arg3[%dma_wait3A_170] : memref<540672xi32, #tpu.memory_space<hbm>> -> memref<384xi32, #tpu.memory_space<hbm>>
      %dma_wait3A_172 = arith.constant 0 : i32
      %dma_wait3A_173 = tpu.memref_slice %arg9[%dma_wait3A_172] : memref<1536xi32, #tpu.memory_space<vmem>> -> memref<384xi32, #tpu.memory_space<vmem>>
      %dma_wait3A_174 = arith.constant 0 : i32
      %dma_wait3A_175 = tpu.memref_slice %arg3[%dma_wait3A_174] : memref<540672xi32, #tpu.memory_space<hbm>> -> memref<384xi32, #tpu.memory_space<hbm>>
      tpu.wait_dma2 semaphore(%arg12 : memref<!tpu.dma_semaphore, #tpu.memory_space<semaphore_mem>>) src(%dma_wait3A_175 : memref<384xi32, #tpu.memory_space<hbm>>) dst(%dma_wait3A_173 : memref<384xi32, #tpu.memory_space<vmem>>)
      %get3A = arith.constant 128 : index
      %get3A_176 = tpu.vector_load %arg9[%get3A] {strides = array<i32>} : memref<1536xi32, #tpu.memory_space<vmem>>, vector<16xi32>,
      %swap3A = arith.constant 0 : index
      %swap3A_177 = tpu.vector_load %arg10[%swap3A] {strides = array<i32>} : memref<128xi32, #tpu.memory_space<vmem>>, vector<16xi32>,
      tpu.vector_store %arg10[%swap3A], %get3A_176 {strides = array<i32>} : memref<128xi32, #tpu.memory_space<vmem>>, vector<16xi32>,
      %get3A_178 = arith.constant 256 : index
      %get3A_179 = tpu.vector_load %arg9[%get3A_178] {strides = array<i32>} : memref<1536xi32, #tpu.memory_space<vmem>>, vector<16xi32>,
      %bitcast_convert_type3A = tpu.bitcast %get3A_179 : vector<16xi32> -> vector<16xf32>
      %swap3A_180 = arith.constant 0 : index
      %swap3A_181 = tpu.vector_load %arg11[%swap3A_180] {strides = array<i32>} : memref<128xf32, #tpu.memory_space<vmem>>, vector<16xf32>,
      tpu.vector_store %arg11[%swap3A_180], %bitcast_convert_type3A {strides = array<i32>} : memref<128xf32, #tpu.memory_space<vmem>>, vector<16xf32>,
      %get3A_182 = arith.constant 144 : index
      %get3A_183 = tpu.vector_load %arg9[%get3A_182] {strides = array<i32>} : memref<1536xi32, #tpu.memory_space<vmem>>, vector<16xi32>,
      %swap3A_184 = arith.constant 16 : index
      %swap3A_185 = tpu.vector_load %arg10[%swap3A_184] {strides = array<i32>} : memref<128xi32, #tpu.memory_space<vmem>>, vector<16xi32>,
      tpu.vector_store %arg10[%swap3A_184], %get3A_183 {strides = array<i32>} : memref<128xi32, #tpu.memory_space<vmem>>, vector<16xi32>,
      %get3A_186 = arith.constant 272 : index
      %get3A_187 = tpu.vector_load %arg9[%get3A_186] {strides = array<i32>} : memref<1536xi32, #tpu.memory_space<vmem>>, vector<16xi32>,
      %bitcast_convert_type3A_188 = tpu.bitcast %get3A_187 : vector<16xi32> -> vector<16xf32>
      %swap3A_189 = arith.constant 16 : index
      %swap3A_190 = tpu.vector_load %arg11[%swap3A_189] {strides = array<i32>} : memref<128xf32, #tpu.memory_space<vmem>>, vector<16xf32>,
      tpu.vector_store %arg11[%swap3A_189], %bitcast_convert_type3A_188 {strides = array<i32>} : memref<128xf32, #tpu.memory_space<vmem>>, vector<16xf32>,
      %get3A_191 = arith.constant 160 : index
      %get3A_192 = tpu.vector_load %arg9[%get3A_191] {strides = array<i32>} : memref<1536xi32, #tpu.memory_space<vmem>>, vector<16xi32>,
      %swap3A_193 = arith.constant 32 : index
      %swap3A_194 = tpu.vector_load %arg10[%swap3A_193] {strides = array<i32>} : memref<128xi32, #tpu.memory_space<vmem>>, vector<16xi32>,
      tpu.vector_store %arg10[%swap3A_193], %get3A_192 {strides = array<i32>} : memref<128xi32, #tpu.memory_space<vmem>>, vector<16xi32>,
      %get3A_195 = arith.constant 288 : index
      %get3A_196 = tpu.vector_load %arg9[%get3A_195] {strides = array<i32>} : memref<1536xi32, #tpu.memory_space<vmem>>, vector<16xi32>,
      %bitcast_convert_type3A_197 = tpu.bitcast %get3A_196 : vector<16xi32> -> vector<16xf32>
      %swap3A_198 = arith.constant 32 : index
      %swap3A_199 = tpu.vector_load %arg11[%swap3A_198] {strides = array<i32>} : memref<128xf32, #tpu.memory_space<vmem>>, vector<16xf32>,
      tpu.vector_store %arg11[%swap3A_198], %bitcast_convert_type3A_197 {strides = array<i32>} : memref<128xf32, #tpu.memory_space<vmem>>, vector<16xf32>,
      %get3A_200 = arith.constant 176 : index
      %get3A_201 = tpu.vector_load %arg9[%get3A_200] {strides = array<i32>} : memref<1536xi32, #tpu.memory_space<vmem>>, vector<16xi32>,
      %swap3A_202 = arith.constant 48 : index
      %swap3A_203 = tpu.vector_load %arg10[%swap3A_202] {strides = array<i32>} : memref<128xi32, #tpu.memory_space<vmem>>, vector<16xi32>,
      tpu.vector_store %arg10[%swap3A_202], %get3A_201 {strides = array<i32>} : memref<128xi32, #tpu.memory_space<vmem>>, vector<16xi32>,
      %get3A_204 = arith.constant 304 : index
      %get3A_205 = tpu.vector_load %arg9[%get3A_204] {strides = array<i32>} : memref<1536xi32, #tpu.memory_space<vmem>>, vector<16xi32>,
      %bitcast_convert_type3A_206 = tpu.bitcast %get3A_205 : vector<16xi32> -> vector<16xf32>
      %swap3A_207 = arith.constant 48 : index
      %swap3A_208 = tpu.vector_load %arg11[%swap3A_207] {strides = array<i32>} : memref<128xf32, #tpu.memory_space<vmem>>, vector<16xf32>,
      tpu.vector_store %arg11[%swap3A_207], %bitcast_convert_type3A_206 {strides = array<i32>} : memref<128xf32, #tpu.memory_space<vmem>>, vector<16xf32>,
      %get3A_209 = arith.constant 192 : index
      %get3A_210 = tpu.vector_load %arg9[%get3A_209] {strides = array<i32>} : memref<1536xi32, #tpu.memory_space<vmem>>, vector<16xi32>,
      %swap3A_211 = arith.constant 64 : index
      %swap3A_212 = tpu.vector_load %arg10[%swap3A_211] {strides = array<i32>} : memref<128xi32, #tpu.memory_space<vmem>>, vector<16xi32>,
      tpu.vector_store %arg10[%swap3A_211], %get3A_210 {strides = array<i32>} : memref<128xi32, #tpu.memory_space<vmem>>, vector<16xi32>,
      %get3A_213 = arith.constant 320 : index
      %get3A_214 = tpu.vector_load %arg9[%get3A_213] {strides = array<i32>} : memref<1536xi32, #tpu.memory_space<vmem>>, vector<16xi32>,
      %bitcast_convert_type3A_215 = tpu.bitcast %get3A_214 : vector<16xi32> -> vector<16xf32>
      %swap3A_216 = arith.constant 64 : index
      %swap3A_217 = tpu.vector_load %arg11[%swap3A_216] {strides = array<i32>} : memref<128xf32, #tpu.memory_space<vmem>>, vector<16xf32>,
      tpu.vector_store %arg11[%swap3A_216], %bitcast_convert_type3A_215 {strides = array<i32>} : memref<128xf32, #tpu.memory_space<vmem>>, vector<16xf32>,
      %get3A_218 = arith.constant 208 : index
      %get3A_219 = tpu.vector_load %arg9[%get3A_218] {strides = array<i32>} : memref<1536xi32, #tpu.memory_space<vmem>>, vector<16xi32>,
      %swap3A_220 = arith.constant 80 : index
      %swap3A_221 = tpu.vector_load %arg10[%swap3A_220] {strides = array<i32>} : memref<128xi32, #tpu.memory_space<vmem>>, vector<16xi32>,
      tpu.vector_store %arg10[%swap3A_220], %get3A_219 {strides = array<i32>} : memref<128xi32, #tpu.memory_space<vmem>>, vector<16xi32>,
      %get3A_222 = arith.constant 336 : index
      %get3A_223 = tpu.vector_load %arg9[%get3A_222] {strides = array<i32>} : memref<1536xi32, #tpu.memory_space<vmem>>, vector<16xi32>,
      %bitcast_convert_type3A_224 = tpu.bitcast %get3A_223 : vector<16xi32> -> vector<16xf32>
      %swap3A_225 = arith.constant 80 : index
      %swap3A_226 = tpu.vector_load %arg11[%swap3A_225] {strides = array<i32>} : memref<128xf32, #tpu.memory_space<vmem>>, vector<16xf32>,
      tpu.vector_store %arg11[%swap3A_225], %bitcast_convert_type3A_224 {strides = array<i32>} : memref<128xf32, #tpu.memory_space<vmem>>, vector<16xf32>,
      %get3A_227 = arith.constant 224 : index
      %get3A_228 = tpu.vector_load %arg9[%get3A_227] {strides = array<i32>} : memref<1536xi32, #tpu.memory_space<vmem>>, vector<16xi32>,
      %swap3A_229 = arith.constant 96 : index
      %swap3A_230 = tpu.vector_load %arg10[%swap3A_229] {strides = array<i32>} : memref<128xi32, #tpu.memory_space<vmem>>, vector<16xi32>,
      tpu.vector_store %arg10[%swap3A_229], %get3A_228 {strides = array<i32>} : memref<128xi32, #tpu.memory_space<vmem>>, vector<16xi32>,
      %get3A_231 = arith.constant 352 : index
      %get3A_232 = tpu.vector_load %arg9[%get3A_231] {strides = array<i32>} : memref<1536xi32, #tpu.memory_space<vmem>>, vector<16xi32>,
      %bitcast_convert_type3A_233 = tpu.bitcast %get3A_232 : vector<16xi32> -> vector<16xf32>
      %swap3A_234 = arith.constant 96 : index
      %swap3A_235 = tpu.vector_load %arg11[%swap3A_234] {strides = array<i32>} : memref<128xf32, #tpu.memory_space<vmem>>, vector<16xf32>,
      tpu.vector_store %arg11[%swap3A_234], %bitcast_convert_type3A_233 {strides = array<i32>} : memref<128xf32, #tpu.memory_space<vmem>>, vector<16xf32>,
      %get3A_236 = arith.constant 240 : index
      %get3A_237 = tpu.vector_load %arg9[%get3A_236] {strides = array<i32>} : memref<1536xi32, #tpu.memory_space<vmem>>, vector<16xi32>,
      %swap3A_238 = arith.constant 112 : index
      %swap3A_239 = tpu.vector_load %arg10[%swap3A_238] {strides = array<i32>} : memref<128xi32, #tpu.memory_space<vmem>>, vector<16xi32>,
      tpu.vector_store %arg10[%swap3A_238], %get3A_237 {strides = array<i32>} : memref<128xi32, #tpu.memory_space<vmem>>, vector<16xi32>,
      %get3A_240 = arith.constant 368 : index
      %get3A_241 = tpu.vector_load %arg9[%get3A_240] {strides = array<i32>} : memref<1536xi32, #tpu.memory_space<vmem>>, vector<16xi32>,
      %bitcast_convert_type3A_242 = tpu.bitcast %get3A_241 : vector<16xi32> -> vector<16xf32>
      %swap3A_243 = arith.constant 112 : index
      %swap3A_244 = tpu.vector_load %arg11[%swap3A_243] {strides = array<i32>} : memref<128xf32, #tpu.memory_space<vmem>>, vector<16xf32>,
      tpu.vector_store %arg11[%swap3A_243], %bitcast_convert_type3A_242 {strides = array<i32>} : memref<128xf32, #tpu.memory_space<vmem>>, vector<16xf32>,
      "tpu.region"() ({
        %run_scoped3A = tpu.sem_alloc : memref<!tpu.dma_semaphore, #tpu.memory_space<semaphore_mem>>
        %dma_start3A_550 = arith.constant 0 : i32
        %dma_start3A_551 = tpu.memref_slice %arg8[%dma_start3A_550] : memref<10112xf32, #tpu.memory_space<vmem_shared>> -> memref<10112xf32, #tpu.memory_space<vmem_shared>>
        tpu.enqueue_indirect_dma source(%arg11 : memref<128xf32, #tpu.memory_space<vmem>>) target(%dma_start3A_551 : memref<10112xf32, #tpu.memory_space<vmem_shared>>) offsets(%arg10 : memref<128xi32, #tpu.memory_space<vmem>>) semaphore(%run_scoped3A : memref<!tpu.dma_semaphore, #tpu.memory_space<semaphore_mem>>) {add = true}
        %dma_wait3A_552 = arith.constant 0 : i32
        %dma_wait3A_553 = tpu.memref_slice %arg8[%dma_wait3A_552] : memref<10112xf32, #tpu.memory_space<vmem_shared>> -> memref<10112xf32, #tpu.memory_space<vmem_shared>>
        tpu.wait_indirect_dma semaphore(%run_scoped3A : memref<!tpu.dma_semaphore, #tpu.memory_space<semaphore_mem>>) src(%arg11 : memref<128xf32, #tpu.memory_space<vmem>>) dst(%dma_wait3A_553 : memref<10112xf32, #tpu.memory_space<vmem_shared>>)
        tpu.yield
      }) : () -> ()
      %add3A_245 = arith.constant 4 : i32
      %add3A_246 = arith.addi %mul3A_167, %add3A_245 : i32
      %mul3A_247 = arith.constant 32 : i32
      %mul3A_248 = arith.muli %add3A_246, %mul3A_247 : i32
      %add3A_249 = arith.addi %add3A, %mul3A_248 : i32
      %mul3A_250 = arith.constant 384 : i32
      %mul3A_251 = arith.muli %add3A_249, %mul3A_250 : i32
      %dma_start3A_252 = arith.constant 0 : i32
      %dma_start3A_253 = tpu.memref_slice %arg9[%dma_start3A_252] : memref<1536xi32, #tpu.memory_space<vmem>> -> memref<384xi32, #tpu.memory_space<vmem>>
      %dma_start3A_254 = tpu.memref_slice %arg3[%mul3A_251] : memref<540672xi32, #tpu.memory_space<hbm>> -> memref<384xi32, #tpu.memory_space<hbm>>
      %dma_start3A_255 = arith.constant 0 : i32
      %dma_start3A_256 = tpu.memref_slice %arg9[%dma_start3A_255] : memref<1536xi32, #tpu.memory_space<vmem>> -> memref<384xi32, #tpu.memory_space<vmem>>
      %dma_start3A_257 = tpu.memref_slice %arg3[%mul3A_251] : memref<540672xi32, #tpu.memory_space<hbm>> -> memref<384xi32, #tpu.memory_space<hbm>>
      tpu.enqueue_dma source(%dma_start3A_257 : memref<384xi32, #tpu.memory_space<hbm>>) target(%dma_start3A_256 : memref<384xi32, #tpu.memory_space<vmem>>) target_semaphore(%arg12 : memref<!tpu.dma_semaphore, #tpu.memory_space<semaphore_mem>>)
      %mul3A_258 = arith.constant 4 : i32
      %mul3A_259 = arith.muli %mul3A_258, %scan3A_164 : i32
      %add3A_260 = arith.constant 1 : i32
      %add3A_261 = arith.addi %mul3A_259, %add3A_260 : i32
      %dma_wait3A_262 = arith.constant 384 : i32
      %dma_wait3A_263 = tpu.memref_slice %arg9[%dma_wait3A_262] : memref<1536xi32, #tpu.memory_space<vmem>> -> memref<384xi32, #tpu.memory_space<vmem>>
      %dma_wait3A_264 = arith.constant 0 : i32
      %dma_wait3A_265 = tpu.memref_slice %arg3[%dma_wait3A_264] : memref<540672xi32, #tpu.memory_space<hbm>> -> memref<384xi32, #tpu.memory_space<hbm>>
      %dma_wait3A_266 = arith.constant 384 : i32
      %dma_wait3A_267 = tpu.memref_slice %arg9[%dma_wait3A_266] : memref<1536xi32, #tpu.memory_space<vmem>> -> memref<384xi32, #tpu.memory_space<vmem>>
      %dma_wait3A_268 = arith.constant 0 : i32
      %dma_wait3A_269 = tpu.memref_slice %arg3[%dma_wait3A_268] : memref<540672xi32, #tpu.memory_space<hbm>> -> memref<384xi32, #tpu.memory_space<hbm>>
      tpu.wait_dma2 semaphore(%arg13 : memref<!tpu.dma_semaphore, #tpu.memory_space<semaphore_mem>>) src(%dma_wait3A_269 : memref<384xi32, #tpu.memory_space<hbm>>) dst(%dma_wait3A_267 : memref<384xi32, #tpu.memory_space<vmem>>)
      %get3A_270 = arith.constant 512 : index
      %get3A_271 = tpu.vector_load %arg9[%get3A_270] {strides = array<i32>} : memref<1536xi32, #tpu.memory_space<vmem>>, vector<16xi32>,
      %swap3A_272 = arith.constant 0 : index
      %swap3A_273 = tpu.vector_load %arg10[%swap3A_272] {strides = array<i32>} : memref<128xi32, #tpu.memory_space<vmem>>, vector<16xi32>,
      tpu.vector_store %arg10[%swap3A_272], %get3A_271 {strides = array<i32>} : memref<128xi32, #tpu.memory_space<vmem>>, vector<16xi32>,
      %get3A_274 = arith.constant 640 : index
      %get3A_275 = tpu.vector_load %arg9[%get3A_274] {strides = array<i32>} : memref<1536xi32, #tpu.memory_space<vmem>>, vector<16xi32>,
      %bitcast_convert_type3A_276 = tpu.bitcast %get3A_275 : vector<16xi32> -> vector<16xf32>
      %swap3A_277 = arith.constant 0 : index
      %swap3A_278 = tpu.vector_load %arg11[%swap3A_277] {strides = array<i32>} : memref<128xf32, #tpu.memory_space<vmem>>, vector<16xf32>,
      tpu.vector_store %arg11[%swap3A_277], %bitcast_convert_type3A_276 {strides = array<i32>} : memref<128xf32, #tpu.memory_space<vmem>>, vector<16xf32>,
      %get3A_279 = arith.constant 528 : index
      %get3A_280 = tpu.vector_load %arg9[%get3A_279] {strides = array<i32>} : memref<1536xi32, #tpu.memory_space<vmem>>, vector<16xi32>,
      %swap3A_281 = arith.constant 16 : index
      %swap3A_282 = tpu.vector_load %arg10[%swap3A_281] {strides = array<i32>} : memref<128xi32, #tpu.memory_space<vmem>>, vector<16xi32>,
      tpu.vector_store %arg10[%swap3A_281], %get3A_280 {strides = array<i32>} : memref<128xi32, #tpu.memory_space<vmem>>, vector<16xi32>,
      %get3A_283 = arith.constant 656 : index
      %get3A_284 = tpu.vector_load %arg9[%get3A_283] {strides = array<i32>} : memref<1536xi32, #tpu.memory_space<vmem>>, vector<16xi32>,
      %bitcast_convert_type3A_285 = tpu.bitcast %get3A_284 : vector<16xi32> -> vector<16xf32>
      %swap3A_286 = arith.constant 16 : index
      %swap3A_287 = tpu.vector_load %arg11[%swap3A_286] {strides = array<i32>} : memref<128xf32, #tpu.memory_space<vmem>>, vector<16xf32>,
      tpu.vector_store %arg11[%swap3A_286], %bitcast_convert_type3A_285 {strides = array<i32>} : memref<128xf32, #tpu.memory_space<vmem>>, vector<16xf32>,
      %get3A_288 = arith.constant 544 : index
      %get3A_289 = tpu.vector_load %arg9[%get3A_288] {strides = array<i32>} : memref<1536xi32, #tpu.memory_space<vmem>>, vector<16xi32>,
      %swap3A_290 = arith.constant 32 : index
      %swap3A_291 = tpu.vector_load %arg10[%swap3A_290] {strides = array<i32>} : memref<128xi32, #tpu.memory_space<vmem>>, vector<16xi32>,
      tpu.vector_store %arg10[%swap3A_290], %get3A_289 {strides = array<i32>} : memref<128xi32, #tpu.memory_space<vmem>>, vector<16xi32>,
      %get3A_292 = arith.constant 672 : index
      %get3A_293 = tpu.vector_load %arg9[%get3A_292] {strides = array<i32>} : memref<1536xi32, #tpu.memory_space<vmem>>, vector<16xi32>,
      %bitcast_convert_type3A_294 = tpu.bitcast %get3A_293 : vector<16xi32> -> vector<16xf32>
      %swap3A_295 = arith.constant 32 : index
      %swap3A_296 = tpu.vector_load %arg11[%swap3A_295] {strides = array<i32>} : memref<128xf32, #tpu.memory_space<vmem>>, vector<16xf32>,
      tpu.vector_store %arg11[%swap3A_295], %bitcast_convert_type3A_294 {strides = array<i32>} : memref<128xf32, #tpu.memory_space<vmem>>, vector<16xf32>,
      %get3A_297 = arith.constant 560 : index
      %get3A_298 = tpu.vector_load %arg9[%get3A_297] {strides = array<i32>} : memref<1536xi32, #tpu.memory_space<vmem>>, vector<16xi32>,
      %swap3A_299 = arith.constant 48 : index
      %swap3A_300 = tpu.vector_load %arg10[%swap3A_299] {strides = array<i32>} : memref<128xi32, #tpu.memory_space<vmem>>, vector<16xi32>,
      tpu.vector_store %arg10[%swap3A_299], %get3A_298 {strides = array<i32>} : memref<128xi32, #tpu.memory_space<vmem>>, vector<16xi32>,
      %get3A_301 = arith.constant 688 : index
      %get3A_302 = tpu.vector_load %arg9[%get3A_301] {strides = array<i32>} : memref<1536xi32, #tpu.memory_space<vmem>>, vector<16xi32>,
      %bitcast_convert_type3A_303 = tpu.bitcast %get3A_302 : vector<16xi32> -> vector<16xf32>
      %swap3A_304 = arith.constant 48 : index
      %swap3A_305 = tpu.vector_load %arg11[%swap3A_304] {strides = array<i32>} : memref<128xf32, #tpu.memory_space<vmem>>, vector<16xf32>,
      tpu.vector_store %arg11[%swap3A_304], %bitcast_convert_type3A_303 {strides = array<i32>} : memref<128xf32, #tpu.memory_space<vmem>>, vector<16xf32>,
      %get3A_306 = arith.constant 576 : index
      %get3A_307 = tpu.vector_load %arg9[%get3A_306] {strides = array<i32>} : memref<1536xi32, #tpu.memory_space<vmem>>, vector<16xi32>,
      %swap3A_308 = arith.constant 64 : index
      %swap3A_309 = tpu.vector_load %arg10[%swap3A_308] {strides = array<i32>} : memref<128xi32, #tpu.memory_space<vmem>>, vector<16xi32>,
      tpu.vector_store %arg10[%swap3A_308], %get3A_307 {strides = array<i32>} : memref<128xi32, #tpu.memory_space<vmem>>, vector<16xi32>,
      %get3A_310 = arith.constant 704 : index
      %get3A_311 = tpu.vector_load %arg9[%get3A_310] {strides = array<i32>} : memref<1536xi32, #tpu.memory_space<vmem>>, vector<16xi32>,
      %bitcast_convert_type3A_312 = tpu.bitcast %get3A_311 : vector<16xi32> -> vector<16xf32>
      %swap3A_313 = arith.constant 64 : index
      %swap3A_314 = tpu.vector_load %arg11[%swap3A_313] {strides = array<i32>} : memref<128xf32, #tpu.memory_space<vmem>>, vector<16xf32>,
      tpu.vector_store %arg11[%swap3A_313], %bitcast_convert_type3A_312 {strides = array<i32>} : memref<128xf32, #tpu.memory_space<vmem>>, vector<16xf32>,
      %get3A_315 = arith.constant 592 : index
      %get3A_316 = tpu.vector_load %arg9[%get3A_315] {strides = array<i32>} : memref<1536xi32, #tpu.memory_space<vmem>>, vector<16xi32>,
      %swap3A_317 = arith.constant 80 : index
      %swap3A_318 = tpu.vector_load %arg10[%swap3A_317] {strides = array<i32>} : memref<128xi32, #tpu.memory_space<vmem>>, vector<16xi32>,
      tpu.vector_store %arg10[%swap3A_317], %get3A_316 {strides = array<i32>} : memref<128xi32, #tpu.memory_space<vmem>>, vector<16xi32>,
      %get3A_319 = arith.constant 720 : index
      %get3A_320 = tpu.vector_load %arg9[%get3A_319] {strides = array<i32>} : memref<1536xi32, #tpu.memory_space<vmem>>, vector<16xi32>,
      %bitcast_convert_type3A_321 = tpu.bitcast %get3A_320 : vector<16xi32> -> vector<16xf32>
      %swap3A_322 = arith.constant 80 : index
      %swap3A_323 = tpu.vector_load %arg11[%swap3A_322] {strides = array<i32>} : memref<128xf32, #tpu.memory_space<vmem>>, vector<16xf32>,
      tpu.vector_store %arg11[%swap3A_322], %bitcast_convert_type3A_321 {strides = array<i32>} : memref<128xf32, #tpu.memory_space<vmem>>, vector<16xf32>,
      %get3A_324 = arith.constant 608 : index
      %get3A_325 = tpu.vector_load %arg9[%get3A_324] {strides = array<i32>} : memref<1536xi32, #tpu.memory_space<vmem>>, vector<16xi32>,
      %swap3A_326 = arith.constant 96 : index
      %swap3A_327 = tpu.vector_load %arg10[%swap3A_326] {strides = array<i32>} : memref<128xi32, #tpu.memory_space<vmem>>, vector<16xi32>,
      tpu.vector_store %arg10[%swap3A_326], %get3A_325 {strides = array<i32>} : memref<128xi32, #tpu.memory_space<vmem>>, vector<16xi32>,
      %get3A_328 = arith.constant 736 : index
      %get3A_329 = tpu.vector_load %arg9[%get3A_328] {strides = array<i32>} : memref<1536xi32, #tpu.memory_space<vmem>>, vector<16xi32>,
      %bitcast_convert_type3A_330 = tpu.bitcast %get3A_329 : vector<16xi32> -> vector<16xf32>
      %swap3A_331 = arith.constant 96 : index
      %swap3A_332 = tpu.vector_load %arg11[%swap3A_331] {strides = array<i32>} : memref<128xf32, #tpu.memory_space<vmem>>, vector<16xf32>,
      tpu.vector_store %arg11[%swap3A_331], %bitcast_convert_type3A_330 {strides = array<i32>} : memref<128xf32, #tpu.memory_space<vmem>>, vector<16xf32>,
      %get3A_333 = arith.constant 624 : index
      %get3A_334 = tpu.vector_load %arg9[%get3A_333] {strides = array<i32>} : memref<1536xi32, #tpu.memory_space<vmem>>, vector<16xi32>,
      %swap3A_335 = arith.constant 112 : index
      %swap3A_336 = tpu.vector_load %arg10[%swap3A_335] {strides = array<i32>} : memref<128xi32, #tpu.memory_space<vmem>>, vector<16xi32>,
      tpu.vector_store %arg10[%swap3A_335], %get3A_334 {strides = array<i32>} : memref<128xi32, #tpu.memory_space<vmem>>, vector<16xi32>,
      %get3A_337 = arith.constant 752 : index
      %get3A_338 = tpu.vector_load %arg9[%get3A_337] {strides = array<i32>} : memref<1536xi32, #tpu.memory_space<vmem>>, vector<16xi32>,
      %bitcast_convert_type3A_339 = tpu.bitcast %get3A_338 : vector<16xi32> -> vector<16xf32>
      %swap3A_340 = arith.constant 112 : index
      %swap3A_341 = tpu.vector_load %arg11[%swap3A_340] {strides = array<i32>} : memref<128xf32, #tpu.memory_space<vmem>>, vector<16xf32>,
      tpu.vector_store %arg11[%swap3A_340], %bitcast_convert_type3A_339 {strides = array<i32>} : memref<128xf32, #tpu.memory_space<vmem>>, vector<16xf32>,
      "tpu.region"() ({
        %run_scoped3A = tpu.sem_alloc : memref<!tpu.dma_semaphore, #tpu.memory_space<semaphore_mem>>
        %dma_start3A_550 = arith.constant 0 : i32
        %dma_start3A_551 = tpu.memref_slice %arg8[%dma_start3A_550] : memref<10112xf32, #tpu.memory_space<vmem_shared>> -> memref<10112xf32, #tpu.memory_space<vmem_shared>>
        tpu.enqueue_indirect_dma source(%arg11 : memref<128xf32, #tpu.memory_space<vmem>>) target(%dma_start3A_551 : memref<10112xf32, #tpu.memory_space<vmem_shared>>) offsets(%arg10 : memref<128xi32, #tpu.memory_space<vmem>>) semaphore(%run_scoped3A : memref<!tpu.dma_semaphore, #tpu.memory_space<semaphore_mem>>) {add = true}
        %dma_wait3A_552 = arith.constant 0 : i32
        %dma_wait3A_553 = tpu.memref_slice %arg8[%dma_wait3A_552] : memref<10112xf32, #tpu.memory_space<vmem_shared>> -> memref<10112xf32, #tpu.memory_space<vmem_shared>>
        tpu.wait_indirect_dma semaphore(%run_scoped3A : memref<!tpu.dma_semaphore, #tpu.memory_space<semaphore_mem>>) src(%arg11 : memref<128xf32, #tpu.memory_space<vmem>>) dst(%dma_wait3A_553 : memref<10112xf32, #tpu.memory_space<vmem_shared>>)
        tpu.yield
      }) : () -> ()
      %add3A_342 = arith.constant 4 : i32
      %add3A_343 = arith.addi %add3A_261, %add3A_342 : i32
      %mul3A_344 = arith.constant 32 : i32
      %mul3A_345 = arith.muli %add3A_343, %mul3A_344 : i32
      %add3A_346 = arith.addi %add3A, %mul3A_345 : i32
      %mul3A_347 = arith.constant 384 : i32
      %mul3A_348 = arith.muli %add3A_346, %mul3A_347 : i32
      %dma_start3A_349 = arith.constant 384 : i32
      %dma_start3A_350 = tpu.memref_slice %arg9[%dma_start3A_349] : memref<1536xi32, #tpu.memory_space<vmem>> -> memref<384xi32, #tpu.memory_space<vmem>>
      %dma_start3A_351 = tpu.memref_slice %arg3[%mul3A_348] : memref<540672xi32, #tpu.memory_space<hbm>> -> memref<384xi32, #tpu.memory_space<hbm>>
      %dma_start3A_352 = arith.constant 384 : i32
      %dma_start3A_353 = tpu.memref_slice %arg9[%dma_start3A_352] : memref<1536xi32, #tpu.memory_space<vmem>> -> memref<384xi32, #tpu.memory_space<vmem>>
      %dma_start3A_354 = tpu.memref_slice %arg3[%mul3A_348] : memref<540672xi32, #tpu.memory_space<hbm>> -> memref<384xi32, #tpu.memory_space<hbm>>
      tpu.enqueue_dma source(%dma_start3A_354 : memref<384xi32, #tpu.memory_space<hbm>>) target(%dma_start3A_353 : memref<384xi32, #tpu.memory_space<vmem>>) target_semaphore(%arg13 : memref<!tpu.dma_semaphore, #tpu.memory_space<semaphore_mem>>)
      %mul3A_355 = arith.constant 4 : i32
      %mul3A_356 = arith.muli %mul3A_355, %scan3A_164 : i32
      %add3A_357 = arith.constant 2 : i32
      %add3A_358 = arith.addi %mul3A_356, %add3A_357 : i32
      %dma_wait3A_359 = arith.constant 768 : i32
      %dma_wait3A_360 = tpu.memref_slice %arg9[%dma_wait3A_359] : memref<1536xi32, #tpu.memory_space<vmem>> -> memref<384xi32, #tpu.memory_space<vmem>>
      %dma_wait3A_361 = arith.constant 0 : i32
      %dma_wait3A_362 = tpu.memref_slice %arg3[%dma_wait3A_361] : memref<540672xi32, #tpu.memory_space<hbm>> -> memref<384xi32, #tpu.memory_space<hbm>>
      %dma_wait3A_363 = arith.constant 768 : i32
      %dma_wait3A_364 = tpu.memref_slice %arg9[%dma_wait3A_363] : memref<1536xi32, #tpu.memory_space<vmem>> -> memref<384xi32, #tpu.memory_space<vmem>>
      %dma_wait3A_365 = arith.constant 0 : i32
      %dma_wait3A_366 = tpu.memref_slice %arg3[%dma_wait3A_365] : memref<540672xi32, #tpu.memory_space<hbm>> -> memref<384xi32, #tpu.memory_space<hbm>>
      tpu.wait_dma2 semaphore(%arg14 : memref<!tpu.dma_semaphore, #tpu.memory_space<semaphore_mem>>) src(%dma_wait3A_366 : memref<384xi32, #tpu.memory_space<hbm>>) dst(%dma_wait3A_364 : memref<384xi32, #tpu.memory_space<vmem>>)
      %get3A_367 = arith.constant 896 : index
      %get3A_368 = tpu.vector_load %arg9[%get3A_367] {strides = array<i32>} : memref<1536xi32, #tpu.memory_space<vmem>>, vector<16xi32>,
      %swap3A_369 = arith.constant 0 : index
      %swap3A_370 = tpu.vector_load %arg10[%swap3A_369] {strides = array<i32>} : memref<128xi32, #tpu.memory_space<vmem>>, vector<16xi32>,
      tpu.vector_store %arg10[%swap3A_369], %get3A_368 {strides = array<i32>} : memref<128xi32, #tpu.memory_space<vmem>>, vector<16xi32>,
      %get3A_371 = arith.constant 1024 : index
      %get3A_372 = tpu.vector_load %arg9[%get3A_371] {strides = array<i32>} : memref<1536xi32, #tpu.memory_space<vmem>>, vector<16xi32>,
      %bitcast_convert_type3A_373 = tpu.bitcast %get3A_372 : vector<16xi32> -> vector<16xf32>
      %swap3A_374 = arith.constant 0 : index
      %swap3A_375 = tpu.vector_load %arg11[%swap3A_374] {strides = array<i32>} : memref<128xf32, #tpu.memory_space<vmem>>, vector<16xf32>,
      tpu.vector_store %arg11[%swap3A_374], %bitcast_convert_type3A_373 {strides = array<i32>} : memref<128xf32, #tpu.memory_space<vmem>>, vector<16xf32>,
      %get3A_376 = arith.constant 912 : index
      %get3A_377 = tpu.vector_load %arg9[%get3A_376] {strides = array<i32>} : memref<1536xi32, #tpu.memory_space<vmem>>, vector<16xi32>,
      %swap3A_378 = arith.constant 16 : index
      %swap3A_379 = tpu.vector_load %arg10[%swap3A_378] {strides = array<i32>} : memref<128xi32, #tpu.memory_space<vmem>>, vector<16xi32>,
      tpu.vector_store %arg10[%swap3A_378], %get3A_377 {strides = array<i32>} : memref<128xi32, #tpu.memory_space<vmem>>, vector<16xi32>,
      %get3A_380 = arith.constant 1040 : index
      %get3A_381 = tpu.vector_load %arg9[%get3A_380] {strides = array<i32>} : memref<1536xi32, #tpu.memory_space<vmem>>, vector<16xi32>,
      %bitcast_convert_type3A_382 = tpu.bitcast %get3A_381 : vector<16xi32> -> vector<16xf32>
      %swap3A_383 = arith.constant 16 : index
      %swap3A_384 = tpu.vector_load %arg11[%swap3A_383] {strides = array<i32>} : memref<128xf32, #tpu.memory_space<vmem>>, vector<16xf32>,
      tpu.vector_store %arg11[%swap3A_383], %bitcast_convert_type3A_382 {strides = array<i32>} : memref<128xf32, #tpu.memory_space<vmem>>, vector<16xf32>,
      %get3A_385 = arith.constant 928 : index
      %get3A_386 = tpu.vector_load %arg9[%get3A_385] {strides = array<i32>} : memref<1536xi32, #tpu.memory_space<vmem>>, vector<16xi32>,
      %swap3A_387 = arith.constant 32 : index
      %swap3A_388 = tpu.vector_load %arg10[%swap3A_387] {strides = array<i32>} : memref<128xi32, #tpu.memory_space<vmem>>, vector<16xi32>,
      tpu.vector_store %arg10[%swap3A_387], %get3A_386 {strides = array<i32>} : memref<128xi32, #tpu.memory_space<vmem>>, vector<16xi32>,
      %get3A_389 = arith.constant 1056 : index
      %get3A_390 = tpu.vector_load %arg9[%get3A_389] {strides = array<i32>} : memref<1536xi32, #tpu.memory_space<vmem>>, vector<16xi32>,
      %bitcast_convert_type3A_391 = tpu.bitcast %get3A_390 : vector<16xi32> -> vector<16xf32>
      %swap3A_392 = arith.constant 32 : index
      %swap3A_393 = tpu.vector_load %arg11[%swap3A_392] {strides = array<i32>} : memref<128xf32, #tpu.memory_space<vmem>>, vector<16xf32>,
      tpu.vector_store %arg11[%swap3A_392], %bitcast_convert_type3A_391 {strides = array<i32>} : memref<128xf32, #tpu.memory_space<vmem>>, vector<16xf32>,
      %get3A_394 = arith.constant 944 : index
      %get3A_395 = tpu.vector_load %arg9[%get3A_394] {strides = array<i32>} : memref<1536xi32, #tpu.memory_space<vmem>>, vector<16xi32>,
      %swap3A_396 = arith.constant 48 : index
      %swap3A_397 = tpu.vector_load %arg10[%swap3A_396] {strides = array<i32>} : memref<128xi32, #tpu.memory_space<vmem>>, vector<16xi32>,
      tpu.vector_store %arg10[%swap3A_396], %get3A_395 {strides = array<i32>} : memref<128xi32, #tpu.memory_space<vmem>>, vector<16xi32>,
      %get3A_398 = arith.constant 1072 : index
      %get3A_399 = tpu.vector_load %arg9[%get3A_398] {strides = array<i32>} : memref<1536xi32, #tpu.memory_space<vmem>>, vector<16xi32>,
      %bitcast_convert_type3A_400 = tpu.bitcast %get3A_399 : vector<16xi32> -> vector<16xf32>
      %swap3A_401 = arith.constant 48 : index
      %swap3A_402 = tpu.vector_load %arg11[%swap3A_401] {strides = array<i32>} : memref<128xf32, #tpu.memory_space<vmem>>, vector<16xf32>,
      tpu.vector_store %arg11[%swap3A_401], %bitcast_convert_type3A_400 {strides = array<i32>} : memref<128xf32, #tpu.memory_space<vmem>>, vector<16xf32>,
      %get3A_403 = arith.constant 960 : index
      %get3A_404 = tpu.vector_load %arg9[%get3A_403] {strides = array<i32>} : memref<1536xi32, #tpu.memory_space<vmem>>, vector<16xi32>,
      %swap3A_405 = arith.constant 64 : index
      %swap3A_406 = tpu.vector_load %arg10[%swap3A_405] {strides = array<i32>} : memref<128xi32, #tpu.memory_space<vmem>>, vector<16xi32>,
      tpu.vector_store %arg10[%swap3A_405], %get3A_404 {strides = array<i32>} : memref<128xi32, #tpu.memory_space<vmem>>, vector<16xi32>,
      %get3A_407 = arith.constant 1088 : index
      %get3A_408 = tpu.vector_load %arg9[%get3A_407] {strides = array<i32>} : memref<1536xi32, #tpu.memory_space<vmem>>, vector<16xi32>,
      %bitcast_convert_type3A_409 = tpu.bitcast %get3A_408 : vector<16xi32> -> vector<16xf32>
      %swap3A_410 = arith.constant 64 : index
      %swap3A_411 = tpu.vector_load %arg11[%swap3A_410] {strides = array<i32>} : memref<128xf32, #tpu.memory_space<vmem>>, vector<16xf32>,
      tpu.vector_store %arg11[%swap3A_410], %bitcast_convert_type3A_409 {strides = array<i32>} : memref<128xf32, #tpu.memory_space<vmem>>, vector<16xf32>,
      %get3A_412 = arith.constant 976 : index
      %get3A_413 = tpu.vector_load %arg9[%get3A_412] {strides = array<i32>} : memref<1536xi32, #tpu.memory_space<vmem>>, vector<16xi32>,
      %swap3A_414 = arith.constant 80 : index
      %swap3A_415 = tpu.vector_load %arg10[%swap3A_414] {strides = array<i32>} : memref<128xi32, #tpu.memory_space<vmem>>, vector<16xi32>,
      tpu.vector_store %arg10[%swap3A_414], %get3A_413 {strides = array<i32>} : memref<128xi32, #tpu.memory_space<vmem>>, vector<16xi32>,
      %get3A_416 = arith.constant 1104 : index
      %get3A_417 = tpu.vector_load %arg9[%get3A_416] {strides = array<i32>} : memref<1536xi32, #tpu.memory_space<vmem>>, vector<16xi32>,
      %bitcast_convert_type3A_418 = tpu.bitcast %get3A_417 : vector<16xi32> -> vector<16xf32>
      %swap3A_419 = arith.constant 80 : index
      %swap3A_420 = tpu.vector_load %arg11[%swap3A_419] {strides = array<i32>} : memref<128xf32, #tpu.memory_space<vmem>>, vector<16xf32>,
      tpu.vector_store %arg11[%swap3A_419], %bitcast_convert_type3A_418 {strides = array<i32>} : memref<128xf32, #tpu.memory_space<vmem>>, vector<16xf32>,
      %get3A_421 = arith.constant 992 : index
      %get3A_422 = tpu.vector_load %arg9[%get3A_421] {strides = array<i32>} : memref<1536xi32, #tpu.memory_space<vmem>>, vector<16xi32>,
      %swap3A_423 = arith.constant 96 : index
      %swap3A_424 = tpu.vector_load %arg10[%swap3A_423] {strides = array<i32>} : memref<128xi32, #tpu.memory_space<vmem>>, vector<16xi32>,
      tpu.vector_store %arg10[%swap3A_423], %get3A_422 {strides = array<i32>} : memref<128xi32, #tpu.memory_space<vmem>>, vector<16xi32>,
      %get3A_425 = arith.constant 1120 : index
      %get3A_426 = tpu.vector_load %arg9[%get3A_425] {strides = array<i32>} : memref<1536xi32, #tpu.memory_space<vmem>>, vector<16xi32>,
      %bitcast_convert_type3A_427 = tpu.bitcast %get3A_426 : vector<16xi32> -> vector<16xf32>
      %swap3A_428 = arith.constant 96 : index
      %swap3A_429 = tpu.vector_load %arg11[%swap3A_428] {strides = array<i32>} : memref<128xf32, #tpu.memory_space<vmem>>, vector<16xf32>,
      tpu.vector_store %arg11[%swap3A_428], %bitcast_convert_type3A_427 {strides = array<i32>} : memref<128xf32, #tpu.memory_space<vmem>>, vector<16xf32>,
      %get3A_430 = arith.constant 1008 : index
      %get3A_431 = tpu.vector_load %arg9[%get3A_430] {strides = array<i32>} : memref<1536xi32, #tpu.memory_space<vmem>>, vector<16xi32>,
      %swap3A_432 = arith.constant 112 : index
      %swap3A_433 = tpu.vector_load %arg10[%swap3A_432] {strides = array<i32>} : memref<128xi32, #tpu.memory_space<vmem>>, vector<16xi32>,
      tpu.vector_store %arg10[%swap3A_432], %get3A_431 {strides = array<i32>} : memref<128xi32, #tpu.memory_space<vmem>>, vector<16xi32>,
      %get3A_434 = arith.constant 1136 : index
      %get3A_435 = tpu.vector_load %arg9[%get3A_434] {strides = array<i32>} : memref<1536xi32, #tpu.memory_space<vmem>>, vector<16xi32>,
      %bitcast_convert_type3A_436 = tpu.bitcast %get3A_435 : vector<16xi32> -> vector<16xf32>
      %swap3A_437 = arith.constant 112 : index
      %swap3A_438 = tpu.vector_load %arg11[%swap3A_437] {strides = array<i32>} : memref<128xf32, #tpu.memory_space<vmem>>, vector<16xf32>,
      tpu.vector_store %arg11[%swap3A_437], %bitcast_convert_type3A_436 {strides = array<i32>} : memref<128xf32, #tpu.memory_space<vmem>>, vector<16xf32>,
      "tpu.region"() ({
        %run_scoped3A = tpu.sem_alloc : memref<!tpu.dma_semaphore, #tpu.memory_space<semaphore_mem>>
        %dma_start3A_550 = arith.constant 0 : i32
        %dma_start3A_551 = tpu.memref_slice %arg8[%dma_start3A_550] : memref<10112xf32, #tpu.memory_space<vmem_shared>> -> memref<10112xf32, #tpu.memory_space<vmem_shared>>
        tpu.enqueue_indirect_dma source(%arg11 : memref<128xf32, #tpu.memory_space<vmem>>) target(%dma_start3A_551 : memref<10112xf32, #tpu.memory_space<vmem_shared>>) offsets(%arg10 : memref<128xi32, #tpu.memory_space<vmem>>) semaphore(%run_scoped3A : memref<!tpu.dma_semaphore, #tpu.memory_space<semaphore_mem>>) {add = true}
        %dma_wait3A_552 = arith.constant 0 : i32
        %dma_wait3A_553 = tpu.memref_slice %arg8[%dma_wait3A_552] : memref<10112xf32, #tpu.memory_space<vmem_shared>> -> memref<10112xf32, #tpu.memory_space<vmem_shared>>
        tpu.wait_indirect_dma semaphore(%run_scoped3A : memref<!tpu.dma_semaphore, #tpu.memory_space<semaphore_mem>>) src(%arg11 : memref<128xf32, #tpu.memory_space<vmem>>) dst(%dma_wait3A_553 : memref<10112xf32, #tpu.memory_space<vmem_shared>>)
        tpu.yield
      }) : () -> ()
      %add3A_439 = arith.constant 4 : i32
      %add3A_440 = arith.addi %add3A_358, %add3A_439 : i32
      %mul3A_441 = arith.constant 32 : i32
      %mul3A_442 = arith.muli %add3A_440, %mul3A_441 : i32
      %add3A_443 = arith.addi %add3A, %mul3A_442 : i32
      %mul3A_444 = arith.constant 384 : i32
      %mul3A_445 = arith.muli %add3A_443, %mul3A_444 : i32
      %dma_start3A_446 = arith.constant 768 : i32
      %dma_start3A_447 = tpu.memref_slice %arg9[%dma_start3A_446] : memref<1536xi32, #tpu.memory_space<vmem>> -> memref<384xi32, #tpu.memory_space<vmem>>
      %dma_start3A_448 = tpu.memref_slice %arg3[%mul3A_445] : memref<540672xi32, #tpu.memory_space<hbm>> -> memref<384xi32, #tpu.memory_space<hbm>>
      %dma_start3A_449 = arith.constant 768 : i32
      %dma_start3A_450 = tpu.memref_slice %arg9[%dma_start3A_449] : memref<1536xi32, #tpu.memory_space<vmem>> -> memref<384xi32, #tpu.memory_space<vmem>>
      %dma_start3A_451 = tpu.memref_slice %arg3[%mul3A_445] : memref<540672xi32, #tpu.memory_space<hbm>> -> memref<384xi32, #tpu.memory_space<hbm>>
      tpu.enqueue_dma source(%dma_start3A_451 : memref<384xi32, #tpu.memory_space<hbm>>) target(%dma_start3A_450 : memref<384xi32, #tpu.memory_space<vmem>>) target_semaphore(%arg14 : memref<!tpu.dma_semaphore, #tpu.memory_space<semaphore_mem>>)
      %mul3A_452 = arith.constant 4 : i32
      %mul3A_453 = arith.muli %mul3A_452, %scan3A_164 : i32
      %add3A_454 = arith.constant 3 : i32
      %add3A_455 = arith.addi %mul3A_453, %add3A_454 : i32
      %dma_wait3A_456 = arith.constant 1152 : i32
      %dma_wait3A_457 = tpu.memref_slice %arg9[%dma_wait3A_456] : memref<1536xi32, #tpu.memory_space<vmem>> -> memref<384xi32, #tpu.memory_space<vmem>>
      %dma_wait3A_458 = arith.constant 0 : i32
      %dma_wait3A_459 = tpu.memref_slice %arg3[%dma_wait3A_458] : memref<540672xi32, #tpu.memory_space<hbm>> -> memref<384xi32, #tpu.memory_space<hbm>>
      %dma_wait3A_460 = arith.constant 1152 : i32
      %dma_wait3A_461 = tpu.memref_slice %arg9[%dma_wait3A_460] : memref<1536xi32, #tpu.memory_space<vmem>> -> memref<384xi32, #tpu.memory_space<vmem>>
      %dma_wait3A_462 = arith.constant 0 : i32
      %dma_wait3A_463 = tpu.memref_slice %arg3[%dma_wait3A_462] : memref<540672xi32, #tpu.memory_space<hbm>> -> memref<384xi32, #tpu.memory_space<hbm>>
      tpu.wait_dma2 semaphore(%arg15 : memref<!tpu.dma_semaphore, #tpu.memory_space<semaphore_mem>>) src(%dma_wait3A_463 : memref<384xi32, #tpu.memory_space<hbm>>) dst(%dma_wait3A_461 : memref<384xi32, #tpu.memory_space<vmem>>)
      %get3A_464 = arith.constant 1280 : index
      %get3A_465 = tpu.vector_load %arg9[%get3A_464] {strides = array<i32>} : memref<1536xi32, #tpu.memory_space<vmem>>, vector<16xi32>,
      %swap3A_466 = arith.constant 0 : index
      %swap3A_467 = tpu.vector_load %arg10[%swap3A_466] {strides = array<i32>} : memref<128xi32, #tpu.memory_space<vmem>>, vector<16xi32>,
      tpu.vector_store %arg10[%swap3A_466], %get3A_465 {strides = array<i32>} : memref<128xi32, #tpu.memory_space<vmem>>, vector<16xi32>,
      %get3A_468 = arith.constant 1408 : index
      %get3A_469 = tpu.vector_load %arg9[%get3A_468] {strides = array<i32>} : memref<1536xi32, #tpu.memory_space<vmem>>, vector<16xi32>,
      %bitcast_convert_type3A_470 = tpu.bitcast %get3A_469 : vector<16xi32> -> vector<16xf32>
      %swap3A_471 = arith.constant 0 : index
      %swap3A_472 = tpu.vector_load %arg11[%swap3A_471] {strides = array<i32>} : memref<128xf32, #tpu.memory_space<vmem>>, vector<16xf32>,
      tpu.vector_store %arg11[%swap3A_471], %bitcast_convert_type3A_470 {strides = array<i32>} : memref<128xf32, #tpu.memory_space<vmem>>, vector<16xf32>,
      %get3A_473 = arith.constant 1296 : index
      %get3A_474 = tpu.vector_load %arg9[%get3A_473] {strides = array<i32>} : memref<1536xi32, #tpu.memory_space<vmem>>, vector<16xi32>,
      %swap3A_475 = arith.constant 16 : index
      %swap3A_476 = tpu.vector_load %arg10[%swap3A_475] {strides = array<i32>} : memref<128xi32, #tpu.memory_space<vmem>>, vector<16xi32>,
      tpu.vector_store %arg10[%swap3A_475], %get3A_474 {strides = array<i32>} : memref<128xi32, #tpu.memory_space<vmem>>, vector<16xi32>,
      %get3A_477 = arith.constant 1424 : index
      %get3A_478 = tpu.vector_load %arg9[%get3A_477] {strides = array<i32>} : memref<1536xi32, #tpu.memory_space<vmem>>, vector<16xi32>,
      %bitcast_convert_type3A_479 = tpu.bitcast %get3A_478 : vector<16xi32> -> vector<16xf32>
      %swap3A_480 = arith.constant 16 : index
      %swap3A_481 = tpu.vector_load %arg11[%swap3A_480] {strides = array<i32>} : memref<128xf32, #tpu.memory_space<vmem>>, vector<16xf32>,
      tpu.vector_store %arg11[%swap3A_480], %bitcast_convert_type3A_479 {strides = array<i32>} : memref<128xf32, #tpu.memory_space<vmem>>, vector<16xf32>,
      %get3A_482 = arith.constant 1312 : index
      %get3A_483 = tpu.vector_load %arg9[%get3A_482] {strides = array<i32>} : memref<1536xi32, #tpu.memory_space<vmem>>, vector<16xi32>,
      %swap3A_484 = arith.constant 32 : index
      %swap3A_485 = tpu.vector_load %arg10[%swap3A_484] {strides = array<i32>} : memref<128xi32, #tpu.memory_space<vmem>>, vector<16xi32>,
      tpu.vector_store %arg10[%swap3A_484], %get3A_483 {strides = array<i32>} : memref<128xi32, #tpu.memory_space<vmem>>, vector<16xi32>,
      %get3A_486 = arith.constant 1440 : index
      %get3A_487 = tpu.vector_load %arg9[%get3A_486] {strides = array<i32>} : memref<1536xi32, #tpu.memory_space<vmem>>, vector<16xi32>,
      %bitcast_convert_type3A_488 = tpu.bitcast %get3A_487 : vector<16xi32> -> vector<16xf32>
      %swap3A_489 = arith.constant 32 : index
      %swap3A_490 = tpu.vector_load %arg11[%swap3A_489] {strides = array<i32>} : memref<128xf32, #tpu.memory_space<vmem>>, vector<16xf32>,
      tpu.vector_store %arg11[%swap3A_489], %bitcast_convert_type3A_488 {strides = array<i32>} : memref<128xf32, #tpu.memory_space<vmem>>, vector<16xf32>,
      %get3A_491 = arith.constant 1328 : index
      %get3A_492 = tpu.vector_load %arg9[%get3A_491] {strides = array<i32>} : memref<1536xi32, #tpu.memory_space<vmem>>, vector<16xi32>,
      %swap3A_493 = arith.constant 48 : index
      %swap3A_494 = tpu.vector_load %arg10[%swap3A_493] {strides = array<i32>} : memref<128xi32, #tpu.memory_space<vmem>>, vector<16xi32>,
      tpu.vector_store %arg10[%swap3A_493], %get3A_492 {strides = array<i32>} : memref<128xi32, #tpu.memory_space<vmem>>, vector<16xi32>,
      %get3A_495 = arith.constant 1456 : index
      %get3A_496 = tpu.vector_load %arg9[%get3A_495] {strides = array<i32>} : memref<1536xi32, #tpu.memory_space<vmem>>, vector<16xi32>,
      %bitcast_convert_type3A_497 = tpu.bitcast %get3A_496 : vector<16xi32> -> vector<16xf32>
      %swap3A_498 = arith.constant 48 : index
      %swap3A_499 = tpu.vector_load %arg11[%swap3A_498] {strides = array<i32>} : memref<128xf32, #tpu.memory_space<vmem>>, vector<16xf32>,
      tpu.vector_store %arg11[%swap3A_498], %bitcast_convert_type3A_497 {strides = array<i32>} : memref<128xf32, #tpu.memory_space<vmem>>, vector<16xf32>,
      %get3A_500 = arith.constant 1344 : index
      %get3A_501 = tpu.vector_load %arg9[%get3A_500] {strides = array<i32>} : memref<1536xi32, #tpu.memory_space<vmem>>, vector<16xi32>,
      %swap3A_502 = arith.constant 64 : index
      %swap3A_503 = tpu.vector_load %arg10[%swap3A_502] {strides = array<i32>} : memref<128xi32, #tpu.memory_space<vmem>>, vector<16xi32>,
      tpu.vector_store %arg10[%swap3A_502], %get3A_501 {strides = array<i32>} : memref<128xi32, #tpu.memory_space<vmem>>, vector<16xi32>,
      %get3A_504 = arith.constant 1472 : index
      %get3A_505 = tpu.vector_load %arg9[%get3A_504] {strides = array<i32>} : memref<1536xi32, #tpu.memory_space<vmem>>, vector<16xi32>,
      %bitcast_convert_type3A_506 = tpu.bitcast %get3A_505 : vector<16xi32> -> vector<16xf32>
      %swap3A_507 = arith.constant 64 : index
      %swap3A_508 = tpu.vector_load %arg11[%swap3A_507] {strides = array<i32>} : memref<128xf32, #tpu.memory_space<vmem>>, vector<16xf32>,
      tpu.vector_store %arg11[%swap3A_507], %bitcast_convert_type3A_506 {strides = array<i32>} : memref<128xf32, #tpu.memory_space<vmem>>, vector<16xf32>,
      %get3A_509 = arith.constant 1360 : index
      %get3A_510 = tpu.vector_load %arg9[%get3A_509] {strides = array<i32>} : memref<1536xi32, #tpu.memory_space<vmem>>, vector<16xi32>,
      %swap3A_511 = arith.constant 80 : index
      %swap3A_512 = tpu.vector_load %arg10[%swap3A_511] {strides = array<i32>} : memref<128xi32, #tpu.memory_space<vmem>>, vector<16xi32>,
      tpu.vector_store %arg10[%swap3A_511], %get3A_510 {strides = array<i32>} : memref<128xi32, #tpu.memory_space<vmem>>, vector<16xi32>,
      %get3A_513 = arith.constant 1488 : index
      %get3A_514 = tpu.vector_load %arg9[%get3A_513] {strides = array<i32>} : memref<1536xi32, #tpu.memory_space<vmem>>, vector<16xi32>,
      %bitcast_convert_type3A_515 = tpu.bitcast %get3A_514 : vector<16xi32> -> vector<16xf32>
      %swap3A_516 = arith.constant 80 : index
      %swap3A_517 = tpu.vector_load %arg11[%swap3A_516] {strides = array<i32>} : memref<128xf32, #tpu.memory_space<vmem>>, vector<16xf32>,
      tpu.vector_store %arg11[%swap3A_516], %bitcast_convert_type3A_515 {strides = array<i32>} : memref<128xf32, #tpu.memory_space<vmem>>, vector<16xf32>,
      %get3A_518 = arith.constant 1376 : index
      %get3A_519 = tpu.vector_load %arg9[%get3A_518] {strides = array<i32>} : memref<1536xi32, #tpu.memory_space<vmem>>, vector<16xi32>,
      %swap3A_520 = arith.constant 96 : index
      %swap3A_521 = tpu.vector_load %arg10[%swap3A_520] {strides = array<i32>} : memref<128xi32, #tpu.memory_space<vmem>>, vector<16xi32>,
      tpu.vector_store %arg10[%swap3A_520], %get3A_519 {strides = array<i32>} : memref<128xi32, #tpu.memory_space<vmem>>, vector<16xi32>,
      %get3A_522 = arith.constant 1504 : index
      %get3A_523 = tpu.vector_load %arg9[%get3A_522] {strides = array<i32>} : memref<1536xi32, #tpu.memory_space<vmem>>, vector<16xi32>,
      %bitcast_convert_type3A_524 = tpu.bitcast %get3A_523 : vector<16xi32> -> vector<16xf32>
      %swap3A_525 = arith.constant 96 : index
      %swap3A_526 = tpu.vector_load %arg11[%swap3A_525] {strides = array<i32>} : memref<128xf32, #tpu.memory_space<vmem>>, vector<16xf32>,
      tpu.vector_store %arg11[%swap3A_525], %bitcast_convert_type3A_524 {strides = array<i32>} : memref<128xf32, #tpu.memory_space<vmem>>, vector<16xf32>,
      %get3A_527 = arith.constant 1392 : index
      %get3A_528 = tpu.vector_load %arg9[%get3A_527] {strides = array<i32>} : memref<1536xi32, #tpu.memory_space<vmem>>, vector<16xi32>,
      %swap3A_529 = arith.constant 112 : index
      %swap3A_530 = tpu.vector_load %arg10[%swap3A_529] {strides = array<i32>} : memref<128xi32, #tpu.memory_space<vmem>>, vector<16xi32>,
      tpu.vector_store %arg10[%swap3A_529], %get3A_528 {strides = array<i32>} : memref<128xi32, #tpu.memory_space<vmem>>, vector<16xi32>,
      %get3A_531 = arith.constant 1520 : index
      %get3A_532 = tpu.vector_load %arg9[%get3A_531] {strides = array<i32>} : memref<1536xi32, #tpu.memory_space<vmem>>, vector<16xi32>,
      %bitcast_convert_type3A_533 = tpu.bitcast %get3A_532 : vector<16xi32> -> vector<16xf32>
      %swap3A_534 = arith.constant 112 : index
      %swap3A_535 = tpu.vector_load %arg11[%swap3A_534] {strides = array<i32>} : memref<128xf32, #tpu.memory_space<vmem>>, vector<16xf32>,
      tpu.vector_store %arg11[%swap3A_534], %bitcast_convert_type3A_533 {strides = array<i32>} : memref<128xf32, #tpu.memory_space<vmem>>, vector<16xf32>,
      "tpu.region"() ({
        %run_scoped3A = tpu.sem_alloc : memref<!tpu.dma_semaphore, #tpu.memory_space<semaphore_mem>>
        %dma_start3A_550 = arith.constant 0 : i32
        %dma_start3A_551 = tpu.memref_slice %arg8[%dma_start3A_550] : memref<10112xf32, #tpu.memory_space<vmem_shared>> -> memref<10112xf32, #tpu.memory_space<vmem_shared>>
        tpu.enqueue_indirect_dma source(%arg11 : memref<128xf32, #tpu.memory_space<vmem>>) target(%dma_start3A_551 : memref<10112xf32, #tpu.memory_space<vmem_shared>>) offsets(%arg10 : memref<128xi32, #tpu.memory_space<vmem>>) semaphore(%run_scoped3A : memref<!tpu.dma_semaphore, #tpu.memory_space<semaphore_mem>>) {add = true}
        %dma_wait3A_552 = arith.constant 0 : i32
        %dma_wait3A_553 = tpu.memref_slice %arg8[%dma_wait3A_552] : memref<10112xf32, #tpu.memory_space<vmem_shared>> -> memref<10112xf32, #tpu.memory_space<vmem_shared>>
        tpu.wait_indirect_dma semaphore(%run_scoped3A : memref<!tpu.dma_semaphore, #tpu.memory_space<semaphore_mem>>) src(%arg11 : memref<128xf32, #tpu.memory_space<vmem>>) dst(%dma_wait3A_553 : memref<10112xf32, #tpu.memory_space<vmem_shared>>)
        tpu.yield
      }) : () -> ()
      %add3A_536 = arith.constant 4 : i32
      %add3A_537 = arith.addi %add3A_455, %add3A_536 : i32
      %mul3A_538 = arith.constant 32 : i32
      %mul3A_539 = arith.muli %add3A_537, %mul3A_538 : i32
      %add3A_540 = arith.addi %add3A, %mul3A_539 : i32
      %mul3A_541 = arith.constant 384 : i32
      %mul3A_542 = arith.muli %add3A_540, %mul3A_541 : i32
      %dma_start3A_543 = arith.constant 1152 : i32
      %dma_start3A_544 = tpu.memref_slice %arg9[%dma_start3A_543] : memref<1536xi32, #tpu.memory_space<vmem>> -> memref<384xi32, #tpu.memory_space<vmem>>
      %dma_start3A_545 = tpu.memref_slice %arg3[%mul3A_542] : memref<540672xi32, #tpu.memory_space<hbm>> -> memref<384xi32, #tpu.memory_space<hbm>>
      %dma_start3A_546 = arith.constant 1152 : i32
      %dma_start3A_547 = tpu.memref_slice %arg9[%dma_start3A_546] : memref<1536xi32, #tpu.memory_space<vmem>> -> memref<384xi32, #tpu.memory_space<vmem>>
      %dma_start3A_548 = tpu.memref_slice %arg3[%mul3A_542] : memref<540672xi32, #tpu.memory_space<hbm>> -> memref<384xi32, #tpu.memory_space<hbm>>
      tpu.enqueue_dma source(%dma_start3A_548 : memref<384xi32, #tpu.memory_space<hbm>>) target(%dma_start3A_547 : memref<384xi32, #tpu.memory_space<vmem>>) target_semaphore(%arg15 : memref<!tpu.dma_semaphore, #tpu.memory_space<semaphore_mem>>)
      %scan3A_549 = arith.constant 0 : i32
      scf.yield %scan3A_549 : i32
    }
    %scan3A_125 = arith.constant 10 : i32
    %dma_wait3A_126 = arith.constant 0 : i32
    %dma_wait3A_127 = tpu.memref_slice %arg9[%dma_wait3A_126] : memref<1536xi32, #tpu.memory_space<vmem>> -> memref<384xi32, #tpu.memory_space<vmem>>
    %dma_wait3A_128 = arith.constant 0 : i32
    %dma_wait3A_129 = tpu.memref_slice %arg3[%dma_wait3A_128] : memref<540672xi32, #tpu.memory_space<hbm>> -> memref<384xi32, #tpu.memory_space<hbm>>
    %dma_wait3A_130 = arith.constant 0 : i32
    %dma_wait3A_131 = tpu.memref_slice %arg9[%dma_wait3A_130] : memref<1536xi32, #tpu.memory_space<vmem>> -> memref<384xi32, #tpu.memory_space<vmem>>
    %dma_wait3A_132 = arith.constant 0 : i32
    %dma_wait3A_133 = tpu.memref_slice %arg3[%dma_wait3A_132] : memref<540672xi32, #tpu.memory_space<hbm>> -> memref<384xi32, #tpu.memory_space<hbm>>
    tpu.wait_dma2 semaphore(%arg12 : memref<!tpu.dma_semaphore, #tpu.memory_space<semaphore_mem>>) src(%dma_wait3A_133 : memref<384xi32, #tpu.memory_space<hbm>>) dst(%dma_wait3A_131 : memref<384xi32, #tpu.memory_space<vmem>>)
    %dma_wait3A_134 = arith.constant 384 : i32
    %dma_wait3A_135 = tpu.memref_slice %arg9[%dma_wait3A_134] : memref<1536xi32, #tpu.memory_space<vmem>> -> memref<384xi32, #tpu.memory_space<vmem>>
    %dma_wait3A_136 = arith.constant 0 : i32
    %dma_wait3A_137 = tpu.memref_slice %arg3[%dma_wait3A_136] : memref<540672xi32, #tpu.memory_space<hbm>> -> memref<384xi32, #tpu.memory_space<hbm>>
    %dma_wait3A_138 = arith.constant 384 : i32
    %dma_wait3A_139 = tpu.memref_slice %arg9[%dma_wait3A_138] : memref<1536xi32, #tpu.memory_space<vmem>> -> memref<384xi32, #tpu.memory_space<vmem>>
    %dma_wait3A_140 = arith.constant 0 : i32
    %dma_wait3A_141 = tpu.memref_slice %arg3[%dma_wait3A_140] : memref<540672xi32, #tpu.memory_space<hbm>> -> memref<384xi32, #tpu.memory_space<hbm>>
    tpu.wait_dma2 semaphore(%arg13 : memref<!tpu.dma_semaphore, #tpu.memory_space<semaphore_mem>>) src(%dma_wait3A_141 : memref<384xi32, #tpu.memory_space<hbm>>) dst(%dma_wait3A_139 : memref<384xi32, #tpu.memory_space<vmem>>)
    %dma_wait3A_142 = arith.constant 768 : i32
    %dma_wait3A_143 = tpu.memref_slice %arg9[%dma_wait3A_142] : memref<1536xi32, #tpu.memory_space<vmem>> -> memref<384xi32, #tpu.memory_space<vmem>>
    %dma_wait3A_144 = arith.constant 0 : i32
    %dma_wait3A_145 = tpu.memref_slice %arg3[%dma_wait3A_144] : memref<540672xi32, #tpu.memory_space<hbm>> -> memref<384xi32, #tpu.memory_space<hbm>>
    %dma_wait3A_146 = arith.constant 768 : i32
    %dma_wait3A_147 = tpu.memref_slice %arg9[%dma_wait3A_146] : memref<1536xi32, #tpu.memory_space<vmem>> -> memref<384xi32, #tpu.memory_space<vmem>>
    %dma_wait3A_148 = arith.constant 0 : i32
    %dma_wait3A_149 = tpu.memref_slice %arg3[%dma_wait3A_148] : memref<540672xi32, #tpu.memory_space<hbm>> -> memref<384xi32, #tpu.memory_space<hbm>>
    tpu.wait_dma2 semaphore(%arg14 : memref<!tpu.dma_semaphore, #tpu.memory_space<semaphore_mem>>) src(%dma_wait3A_149 : memref<384xi32, #tpu.memory_space<hbm>>) dst(%dma_wait3A_147 : memref<384xi32, #tpu.memory_space<vmem>>)
    %dma_wait3A_150 = arith.constant 1152 : i32
    %dma_wait3A_151 = tpu.memref_slice %arg9[%dma_wait3A_150] : memref<1536xi32, #tpu.memory_space<vmem>> -> memref<384xi32, #tpu.memory_space<vmem>>
    %dma_wait3A_152 = arith.constant 0 : i32
    %dma_wait3A_153 = tpu.memref_slice %arg3[%dma_wait3A_152] : memref<540672xi32, #tpu.memory_space<hbm>> -> memref<384xi32, #tpu.memory_space<hbm>>
    %dma_wait3A_154 = arith.constant 1152 : i32
    %dma_wait3A_155 = tpu.memref_slice %arg9[%dma_wait3A_154] : memref<1536xi32, #tpu.memory_space<vmem>> -> memref<384xi32, #tpu.memory_space<vmem>>
    %dma_wait3A_156 = arith.constant 0 : i32
    %dma_wait3A_157 = tpu.memref_slice %arg3[%dma_wait3A_156] : memref<540672xi32, #tpu.memory_space<hbm>> -> memref<384xi32, #tpu.memory_space<hbm>>
    tpu.wait_dma2 semaphore(%arg15 : memref<!tpu.dma_semaphore, #tpu.memory_space<semaphore_mem>>) src(%dma_wait3A_157 : memref<384xi32, #tpu.memory_space<hbm>>) dst(%dma_wait3A_155 : memref<384xi32, #tpu.memory_space<vmem>>)
    %barrier3A_158 = arith.constant 0 : index
    tpu.barrier barrier_id(%barrier3A_158)
    %eq3A_159 = arith.constant 0 : i32
    %eq3A_160 = arith.cmpi eq, %arg1, %eq3A_159 : i32
    %convert_element_type3A_161 = arith.extui %eq3A_160 : i1 to i32
    %cond3A_162 = arith.constant 0 : i32
    %cond3A_163 = arith.cmpi ne, %convert_element_type3A_161, %cond3A_162 : i32
    scf.if %cond3A_163 {
      %mul3A_164 = arith.constant 10112 : i32
      %mul3A_165 = arith.muli %arg0, %mul3A_164 : i32
      "tpu.region"() ({
        %run_scoped3A = tpu.sem_alloc : memref<!tpu.dma_semaphore, #tpu.memory_space<semaphore_mem>>
        %dma_start3A_168 = tpu.memref_slice %arg5[%mul3A_165] : memref<20224xf32, #tpu.memory_space<hbm>> -> memref<10112xf32, #tpu.memory_space<hbm>>
        tpu.enqueue_dma source(%arg7 : memref<10112xf32, #tpu.memory_space<vmem_shared>>) target(%dma_start3A_168 : memref<10112xf32, #tpu.memory_space<hbm>>) target_semaphore(%run_scoped3A : memref<!tpu.dma_semaphore, #tpu.memory_space<semaphore_mem>>)
        %dma_wait3A_169 = tpu.memref_slice %arg5[%mul3A_165] : memref<20224xf32, #tpu.memory_space<hbm>> -> memref<10112xf32, #tpu.memory_space<hbm>>
        tpu.wait_dma2 semaphore(%run_scoped3A : memref<!tpu.dma_semaphore, #tpu.memory_space<semaphore_mem>>) src(%arg7 : memref<10112xf32, #tpu.memory_space<vmem_shared>>) dst(%dma_wait3A_169 : memref<10112xf32, #tpu.memory_space<hbm>>)
        tpu.yield
      }) : () -> ()
      %mul3A_166 = arith.constant 10112 : i32
      %mul3A_167 = arith.muli %arg0, %mul3A_166 : i32
      "tpu.region"() ({
        %run_scoped3A = tpu.sem_alloc : memref<!tpu.dma_semaphore, #tpu.memory_space<semaphore_mem>>
        %dma_start3A_168 = tpu.memref_slice %arg6[%mul3A_167] : memref<20224xf32, #tpu.memory_space<hbm>> -> memref<10112xf32, #tpu.memory_space<hbm>>
        tpu.enqueue_dma source(%arg8 : memref<10112xf32, #tpu.memory_space<vmem_shared>>) target(%dma_start3A_168 : memref<10112xf32, #tpu.memory_space<hbm>>) target_semaphore(%run_scoped3A : memref<!tpu.dma_semaphore, #tpu.memory_space<semaphore_mem>>)
        %dma_wait3A_169 = tpu.memref_slice %arg6[%mul3A_167] : memref<20224xf32, #tpu.memory_space<hbm>> -> memref<10112xf32, #tpu.memory_space<hbm>>
        tpu.wait_dma2 semaphore(%run_scoped3A : memref<!tpu.dma_semaphore, #tpu.memory_space<semaphore_mem>>) src(%arg8 : memref<10112xf32, #tpu.memory_space<vmem_shared>>) dst(%dma_wait3A_169 : memref<10112xf32, #tpu.memory_space<hbm>>)
        tpu.yield
      }) : () -> ()
    } else {
    }
    return
  }
}

#map = affine_map<(d0, d1) -> (0, 0)>
#map1 = affine_map<(d0, d1) -> (0)>
#map2 = affine_map<(d0, d1) -> (0, 0, 0)>
module attributes {stable_mosaic.version = 14 : i64} {
  func.func @_msg_kernel(%arg0: i32, %arg1: i32, %arg2: memref<10000x128xf32, #tpu.memory_space<hbm>>, %arg3: memref<10000x128xf32, #tpu.memory_space<hbm>>, %arg4: memref<10112xf32, #tpu.memory_space<hbm>>, %arg5: memref<10112xf32, #tpu.memory_space<hbm>>, %arg6: memref<1032192xi32, #tpu.memory_space<hbm>>, %arg7: memref<540672xi32, #tpu.memory_space<hbm>>, %arg8: memref<10112x128xf32, #tpu.memory_space<hbm>>, %arg9: memref<2x10112x128xf32, #tpu.memory_space<hbm>>, %arg10: memref<2x10112x128xf32, #tpu.memory_space<hbm>>, %arg11: memref<10112x128xf32, #tpu.memory_space<vmem_shared>>, %arg12: memref<1536xi32, #tpu.memory_space<vmem>>, %arg13: memref<128x128xf32, #tpu.memory_space<vmem>>, %arg14: memref<128x128xf32, #tpu.memory_space<vmem>>, %arg15: memref<128xf32, #tpu.memory_space<vmem>>, %arg16: memref<128xf32, #tpu.memory_space<vmem>>, %arg17: memref<128xi32, #tpu.memory_space<vmem>>, %arg18: memref<128xi32, #tpu.memory_space<vmem>>, %arg19: memref<128xi32, #tpu.memory_space<vmem>>, %arg20: memref<!tpu.dma_semaphore, #tpu.memory_space<semaphore_mem>>, %arg21: memref<!tpu.dma_semaphore, #tpu.memory_space<semaphore_mem>>, %arg22: memref<!tpu.dma_semaphore, #tpu.memory_space<semaphore_mem>>, %arg23: memref<!tpu.dma_semaphore, #tpu.memory_space<semaphore_mem>>, %arg24: memref<!tpu.dma_semaphore, #tpu.memory_space<semaphore_mem>>, %arg25: memref<!tpu.dma_semaphore, #tpu.memory_space<semaphore_mem>>, %arg26: memref<!tpu.dma_semaphore, #tpu.memory_space<semaphore_mem>>, %arg27: memref<!tpu.dma_semaphore, #tpu.memory_space<semaphore_mem>>) attributes {dimension_semantics = [#tpu.dimension_semantics<core_parallel>, #tpu.dimension_semantics<subcore_parallel>], iteration_bounds = array<i64: 2, 16>, scalar_prefetch = 0 : i64, scratch_operands = 17 : i64, tpu.core_type = #tpu.core_type<sc_vector_subcore>, window_params = [{transform_indices = #map}, {transform_indices = #map}, {transform_indices = #map1}, {transform_indices = #map1}, {transform_indices = #map1}, {transform_indices = #map1}, {transform_indices = #map}, {transform_indices = #map2}, {transform_indices = #map2}]} {
    %mul3A = arith.constant 2 : i32
    %mul3A_0 = arith.muli %arg1, %mul3A : i32
    %add3A = arith.addi %mul3A_0, %arg0 : i32
    %mul3A_1 = arith.constant 632 : i32
    %mul3A_2 = arith.muli %arg1, %mul3A_1 : i32
    %mul3A_3 = arith.constant 632 : i32
    %mul3A_4 = arith.muli %arg1, %mul3A_3 : i32
    "tpu.region"() ({
      %run_scoped3A = tpu.sem_alloc : memref<!tpu.dma_semaphore, #tpu.memory_space<semaphore_mem>>
      %dma_start3A_343 = arith.constant 0 : i32
      %dma_start3A_344 = tpu.memref_slice %arg11[%mul3A_4, %dma_start3A_343] : memref<10112x128xf32, #tpu.memory_space<vmem_shared>> -> memref<632x128xf32, #tpu.memory_space<vmem_shared>>
      %dma_start3A_345 = arith.constant 0 : i32
      %dma_start3A_346 = tpu.memref_slice %arg8[%mul3A_2, %dma_start3A_345] : memref<10112x128xf32, #tpu.memory_space<hbm>> -> memref<632x128xf32, #tpu.memory_space<hbm>>
      tpu.enqueue_dma source(%dma_start3A_346 : memref<632x128xf32, #tpu.memory_space<hbm>>) target(%dma_start3A_344 : memref<632x128xf32, #tpu.memory_space<vmem_shared>>) target_semaphore(%run_scoped3A : memref<!tpu.dma_semaphore, #tpu.memory_space<semaphore_mem>>)
      %dma_wait3A_347 = arith.constant 0 : i32
      %dma_wait3A_348 = tpu.memref_slice %arg11[%mul3A_4, %dma_wait3A_347] : memref<10112x128xf32, #tpu.memory_space<vmem_shared>> -> memref<632x128xf32, #tpu.memory_space<vmem_shared>>
      %dma_wait3A_349 = arith.constant 0 : i32
      %dma_wait3A_350 = tpu.memref_slice %arg8[%mul3A_2, %dma_wait3A_349] : memref<10112x128xf32, #tpu.memory_space<hbm>> -> memref<632x128xf32, #tpu.memory_space<hbm>>
      tpu.wait_dma2 semaphore(%run_scoped3A : memref<!tpu.dma_semaphore, #tpu.memory_space<semaphore_mem>>) src(%dma_wait3A_350 : memref<632x128xf32, #tpu.memory_space<hbm>>) dst(%dma_wait3A_348 : memref<632x128xf32, #tpu.memory_space<vmem_shared>>)
      tpu.yield
    }) : () -> ()
    %add3A_5 = arith.constant 0 : i32
    %add3A_6 = arith.addi %add3A, %add3A_5 : i32
    %mul3A_7 = arith.constant 384 : i32
    %mul3A_8 = arith.muli %add3A_6, %mul3A_7 : i32
    %dma_start3A = arith.constant 0 : i32
    %dma_start3A_9 = tpu.memref_slice %arg12[%dma_start3A] : memref<1536xi32, #tpu.memory_space<vmem>> -> memref<384xi32, #tpu.memory_space<vmem>>
    %dma_start3A_10 = tpu.memref_slice %arg6[%mul3A_8] : memref<1032192xi32, #tpu.memory_space<hbm>> -> memref<384xi32, #tpu.memory_space<hbm>>
    %dma_start3A_11 = arith.constant 0 : i32
    %dma_start3A_12 = tpu.memref_slice %arg12[%dma_start3A_11] : memref<1536xi32, #tpu.memory_space<vmem>> -> memref<384xi32, #tpu.memory_space<vmem>>
    %dma_start3A_13 = tpu.memref_slice %arg6[%mul3A_8] : memref<1032192xi32, #tpu.memory_space<hbm>> -> memref<384xi32, #tpu.memory_space<hbm>>
    tpu.enqueue_dma source(%dma_start3A_13 : memref<384xi32, #tpu.memory_space<hbm>>) target(%dma_start3A_12 : memref<384xi32, #tpu.memory_space<vmem>>) target_semaphore(%arg20 : memref<!tpu.dma_semaphore, #tpu.memory_space<semaphore_mem>>)
    %add3A_14 = arith.constant 32 : i32
    %add3A_15 = arith.addi %add3A, %add3A_14 : i32
    %mul3A_16 = arith.constant 384 : i32
    %mul3A_17 = arith.muli %add3A_15, %mul3A_16 : i32
    %dma_start3A_18 = arith.constant 384 : i32
    %dma_start3A_19 = tpu.memref_slice %arg12[%dma_start3A_18] : memref<1536xi32, #tpu.memory_space<vmem>> -> memref<384xi32, #tpu.memory_space<vmem>>
    %dma_start3A_20 = tpu.memref_slice %arg6[%mul3A_17] : memref<1032192xi32, #tpu.memory_space<hbm>> -> memref<384xi32, #tpu.memory_space<hbm>>
    %dma_start3A_21 = arith.constant 384 : i32
    %dma_start3A_22 = tpu.memref_slice %arg12[%dma_start3A_21] : memref<1536xi32, #tpu.memory_space<vmem>> -> memref<384xi32, #tpu.memory_space<vmem>>
    %dma_start3A_23 = tpu.memref_slice %arg6[%mul3A_17] : memref<1032192xi32, #tpu.memory_space<hbm>> -> memref<384xi32, #tpu.memory_space<hbm>>
    tpu.enqueue_dma source(%dma_start3A_23 : memref<384xi32, #tpu.memory_space<hbm>>) target(%dma_start3A_22 : memref<384xi32, #tpu.memory_space<vmem>>) target_semaphore(%arg21 : memref<!tpu.dma_semaphore, #tpu.memory_space<semaphore_mem>>)
    %add3A_24 = arith.constant 64 : i32
    %add3A_25 = arith.addi %add3A, %add3A_24 : i32
    %mul3A_26 = arith.constant 384 : i32
    %mul3A_27 = arith.muli %add3A_25, %mul3A_26 : i32
    %dma_start3A_28 = arith.constant 768 : i32
    %dma_start3A_29 = tpu.memref_slice %arg12[%dma_start3A_28] : memref<1536xi32, #tpu.memory_space<vmem>> -> memref<384xi32, #tpu.memory_space<vmem>>
    %dma_start3A_30 = tpu.memref_slice %arg6[%mul3A_27] : memref<1032192xi32, #tpu.memory_space<hbm>> -> memref<384xi32, #tpu.memory_space<hbm>>
    %dma_start3A_31 = arith.constant 768 : i32
    %dma_start3A_32 = tpu.memref_slice %arg12[%dma_start3A_31] : memref<1536xi32, #tpu.memory_space<vmem>> -> memref<384xi32, #tpu.memory_space<vmem>>
    %dma_start3A_33 = tpu.memref_slice %arg6[%mul3A_27] : memref<1032192xi32, #tpu.memory_space<hbm>> -> memref<384xi32, #tpu.memory_space<hbm>>
    tpu.enqueue_dma source(%dma_start3A_33 : memref<384xi32, #tpu.memory_space<hbm>>) target(%dma_start3A_32 : memref<384xi32, #tpu.memory_space<vmem>>) target_semaphore(%arg22 : memref<!tpu.dma_semaphore, #tpu.memory_space<semaphore_mem>>)
    %add3A_34 = arith.constant 96 : i32
    %add3A_35 = arith.addi %add3A, %add3A_34 : i32
    %mul3A_36 = arith.constant 384 : i32
    %mul3A_37 = arith.muli %add3A_35, %mul3A_36 : i32
    %dma_start3A_38 = arith.constant 1152 : i32
    %dma_start3A_39 = tpu.memref_slice %arg12[%dma_start3A_38] : memref<1536xi32, #tpu.memory_space<vmem>> -> memref<384xi32, #tpu.memory_space<vmem>>
    %dma_start3A_40 = tpu.memref_slice %arg6[%mul3A_37] : memref<1032192xi32, #tpu.memory_space<hbm>> -> memref<384xi32, #tpu.memory_space<hbm>>
    %dma_start3A_41 = arith.constant 1152 : i32
    %dma_start3A_42 = tpu.memref_slice %arg12[%dma_start3A_41] : memref<1536xi32, #tpu.memory_space<vmem>> -> memref<384xi32, #tpu.memory_space<vmem>>
    %dma_start3A_43 = tpu.memref_slice %arg6[%mul3A_37] : memref<1032192xi32, #tpu.memory_space<hbm>> -> memref<384xi32, #tpu.memory_space<hbm>>
    tpu.enqueue_dma source(%dma_start3A_43 : memref<384xi32, #tpu.memory_space<hbm>>) target(%dma_start3A_42 : memref<384xi32, #tpu.memory_space<vmem>>) target_semaphore(%arg23 : memref<!tpu.dma_semaphore, #tpu.memory_space<semaphore_mem>>)
    %dma_wait3A = arith.constant 0 : i32
    %dma_wait3A_44 = tpu.memref_slice %arg12[%dma_wait3A] : memref<1536xi32, #tpu.memory_space<vmem>> -> memref<384xi32, #tpu.memory_space<vmem>>
    %dma_wait3A_45 = arith.constant 0 : i32
    %dma_wait3A_46 = tpu.memref_slice %arg6[%dma_wait3A_45] : memref<1032192xi32, #tpu.memory_space<hbm>> -> memref<384xi32, #tpu.memory_space<hbm>>
    %dma_wait3A_47 = arith.constant 0 : i32
    %dma_wait3A_48 = tpu.memref_slice %arg12[%dma_wait3A_47] : memref<1536xi32, #tpu.memory_space<vmem>> -> memref<384xi32, #tpu.memory_space<vmem>>
    %dma_wait3A_49 = arith.constant 0 : i32
    %dma_wait3A_50 = tpu.memref_slice %arg6[%dma_wait3A_49] : memref<1032192xi32, #tpu.memory_space<hbm>> -> memref<384xi32, #tpu.memory_space<hbm>>
    tpu.wait_dma2 semaphore(%arg20 : memref<!tpu.dma_semaphore, #tpu.memory_space<semaphore_mem>>) src(%dma_wait3A_50 : memref<384xi32, #tpu.memory_space<hbm>>) dst(%dma_wait3A_48 : memref<384xi32, #tpu.memory_space<vmem>>)
    %get3A = arith.constant 0 : index
    %get3A_51 = tpu.vector_load %arg12[%get3A] {strides = array<i32>} : memref<1536xi32, #tpu.memory_space<vmem>>, vector<16xi32>,
    %swap3A = arith.constant 0 : index
    %swap3A_52 = tpu.vector_load %arg17[%swap3A] {strides = array<i32>} : memref<128xi32, #tpu.memory_space<vmem>>, vector<16xi32>,
    tpu.vector_store %arg17[%swap3A], %get3A_51 {strides = array<i32>} : memref<128xi32, #tpu.memory_space<vmem>>, vector<16xi32>,
    %get3A_53 = arith.constant 16 : index
    %get3A_54 = tpu.vector_load %arg12[%get3A_53] {strides = array<i32>} : memref<1536xi32, #tpu.memory_space<vmem>>, vector<16xi32>,
    %swap3A_55 = arith.constant 16 : index
    %swap3A_56 = tpu.vector_load %arg17[%swap3A_55] {strides = array<i32>} : memref<128xi32, #tpu.memory_space<vmem>>, vector<16xi32>,
    tpu.vector_store %arg17[%swap3A_55], %get3A_54 {strides = array<i32>} : memref<128xi32, #tpu.memory_space<vmem>>, vector<16xi32>,
    %get3A_57 = arith.constant 32 : index
    %get3A_58 = tpu.vector_load %arg12[%get3A_57] {strides = array<i32>} : memref<1536xi32, #tpu.memory_space<vmem>>, vector<16xi32>,
    %swap3A_59 = arith.constant 32 : index
    %swap3A_60 = tpu.vector_load %arg17[%swap3A_59] {strides = array<i32>} : memref<128xi32, #tpu.memory_space<vmem>>, vector<16xi32>,
    tpu.vector_store %arg17[%swap3A_59], %get3A_58 {strides = array<i32>} : memref<128xi32, #tpu.memory_space<vmem>>, vector<16xi32>,
    %get3A_61 = arith.constant 48 : index
    %get3A_62 = tpu.vector_load %arg12[%get3A_61] {strides = array<i32>} : memref<1536xi32, #tpu.memory_space<vmem>>, vector<16xi32>,
    %swap3A_63 = arith.constant 48 : index
    %swap3A_64 = tpu.vector_load %arg17[%swap3A_63] {strides = array<i32>} : memref<128xi32, #tpu.memory_space<vmem>>, vector<16xi32>,
    tpu.vector_store %arg17[%swap3A_63], %get3A_62 {strides = array<i32>} : memref<128xi32, #tpu.memory_space<vmem>>, vector<16xi32>,
    %get3A_65 = arith.constant 64 : index
    %get3A_66 = tpu.vector_load %arg12[%get3A_65] {strides = array<i32>} : memref<1536xi32, #tpu.memory_space<vmem>>, vector<16xi32>,
    %swap3A_67 = arith.constant 64 : index
    %swap3A_68 = tpu.vector_load %arg17[%swap3A_67] {strides = array<i32>} : memref<128xi32, #tpu.memory_space<vmem>>, vector<16xi32>,
    tpu.vector_store %arg17[%swap3A_67], %get3A_66 {strides = array<i32>} : memref<128xi32, #tpu.memory_space<vmem>>, vector<16xi32>,
    %get3A_69 = arith.constant 80 : index
    %get3A_70 = tpu.vector_load %arg12[%get3A_69] {strides = array<i32>} : memref<1536xi32, #tpu.memory_space<vmem>>, vector<16xi32>,
    %swap3A_71 = arith.constant 80 : index
    %swap3A_72 = tpu.vector_load %arg17[%swap3A_71] {strides = array<i32>} : memref<128xi32, #tpu.memory_space<vmem>>, vector<16xi32>,
    tpu.vector_store %arg17[%swap3A_71], %get3A_70 {strides = array<i32>} : memref<128xi32, #tpu.memory_space<vmem>>, vector<16xi32>,
    %get3A_73 = arith.constant 96 : index
    %get3A_74 = tpu.vector_load %arg12[%get3A_73] {strides = array<i32>} : memref<1536xi32, #tpu.memory_space<vmem>>, vector<16xi32>,
    %swap3A_75 = arith.constant 96 : index
    %swap3A_76 = tpu.vector_load %arg17[%swap3A_75] {strides = array<i32>} : memref<128xi32, #tpu.memory_space<vmem>>, vector<16xi32>,
    tpu.vector_store %arg17[%swap3A_75], %get3A_74 {strides = array<i32>} : memref<128xi32, #tpu.memory_space<vmem>>, vector<16xi32>,
    %get3A_77 = arith.constant 112 : index
    %get3A_78 = tpu.vector_load %arg12[%get3A_77] {strides = array<i32>} : memref<1536xi32, #tpu.memory_space<vmem>>, vector<16xi32>,
    %swap3A_79 = arith.constant 112 : index
    %swap3A_80 = tpu.vector_load %arg17[%swap3A_79] {strides = array<i32>} : memref<128xi32, #tpu.memory_space<vmem>>, vector<16xi32>,
    tpu.vector_store %arg17[%swap3A_79], %get3A_78 {strides = array<i32>} : memref<128xi32, #tpu.memory_space<vmem>>, vector<16xi32>,
    %dma_start3A_81 = arith.constant 0 : i32
    %dma_start3A_82 = arith.constant 0 : i32
    %dma_start3A_83 = tpu.memref_slice %arg2[%dma_start3A_81, %dma_start3A_82] : memref<10000x128xf32, #tpu.memory_space<hbm>> -> memref<10000x128xf32, #tpu.memory_space<hbm>>
    tpu.enqueue_indirect_dma source(%dma_start3A_83 : memref<10000x128xf32, #tpu.memory_space<hbm>>) target(%arg13 : memref<128x128xf32, #tpu.memory_space<vmem>>) offsets(%arg17 : memref<128xi32, #tpu.memory_space<vmem>>) semaphore(%arg24 : memref<!tpu.dma_semaphore, #tpu.memory_space<semaphore_mem>>)
    %dma_start3A_84 = arith.constant 0 : i32
    %dma_start3A_85 = tpu.memref_slice %arg4[%dma_start3A_84] : memref<10112xf32, #tpu.memory_space<hbm>> -> memref<10112xf32, #tpu.memory_space<hbm>>
    tpu.enqueue_indirect_dma source(%dma_start3A_85 : memref<10112xf32, #tpu.memory_space<hbm>>) target(%arg15 : memref<128xf32, #tpu.memory_space<vmem>>) offsets(%arg17 : memref<128xi32, #tpu.memory_space<vmem>>) semaphore(%arg26 : memref<!tpu.dma_semaphore, #tpu.memory_space<semaphore_mem>>)
    %dma_wait3A_86 = arith.constant 384 : i32
    %dma_wait3A_87 = tpu.memref_slice %arg12[%dma_wait3A_86] : memref<1536xi32, #tpu.memory_space<vmem>> -> memref<384xi32, #tpu.memory_space<vmem>>
    %dma_wait3A_88 = arith.constant 0 : i32
    %dma_wait3A_89 = tpu.memref_slice %arg6[%dma_wait3A_88] : memref<1032192xi32, #tpu.memory_space<hbm>> -> memref<384xi32, #tpu.memory_space<hbm>>
    %dma_wait3A_90 = arith.constant 384 : i32
    %dma_wait3A_91 = tpu.memref_slice %arg12[%dma_wait3A_90] : memref<1536xi32, #tpu.memory_space<vmem>> -> memref<384xi32, #tpu.memory_space<vmem>>
    %dma_wait3A_92 = arith.constant 0 : i32
    %dma_wait3A_93 = tpu.memref_slice %arg6[%dma_wait3A_92] : memref<1032192xi32, #tpu.memory_space<hbm>> -> memref<384xi32, #tpu.memory_space<hbm>>
    tpu.wait_dma2 semaphore(%arg21 : memref<!tpu.dma_semaphore, #tpu.memory_space<semaphore_mem>>) src(%dma_wait3A_93 : memref<384xi32, #tpu.memory_space<hbm>>) dst(%dma_wait3A_91 : memref<384xi32, #tpu.memory_space<vmem>>)
    %get3A_94 = arith.constant 384 : index
    %get3A_95 = tpu.vector_load %arg12[%get3A_94] {strides = array<i32>} : memref<1536xi32, #tpu.memory_space<vmem>>, vector<16xi32>,
    %swap3A_96 = arith.constant 0 : index
    %swap3A_97 = tpu.vector_load %arg18[%swap3A_96] {strides = array<i32>} : memref<128xi32, #tpu.memory_space<vmem>>, vector<16xi32>,
    tpu.vector_store %arg18[%swap3A_96], %get3A_95 {strides = array<i32>} : memref<128xi32, #tpu.memory_space<vmem>>, vector<16xi32>,
    %get3A_98 = arith.constant 400 : index
    %get3A_99 = tpu.vector_load %arg12[%get3A_98] {strides = array<i32>} : memref<1536xi32, #tpu.memory_space<vmem>>, vector<16xi32>,
    %swap3A_100 = arith.constant 16 : index
    %swap3A_101 = tpu.vector_load %arg18[%swap3A_100] {strides = array<i32>} : memref<128xi32, #tpu.memory_space<vmem>>, vector<16xi32>,
    tpu.vector_store %arg18[%swap3A_100], %get3A_99 {strides = array<i32>} : memref<128xi32, #tpu.memory_space<vmem>>, vector<16xi32>,
    %get3A_102 = arith.constant 416 : index
    %get3A_103 = tpu.vector_load %arg12[%get3A_102] {strides = array<i32>} : memref<1536xi32, #tpu.memory_space<vmem>>, vector<16xi32>,
    %swap3A_104 = arith.constant 32 : index
    %swap3A_105 = tpu.vector_load %arg18[%swap3A_104] {strides = array<i32>} : memref<128xi32, #tpu.memory_space<vmem>>, vector<16xi32>,
    tpu.vector_store %arg18[%swap3A_104], %get3A_103 {strides = array<i32>} : memref<128xi32, #tpu.memory_space<vmem>>, vector<16xi32>,
    %get3A_106 = arith.constant 432 : index
    %get3A_107 = tpu.vector_load %arg12[%get3A_106] {strides = array<i32>} : memref<1536xi32, #tpu.memory_space<vmem>>, vector<16xi32>,
    %swap3A_108 = arith.constant 48 : index
    %swap3A_109 = tpu.vector_load %arg18[%swap3A_108] {strides = array<i32>} : memref<128xi32, #tpu.memory_space<vmem>>, vector<16xi32>,
    tpu.vector_store %arg18[%swap3A_108], %get3A_107 {strides = array<i32>} : memref<128xi32, #tpu.memory_space<vmem>>, vector<16xi32>,
    %get3A_110 = arith.constant 448 : index
    %get3A_111 = tpu.vector_load %arg12[%get3A_110] {strides = array<i32>} : memref<1536xi32, #tpu.memory_space<vmem>>, vector<16xi32>,
    %swap3A_112 = arith.constant 64 : index
    %swap3A_113 = tpu.vector_load %arg18[%swap3A_112] {strides = array<i32>} : memref<128xi32, #tpu.memory_space<vmem>>, vector<16xi32>,
    tpu.vector_store %arg18[%swap3A_112], %get3A_111 {strides = array<i32>} : memref<128xi32, #tpu.memory_space<vmem>>, vector<16xi32>,
    %get3A_114 = arith.constant 464 : index
    %get3A_115 = tpu.vector_load %arg12[%get3A_114] {strides = array<i32>} : memref<1536xi32, #tpu.memory_space<vmem>>, vector<16xi32>,
    %swap3A_116 = arith.constant 80 : index
    %swap3A_117 = tpu.vector_load %arg18[%swap3A_116] {strides = array<i32>} : memref<128xi32, #tpu.memory_space<vmem>>, vector<16xi32>,
    tpu.vector_store %arg18[%swap3A_116], %get3A_115 {strides = array<i32>} : memref<128xi32, #tpu.memory_space<vmem>>, vector<16xi32>,
    %get3A_118 = arith.constant 480 : index
    %get3A_119 = tpu.vector_load %arg12[%get3A_118] {strides = array<i32>} : memref<1536xi32, #tpu.memory_space<vmem>>, vector<16xi32>,
    %swap3A_120 = arith.constant 96 : index
    %swap3A_121 = tpu.vector_load %arg18[%swap3A_120] {strides = array<i32>} : memref<128xi32, #tpu.memory_space<vmem>>, vector<16xi32>,
    tpu.vector_store %arg18[%swap3A_120], %get3A_119 {strides = array<i32>} : memref<128xi32, #tpu.memory_space<vmem>>, vector<16xi32>,
    %get3A_122 = arith.constant 496 : index
    %get3A_123 = tpu.vector_load %arg12[%get3A_122] {strides = array<i32>} : memref<1536xi32, #tpu.memory_space<vmem>>, vector<16xi32>,
    %swap3A_124 = arith.constant 112 : index
    %swap3A_125 = tpu.vector_load %arg18[%swap3A_124] {strides = array<i32>} : memref<128xi32, #tpu.memory_space<vmem>>, vector<16xi32>,
    tpu.vector_store %arg18[%swap3A_124], %get3A_123 {strides = array<i32>} : memref<128xi32, #tpu.memory_space<vmem>>, vector<16xi32>,
    %dma_start3A_126 = arith.constant 0 : i32
    %dma_start3A_127 = arith.constant 0 : i32
    %dma_start3A_128 = tpu.memref_slice %arg2[%dma_start3A_126, %dma_start3A_127] : memref<10000x128xf32, #tpu.memory_space<hbm>> -> memref<10000x128xf32, #tpu.memory_space<hbm>>
    tpu.enqueue_indirect_dma source(%dma_start3A_128 : memref<10000x128xf32, #tpu.memory_space<hbm>>) target(%arg14 : memref<128x128xf32, #tpu.memory_space<vmem>>) offsets(%arg18 : memref<128xi32, #tpu.memory_space<vmem>>) semaphore(%arg25 : memref<!tpu.dma_semaphore, #tpu.memory_space<semaphore_mem>>)
    %dma_start3A_129 = arith.constant 0 : i32
    %dma_start3A_130 = tpu.memref_slice %arg4[%dma_start3A_129] : memref<10112xf32, #tpu.memory_space<hbm>> -> memref<10112xf32, #tpu.memory_space<hbm>>
    tpu.enqueue_indirect_dma source(%dma_start3A_130 : memref<10112xf32, #tpu.memory_space<hbm>>) target(%arg16 : memref<128xf32, #tpu.memory_space<vmem>>) offsets(%arg18 : memref<128xi32, #tpu.memory_space<vmem>>) semaphore(%arg27 : memref<!tpu.dma_semaphore, #tpu.memory_space<semaphore_mem>>)
    %barrier3A = arith.constant 0 : index
    tpu.barrier barrier_id(%barrier3A)
    %scan3A = arith.constant 0 : i32
    %scan3A_131 = arith.constant 0 : i32
    %scan3A_132 = arith.constant 20 : i32
    %scan3A_133 = arith.addi %scan3A_131, %scan3A_132 : i32
    %scan3A_134 = arith.constant 1 : i32
    %scan3A_135 = scf.for %scan3A_343 = %scan3A_131 to %scan3A_133 step %scan3A_134 iter_args(%scan3A_344 = %scan3A) -> (i32)  : i32 {
      %mul3A_345 = arith.constant 4 : i32
      %mul3A_346 = arith.muli %mul3A_345, %scan3A_343 : i32
      %dma_wait3A_347 = arith.constant 0 : i32
      %dma_wait3A_348 = tpu.memref_slice %arg4[%dma_wait3A_347] : memref<10112xf32, #tpu.memory_space<hbm>> -> memref<10112xf32, #tpu.memory_space<hbm>>
      tpu.wait_indirect_dma semaphore(%arg26 : memref<!tpu.dma_semaphore, #tpu.memory_space<semaphore_mem>>) src(%dma_wait3A_348 : memref<10112xf32, #tpu.memory_space<hbm>>) dst(%arg15 : memref<128xf32, #tpu.memory_space<vmem>>)
      %dma_wait3A_349 = arith.constant 0 : i32
      %dma_wait3A_350 = arith.constant 0 : i32
      %dma_wait3A_351 = tpu.memref_slice %arg2[%dma_wait3A_349, %dma_wait3A_350] : memref<10000x128xf32, #tpu.memory_space<hbm>> -> memref<10000x128xf32, #tpu.memory_space<hbm>>
      tpu.wait_indirect_dma semaphore(%arg24 : memref<!tpu.dma_semaphore, #tpu.memory_space<semaphore_mem>>) src(%dma_wait3A_351 : memref<10000x128xf32, #tpu.memory_space<hbm>>) dst(%arg13 : memref<128x128xf32, #tpu.memory_space<vmem>>)
      %get3A_352 = arith.constant 256 : index
      %get3A_353 = tpu.vector_load %arg12[%get3A_352] {strides = array<i32>} : memref<1536xi32, #tpu.memory_space<vmem>>, vector<16xi32>,
      %bitcast_convert_type3A = tpu.bitcast %get3A_353 : vector<16xi32> -> vector<16xf32>
      %get3A_354 = arith.constant 0 : index
      %get3A_355 = tpu.vector_load %arg15[%get3A_354] {strides = array<i32>} : memref<128xf32, #tpu.memory_space<vmem>>, vector<16xf32>,
      %mul3A_356 = arith.mulf %get3A_355, %bitcast_convert_type3A : vector<16xf32>
      %swap3A_357 = arith.constant 0 : index
      %swap3A_358 = tpu.vector_load %arg15[%swap3A_357] {strides = array<i32>} : memref<128xf32, #tpu.memory_space<vmem>>, vector<16xf32>,
      tpu.vector_store %arg15[%swap3A_357], %mul3A_356 {strides = array<i32>} : memref<128xf32, #tpu.memory_space<vmem>>, vector<16xf32>,
      %get3A_359 = arith.constant 128 : index
      %get3A_360 = tpu.vector_load %arg12[%get3A_359] {strides = array<i32>} : memref<1536xi32, #tpu.memory_space<vmem>>, vector<16xi32>,
      %swap3A_361 = arith.constant 0 : index
      %swap3A_362 = tpu.vector_load %arg19[%swap3A_361] {strides = array<i32>} : memref<128xi32, #tpu.memory_space<vmem>>, vector<16xi32>,
      tpu.vector_store %arg19[%swap3A_361], %get3A_360 {strides = array<i32>} : memref<128xi32, #tpu.memory_space<vmem>>, vector<16xi32>,
      %get3A_363 = arith.constant 272 : index
      %get3A_364 = tpu.vector_load %arg12[%get3A_363] {strides = array<i32>} : memref<1536xi32, #tpu.memory_space<vmem>>, vector<16xi32>,
      %bitcast_convert_type3A_365 = tpu.bitcast %get3A_364 : vector<16xi32> -> vector<16xf32>
      %get3A_366 = arith.constant 16 : index
      %get3A_367 = tpu.vector_load %arg15[%get3A_366] {strides = array<i32>} : memref<128xf32, #tpu.memory_space<vmem>>, vector<16xf32>,
      %mul3A_368 = arith.mulf %get3A_367, %bitcast_convert_type3A_365 : vector<16xf32>
      %swap3A_369 = arith.constant 16 : index
      %swap3A_370 = tpu.vector_load %arg15[%swap3A_369] {strides = array<i32>} : memref<128xf32, #tpu.memory_space<vmem>>, vector<16xf32>,
      tpu.vector_store %arg15[%swap3A_369], %mul3A_368 {strides = array<i32>} : memref<128xf32, #tpu.memory_space<vmem>>, vector<16xf32>,
      %get3A_371 = arith.constant 144 : index
      %get3A_372 = tpu.vector_load %arg12[%get3A_371] {strides = array<i32>} : memref<1536xi32, #tpu.memory_space<vmem>>, vector<16xi32>,
      %swap3A_373 = arith.constant 16 : index
      %swap3A_374 = tpu.vector_load %arg19[%swap3A_373] {strides = array<i32>} : memref<128xi32, #tpu.memory_space<vmem>>, vector<16xi32>,
      tpu.vector_store %arg19[%swap3A_373], %get3A_372 {strides = array<i32>} : memref<128xi32, #tpu.memory_space<vmem>>, vector<16xi32>,
      %get3A_375 = arith.constant 288 : index
      %get3A_376 = tpu.vector_load %arg12[%get3A_375] {strides = array<i32>} : memref<1536xi32, #tpu.memory_space<vmem>>, vector<16xi32>,
      %bitcast_convert_type3A_377 = tpu.bitcast %get3A_376 : vector<16xi32> -> vector<16xf32>
      %get3A_378 = arith.constant 32 : index
      %get3A_379 = tpu.vector_load %arg15[%get3A_378] {strides = array<i32>} : memref<128xf32, #tpu.memory_space<vmem>>, vector<16xf32>,
      %mul3A_380 = arith.mulf %get3A_379, %bitcast_convert_type3A_377 : vector<16xf32>
      %swap3A_381 = arith.constant 32 : index
      %swap3A_382 = tpu.vector_load %arg15[%swap3A_381] {strides = array<i32>} : memref<128xf32, #tpu.memory_space<vmem>>, vector<16xf32>,
      tpu.vector_store %arg15[%swap3A_381], %mul3A_380 {strides = array<i32>} : memref<128xf32, #tpu.memory_space<vmem>>, vector<16xf32>,
      %get3A_383 = arith.constant 160 : index
      %get3A_384 = tpu.vector_load %arg12[%get3A_383] {strides = array<i32>} : memref<1536xi32, #tpu.memory_space<vmem>>, vector<16xi32>,
      %swap3A_385 = arith.constant 32 : index
      %swap3A_386 = tpu.vector_load %arg19[%swap3A_385] {strides = array<i32>} : memref<128xi32, #tpu.memory_space<vmem>>, vector<16xi32>,
      tpu.vector_store %arg19[%swap3A_385], %get3A_384 {strides = array<i32>} : memref<128xi32, #tpu.memory_space<vmem>>, vector<16xi32>,
      %get3A_387 = arith.constant 304 : index
      %get3A_388 = tpu.vector_load %arg12[%get3A_387] {strides = array<i32>} : memref<1536xi32, #tpu.memory_space<vmem>>, vector<16xi32>,
      %bitcast_convert_type3A_389 = tpu.bitcast %get3A_388 : vector<16xi32> -> vector<16xf32>
      %get3A_390 = arith.constant 48 : index
      %get3A_391 = tpu.vector_load %arg15[%get3A_390] {strides = array<i32>} : memref<128xf32, #tpu.memory_space<vmem>>, vector<16xf32>,
      %mul3A_392 = arith.mulf %get3A_391, %bitcast_convert_type3A_389 : vector<16xf32>
      %swap3A_393 = arith.constant 48 : index
      %swap3A_394 = tpu.vector_load %arg15[%swap3A_393] {strides = array<i32>} : memref<128xf32, #tpu.memory_space<vmem>>, vector<16xf32>,
      tpu.vector_store %arg15[%swap3A_393], %mul3A_392 {strides = array<i32>} : memref<128xf32, #tpu.memory_space<vmem>>, vector<16xf32>,
      %get3A_395 = arith.constant 176 : index
      %get3A_396 = tpu.vector_load %arg12[%get3A_395] {strides = array<i32>} : memref<1536xi32, #tpu.memory_space<vmem>>, vector<16xi32>,
      %swap3A_397 = arith.constant 48 : index
      %swap3A_398 = tpu.vector_load %arg19[%swap3A_397] {strides = array<i32>} : memref<128xi32, #tpu.memory_space<vmem>>, vector<16xi32>,
      tpu.vector_store %arg19[%swap3A_397], %get3A_396 {strides = array<i32>} : memref<128xi32, #tpu.memory_space<vmem>>, vector<16xi32>,
      %get3A_399 = arith.constant 320 : index
      %get3A_400 = tpu.vector_load %arg12[%get3A_399] {strides = array<i32>} : memref<1536xi32, #tpu.memory_space<vmem>>, vector<16xi32>,
      %bitcast_convert_type3A_401 = tpu.bitcast %get3A_400 : vector<16xi32> -> vector<16xf32>
      %get3A_402 = arith.constant 64 : index
      %get3A_403 = tpu.vector_load %arg15[%get3A_402] {strides = array<i32>} : memref<128xf32, #tpu.memory_space<vmem>>, vector<16xf32>,
      %mul3A_404 = arith.mulf %get3A_403, %bitcast_convert_type3A_401 : vector<16xf32>
      %swap3A_405 = arith.constant 64 : index
      %swap3A_406 = tpu.vector_load %arg15[%swap3A_405] {strides = array<i32>} : memref<128xf32, #tpu.memory_space<vmem>>, vector<16xf32>,
      tpu.vector_store %arg15[%swap3A_405], %mul3A_404 {strides = array<i32>} : memref<128xf32, #tpu.memory_space<vmem>>, vector<16xf32>,
      %get3A_407 = arith.constant 192 : index
      %get3A_408 = tpu.vector_load %arg12[%get3A_407] {strides = array<i32>} : memref<1536xi32, #tpu.memory_space<vmem>>, vector<16xi32>,
      %swap3A_409 = arith.constant 64 : index
      %swap3A_410 = tpu.vector_load %arg19[%swap3A_409] {strides = array<i32>} : memref<128xi32, #tpu.memory_space<vmem>>, vector<16xi32>,
      tpu.vector_store %arg19[%swap3A_409], %get3A_408 {strides = array<i32>} : memref<128xi32, #tpu.memory_space<vmem>>, vector<16xi32>,
      %get3A_411 = arith.constant 336 : index
      %get3A_412 = tpu.vector_load %arg12[%get3A_411] {strides = array<i32>} : memref<1536xi32, #tpu.memory_space<vmem>>, vector<16xi32>,
      %bitcast_convert_type3A_413 = tpu.bitcast %get3A_412 : vector<16xi32> -> vector<16xf32>
      %get3A_414 = arith.constant 80 : index
      %get3A_415 = tpu.vector_load %arg15[%get3A_414] {strides = array<i32>} : memref<128xf32, #tpu.memory_space<vmem>>, vector<16xf32>,
      %mul3A_416 = arith.mulf %get3A_415, %bitcast_convert_type3A_413 : vector<16xf32>
      %swap3A_417 = arith.constant 80 : index
      %swap3A_418 = tpu.vector_load %arg15[%swap3A_417] {strides = array<i32>} : memref<128xf32, #tpu.memory_space<vmem>>, vector<16xf32>,
      tpu.vector_store %arg15[%swap3A_417], %mul3A_416 {strides = array<i32>} : memref<128xf32, #tpu.memory_space<vmem>>, vector<16xf32>,
      %get3A_419 = arith.constant 208 : index
      %get3A_420 = tpu.vector_load %arg12[%get3A_419] {strides = array<i32>} : memref<1536xi32, #tpu.memory_space<vmem>>, vector<16xi32>,
      %swap3A_421 = arith.constant 80 : index
      %swap3A_422 = tpu.vector_load %arg19[%swap3A_421] {strides = array<i32>} : memref<128xi32, #tpu.memory_space<vmem>>, vector<16xi32>,
      tpu.vector_store %arg19[%swap3A_421], %get3A_420 {strides = array<i32>} : memref<128xi32, #tpu.memory_space<vmem>>, vector<16xi32>,
      %get3A_423 = arith.constant 352 : index
      %get3A_424 = tpu.vector_load %arg12[%get3A_423] {strides = array<i32>} : memref<1536xi32, #tpu.memory_space<vmem>>, vector<16xi32>,
      %bitcast_convert_type3A_425 = tpu.bitcast %get3A_424 : vector<16xi32> -> vector<16xf32>
      %get3A_426 = arith.constant 96 : index
      %get3A_427 = tpu.vector_load %arg15[%get3A_426] {strides = array<i32>} : memref<128xf32, #tpu.memory_space<vmem>>, vector<16xf32>,
      %mul3A_428 = arith.mulf %get3A_427, %bitcast_convert_type3A_425 : vector<16xf32>
      %swap3A_429 = arith.constant 96 : index
      %swap3A_430 = tpu.vector_load %arg15[%swap3A_429] {strides = array<i32>} : memref<128xf32, #tpu.memory_space<vmem>>, vector<16xf32>,
      tpu.vector_store %arg15[%swap3A_429], %mul3A_428 {strides = array<i32>} : memref<128xf32, #tpu.memory_space<vmem>>, vector<16xf32>,
      %get3A_431 = arith.constant 224 : index
      %get3A_432 = tpu.vector_load %arg12[%get3A_431] {strides = array<i32>} : memref<1536xi32, #tpu.memory_space<vmem>>, vector<16xi32>,
      %swap3A_433 = arith.constant 96 : index
      %swap3A_434 = tpu.vector_load %arg19[%swap3A_433] {strides = array<i32>} : memref<128xi32, #tpu.memory_space<vmem>>, vector<16xi32>,
      tpu.vector_store %arg19[%swap3A_433], %get3A_432 {strides = array<i32>} : memref<128xi32, #tpu.memory_space<vmem>>, vector<16xi32>,
      %get3A_435 = arith.constant 368 : index
      %get3A_436 = tpu.vector_load %arg12[%get3A_435] {strides = array<i32>} : memref<1536xi32, #tpu.memory_space<vmem>>, vector<16xi32>,
      %bitcast_convert_type3A_437 = tpu.bitcast %get3A_436 : vector<16xi32> -> vector<16xf32>
      %get3A_438 = arith.constant 112 : index
      %get3A_439 = tpu.vector_load %arg15[%get3A_438] {strides = array<i32>} : memref<128xf32, #tpu.memory_space<vmem>>, vector<16xf32>,
      %mul3A_440 = arith.mulf %get3A_439, %bitcast_convert_type3A_437 : vector<16xf32>
      %swap3A_441 = arith.constant 112 : index
      %swap3A_442 = tpu.vector_load %arg15[%swap3A_441] {strides = array<i32>} : memref<128xf32, #tpu.memory_space<vmem>>, vector<16xf32>,
      tpu.vector_store %arg15[%swap3A_441], %mul3A_440 {strides = array<i32>} : memref<128xf32, #tpu.memory_space<vmem>>, vector<16xf32>,
      %get3A_443 = arith.constant 240 : index
      %get3A_444 = tpu.vector_load %arg12[%get3A_443] {strides = array<i32>} : memref<1536xi32, #tpu.memory_space<vmem>>, vector<16xi32>,
      %swap3A_445 = arith.constant 112 : index
      %swap3A_446 = tpu.vector_load %arg19[%swap3A_445] {strides = array<i32>} : memref<128xi32, #tpu.memory_space<vmem>>, vector<16xi32>,
      tpu.vector_store %arg19[%swap3A_445], %get3A_444 {strides = array<i32>} : memref<128xi32, #tpu.memory_space<vmem>>, vector<16xi32>,
      %scan3A_447 = arith.constant 0 : i32
      %scan3A_448 = arith.constant 0 : i32
      %scan3A_449 = arith.constant 128 : i32
      %scan3A_450 = arith.addi %scan3A_448, %scan3A_449 : i32
      %scan3A_451 = arith.constant 1 : i32
      %scan3A_452 = scf.for %scan3A_1023 = %scan3A_448 to %scan3A_450 step %scan3A_451 iter_args(%scan3A_1024 = %scan3A_447) -> (i32)  : i32 {
        %broadcast_in_dim3A = vector.broadcast %scan3A_1023 : i32 to vector<16xi32>
        %gather3A = tpu.vector_load_idx %arg15[%broadcast_in_dim3A] : memref<128xf32, #tpu.memory_space<vmem>>[vector<16xi32>], vector<16xf32>,
        %get3A_1025 = arith.index_cast %scan3A_1023 : i32 to index
        %get3A_1026 = arith.constant 0 : index
        %get3A_1027 = tpu.vector_load %arg13[%get3A_1025, %get3A_1026] {strides = array<i32>} : memref<128x128xf32, #tpu.memory_space<vmem>>, vector<16xf32>,
        %mul3A_1028 = arith.mulf %get3A_1027, %gather3A : vector<16xf32>
        %swap3A_1029 = arith.index_cast %scan3A_1023 : i32 to index
        %swap3A_1030 = arith.constant 0 : index
        %swap3A_1031 = tpu.vector_load %arg13[%swap3A_1029, %swap3A_1030] {strides = array<i32>} : memref<128x128xf32, #tpu.memory_space<vmem>>, vector<16xf32>,
        tpu.vector_store %arg13[%swap3A_1029, %swap3A_1030], %mul3A_1028 {strides = array<i32>} : memref<128x128xf32, #tpu.memory_space<vmem>>, vector<16xf32>,
        %get3A_1032 = arith.index_cast %scan3A_1023 : i32 to index
        %get3A_1033 = arith.constant 16 : index
        %get3A_1034 = tpu.vector_load %arg13[%get3A_1032, %get3A_1033] {strides = array<i32>} : memref<128x128xf32, #tpu.memory_space<vmem>>, vector<16xf32>,
        %mul3A_1035 = arith.mulf %get3A_1034, %gather3A : vector<16xf32>
        %swap3A_1036 = arith.index_cast %scan3A_1023 : i32 to index
        %swap3A_1037 = arith.constant 16 : index
        %swap3A_1038 = tpu.vector_load %arg13[%swap3A_1036, %swap3A_1037] {strides = array<i32>} : memref<128x128xf32, #tpu.memory_space<vmem>>, vector<16xf32>,
        tpu.vector_store %arg13[%swap3A_1036, %swap3A_1037], %mul3A_1035 {strides = array<i32>} : memref<128x128xf32, #tpu.memory_space<vmem>>, vector<16xf32>,
        %get3A_1039 = arith.index_cast %scan3A_1023 : i32 to index
        %get3A_1040 = arith.constant 32 : index
        %get3A_1041 = tpu.vector_load %arg13[%get3A_1039, %get3A_1040] {strides = array<i32>} : memref<128x128xf32, #tpu.memory_space<vmem>>, vector<16xf32>,
        %mul3A_1042 = arith.mulf %get3A_1041, %gather3A : vector<16xf32>
        %swap3A_1043 = arith.index_cast %scan3A_1023 : i32 to index
        %swap3A_1044 = arith.constant 32 : index
        %swap3A_1045 = tpu.vector_load %arg13[%swap3A_1043, %swap3A_1044] {strides = array<i32>} : memref<128x128xf32, #tpu.memory_space<vmem>>, vector<16xf32>,
        tpu.vector_store %arg13[%swap3A_1043, %swap3A_1044], %mul3A_1042 {strides = array<i32>} : memref<128x128xf32, #tpu.memory_space<vmem>>, vector<16xf32>,
        %get3A_1046 = arith.index_cast %scan3A_1023 : i32 to index
        %get3A_1047 = arith.constant 48 : index
        %get3A_1048 = tpu.vector_load %arg13[%get3A_1046, %get3A_1047] {strides = array<i32>} : memref<128x128xf32, #tpu.memory_space<vmem>>, vector<16xf32>,
        %mul3A_1049 = arith.mulf %get3A_1048, %gather3A : vector<16xf32>
        %swap3A_1050 = arith.index_cast %scan3A_1023 : i32 to index
        %swap3A_1051 = arith.constant 48 : index
        %swap3A_1052 = tpu.vector_load %arg13[%swap3A_1050, %swap3A_1051] {strides = array<i32>} : memref<128x128xf32, #tpu.memory_space<vmem>>, vector<16xf32>,
        tpu.vector_store %arg13[%swap3A_1050, %swap3A_1051], %mul3A_1049 {strides = array<i32>} : memref<128x128xf32, #tpu.memory_space<vmem>>, vector<16xf32>,
        %get3A_1053 = arith.index_cast %scan3A_1023 : i32 to index
        %get3A_1054 = arith.constant 64 : index
        %get3A_1055 = tpu.vector_load %arg13[%get3A_1053, %get3A_1054] {strides = array<i32>} : memref<128x128xf32, #tpu.memory_space<vmem>>, vector<16xf32>,
        %mul3A_1056 = arith.mulf %get3A_1055, %gather3A : vector<16xf32>
        %swap3A_1057 = arith.index_cast %scan3A_1023 : i32 to index
        %swap3A_1058 = arith.constant 64 : index
        %swap3A_1059 = tpu.vector_load %arg13[%swap3A_1057, %swap3A_1058] {strides = array<i32>} : memref<128x128xf32, #tpu.memory_space<vmem>>, vector<16xf32>,
        tpu.vector_store %arg13[%swap3A_1057, %swap3A_1058], %mul3A_1056 {strides = array<i32>} : memref<128x128xf32, #tpu.memory_space<vmem>>, vector<16xf32>,
        %get3A_1060 = arith.index_cast %scan3A_1023 : i32 to index
        %get3A_1061 = arith.constant 80 : index
        %get3A_1062 = tpu.vector_load %arg13[%get3A_1060, %get3A_1061] {strides = array<i32>} : memref<128x128xf32, #tpu.memory_space<vmem>>, vector<16xf32>,
        %mul3A_1063 = arith.mulf %get3A_1062, %gather3A : vector<16xf32>
        %swap3A_1064 = arith.index_cast %scan3A_1023 : i32 to index
        %swap3A_1065 = arith.constant 80 : index
        %swap3A_1066 = tpu.vector_load %arg13[%swap3A_1064, %swap3A_1065] {strides = array<i32>} : memref<128x128xf32, #tpu.memory_space<vmem>>, vector<16xf32>,
        tpu.vector_store %arg13[%swap3A_1064, %swap3A_1065], %mul3A_1063 {strides = array<i32>} : memref<128x128xf32, #tpu.memory_space<vmem>>, vector<16xf32>,
        %get3A_1067 = arith.index_cast %scan3A_1023 : i32 to index
        %get3A_1068 = arith.constant 96 : index
        %get3A_1069 = tpu.vector_load %arg13[%get3A_1067, %get3A_1068] {strides = array<i32>} : memref<128x128xf32, #tpu.memory_space<vmem>>, vector<16xf32>,
        %mul3A_1070 = arith.mulf %get3A_1069, %gather3A : vector<16xf32>
        %swap3A_1071 = arith.index_cast %scan3A_1023 : i32 to index
        %swap3A_1072 = arith.constant 96 : index
        %swap3A_1073 = tpu.vector_load %arg13[%swap3A_1071, %swap3A_1072] {strides = array<i32>} : memref<128x128xf32, #tpu.memory_space<vmem>>, vector<16xf32>,
        tpu.vector_store %arg13[%swap3A_1071, %swap3A_1072], %mul3A_1070 {strides = array<i32>} : memref<128x128xf32, #tpu.memory_space<vmem>>, vector<16xf32>,
        %get3A_1074 = arith.index_cast %scan3A_1023 : i32 to index
        %get3A_1075 = arith.constant 112 : index
        %get3A_1076 = tpu.vector_load %arg13[%get3A_1074, %get3A_1075] {strides = array<i32>} : memref<128x128xf32, #tpu.memory_space<vmem>>, vector<16xf32>,
        %mul3A_1077 = arith.mulf %get3A_1076, %gather3A : vector<16xf32>
        %swap3A_1078 = arith.index_cast %scan3A_1023 : i32 to index
        %swap3A_1079 = arith.constant 112 : index
        %swap3A_1080 = tpu.vector_load %arg13[%swap3A_1078, %swap3A_1079] {strides = array<i32>} : memref<128x128xf32, #tpu.memory_space<vmem>>, vector<16xf32>,
        tpu.vector_store %arg13[%swap3A_1078, %swap3A_1079], %mul3A_1077 {strides = array<i32>} : memref<128x128xf32, #tpu.memory_space<vmem>>, vector<16xf32>,
        %scan3A_1081 = arith.constant 0 : i32
        scf.yield %scan3A_1081 : i32
      }
      %scan3A_453 = arith.constant 128 : i32
      "tpu.region"() ({
        %run_scoped3A = tpu.sem_alloc : memref<!tpu.dma_semaphore, #tpu.memory_space<semaphore_mem>>
        %dma_start3A_1023 = arith.constant 0 : i32
        %dma_start3A_1024 = arith.constant 0 : i32
        %dma_start3A_1025 = tpu.memref_slice %arg11[%dma_start3A_1023, %dma_start3A_1024] : memref<10112x128xf32, #tpu.memory_space<vmem_shared>> -> memref<10112x128xf32, #tpu.memory_space<vmem_shared>>
        tpu.enqueue_indirect_dma source(%arg13 : memref<128x128xf32, #tpu.memory_space<vmem>>) target(%dma_start3A_1025 : memref<10112x128xf32, #tpu.memory_space<vmem_shared>>) offsets(%arg19 : memref<128xi32, #tpu.memory_space<vmem>>) semaphore(%run_scoped3A : memref<!tpu.dma_semaphore, #tpu.memory_space<semaphore_mem>>) {add = true}
        %dma_wait3A_1026 = arith.constant 0 : i32
        %dma_wait3A_1027 = arith.constant 0 : i32
        %dma_wait3A_1028 = tpu.memref_slice %arg11[%dma_wait3A_1026, %dma_wait3A_1027] : memref<10112x128xf32, #tpu.memory_space<vmem_shared>> -> memref<10112x128xf32, #tpu.memory_space<vmem_shared>>
        tpu.wait_indirect_dma semaphore(%run_scoped3A : memref<!tpu.dma_semaphore, #tpu.memory_space<semaphore_mem>>) src(%arg13 : memref<128x128xf32, #tpu.memory_space<vmem>>) dst(%dma_wait3A_1028 : memref<10112x128xf32, #tpu.memory_space<vmem_shared>>)
        tpu.yield
      }) : () -> ()
      %dma_wait3A_454 = arith.constant 768 : i32
      %dma_wait3A_455 = tpu.memref_slice %arg12[%dma_wait3A_454] : memref<1536xi32, #tpu.memory_space<vmem>> -> memref<384xi32, #tpu.memory_space<vmem>>
      %dma_wait3A_456 = arith.constant 0 : i32
      %dma_wait3A_457 = tpu.memref_slice %arg6[%dma_wait3A_456] : memref<1032192xi32, #tpu.memory_space<hbm>> -> memref<384xi32, #tpu.memory_space<hbm>>
      %dma_wait3A_458 = arith.constant 768 : i32
      %dma_wait3A_459 = tpu.memref_slice %arg12[%dma_wait3A_458] : memref<1536xi32, #tpu.memory_space<vmem>> -> memref<384xi32, #tpu.memory_space<vmem>>
      %dma_wait3A_460 = arith.constant 0 : i32
      %dma_wait3A_461 = tpu.memref_slice %arg6[%dma_wait3A_460] : memref<1032192xi32, #tpu.memory_space<hbm>> -> memref<384xi32, #tpu.memory_space<hbm>>
      tpu.wait_dma2 semaphore(%arg22 : memref<!tpu.dma_semaphore, #tpu.memory_space<semaphore_mem>>) src(%dma_wait3A_461 : memref<384xi32, #tpu.memory_space<hbm>>) dst(%dma_wait3A_459 : memref<384xi32, #tpu.memory_space<vmem>>)
      %get3A_462 = arith.constant 768 : index
      %get3A_463 = tpu.vector_load %arg12[%get3A_462] {strides = array<i32>} : memref<1536xi32, #tpu.memory_space<vmem>>, vector<16xi32>,
      %swap3A_464 = arith.constant 0 : index
      %swap3A_465 = tpu.vector_load %arg17[%swap3A_464] {strides = array<i32>} : memref<128xi32, #tpu.memory_space<vmem>>, vector<16xi32>,
      tpu.vector_store %arg17[%swap3A_464], %get3A_463 {strides = array<i32>} : memref<128xi32, #tpu.memory_space<vmem>>, vector<16xi32>,
      %get3A_466 = arith.constant 784 : index
      %get3A_467 = tpu.vector_load %arg12[%get3A_466] {strides = array<i32>} : memref<1536xi32, #tpu.memory_space<vmem>>, vector<16xi32>,
      %swap3A_468 = arith.constant 16 : index
      %swap3A_469 = tpu.vector_load %arg17[%swap3A_468] {strides = array<i32>} : memref<128xi32, #tpu.memory_space<vmem>>, vector<16xi32>,
      tpu.vector_store %arg17[%swap3A_468], %get3A_467 {strides = array<i32>} : memref<128xi32, #tpu.memory_space<vmem>>, vector<16xi32>,
      %get3A_470 = arith.constant 800 : index
      %get3A_471 = tpu.vector_load %arg12[%get3A_470] {strides = array<i32>} : memref<1536xi32, #tpu.memory_space<vmem>>, vector<16xi32>,
      %swap3A_472 = arith.constant 32 : index
      %swap3A_473 = tpu.vector_load %arg17[%swap3A_472] {strides = array<i32>} : memref<128xi32, #tpu.memory_space<vmem>>, vector<16xi32>,
      tpu.vector_store %arg17[%swap3A_472], %get3A_471 {strides = array<i32>} : memref<128xi32, #tpu.memory_space<vmem>>, vector<16xi32>,
      %get3A_474 = arith.constant 816 : index
      %get3A_475 = tpu.vector_load %arg12[%get3A_474] {strides = array<i32>} : memref<1536xi32, #tpu.memory_space<vmem>>, vector<16xi32>,
      %swap3A_476 = arith.constant 48 : index
      %swap3A_477 = tpu.vector_load %arg17[%swap3A_476] {strides = array<i32>} : memref<128xi32, #tpu.memory_space<vmem>>, vector<16xi32>,
      tpu.vector_store %arg17[%swap3A_476], %get3A_475 {strides = array<i32>} : memref<128xi32, #tpu.memory_space<vmem>>, vector<16xi32>,
      %get3A_478 = arith.constant 832 : index
      %get3A_479 = tpu.vector_load %arg12[%get3A_478] {strides = array<i32>} : memref<1536xi32, #tpu.memory_space<vmem>>, vector<16xi32>,
      %swap3A_480 = arith.constant 64 : index
      %swap3A_481 = tpu.vector_load %arg17[%swap3A_480] {strides = array<i32>} : memref<128xi32, #tpu.memory_space<vmem>>, vector<16xi32>,
      tpu.vector_store %arg17[%swap3A_480], %get3A_479 {strides = array<i32>} : memref<128xi32, #tpu.memory_space<vmem>>, vector<16xi32>,
      %get3A_482 = arith.constant 848 : index
      %get3A_483 = tpu.vector_load %arg12[%get3A_482] {strides = array<i32>} : memref<1536xi32, #tpu.memory_space<vmem>>, vector<16xi32>,
      %swap3A_484 = arith.constant 80 : index
      %swap3A_485 = tpu.vector_load %arg17[%swap3A_484] {strides = array<i32>} : memref<128xi32, #tpu.memory_space<vmem>>, vector<16xi32>,
      tpu.vector_store %arg17[%swap3A_484], %get3A_483 {strides = array<i32>} : memref<128xi32, #tpu.memory_space<vmem>>, vector<16xi32>,
      %get3A_486 = arith.constant 864 : index
      %get3A_487 = tpu.vector_load %arg12[%get3A_486] {strides = array<i32>} : memref<1536xi32, #tpu.memory_space<vmem>>, vector<16xi32>,
      %swap3A_488 = arith.constant 96 : index
      %swap3A_489 = tpu.vector_load %arg17[%swap3A_488] {strides = array<i32>} : memref<128xi32, #tpu.memory_space<vmem>>, vector<16xi32>,
      tpu.vector_store %arg17[%swap3A_488], %get3A_487 {strides = array<i32>} : memref<128xi32, #tpu.memory_space<vmem>>, vector<16xi32>,
      %get3A_490 = arith.constant 880 : index
      %get3A_491 = tpu.vector_load %arg12[%get3A_490] {strides = array<i32>} : memref<1536xi32, #tpu.memory_space<vmem>>, vector<16xi32>,
      %swap3A_492 = arith.constant 112 : index
      %swap3A_493 = tpu.vector_load %arg17[%swap3A_492] {strides = array<i32>} : memref<128xi32, #tpu.memory_space<vmem>>, vector<16xi32>,
      tpu.vector_store %arg17[%swap3A_492], %get3A_491 {strides = array<i32>} : memref<128xi32, #tpu.memory_space<vmem>>, vector<16xi32>,
      %dma_start3A_494 = arith.constant 0 : i32
      %dma_start3A_495 = arith.constant 0 : i32
      %dma_start3A_496 = tpu.memref_slice %arg2[%dma_start3A_494, %dma_start3A_495] : memref<10000x128xf32, #tpu.memory_space<hbm>> -> memref<10000x128xf32, #tpu.memory_space<hbm>>
      tpu.enqueue_indirect_dma source(%dma_start3A_496 : memref<10000x128xf32, #tpu.memory_space<hbm>>) target(%arg13 : memref<128x128xf32, #tpu.memory_space<vmem>>) offsets(%arg17 : memref<128xi32, #tpu.memory_space<vmem>>) semaphore(%arg24 : memref<!tpu.dma_semaphore, #tpu.memory_space<semaphore_mem>>)
      %dma_start3A_497 = arith.constant 0 : i32
      %dma_start3A_498 = tpu.memref_slice %arg4[%dma_start3A_497] : memref<10112xf32, #tpu.memory_space<hbm>> -> memref<10112xf32, #tpu.memory_space<hbm>>
      tpu.enqueue_indirect_dma source(%dma_start3A_498 : memref<10112xf32, #tpu.memory_space<hbm>>) target(%arg15 : memref<128xf32, #tpu.memory_space<vmem>>) offsets(%arg17 : memref<128xi32, #tpu.memory_space<vmem>>) semaphore(%arg26 : memref<!tpu.dma_semaphore, #tpu.memory_space<semaphore_mem>>)
      %add3A_499 = arith.constant 4 : i32
      %add3A_500 = arith.addi %mul3A_346, %add3A_499 : i32
      %mul3A_501 = arith.constant 32 : i32
      %mul3A_502 = arith.muli %add3A_500, %mul3A_501 : i32
      %add3A_503 = arith.addi %add3A, %mul3A_502 : i32
      %mul3A_504 = arith.constant 384 : i32
      %mul3A_505 = arith.muli %add3A_503, %mul3A_504 : i32
      %dma_start3A_506 = arith.constant 0 : i32
      %dma_start3A_507 = tpu.memref_slice %arg12[%dma_start3A_506] : memref<1536xi32, #tpu.memory_space<vmem>> -> memref<384xi32, #tpu.memory_space<vmem>>
      %dma_start3A_508 = tpu.memref_slice %arg6[%mul3A_505] : memref<1032192xi32, #tpu.memory_space<hbm>> -> memref<384xi32, #tpu.memory_space<hbm>>
      %dma_start3A_509 = arith.constant 0 : i32
      %dma_start3A_510 = tpu.memref_slice %arg12[%dma_start3A_509] : memref<1536xi32, #tpu.memory_space<vmem>> -> memref<384xi32, #tpu.memory_space<vmem>>
      %dma_start3A_511 = tpu.memref_slice %arg6[%mul3A_505] : memref<1032192xi32, #tpu.memory_space<hbm>> -> memref<384xi32, #tpu.memory_space<hbm>>
      tpu.enqueue_dma source(%dma_start3A_511 : memref<384xi32, #tpu.memory_space<hbm>>) target(%dma_start3A_510 : memref<384xi32, #tpu.memory_space<vmem>>) target_semaphore(%arg20 : memref<!tpu.dma_semaphore, #tpu.memory_space<semaphore_mem>>)
      %mul3A_512 = arith.constant 4 : i32
      %mul3A_513 = arith.muli %mul3A_512, %scan3A_343 : i32
      %add3A_514 = arith.constant 1 : i32
      %add3A_515 = arith.addi %mul3A_513, %add3A_514 : i32
      %dma_wait3A_516 = arith.constant 0 : i32
      %dma_wait3A_517 = tpu.memref_slice %arg4[%dma_wait3A_516] : memref<10112xf32, #tpu.memory_space<hbm>> -> memref<10112xf32, #tpu.memory_space<hbm>>
      tpu.wait_indirect_dma semaphore(%arg27 : memref<!tpu.dma_semaphore, #tpu.memory_space<semaphore_mem>>) src(%dma_wait3A_517 : memref<10112xf32, #tpu.memory_space<hbm>>) dst(%arg16 : memref<128xf32, #tpu.memory_space<vmem>>)
      %dma_wait3A_518 = arith.constant 0 : i32
      %dma_wait3A_519 = arith.constant 0 : i32
      %dma_wait3A_520 = tpu.memref_slice %arg2[%dma_wait3A_518, %dma_wait3A_519] : memref<10000x128xf32, #tpu.memory_space<hbm>> -> memref<10000x128xf32, #tpu.memory_space<hbm>>
      tpu.wait_indirect_dma semaphore(%arg25 : memref<!tpu.dma_semaphore, #tpu.memory_space<semaphore_mem>>) src(%dma_wait3A_520 : memref<10000x128xf32, #tpu.memory_space<hbm>>) dst(%arg14 : memref<128x128xf32, #tpu.memory_space<vmem>>)
      %get3A_521 = arith.constant 640 : index
      %get3A_522 = tpu.vector_load %arg12[%get3A_521] {strides = array<i32>} : memref<1536xi32, #tpu.memory_space<vmem>>, vector<16xi32>,
      %bitcast_convert_type3A_523 = tpu.bitcast %get3A_522 : vector<16xi32> -> vector<16xf32>
      %get3A_524 = arith.constant 0 : index
      %get3A_525 = tpu.vector_load %arg16[%get3A_524] {strides = array<i32>} : memref<128xf32, #tpu.memory_space<vmem>>, vector<16xf32>,
      %mul3A_526 = arith.mulf %get3A_525, %bitcast_convert_type3A_523 : vector<16xf32>
      %swap3A_527 = arith.constant 0 : index
      %swap3A_528 = tpu.vector_load %arg16[%swap3A_527] {strides = array<i32>} : memref<128xf32, #tpu.memory_space<vmem>>, vector<16xf32>,
      tpu.vector_store %arg16[%swap3A_527], %mul3A_526 {strides = array<i32>} : memref<128xf32, #tpu.memory_space<vmem>>, vector<16xf32>,
      %get3A_529 = arith.constant 512 : index
      %get3A_530 = tpu.vector_load %arg12[%get3A_529] {strides = array<i32>} : memref<1536xi32, #tpu.memory_space<vmem>>, vector<16xi32>,
      %swap3A_531 = arith.constant 0 : index
      %swap3A_532 = tpu.vector_load %arg19[%swap3A_531] {strides = array<i32>} : memref<128xi32, #tpu.memory_space<vmem>>, vector<16xi32>,
      tpu.vector_store %arg19[%swap3A_531], %get3A_530 {strides = array<i32>} : memref<128xi32, #tpu.memory_space<vmem>>, vector<16xi32>,
      %get3A_533 = arith.constant 656 : index
      %get3A_534 = tpu.vector_load %arg12[%get3A_533] {strides = array<i32>} : memref<1536xi32, #tpu.memory_space<vmem>>, vector<16xi32>,
      %bitcast_convert_type3A_535 = tpu.bitcast %get3A_534 : vector<16xi32> -> vector<16xf32>
      %get3A_536 = arith.constant 16 : index
      %get3A_537 = tpu.vector_load %arg16[%get3A_536] {strides = array<i32>} : memref<128xf32, #tpu.memory_space<vmem>>, vector<16xf32>,
      %mul3A_538 = arith.mulf %get3A_537, %bitcast_convert_type3A_535 : vector<16xf32>
      %swap3A_539 = arith.constant 16 : index
      %swap3A_540 = tpu.vector_load %arg16[%swap3A_539] {strides = array<i32>} : memref<128xf32, #tpu.memory_space<vmem>>, vector<16xf32>,
      tpu.vector_store %arg16[%swap3A_539], %mul3A_538 {strides = array<i32>} : memref<128xf32, #tpu.memory_space<vmem>>, vector<16xf32>,
      %get3A_541 = arith.constant 528 : index
      %get3A_542 = tpu.vector_load %arg12[%get3A_541] {strides = array<i32>} : memref<1536xi32, #tpu.memory_space<vmem>>, vector<16xi32>,
      %swap3A_543 = arith.constant 16 : index
      %swap3A_544 = tpu.vector_load %arg19[%swap3A_543] {strides = array<i32>} : memref<128xi32, #tpu.memory_space<vmem>>, vector<16xi32>,
      tpu.vector_store %arg19[%swap3A_543], %get3A_542 {strides = array<i32>} : memref<128xi32, #tpu.memory_space<vmem>>, vector<16xi32>,
      %get3A_545 = arith.constant 672 : index
      %get3A_546 = tpu.vector_load %arg12[%get3A_545] {strides = array<i32>} : memref<1536xi32, #tpu.memory_space<vmem>>, vector<16xi32>,
      %bitcast_convert_type3A_547 = tpu.bitcast %get3A_546 : vector<16xi32> -> vector<16xf32>
      %get3A_548 = arith.constant 32 : index
      %get3A_549 = tpu.vector_load %arg16[%get3A_548] {strides = array<i32>} : memref<128xf32, #tpu.memory_space<vmem>>, vector<16xf32>,
      %mul3A_550 = arith.mulf %get3A_549, %bitcast_convert_type3A_547 : vector<16xf32>
      %swap3A_551 = arith.constant 32 : index
      %swap3A_552 = tpu.vector_load %arg16[%swap3A_551] {strides = array<i32>} : memref<128xf32, #tpu.memory_space<vmem>>, vector<16xf32>,
      tpu.vector_store %arg16[%swap3A_551], %mul3A_550 {strides = array<i32>} : memref<128xf32, #tpu.memory_space<vmem>>, vector<16xf32>,
      %get3A_553 = arith.constant 544 : index
      %get3A_554 = tpu.vector_load %arg12[%get3A_553] {strides = array<i32>} : memref<1536xi32, #tpu.memory_space<vmem>>, vector<16xi32>,
      %swap3A_555 = arith.constant 32 : index
      %swap3A_556 = tpu.vector_load %arg19[%swap3A_555] {strides = array<i32>} : memref<128xi32, #tpu.memory_space<vmem>>, vector<16xi32>,
      tpu.vector_store %arg19[%swap3A_555], %get3A_554 {strides = array<i32>} : memref<128xi32, #tpu.memory_space<vmem>>, vector<16xi32>,
      %get3A_557 = arith.constant 688 : index
      %get3A_558 = tpu.vector_load %arg12[%get3A_557] {strides = array<i32>} : memref<1536xi32, #tpu.memory_space<vmem>>, vector<16xi32>,
      %bitcast_convert_type3A_559 = tpu.bitcast %get3A_558 : vector<16xi32> -> vector<16xf32>
      %get3A_560 = arith.constant 48 : index
      %get3A_561 = tpu.vector_load %arg16[%get3A_560] {strides = array<i32>} : memref<128xf32, #tpu.memory_space<vmem>>, vector<16xf32>,
      %mul3A_562 = arith.mulf %get3A_561, %bitcast_convert_type3A_559 : vector<16xf32>
      %swap3A_563 = arith.constant 48 : index
      %swap3A_564 = tpu.vector_load %arg16[%swap3A_563] {strides = array<i32>} : memref<128xf32, #tpu.memory_space<vmem>>, vector<16xf32>,
      tpu.vector_store %arg16[%swap3A_563], %mul3A_562 {strides = array<i32>} : memref<128xf32, #tpu.memory_space<vmem>>, vector<16xf32>,
      %get3A_565 = arith.constant 560 : index
      %get3A_566 = tpu.vector_load %arg12[%get3A_565] {strides = array<i32>} : memref<1536xi32, #tpu.memory_space<vmem>>, vector<16xi32>,
      %swap3A_567 = arith.constant 48 : index
      %swap3A_568 = tpu.vector_load %arg19[%swap3A_567] {strides = array<i32>} : memref<128xi32, #tpu.memory_space<vmem>>, vector<16xi32>,
      tpu.vector_store %arg19[%swap3A_567], %get3A_566 {strides = array<i32>} : memref<128xi32, #tpu.memory_space<vmem>>, vector<16xi32>,
      %get3A_569 = arith.constant 704 : index
      %get3A_570 = tpu.vector_load %arg12[%get3A_569] {strides = array<i32>} : memref<1536xi32, #tpu.memory_space<vmem>>, vector<16xi32>,
      %bitcast_convert_type3A_571 = tpu.bitcast %get3A_570 : vector<16xi32> -> vector<16xf32>
      %get3A_572 = arith.constant 64 : index
      %get3A_573 = tpu.vector_load %arg16[%get3A_572] {strides = array<i32>} : memref<128xf32, #tpu.memory_space<vmem>>, vector<16xf32>,
      %mul3A_574 = arith.mulf %get3A_573, %bitcast_convert_type3A_571 : vector<16xf32>
      %swap3A_575 = arith.constant 64 : index
      %swap3A_576 = tpu.vector_load %arg16[%swap3A_575] {strides = array<i32>} : memref<128xf32, #tpu.memory_space<vmem>>, vector<16xf32>,
      tpu.vector_store %arg16[%swap3A_575], %mul3A_574 {strides = array<i32>} : memref<128xf32, #tpu.memory_space<vmem>>, vector<16xf32>,
      %get3A_577 = arith.constant 576 : index
      %get3A_578 = tpu.vector_load %arg12[%get3A_577] {strides = array<i32>} : memref<1536xi32, #tpu.memory_space<vmem>>, vector<16xi32>,
      %swap3A_579 = arith.constant 64 : index
      %swap3A_580 = tpu.vector_load %arg19[%swap3A_579] {strides = array<i32>} : memref<128xi32, #tpu.memory_space<vmem>>, vector<16xi32>,
      tpu.vector_store %arg19[%swap3A_579], %get3A_578 {strides = array<i32>} : memref<128xi32, #tpu.memory_space<vmem>>, vector<16xi32>,
      %get3A_581 = arith.constant 720 : index
      %get3A_582 = tpu.vector_load %arg12[%get3A_581] {strides = array<i32>} : memref<1536xi32, #tpu.memory_space<vmem>>, vector<16xi32>,
      %bitcast_convert_type3A_583 = tpu.bitcast %get3A_582 : vector<16xi32> -> vector<16xf32>
      %get3A_584 = arith.constant 80 : index
      %get3A_585 = tpu.vector_load %arg16[%get3A_584] {strides = array<i32>} : memref<128xf32, #tpu.memory_space<vmem>>, vector<16xf32>,
      %mul3A_586 = arith.mulf %get3A_585, %bitcast_convert_type3A_583 : vector<16xf32>
      %swap3A_587 = arith.constant 80 : index
      %swap3A_588 = tpu.vector_load %arg16[%swap3A_587] {strides = array<i32>} : memref<128xf32, #tpu.memory_space<vmem>>, vector<16xf32>,
      tpu.vector_store %arg16[%swap3A_587], %mul3A_586 {strides = array<i32>} : memref<128xf32, #tpu.memory_space<vmem>>, vector<16xf32>,
      %get3A_589 = arith.constant 592 : index
      %get3A_590 = tpu.vector_load %arg12[%get3A_589] {strides = array<i32>} : memref<1536xi32, #tpu.memory_space<vmem>>, vector<16xi32>,
      %swap3A_591 = arith.constant 80 : index
      %swap3A_592 = tpu.vector_load %arg19[%swap3A_591] {strides = array<i32>} : memref<128xi32, #tpu.memory_space<vmem>>, vector<16xi32>,
      tpu.vector_store %arg19[%swap3A_591], %get3A_590 {strides = array<i32>} : memref<128xi32, #tpu.memory_space<vmem>>, vector<16xi32>,
      %get3A_593 = arith.constant 736 : index
      %get3A_594 = tpu.vector_load %arg12[%get3A_593] {strides = array<i32>} : memref<1536xi32, #tpu.memory_space<vmem>>, vector<16xi32>,
      %bitcast_convert_type3A_595 = tpu.bitcast %get3A_594 : vector<16xi32> -> vector<16xf32>
      %get3A_596 = arith.constant 96 : index
      %get3A_597 = tpu.vector_load %arg16[%get3A_596] {strides = array<i32>} : memref<128xf32, #tpu.memory_space<vmem>>, vector<16xf32>,
      %mul3A_598 = arith.mulf %get3A_597, %bitcast_convert_type3A_595 : vector<16xf32>
      %swap3A_599 = arith.constant 96 : index
      %swap3A_600 = tpu.vector_load %arg16[%swap3A_599] {strides = array<i32>} : memref<128xf32, #tpu.memory_space<vmem>>, vector<16xf32>,
      tpu.vector_store %arg16[%swap3A_599], %mul3A_598 {strides = array<i32>} : memref<128xf32, #tpu.memory_space<vmem>>, vector<16xf32>,
      %get3A_601 = arith.constant 608 : index
      %get3A_602 = tpu.vector_load %arg12[%get3A_601] {strides = array<i32>} : memref<1536xi32, #tpu.memory_space<vmem>>, vector<16xi32>,
      %swap3A_603 = arith.constant 96 : index
      %swap3A_604 = tpu.vector_load %arg19[%swap3A_603] {strides = array<i32>} : memref<128xi32, #tpu.memory_space<vmem>>, vector<16xi32>,
      tpu.vector_store %arg19[%swap3A_603], %get3A_602 {strides = array<i32>} : memref<128xi32, #tpu.memory_space<vmem>>, vector<16xi32>,
      %get3A_605 = arith.constant 752 : index
      %get3A_606 = tpu.vector_load %arg12[%get3A_605] {strides = array<i32>} : memref<1536xi32, #tpu.memory_space<vmem>>, vector<16xi32>,
      %bitcast_convert_type3A_607 = tpu.bitcast %get3A_606 : vector<16xi32> -> vector<16xf32>
      %get3A_608 = arith.constant 112 : index
      %get3A_609 = tpu.vector_load %arg16[%get3A_608] {strides = array<i32>} : memref<128xf32, #tpu.memory_space<vmem>>, vector<16xf32>,
      %mul3A_610 = arith.mulf %get3A_609, %bitcast_convert_type3A_607 : vector<16xf32>
      %swap3A_611 = arith.constant 112 : index
      %swap3A_612 = tpu.vector_load %arg16[%swap3A_611] {strides = array<i32>} : memref<128xf32, #tpu.memory_space<vmem>>, vector<16xf32>,
      tpu.vector_store %arg16[%swap3A_611], %mul3A_610 {strides = array<i32>} : memref<128xf32, #tpu.memory_space<vmem>>, vector<16xf32>,
      %get3A_613 = arith.constant 624 : index
      %get3A_614 = tpu.vector_load %arg12[%get3A_613] {strides = array<i32>} : memref<1536xi32, #tpu.memory_space<vmem>>, vector<16xi32>,
      %swap3A_615 = arith.constant 112 : index
      %swap3A_616 = tpu.vector_load %arg19[%swap3A_615] {strides = array<i32>} : memref<128xi32, #tpu.memory_space<vmem>>, vector<16xi32>,
      tpu.vector_store %arg19[%swap3A_615], %get3A_614 {strides = array<i32>} : memref<128xi32, #tpu.memory_space<vmem>>, vector<16xi32>,
      %scan3A_617 = arith.constant 0 : i32
      %scan3A_618 = arith.constant 0 : i32
      %scan3A_619 = arith.constant 128 : i32
      %scan3A_620 = arith.addi %scan3A_618, %scan3A_619 : i32
      %scan3A_621 = arith.constant 1 : i32
      %scan3A_622 = scf.for %scan3A_1023 = %scan3A_618 to %scan3A_620 step %scan3A_621 iter_args(%scan3A_1024 = %scan3A_617) -> (i32)  : i32 {
        %broadcast_in_dim3A = vector.broadcast %scan3A_1023 : i32 to vector<16xi32>
        %gather3A = tpu.vector_load_idx %arg16[%broadcast_in_dim3A] : memref<128xf32, #tpu.memory_space<vmem>>[vector<16xi32>], vector<16xf32>,
        %get3A_1025 = arith.index_cast %scan3A_1023 : i32 to index
        %get3A_1026 = arith.constant 0 : index
        %get3A_1027 = tpu.vector_load %arg14[%get3A_1025, %get3A_1026] {strides = array<i32>} : memref<128x128xf32, #tpu.memory_space<vmem>>, vector<16xf32>,
        %mul3A_1028 = arith.mulf %get3A_1027, %gather3A : vector<16xf32>
        %swap3A_1029 = arith.index_cast %scan3A_1023 : i32 to index
        %swap3A_1030 = arith.constant 0 : index
        %swap3A_1031 = tpu.vector_load %arg14[%swap3A_1029, %swap3A_1030] {strides = array<i32>} : memref<128x128xf32, #tpu.memory_space<vmem>>, vector<16xf32>,
        tpu.vector_store %arg14[%swap3A_1029, %swap3A_1030], %mul3A_1028 {strides = array<i32>} : memref<128x128xf32, #tpu.memory_space<vmem>>, vector<16xf32>,
        %get3A_1032 = arith.index_cast %scan3A_1023 : i32 to index
        %get3A_1033 = arith.constant 16 : index
        %get3A_1034 = tpu.vector_load %arg14[%get3A_1032, %get3A_1033] {strides = array<i32>} : memref<128x128xf32, #tpu.memory_space<vmem>>, vector<16xf32>,
        %mul3A_1035 = arith.mulf %get3A_1034, %gather3A : vector<16xf32>
        %swap3A_1036 = arith.index_cast %scan3A_1023 : i32 to index
        %swap3A_1037 = arith.constant 16 : index
        %swap3A_1038 = tpu.vector_load %arg14[%swap3A_1036, %swap3A_1037] {strides = array<i32>} : memref<128x128xf32, #tpu.memory_space<vmem>>, vector<16xf32>,
        tpu.vector_store %arg14[%swap3A_1036, %swap3A_1037], %mul3A_1035 {strides = array<i32>} : memref<128x128xf32, #tpu.memory_space<vmem>>, vector<16xf32>,
        %get3A_1039 = arith.index_cast %scan3A_1023 : i32 to index
        %get3A_1040 = arith.constant 32 : index
        %get3A_1041 = tpu.vector_load %arg14[%get3A_1039, %get3A_1040] {strides = array<i32>} : memref<128x128xf32, #tpu.memory_space<vmem>>, vector<16xf32>,
        %mul3A_1042 = arith.mulf %get3A_1041, %gather3A : vector<16xf32>
        %swap3A_1043 = arith.index_cast %scan3A_1023 : i32 to index
        %swap3A_1044 = arith.constant 32 : index
        %swap3A_1045 = tpu.vector_load %arg14[%swap3A_1043, %swap3A_1044] {strides = array<i32>} : memref<128x128xf32, #tpu.memory_space<vmem>>, vector<16xf32>,
        tpu.vector_store %arg14[%swap3A_1043, %swap3A_1044], %mul3A_1042 {strides = array<i32>} : memref<128x128xf32, #tpu.memory_space<vmem>>, vector<16xf32>,
        %get3A_1046 = arith.index_cast %scan3A_1023 : i32 to index
        %get3A_1047 = arith.constant 48 : index
        %get3A_1048 = tpu.vector_load %arg14[%get3A_1046, %get3A_1047] {strides = array<i32>} : memref<128x128xf32, #tpu.memory_space<vmem>>, vector<16xf32>,
        %mul3A_1049 = arith.mulf %get3A_1048, %gather3A : vector<16xf32>
        %swap3A_1050 = arith.index_cast %scan3A_1023 : i32 to index
        %swap3A_1051 = arith.constant 48 : index
        %swap3A_1052 = tpu.vector_load %arg14[%swap3A_1050, %swap3A_1051] {strides = array<i32>} : memref<128x128xf32, #tpu.memory_space<vmem>>, vector<16xf32>,
        tpu.vector_store %arg14[%swap3A_1050, %swap3A_1051], %mul3A_1049 {strides = array<i32>} : memref<128x128xf32, #tpu.memory_space<vmem>>, vector<16xf32>,
        %get3A_1053 = arith.index_cast %scan3A_1023 : i32 to index
        %get3A_1054 = arith.constant 64 : index
        %get3A_1055 = tpu.vector_load %arg14[%get3A_1053, %get3A_1054] {strides = array<i32>} : memref<128x128xf32, #tpu.memory_space<vmem>>, vector<16xf32>,
        %mul3A_1056 = arith.mulf %get3A_1055, %gather3A : vector<16xf32>
        %swap3A_1057 = arith.index_cast %scan3A_1023 : i32 to index
        %swap3A_1058 = arith.constant 64 : index
        %swap3A_1059 = tpu.vector_load %arg14[%swap3A_1057, %swap3A_1058] {strides = array<i32>} : memref<128x128xf32, #tpu.memory_space<vmem>>, vector<16xf32>,
        tpu.vector_store %arg14[%swap3A_1057, %swap3A_1058], %mul3A_1056 {strides = array<i32>} : memref<128x128xf32, #tpu.memory_space<vmem>>, vector<16xf32>,
        %get3A_1060 = arith.index_cast %scan3A_1023 : i32 to index
        %get3A_1061 = arith.constant 80 : index
        %get3A_1062 = tpu.vector_load %arg14[%get3A_1060, %get3A_1061] {strides = array<i32>} : memref<128x128xf32, #tpu.memory_space<vmem>>, vector<16xf32>,
        %mul3A_1063 = arith.mulf %get3A_1062, %gather3A : vector<16xf32>
        %swap3A_1064 = arith.index_cast %scan3A_1023 : i32 to index
        %swap3A_1065 = arith.constant 80 : index
        %swap3A_1066 = tpu.vector_load %arg14[%swap3A_1064, %swap3A_1065] {strides = array<i32>} : memref<128x128xf32, #tpu.memory_space<vmem>>, vector<16xf32>,
        tpu.vector_store %arg14[%swap3A_1064, %swap3A_1065], %mul3A_1063 {strides = array<i32>} : memref<128x128xf32, #tpu.memory_space<vmem>>, vector<16xf32>,
        %get3A_1067 = arith.index_cast %scan3A_1023 : i32 to index
        %get3A_1068 = arith.constant 96 : index
        %get3A_1069 = tpu.vector_load %arg14[%get3A_1067, %get3A_1068] {strides = array<i32>} : memref<128x128xf32, #tpu.memory_space<vmem>>, vector<16xf32>,
        %mul3A_1070 = arith.mulf %get3A_1069, %gather3A : vector<16xf32>
        %swap3A_1071 = arith.index_cast %scan3A_1023 : i32 to index
        %swap3A_1072 = arith.constant 96 : index
        %swap3A_1073 = tpu.vector_load %arg14[%swap3A_1071, %swap3A_1072] {strides = array<i32>} : memref<128x128xf32, #tpu.memory_space<vmem>>, vector<16xf32>,
        tpu.vector_store %arg14[%swap3A_1071, %swap3A_1072], %mul3A_1070 {strides = array<i32>} : memref<128x128xf32, #tpu.memory_space<vmem>>, vector<16xf32>,
        %get3A_1074 = arith.index_cast %scan3A_1023 : i32 to index
        %get3A_1075 = arith.constant 112 : index
        %get3A_1076 = tpu.vector_load %arg14[%get3A_1074, %get3A_1075] {strides = array<i32>} : memref<128x128xf32, #tpu.memory_space<vmem>>, vector<16xf32>,
        %mul3A_1077 = arith.mulf %get3A_1076, %gather3A : vector<16xf32>
        %swap3A_1078 = arith.index_cast %scan3A_1023 : i32 to index
        %swap3A_1079 = arith.constant 112 : index
        %swap3A_1080 = tpu.vector_load %arg14[%swap3A_1078, %swap3A_1079] {strides = array<i32>} : memref<128x128xf32, #tpu.memory_space<vmem>>, vector<16xf32>,
        tpu.vector_store %arg14[%swap3A_1078, %swap3A_1079], %mul3A_1077 {strides = array<i32>} : memref<128x128xf32, #tpu.memory_space<vmem>>, vector<16xf32>,
        %scan3A_1081 = arith.constant 0 : i32
        scf.yield %scan3A_1081 : i32
      }
      %scan3A_623 = arith.constant 128 : i32
      "tpu.region"() ({
        %run_scoped3A = tpu.sem_alloc : memref<!tpu.dma_semaphore, #tpu.memory_space<semaphore_mem>>
        %dma_start3A_1023 = arith.constant 0 : i32
        %dma_start3A_1024 = arith.constant 0 : i32
        %dma_start3A_1025 = tpu.memref_slice %arg11[%dma_start3A_1023, %dma_start3A_1024] : memref<10112x128xf32, #tpu.memory_space<vmem_shared>> -> memref<10112x128xf32, #tpu.memory_space<vmem_shared>>
        tpu.enqueue_indirect_dma source(%arg14 : memref<128x128xf32, #tpu.memory_space<vmem>>) target(%dma_start3A_1025 : memref<10112x128xf32, #tpu.memory_space<vmem_shared>>) offsets(%arg19 : memref<128xi32, #tpu.memory_space<vmem>>) semaphore(%run_scoped3A : memref<!tpu.dma_semaphore, #tpu.memory_space<semaphore_mem>>) {add = true}
        %dma_wait3A_1026 = arith.constant 0 : i32
        %dma_wait3A_1027 = arith.constant 0 : i32
        %dma_wait3A_1028 = tpu.memref_slice %arg11[%dma_wait3A_1026, %dma_wait3A_1027] : memref<10112x128xf32, #tpu.memory_space<vmem_shared>> -> memref<10112x128xf32, #tpu.memory_space<vmem_shared>>
        tpu.wait_indirect_dma semaphore(%run_scoped3A : memref<!tpu.dma_semaphore, #tpu.memory_space<semaphore_mem>>) src(%arg14 : memref<128x128xf32, #tpu.memory_space<vmem>>) dst(%dma_wait3A_1028 : memref<10112x128xf32, #tpu.memory_space<vmem_shared>>)
        tpu.yield
      }) : () -> ()
      %dma_wait3A_624 = arith.constant 1152 : i32
      %dma_wait3A_625 = tpu.memref_slice %arg12[%dma_wait3A_624] : memref<1536xi32, #tpu.memory_space<vmem>> -> memref<384xi32, #tpu.memory_space<vmem>>
      %dma_wait3A_626 = arith.constant 0 : i32
      %dma_wait3A_627 = tpu.memref_slice %arg6[%dma_wait3A_626] : memref<1032192xi32, #tpu.memory_space<hbm>> -> memref<384xi32, #tpu.memory_space<hbm>>
      %dma_wait3A_628 = arith.constant 1152 : i32
      %dma_wait3A_629 = tpu.memref_slice %arg12[%dma_wait3A_628] : memref<1536xi32, #tpu.memory_space<vmem>> -> memref<384xi32, #tpu.memory_space<vmem>>
      %dma_wait3A_630 = arith.constant 0 : i32
      %dma_wait3A_631 = tpu.memref_slice %arg6[%dma_wait3A_630] : memref<1032192xi32, #tpu.memory_space<hbm>> -> memref<384xi32, #tpu.memory_space<hbm>>
      tpu.wait_dma2 semaphore(%arg23 : memref<!tpu.dma_semaphore, #tpu.memory_space<semaphore_mem>>) src(%dma_wait3A_631 : memref<384xi32, #tpu.memory_space<hbm>>) dst(%dma_wait3A_629 : memref<384xi32, #tpu.memory_space<vmem>>)
      %get3A_632 = arith.constant 1152 : index
      %get3A_633 = tpu.vector_load %arg12[%get3A_632] {strides = array<i32>} : memref<1536xi32, #tpu.memory_space<vmem>>, vector<16xi32>,
      %swap3A_634 = arith.constant 0 : index
      %swap3A_635 = tpu.vector_load %arg18[%swap3A_634] {strides = array<i32>} : memref<128xi32, #tpu.memory_space<vmem>>, vector<16xi32>,
      tpu.vector_store %arg18[%swap3A_634], %get3A_633 {strides = array<i32>} : memref<128xi32, #tpu.memory_space<vmem>>, vector<16xi32>,
      %get3A_636 = arith.constant 1168 : index
      %get3A_637 = tpu.vector_load %arg12[%get3A_636] {strides = array<i32>} : memref<1536xi32, #tpu.memory_space<vmem>>, vector<16xi32>,
      %swap3A_638 = arith.constant 16 : index
      %swap3A_639 = tpu.vector_load %arg18[%swap3A_638] {strides = array<i32>} : memref<128xi32, #tpu.memory_space<vmem>>, vector<16xi32>,
      tpu.vector_store %arg18[%swap3A_638], %get3A_637 {strides = array<i32>} : memref<128xi32, #tpu.memory_space<vmem>>, vector<16xi32>,
      %get3A_640 = arith.constant 1184 : index
      %get3A_641 = tpu.vector_load %arg12[%get3A_640] {strides = array<i32>} : memref<1536xi32, #tpu.memory_space<vmem>>, vector<16xi32>,
      %swap3A_642 = arith.constant 32 : index
      %swap3A_643 = tpu.vector_load %arg18[%swap3A_642] {strides = array<i32>} : memref<128xi32, #tpu.memory_space<vmem>>, vector<16xi32>,
      tpu.vector_store %arg18[%swap3A_642], %get3A_641 {strides = array<i32>} : memref<128xi32, #tpu.memory_space<vmem>>, vector<16xi32>,
      %get3A_644 = arith.constant 1200 : index
      %get3A_645 = tpu.vector_load %arg12[%get3A_644] {strides = array<i32>} : memref<1536xi32, #tpu.memory_space<vmem>>, vector<16xi32>,
      %swap3A_646 = arith.constant 48 : index
      %swap3A_647 = tpu.vector_load %arg18[%swap3A_646] {strides = array<i32>} : memref<128xi32, #tpu.memory_space<vmem>>, vector<16xi32>,
      tpu.vector_store %arg18[%swap3A_646], %get3A_645 {strides = array<i32>} : memref<128xi32, #tpu.memory_space<vmem>>, vector<16xi32>,
      %get3A_648 = arith.constant 1216 : index
      %get3A_649 = tpu.vector_load %arg12[%get3A_648] {strides = array<i32>} : memref<1536xi32, #tpu.memory_space<vmem>>, vector<16xi32>,
      %swap3A_650 = arith.constant 64 : index
      %swap3A_651 = tpu.vector_load %arg18[%swap3A_650] {strides = array<i32>} : memref<128xi32, #tpu.memory_space<vmem>>, vector<16xi32>,
      tpu.vector_store %arg18[%swap3A_650], %get3A_649 {strides = array<i32>} : memref<128xi32, #tpu.memory_space<vmem>>, vector<16xi32>,
      %get3A_652 = arith.constant 1232 : index
      %get3A_653 = tpu.vector_load %arg12[%get3A_652] {strides = array<i32>} : memref<1536xi32, #tpu.memory_space<vmem>>, vector<16xi32>,
      %swap3A_654 = arith.constant 80 : index
      %swap3A_655 = tpu.vector_load %arg18[%swap3A_654] {strides = array<i32>} : memref<128xi32, #tpu.memory_space<vmem>>, vector<16xi32>,
      tpu.vector_store %arg18[%swap3A_654], %get3A_653 {strides = array<i32>} : memref<128xi32, #tpu.memory_space<vmem>>, vector<16xi32>,
      %get3A_656 = arith.constant 1248 : index
      %get3A_657 = tpu.vector_load %arg12[%get3A_656] {strides = array<i32>} : memref<1536xi32, #tpu.memory_space<vmem>>, vector<16xi32>,
      %swap3A_658 = arith.constant 96 : index
      %swap3A_659 = tpu.vector_load %arg18[%swap3A_658] {strides = array<i32>} : memref<128xi32, #tpu.memory_space<vmem>>, vector<16xi32>,
      tpu.vector_store %arg18[%swap3A_658], %get3A_657 {strides = array<i32>} : memref<128xi32, #tpu.memory_space<vmem>>, vector<16xi32>,
      %get3A_660 = arith.constant 1264 : index
      %get3A_661 = tpu.vector_load %arg12[%get3A_660] {strides = array<i32>} : memref<1536xi32, #tpu.memory_space<vmem>>, vector<16xi32>,
      %swap3A_662 = arith.constant 112 : index
      %swap3A_663 = tpu.vector_load %arg18[%swap3A_662] {strides = array<i32>} : memref<128xi32, #tpu.memory_space<vmem>>, vector<16xi32>,
      tpu.vector_store %arg18[%swap3A_662], %get3A_661 {strides = array<i32>} : memref<128xi32, #tpu.memory_space<vmem>>, vector<16xi32>,
      %dma_start3A_664 = arith.constant 0 : i32
      %dma_start3A_665 = arith.constant 0 : i32
      %dma_start3A_666 = tpu.memref_slice %arg2[%dma_start3A_664, %dma_start3A_665] : memref<10000x128xf32, #tpu.memory_space<hbm>> -> memref<10000x128xf32, #tpu.memory_space<hbm>>
      tpu.enqueue_indirect_dma source(%dma_start3A_666 : memref<10000x128xf32, #tpu.memory_space<hbm>>) target(%arg14 : memref<128x128xf32, #tpu.memory_space<vmem>>) offsets(%arg18 : memref<128xi32, #tpu.memory_space<vmem>>) semaphore(%arg25 : memref<!tpu.dma_semaphore, #tpu.memory_space<semaphore_mem>>)
      %dma_start3A_667 = arith.constant 0 : i32
      %dma_start3A_668 = tpu.memref_slice %arg4[%dma_start3A_667] : memref<10112xf32, #tpu.memory_space<hbm>> -> memref<10112xf32, #tpu.memory_space<hbm>>
      tpu.enqueue_indirect_dma source(%dma_start3A_668 : memref<10112xf32, #tpu.memory_space<hbm>>) target(%arg16 : memref<128xf32, #tpu.memory_space<vmem>>) offsets(%arg18 : memref<128xi32, #tpu.memory_space<vmem>>) semaphore(%arg27 : memref<!tpu.dma_semaphore, #tpu.memory_space<semaphore_mem>>)
      %add3A_669 = arith.constant 4 : i32
      %add3A_670 = arith.addi %add3A_515, %add3A_669 : i32
      %mul3A_671 = arith.constant 32 : i32
      %mul3A_672 = arith.muli %add3A_670, %mul3A_671 : i32
      %add3A_673 = arith.addi %add3A, %mul3A_672 : i32
      %mul3A_674 = arith.constant 384 : i32
      %mul3A_675 = arith.muli %add3A_673, %mul3A_674 : i32
      %dma_start3A_676 = arith.constant 384 : i32
      %dma_start3A_677 = tpu.memref_slice %arg12[%dma_start3A_676] : memref<1536xi32, #tpu.memory_space<vmem>> -> memref<384xi32, #tpu.memory_space<vmem>>
      %dma_start3A_678 = tpu.memref_slice %arg6[%mul3A_675] : memref<1032192xi32, #tpu.memory_space<hbm>> -> memref<384xi32, #tpu.memory_space<hbm>>
      %dma_start3A_679 = arith.constant 384 : i32
      %dma_start3A_680 = tpu.memref_slice %arg12[%dma_start3A_679] : memref<1536xi32, #tpu.memory_space<vmem>> -> memref<384xi32, #tpu.memory_space<vmem>>
      %dma_start3A_681 = tpu.memref_slice %arg6[%mul3A_675] : memref<1032192xi32, #tpu.memory_space<hbm>> -> memref<384xi32, #tpu.memory_space<hbm>>
      tpu.enqueue_dma source(%dma_start3A_681 : memref<384xi32, #tpu.memory_space<hbm>>) target(%dma_start3A_680 : memref<384xi32, #tpu.memory_space<vmem>>) target_semaphore(%arg21 : memref<!tpu.dma_semaphore, #tpu.memory_space<semaphore_mem>>)
      %mul3A_682 = arith.constant 4 : i32
      %mul3A_683 = arith.muli %mul3A_682, %scan3A_343 : i32
      %add3A_684 = arith.constant 2 : i32
      %add3A_685 = arith.addi %mul3A_683, %add3A_684 : i32
      %dma_wait3A_686 = arith.constant 0 : i32
      %dma_wait3A_687 = tpu.memref_slice %arg4[%dma_wait3A_686] : memref<10112xf32, #tpu.memory_space<hbm>> -> memref<10112xf32, #tpu.memory_space<hbm>>
      tpu.wait_indirect_dma semaphore(%arg26 : memref<!tpu.dma_semaphore, #tpu.memory_space<semaphore_mem>>) src(%dma_wait3A_687 : memref<10112xf32, #tpu.memory_space<hbm>>) dst(%arg15 : memref<128xf32, #tpu.memory_space<vmem>>)
      %dma_wait3A_688 = arith.constant 0 : i32
      %dma_wait3A_689 = arith.constant 0 : i32
      %dma_wait3A_690 = tpu.memref_slice %arg2[%dma_wait3A_688, %dma_wait3A_689] : memref<10000x128xf32, #tpu.memory_space<hbm>> -> memref<10000x128xf32, #tpu.memory_space<hbm>>
      tpu.wait_indirect_dma semaphore(%arg24 : memref<!tpu.dma_semaphore, #tpu.memory_space<semaphore_mem>>) src(%dma_wait3A_690 : memref<10000x128xf32, #tpu.memory_space<hbm>>) dst(%arg13 : memref<128x128xf32, #tpu.memory_space<vmem>>)
      %get3A_691 = arith.constant 1024 : index
      %get3A_692 = tpu.vector_load %arg12[%get3A_691] {strides = array<i32>} : memref<1536xi32, #tpu.memory_space<vmem>>, vector<16xi32>,
      %bitcast_convert_type3A_693 = tpu.bitcast %get3A_692 : vector<16xi32> -> vector<16xf32>
      %get3A_694 = arith.constant 0 : index
      %get3A_695 = tpu.vector_load %arg15[%get3A_694] {strides = array<i32>} : memref<128xf32, #tpu.memory_space<vmem>>, vector<16xf32>,
      %mul3A_696 = arith.mulf %get3A_695, %bitcast_convert_type3A_693 : vector<16xf32>
      %swap3A_697 = arith.constant 0 : index
      %swap3A_698 = tpu.vector_load %arg15[%swap3A_697] {strides = array<i32>} : memref<128xf32, #tpu.memory_space<vmem>>, vector<16xf32>,
      tpu.vector_store %arg15[%swap3A_697], %mul3A_696 {strides = array<i32>} : memref<128xf32, #tpu.memory_space<vmem>>, vector<16xf32>,
      %get3A_699 = arith.constant 896 : index
      %get3A_700 = tpu.vector_load %arg12[%get3A_699] {strides = array<i32>} : memref<1536xi32, #tpu.memory_space<vmem>>, vector<16xi32>,
      %swap3A_701 = arith.constant 0 : index
      %swap3A_702 = tpu.vector_load %arg19[%swap3A_701] {strides = array<i32>} : memref<128xi32, #tpu.memory_space<vmem>>, vector<16xi32>,
      tpu.vector_store %arg19[%swap3A_701], %get3A_700 {strides = array<i32>} : memref<128xi32, #tpu.memory_space<vmem>>, vector<16xi32>,
      %get3A_703 = arith.constant 1040 : index
      %get3A_704 = tpu.vector_load %arg12[%get3A_703] {strides = array<i32>} : memref<1536xi32, #tpu.memory_space<vmem>>, vector<16xi32>,
      %bitcast_convert_type3A_705 = tpu.bitcast %get3A_704 : vector<16xi32> -> vector<16xf32>
      %get3A_706 = arith.constant 16 : index
      %get3A_707 = tpu.vector_load %arg15[%get3A_706] {strides = array<i32>} : memref<128xf32, #tpu.memory_space<vmem>>, vector<16xf32>,
      %mul3A_708 = arith.mulf %get3A_707, %bitcast_convert_type3A_705 : vector<16xf32>
      %swap3A_709 = arith.constant 16 : index
      %swap3A_710 = tpu.vector_load %arg15[%swap3A_709] {strides = array<i32>} : memref<128xf32, #tpu.memory_space<vmem>>, vector<16xf32>,
      tpu.vector_store %arg15[%swap3A_709], %mul3A_708 {strides = array<i32>} : memref<128xf32, #tpu.memory_space<vmem>>, vector<16xf32>,
      %get3A_711 = arith.constant 912 : index
      %get3A_712 = tpu.vector_load %arg12[%get3A_711] {strides = array<i32>} : memref<1536xi32, #tpu.memory_space<vmem>>, vector<16xi32>,
      %swap3A_713 = arith.constant 16 : index
      %swap3A_714 = tpu.vector_load %arg19[%swap3A_713] {strides = array<i32>} : memref<128xi32, #tpu.memory_space<vmem>>, vector<16xi32>,
      tpu.vector_store %arg19[%swap3A_713], %get3A_712 {strides = array<i32>} : memref<128xi32, #tpu.memory_space<vmem>>, vector<16xi32>,
      %get3A_715 = arith.constant 1056 : index
      %get3A_716 = tpu.vector_load %arg12[%get3A_715] {strides = array<i32>} : memref<1536xi32, #tpu.memory_space<vmem>>, vector<16xi32>,
      %bitcast_convert_type3A_717 = tpu.bitcast %get3A_716 : vector<16xi32> -> vector<16xf32>
      %get3A_718 = arith.constant 32 : index
      %get3A_719 = tpu.vector_load %arg15[%get3A_718] {strides = array<i32>} : memref<128xf32, #tpu.memory_space<vmem>>, vector<16xf32>,
      %mul3A_720 = arith.mulf %get3A_719, %bitcast_convert_type3A_717 : vector<16xf32>
      %swap3A_721 = arith.constant 32 : index
      %swap3A_722 = tpu.vector_load %arg15[%swap3A_721] {strides = array<i32>} : memref<128xf32, #tpu.memory_space<vmem>>, vector<16xf32>,
      tpu.vector_store %arg15[%swap3A_721], %mul3A_720 {strides = array<i32>} : memref<128xf32, #tpu.memory_space<vmem>>, vector<16xf32>,
      %get3A_723 = arith.constant 928 : index
      %get3A_724 = tpu.vector_load %arg12[%get3A_723] {strides = array<i32>} : memref<1536xi32, #tpu.memory_space<vmem>>, vector<16xi32>,
      %swap3A_725 = arith.constant 32 : index
      %swap3A_726 = tpu.vector_load %arg19[%swap3A_725] {strides = array<i32>} : memref<128xi32, #tpu.memory_space<vmem>>, vector<16xi32>,
      tpu.vector_store %arg19[%swap3A_725], %get3A_724 {strides = array<i32>} : memref<128xi32, #tpu.memory_space<vmem>>, vector<16xi32>,
      %get3A_727 = arith.constant 1072 : index
      %get3A_728 = tpu.vector_load %arg12[%get3A_727] {strides = array<i32>} : memref<1536xi32, #tpu.memory_space<vmem>>, vector<16xi32>,
      %bitcast_convert_type3A_729 = tpu.bitcast %get3A_728 : vector<16xi32> -> vector<16xf32>
      %get3A_730 = arith.constant 48 : index
      %get3A_731 = tpu.vector_load %arg15[%get3A_730] {strides = array<i32>} : memref<128xf32, #tpu.memory_space<vmem>>, vector<16xf32>,
      %mul3A_732 = arith.mulf %get3A_731, %bitcast_convert_type3A_729 : vector<16xf32>
      %swap3A_733 = arith.constant 48 : index
      %swap3A_734 = tpu.vector_load %arg15[%swap3A_733] {strides = array<i32>} : memref<128xf32, #tpu.memory_space<vmem>>, vector<16xf32>,
      tpu.vector_store %arg15[%swap3A_733], %mul3A_732 {strides = array<i32>} : memref<128xf32, #tpu.memory_space<vmem>>, vector<16xf32>,
      %get3A_735 = arith.constant 944 : index
      %get3A_736 = tpu.vector_load %arg12[%get3A_735] {strides = array<i32>} : memref<1536xi32, #tpu.memory_space<vmem>>, vector<16xi32>,
      %swap3A_737 = arith.constant 48 : index
      %swap3A_738 = tpu.vector_load %arg19[%swap3A_737] {strides = array<i32>} : memref<128xi32, #tpu.memory_space<vmem>>, vector<16xi32>,
      tpu.vector_store %arg19[%swap3A_737], %get3A_736 {strides = array<i32>} : memref<128xi32, #tpu.memory_space<vmem>>, vector<16xi32>,
      %get3A_739 = arith.constant 1088 : index
      %get3A_740 = tpu.vector_load %arg12[%get3A_739] {strides = array<i32>} : memref<1536xi32, #tpu.memory_space<vmem>>, vector<16xi32>,
      %bitcast_convert_type3A_741 = tpu.bitcast %get3A_740 : vector<16xi32> -> vector<16xf32>
      %get3A_742 = arith.constant 64 : index
      %get3A_743 = tpu.vector_load %arg15[%get3A_742] {strides = array<i32>} : memref<128xf32, #tpu.memory_space<vmem>>, vector<16xf32>,
      %mul3A_744 = arith.mulf %get3A_743, %bitcast_convert_type3A_741 : vector<16xf32>
      %swap3A_745 = arith.constant 64 : index
      %swap3A_746 = tpu.vector_load %arg15[%swap3A_745] {strides = array<i32>} : memref<128xf32, #tpu.memory_space<vmem>>, vector<16xf32>,
      tpu.vector_store %arg15[%swap3A_745], %mul3A_744 {strides = array<i32>} : memref<128xf32, #tpu.memory_space<vmem>>, vector<16xf32>,
      %get3A_747 = arith.constant 960 : index
      %get3A_748 = tpu.vector_load %arg12[%get3A_747] {strides = array<i32>} : memref<1536xi32, #tpu.memory_space<vmem>>, vector<16xi32>,
      %swap3A_749 = arith.constant 64 : index
      %swap3A_750 = tpu.vector_load %arg19[%swap3A_749] {strides = array<i32>} : memref<128xi32, #tpu.memory_space<vmem>>, vector<16xi32>,
      tpu.vector_store %arg19[%swap3A_749], %get3A_748 {strides = array<i32>} : memref<128xi32, #tpu.memory_space<vmem>>, vector<16xi32>,
      %get3A_751 = arith.constant 1104 : index
      %get3A_752 = tpu.vector_load %arg12[%get3A_751] {strides = array<i32>} : memref<1536xi32, #tpu.memory_space<vmem>>, vector<16xi32>,
      %bitcast_convert_type3A_753 = tpu.bitcast %get3A_752 : vector<16xi32> -> vector<16xf32>
      %get3A_754 = arith.constant 80 : index
      %get3A_755 = tpu.vector_load %arg15[%get3A_754] {strides = array<i32>} : memref<128xf32, #tpu.memory_space<vmem>>, vector<16xf32>,
      %mul3A_756 = arith.mulf %get3A_755, %bitcast_convert_type3A_753 : vector<16xf32>
      %swap3A_757 = arith.constant 80 : index
      %swap3A_758 = tpu.vector_load %arg15[%swap3A_757] {strides = array<i32>} : memref<128xf32, #tpu.memory_space<vmem>>, vector<16xf32>,
      tpu.vector_store %arg15[%swap3A_757], %mul3A_756 {strides = array<i32>} : memref<128xf32, #tpu.memory_space<vmem>>, vector<16xf32>,
      %get3A_759 = arith.constant 976 : index
      %get3A_760 = tpu.vector_load %arg12[%get3A_759] {strides = array<i32>} : memref<1536xi32, #tpu.memory_space<vmem>>, vector<16xi32>,
      %swap3A_761 = arith.constant 80 : index
      %swap3A_762 = tpu.vector_load %arg19[%swap3A_761] {strides = array<i32>} : memref<128xi32, #tpu.memory_space<vmem>>, vector<16xi32>,
      tpu.vector_store %arg19[%swap3A_761], %get3A_760 {strides = array<i32>} : memref<128xi32, #tpu.memory_space<vmem>>, vector<16xi32>,
      %get3A_763 = arith.constant 1120 : index
      %get3A_764 = tpu.vector_load %arg12[%get3A_763] {strides = array<i32>} : memref<1536xi32, #tpu.memory_space<vmem>>, vector<16xi32>,
      %bitcast_convert_type3A_765 = tpu.bitcast %get3A_764 : vector<16xi32> -> vector<16xf32>
      %get3A_766 = arith.constant 96 : index
      %get3A_767 = tpu.vector_load %arg15[%get3A_766] {strides = array<i32>} : memref<128xf32, #tpu.memory_space<vmem>>, vector<16xf32>,
      %mul3A_768 = arith.mulf %get3A_767, %bitcast_convert_type3A_765 : vector<16xf32>
      %swap3A_769 = arith.constant 96 : index
      %swap3A_770 = tpu.vector_load %arg15[%swap3A_769] {strides = array<i32>} : memref<128xf32, #tpu.memory_space<vmem>>, vector<16xf32>,
      tpu.vector_store %arg15[%swap3A_769], %mul3A_768 {strides = array<i32>} : memref<128xf32, #tpu.memory_space<vmem>>, vector<16xf32>,
      %get3A_771 = arith.constant 992 : index
      %get3A_772 = tpu.vector_load %arg12[%get3A_771] {strides = array<i32>} : memref<1536xi32, #tpu.memory_space<vmem>>, vector<16xi32>,
      %swap3A_773 = arith.constant 96 : index
      %swap3A_774 = tpu.vector_load %arg19[%swap3A_773] {strides = array<i32>} : memref<128xi32, #tpu.memory_space<vmem>>, vector<16xi32>,
      tpu.vector_store %arg19[%swap3A_773], %get3A_772 {strides = array<i32>} : memref<128xi32, #tpu.memory_space<vmem>>, vector<16xi32>,
      %get3A_775 = arith.constant 1136 : index
      %get3A_776 = tpu.vector_load %arg12[%get3A_775] {strides = array<i32>} : memref<1536xi32, #tpu.memory_space<vmem>>, vector<16xi32>,
      %bitcast_convert_type3A_777 = tpu.bitcast %get3A_776 : vector<16xi32> -> vector<16xf32>
      %get3A_778 = arith.constant 112 : index
      %get3A_779 = tpu.vector_load %arg15[%get3A_778] {strides = array<i32>} : memref<128xf32, #tpu.memory_space<vmem>>, vector<16xf32>,
      %mul3A_780 = arith.mulf %get3A_779, %bitcast_convert_type3A_777 : vector<16xf32>
      %swap3A_781 = arith.constant 112 : index
      %swap3A_782 = tpu.vector_load %arg15[%swap3A_781] {strides = array<i32>} : memref<128xf32, #tpu.memory_space<vmem>>, vector<16xf32>,
      tpu.vector_store %arg15[%swap3A_781], %mul3A_780 {strides = array<i32>} : memref<128xf32, #tpu.memory_space<vmem>>, vector<16xf32>,
      %get3A_783 = arith.constant 1008 : index
      %get3A_784 = tpu.vector_load %arg12[%get3A_783] {strides = array<i32>} : memref<1536xi32, #tpu.memory_space<vmem>>, vector<16xi32>,
      %swap3A_785 = arith.constant 112 : index
      %swap3A_786 = tpu.vector_load %arg19[%swap3A_785] {strides = array<i32>} : memref<128xi32, #tpu.memory_space<vmem>>, vector<16xi32>,
      tpu.vector_store %arg19[%swap3A_785], %get3A_784 {strides = array<i32>} : memref<128xi32, #tpu.memory_space<vmem>>, vector<16xi32>,
      %scan3A_787 = arith.constant 0 : i32
      %scan3A_788 = arith.constant 0 : i32
      %scan3A_789 = arith.constant 128 : i32
      %scan3A_790 = arith.addi %scan3A_788, %scan3A_789 : i32
      %scan3A_791 = arith.constant 1 : i32
      %scan3A_792 = scf.for %scan3A_1023 = %scan3A_788 to %scan3A_790 step %scan3A_791 iter_args(%scan3A_1024 = %scan3A_787) -> (i32)  : i32 {
        %broadcast_in_dim3A = vector.broadcast %scan3A_1023 : i32 to vector<16xi32>
        %gather3A = tpu.vector_load_idx %arg15[%broadcast_in_dim3A] : memref<128xf32, #tpu.memory_space<vmem>>[vector<16xi32>], vector<16xf32>,
        %get3A_1025 = arith.index_cast %scan3A_1023 : i32 to index
        %get3A_1026 = arith.constant 0 : index
        %get3A_1027 = tpu.vector_load %arg13[%get3A_1025, %get3A_1026] {strides = array<i32>} : memref<128x128xf32, #tpu.memory_space<vmem>>, vector<16xf32>,
        %mul3A_1028 = arith.mulf %get3A_1027, %gather3A : vector<16xf32>
        %swap3A_1029 = arith.index_cast %scan3A_1023 : i32 to index
        %swap3A_1030 = arith.constant 0 : index
        %swap3A_1031 = tpu.vector_load %arg13[%swap3A_1029, %swap3A_1030] {strides = array<i32>} : memref<128x128xf32, #tpu.memory_space<vmem>>, vector<16xf32>,
        tpu.vector_store %arg13[%swap3A_1029, %swap3A_1030], %mul3A_1028 {strides = array<i32>} : memref<128x128xf32, #tpu.memory_space<vmem>>, vector<16xf32>,
        %get3A_1032 = arith.index_cast %scan3A_1023 : i32 to index
        %get3A_1033 = arith.constant 16 : index
        %get3A_1034 = tpu.vector_load %arg13[%get3A_1032, %get3A_1033] {strides = array<i32>} : memref<128x128xf32, #tpu.memory_space<vmem>>, vector<16xf32>,
        %mul3A_1035 = arith.mulf %get3A_1034, %gather3A : vector<16xf32>
        %swap3A_1036 = arith.index_cast %scan3A_1023 : i32 to index
        %swap3A_1037 = arith.constant 16 : index
        %swap3A_1038 = tpu.vector_load %arg13[%swap3A_1036, %swap3A_1037] {strides = array<i32>} : memref<128x128xf32, #tpu.memory_space<vmem>>, vector<16xf32>,
        tpu.vector_store %arg13[%swap3A_1036, %swap3A_1037], %mul3A_1035 {strides = array<i32>} : memref<128x128xf32, #tpu.memory_space<vmem>>, vector<16xf32>,
        %get3A_1039 = arith.index_cast %scan3A_1023 : i32 to index
        %get3A_1040 = arith.constant 32 : index
        %get3A_1041 = tpu.vector_load %arg13[%get3A_1039, %get3A_1040] {strides = array<i32>} : memref<128x128xf32, #tpu.memory_space<vmem>>, vector<16xf32>,
        %mul3A_1042 = arith.mulf %get3A_1041, %gather3A : vector<16xf32>
        %swap3A_1043 = arith.index_cast %scan3A_1023 : i32 to index
        %swap3A_1044 = arith.constant 32 : index
        %swap3A_1045 = tpu.vector_load %arg13[%swap3A_1043, %swap3A_1044] {strides = array<i32>} : memref<128x128xf32, #tpu.memory_space<vmem>>, vector<16xf32>,
        tpu.vector_store %arg13[%swap3A_1043, %swap3A_1044], %mul3A_1042 {strides = array<i32>} : memref<128x128xf32, #tpu.memory_space<vmem>>, vector<16xf32>,
        %get3A_1046 = arith.index_cast %scan3A_1023 : i32 to index
        %get3A_1047 = arith.constant 48 : index
        %get3A_1048 = tpu.vector_load %arg13[%get3A_1046, %get3A_1047] {strides = array<i32>} : memref<128x128xf32, #tpu.memory_space<vmem>>, vector<16xf32>,
        %mul3A_1049 = arith.mulf %get3A_1048, %gather3A : vector<16xf32>
        %swap3A_1050 = arith.index_cast %scan3A_1023 : i32 to index
        %swap3A_1051 = arith.constant 48 : index
        %swap3A_1052 = tpu.vector_load %arg13[%swap3A_1050, %swap3A_1051] {strides = array<i32>} : memref<128x128xf32, #tpu.memory_space<vmem>>, vector<16xf32>,
        tpu.vector_store %arg13[%swap3A_1050, %swap3A_1051], %mul3A_1049 {strides = array<i32>} : memref<128x128xf32, #tpu.memory_space<vmem>>, vector<16xf32>,
        %get3A_1053 = arith.index_cast %scan3A_1023 : i32 to index
        %get3A_1054 = arith.constant 64 : index
        %get3A_1055 = tpu.vector_load %arg13[%get3A_1053, %get3A_1054] {strides = array<i32>} : memref<128x128xf32, #tpu.memory_space<vmem>>, vector<16xf32>,
        %mul3A_1056 = arith.mulf %get3A_1055, %gather3A : vector<16xf32>
        %swap3A_1057 = arith.index_cast %scan3A_1023 : i32 to index
        %swap3A_1058 = arith.constant 64 : index
        %swap3A_1059 = tpu.vector_load %arg13[%swap3A_1057, %swap3A_1058] {strides = array<i32>} : memref<128x128xf32, #tpu.memory_space<vmem>>, vector<16xf32>,
        tpu.vector_store %arg13[%swap3A_1057, %swap3A_1058], %mul3A_1056 {strides = array<i32>} : memref<128x128xf32, #tpu.memory_space<vmem>>, vector<16xf32>,
        %get3A_1060 = arith.index_cast %scan3A_1023 : i32 to index
        %get3A_1061 = arith.constant 80 : index
        %get3A_1062 = tpu.vector_load %arg13[%get3A_1060, %get3A_1061] {strides = array<i32>} : memref<128x128xf32, #tpu.memory_space<vmem>>, vector<16xf32>,
        %mul3A_1063 = arith.mulf %get3A_1062, %gather3A : vector<16xf32>
        %swap3A_1064 = arith.index_cast %scan3A_1023 : i32 to index
        %swap3A_1065 = arith.constant 80 : index
        %swap3A_1066 = tpu.vector_load %arg13[%swap3A_1064, %swap3A_1065] {strides = array<i32>} : memref<128x128xf32, #tpu.memory_space<vmem>>, vector<16xf32>,
        tpu.vector_store %arg13[%swap3A_1064, %swap3A_1065], %mul3A_1063 {strides = array<i32>} : memref<128x128xf32, #tpu.memory_space<vmem>>, vector<16xf32>,
        %get3A_1067 = arith.index_cast %scan3A_1023 : i32 to index
        %get3A_1068 = arith.constant 96 : index
        %get3A_1069 = tpu.vector_load %arg13[%get3A_1067, %get3A_1068] {strides = array<i32>} : memref<128x128xf32, #tpu.memory_space<vmem>>, vector<16xf32>,
        %mul3A_1070 = arith.mulf %get3A_1069, %gather3A : vector<16xf32>
        %swap3A_1071 = arith.index_cast %scan3A_1023 : i32 to index
        %swap3A_1072 = arith.constant 96 : index
        %swap3A_1073 = tpu.vector_load %arg13[%swap3A_1071, %swap3A_1072] {strides = array<i32>} : memref<128x128xf32, #tpu.memory_space<vmem>>, vector<16xf32>,
        tpu.vector_store %arg13[%swap3A_1071, %swap3A_1072], %mul3A_1070 {strides = array<i32>} : memref<128x128xf32, #tpu.memory_space<vmem>>, vector<16xf32>,
        %get3A_1074 = arith.index_cast %scan3A_1023 : i32 to index
        %get3A_1075 = arith.constant 112 : index
        %get3A_1076 = tpu.vector_load %arg13[%get3A_1074, %get3A_1075] {strides = array<i32>} : memref<128x128xf32, #tpu.memory_space<vmem>>, vector<16xf32>,
        %mul3A_1077 = arith.mulf %get3A_1076, %gather3A : vector<16xf32>
        %swap3A_1078 = arith.index_cast %scan3A_1023 : i32 to index
        %swap3A_1079 = arith.constant 112 : index
        %swap3A_1080 = tpu.vector_load %arg13[%swap3A_1078, %swap3A_1079] {strides = array<i32>} : memref<128x128xf32, #tpu.memory_space<vmem>>, vector<16xf32>,
        tpu.vector_store %arg13[%swap3A_1078, %swap3A_1079], %mul3A_1077 {strides = array<i32>} : memref<128x128xf32, #tpu.memory_space<vmem>>, vector<16xf32>,
        %scan3A_1081 = arith.constant 0 : i32
        scf.yield %scan3A_1081 : i32
      }
      %scan3A_793 = arith.constant 128 : i32
      "tpu.region"() ({
        %run_scoped3A = tpu.sem_alloc : memref<!tpu.dma_semaphore, #tpu.memory_space<semaphore_mem>>
        %dma_start3A_1023 = arith.constant 0 : i32
        %dma_start3A_1024 = arith.constant 0 : i32
        %dma_start3A_1025 = tpu.memref_slice %arg11[%dma_start3A_1023, %dma_start3A_1024] : memref<10112x128xf32, #tpu.memory_space<vmem_shared>> -> memref<10112x128xf32, #tpu.memory_space<vmem_shared>>
        tpu.enqueue_indirect_dma source(%arg13 : memref<128x128xf32, #tpu.memory_space<vmem>>) target(%dma_start3A_1025 : memref<10112x128xf32, #tpu.memory_space<vmem_shared>>) offsets(%arg19 : memref<128xi32, #tpu.memory_space<vmem>>) semaphore(%run_scoped3A : memref<!tpu.dma_semaphore, #tpu.memory_space<semaphore_mem>>) {add = true}
        %dma_wait3A_1026 = arith.constant 0 : i32
        %dma_wait3A_1027 = arith.constant 0 : i32
        %dma_wait3A_1028 = tpu.memref_slice %arg11[%dma_wait3A_1026, %dma_wait3A_1027] : memref<10112x128xf32, #tpu.memory_space<vmem_shared>> -> memref<10112x128xf32, #tpu.memory_space<vmem_shared>>
        tpu.wait_indirect_dma semaphore(%run_scoped3A : memref<!tpu.dma_semaphore, #tpu.memory_space<semaphore_mem>>) src(%arg13 : memref<128x128xf32, #tpu.memory_space<vmem>>) dst(%dma_wait3A_1028 : memref<10112x128xf32, #tpu.memory_space<vmem_shared>>)
        tpu.yield
      }) : () -> ()
      %dma_wait3A_794 = arith.constant 0 : i32
      %dma_wait3A_795 = tpu.memref_slice %arg12[%dma_wait3A_794] : memref<1536xi32, #tpu.memory_space<vmem>> -> memref<384xi32, #tpu.memory_space<vmem>>
      %dma_wait3A_796 = arith.constant 0 : i32
      %dma_wait3A_797 = tpu.memref_slice %arg6[%dma_wait3A_796] : memref<1032192xi32, #tpu.memory_space<hbm>> -> memref<384xi32, #tpu.memory_space<hbm>>
      %dma_wait3A_798 = arith.constant 0 : i32
      %dma_wait3A_799 = tpu.memref_slice %arg12[%dma_wait3A_798] : memref<1536xi32, #tpu.memory_space<vmem>> -> memref<384xi32, #tpu.memory_space<vmem>>
      %dma_wait3A_800 = arith.constant 0 : i32
      %dma_wait3A_801 = tpu.memref_slice %arg6[%dma_wait3A_800] : memref<1032192xi32, #tpu.memory_space<hbm>> -> memref<384xi32, #tpu.memory_space<hbm>>
      tpu.wait_dma2 semaphore(%arg20 : memref<!tpu.dma_semaphore, #tpu.memory_space<semaphore_mem>>) src(%dma_wait3A_801 : memref<384xi32, #tpu.memory_space<hbm>>) dst(%dma_wait3A_799 : memref<384xi32, #tpu.memory_space<vmem>>)
      %get3A_802 = arith.constant 0 : index
      %get3A_803 = tpu.vector_load %arg12[%get3A_802] {strides = array<i32>} : memref<1536xi32, #tpu.memory_space<vmem>>, vector<16xi32>,
      %swap3A_804 = arith.constant 0 : index
      %swap3A_805 = tpu.vector_load %arg17[%swap3A_804] {strides = array<i32>} : memref<128xi32, #tpu.memory_space<vmem>>, vector<16xi32>,
      tpu.vector_store %arg17[%swap3A_804], %get3A_803 {strides = array<i32>} : memref<128xi32, #tpu.memory_space<vmem>>, vector<16xi32>,
      %get3A_806 = arith.constant 16 : index
      %get3A_807 = tpu.vector_load %arg12[%get3A_806] {strides = array<i32>} : memref<1536xi32, #tpu.memory_space<vmem>>, vector<16xi32>,
      %swap3A_808 = arith.constant 16 : index
      %swap3A_809 = tpu.vector_load %arg17[%swap3A_808] {strides = array<i32>} : memref<128xi32, #tpu.memory_space<vmem>>, vector<16xi32>,
      tpu.vector_store %arg17[%swap3A_808], %get3A_807 {strides = array<i32>} : memref<128xi32, #tpu.memory_space<vmem>>, vector<16xi32>,
      %get3A_810 = arith.constant 32 : index
      %get3A_811 = tpu.vector_load %arg12[%get3A_810] {strides = array<i32>} : memref<1536xi32, #tpu.memory_space<vmem>>, vector<16xi32>,
      %swap3A_812 = arith.constant 32 : index
      %swap3A_813 = tpu.vector_load %arg17[%swap3A_812] {strides = array<i32>} : memref<128xi32, #tpu.memory_space<vmem>>, vector<16xi32>,
      tpu.vector_store %arg17[%swap3A_812], %get3A_811 {strides = array<i32>} : memref<128xi32, #tpu.memory_space<vmem>>, vector<16xi32>,
      %get3A_814 = arith.constant 48 : index
      %get3A_815 = tpu.vector_load %arg12[%get3A_814] {strides = array<i32>} : memref<1536xi32, #tpu.memory_space<vmem>>, vector<16xi32>,
      %swap3A_816 = arith.constant 48 : index
      %swap3A_817 = tpu.vector_load %arg17[%swap3A_816] {strides = array<i32>} : memref<128xi32, #tpu.memory_space<vmem>>, vector<16xi32>,
      tpu.vector_store %arg17[%swap3A_816], %get3A_815 {strides = array<i32>} : memref<128xi32, #tpu.memory_space<vmem>>, vector<16xi32>,
      %get3A_818 = arith.constant 64 : index
      %get3A_819 = tpu.vector_load %arg12[%get3A_818] {strides = array<i32>} : memref<1536xi32, #tpu.memory_space<vmem>>, vector<16xi32>,
      %swap3A_820 = arith.constant 64 : index
      %swap3A_821 = tpu.vector_load %arg17[%swap3A_820] {strides = array<i32>} : memref<128xi32, #tpu.memory_space<vmem>>, vector<16xi32>,
      tpu.vector_store %arg17[%swap3A_820], %get3A_819 {strides = array<i32>} : memref<128xi32, #tpu.memory_space<vmem>>, vector<16xi32>,
      %get3A_822 = arith.constant 80 : index
      %get3A_823 = tpu.vector_load %arg12[%get3A_822] {strides = array<i32>} : memref<1536xi32, #tpu.memory_space<vmem>>, vector<16xi32>,
      %swap3A_824 = arith.constant 80 : index
      %swap3A_825 = tpu.vector_load %arg17[%swap3A_824] {strides = array<i32>} : memref<128xi32, #tpu.memory_space<vmem>>, vector<16xi32>,
      tpu.vector_store %arg17[%swap3A_824], %get3A_823 {strides = array<i32>} : memref<128xi32, #tpu.memory_space<vmem>>, vector<16xi32>,
      %get3A_826 = arith.constant 96 : index
      %get3A_827 = tpu.vector_load %arg12[%get3A_826] {strides = array<i32>} : memref<1536xi32, #tpu.memory_space<vmem>>, vector<16xi32>,
      %swap3A_828 = arith.constant 96 : index
      %swap3A_829 = tpu.vector_load %arg17[%swap3A_828] {strides = array<i32>} : memref<128xi32, #tpu.memory_space<vmem>>, vector<16xi32>,
      tpu.vector_store %arg17[%swap3A_828], %get3A_827 {strides = array<i32>} : memref<128xi32, #tpu.memory_space<vmem>>, vector<16xi32>,
      %get3A_830 = arith.constant 112 : index
      %get3A_831 = tpu.vector_load %arg12[%get3A_830] {strides = array<i32>} : memref<1536xi32, #tpu.memory_space<vmem>>, vector<16xi32>,
      %swap3A_832 = arith.constant 112 : index
      %swap3A_833 = tpu.vector_load %arg17[%swap3A_832] {strides = array<i32>} : memref<128xi32, #tpu.memory_space<vmem>>, vector<16xi32>,
      tpu.vector_store %arg17[%swap3A_832], %get3A_831 {strides = array<i32>} : memref<128xi32, #tpu.memory_space<vmem>>, vector<16xi32>,
      %dma_start3A_834 = arith.constant 0 : i32
      %dma_start3A_835 = arith.constant 0 : i32
      %dma_start3A_836 = tpu.memref_slice %arg2[%dma_start3A_834, %dma_start3A_835] : memref<10000x128xf32, #tpu.memory_space<hbm>> -> memref<10000x128xf32, #tpu.memory_space<hbm>>
      tpu.enqueue_indirect_dma source(%dma_start3A_836 : memref<10000x128xf32, #tpu.memory_space<hbm>>) target(%arg13 : memref<128x128xf32, #tpu.memory_space<vmem>>) offsets(%arg17 : memref<128xi32, #tpu.memory_space<vmem>>) semaphore(%arg24 : memref<!tpu.dma_semaphore, #tpu.memory_space<semaphore_mem>>)
      %dma_start3A_837 = arith.constant 0 : i32
      %dma_start3A_838 = tpu.memref_slice %arg4[%dma_start3A_837] : memref<10112xf32, #tpu.memory_space<hbm>> -> memref<10112xf32, #tpu.memory_space<hbm>>
      tpu.enqueue_indirect_dma source(%dma_start3A_838 : memref<10112xf32, #tpu.memory_space<hbm>>) target(%arg15 : memref<128xf32, #tpu.memory_space<vmem>>) offsets(%arg17 : memref<128xi32, #tpu.memory_space<vmem>>) semaphore(%arg26 : memref<!tpu.dma_semaphore, #tpu.memory_space<semaphore_mem>>)
      %add3A_839 = arith.constant 4 : i32
      %add3A_840 = arith.addi %add3A_685, %add3A_839 : i32
      %mul3A_841 = arith.constant 32 : i32
      %mul3A_842 = arith.muli %add3A_840, %mul3A_841 : i32
      %add3A_843 = arith.addi %add3A, %mul3A_842 : i32
      %mul3A_844 = arith.constant 384 : i32
      %mul3A_845 = arith.muli %add3A_843, %mul3A_844 : i32
      %dma_start3A_846 = arith.constant 768 : i32
      %dma_start3A_847 = tpu.memref_slice %arg12[%dma_start3A_846] : memref<1536xi32, #tpu.memory_space<vmem>> -> memref<384xi32, #tpu.memory_space<vmem>>
      %dma_start3A_848 = tpu.memref_slice %arg6[%mul3A_845] : memref<1032192xi32, #tpu.memory_space<hbm>> -> memref<384xi32, #tpu.memory_space<hbm>>
      %dma_start3A_849 = arith.constant 768 : i32
      %dma_start3A_850 = tpu.memref_slice %arg12[%dma_start3A_849] : memref<1536xi32, #tpu.memory_space<vmem>> -> memref<384xi32, #tpu.memory_space<vmem>>
      %dma_start3A_851 = tpu.memref_slice %arg6[%mul3A_845] : memref<1032192xi32, #tpu.memory_space<hbm>> -> memref<384xi32, #tpu.memory_space<hbm>>
      tpu.enqueue_dma source(%dma_start3A_851 : memref<384xi32, #tpu.memory_space<hbm>>) target(%dma_start3A_850 : memref<384xi32, #tpu.memory_space<vmem>>) target_semaphore(%arg22 : memref<!tpu.dma_semaphore, #tpu.memory_space<semaphore_mem>>)
      %mul3A_852 = arith.constant 4 : i32
      %mul3A_853 = arith.muli %mul3A_852, %scan3A_343 : i32
      %add3A_854 = arith.constant 3 : i32
      %add3A_855 = arith.addi %mul3A_853, %add3A_854 : i32
      %dma_wait3A_856 = arith.constant 0 : i32
      %dma_wait3A_857 = tpu.memref_slice %arg4[%dma_wait3A_856] : memref<10112xf32, #tpu.memory_space<hbm>> -> memref<10112xf32, #tpu.memory_space<hbm>>
      tpu.wait_indirect_dma semaphore(%arg27 : memref<!tpu.dma_semaphore, #tpu.memory_space<semaphore_mem>>) src(%dma_wait3A_857 : memref<10112xf32, #tpu.memory_space<hbm>>) dst(%arg16 : memref<128xf32, #tpu.memory_space<vmem>>)
      %dma_wait3A_858 = arith.constant 0 : i32
      %dma_wait3A_859 = arith.constant 0 : i32
      %dma_wait3A_860 = tpu.memref_slice %arg2[%dma_wait3A_858, %dma_wait3A_859] : memref<10000x128xf32, #tpu.memory_space<hbm>> -> memref<10000x128xf32, #tpu.memory_space<hbm>>
      tpu.wait_indirect_dma semaphore(%arg25 : memref<!tpu.dma_semaphore, #tpu.memory_space<semaphore_mem>>) src(%dma_wait3A_860 : memref<10000x128xf32, #tpu.memory_space<hbm>>) dst(%arg14 : memref<128x128xf32, #tpu.memory_space<vmem>>)
      %get3A_861 = arith.constant 1408 : index
      %get3A_862 = tpu.vector_load %arg12[%get3A_861] {strides = array<i32>} : memref<1536xi32, #tpu.memory_space<vmem>>, vector<16xi32>,
      %bitcast_convert_type3A_863 = tpu.bitcast %get3A_862 : vector<16xi32> -> vector<16xf32>
      %get3A_864 = arith.constant 0 : index
      %get3A_865 = tpu.vector_load %arg16[%get3A_864] {strides = array<i32>} : memref<128xf32, #tpu.memory_space<vmem>>, vector<16xf32>,
      %mul3A_866 = arith.mulf %get3A_865, %bitcast_convert_type3A_863 : vector<16xf32>
      %swap3A_867 = arith.constant 0 : index
      %swap3A_868 = tpu.vector_load %arg16[%swap3A_867] {strides = array<i32>} : memref<128xf32, #tpu.memory_space<vmem>>, vector<16xf32>,
      tpu.vector_store %arg16[%swap3A_867], %mul3A_866 {strides = array<i32>} : memref<128xf32, #tpu.memory_space<vmem>>, vector<16xf32>,
      %get3A_869 = arith.constant 1280 : index
      %get3A_870 = tpu.vector_load %arg12[%get3A_869] {strides = array<i32>} : memref<1536xi32, #tpu.memory_space<vmem>>, vector<16xi32>,
      %swap3A_871 = arith.constant 0 : index
      %swap3A_872 = tpu.vector_load %arg19[%swap3A_871] {strides = array<i32>} : memref<128xi32, #tpu.memory_space<vmem>>, vector<16xi32>,
      tpu.vector_store %arg19[%swap3A_871], %get3A_870 {strides = array<i32>} : memref<128xi32, #tpu.memory_space<vmem>>, vector<16xi32>,
      %get3A_873 = arith.constant 1424 : index
      %get3A_874 = tpu.vector_load %arg12[%get3A_873] {strides = array<i32>} : memref<1536xi32, #tpu.memory_space<vmem>>, vector<16xi32>,
      %bitcast_convert_type3A_875 = tpu.bitcast %get3A_874 : vector<16xi32> -> vector<16xf32>
      %get3A_876 = arith.constant 16 : index
      %get3A_877 = tpu.vector_load %arg16[%get3A_876] {strides = array<i32>} : memref<128xf32, #tpu.memory_space<vmem>>, vector<16xf32>,
      %mul3A_878 = arith.mulf %get3A_877, %bitcast_convert_type3A_875 : vector<16xf32>
      %swap3A_879 = arith.constant 16 : index
      %swap3A_880 = tpu.vector_load %arg16[%swap3A_879] {strides = array<i32>} : memref<128xf32, #tpu.memory_space<vmem>>, vector<16xf32>,
      tpu.vector_store %arg16[%swap3A_879], %mul3A_878 {strides = array<i32>} : memref<128xf32, #tpu.memory_space<vmem>>, vector<16xf32>,
      %get3A_881 = arith.constant 1296 : index
      %get3A_882 = tpu.vector_load %arg12[%get3A_881] {strides = array<i32>} : memref<1536xi32, #tpu.memory_space<vmem>>, vector<16xi32>,
      %swap3A_883 = arith.constant 16 : index
      %swap3A_884 = tpu.vector_load %arg19[%swap3A_883] {strides = array<i32>} : memref<128xi32, #tpu.memory_space<vmem>>, vector<16xi32>,
      tpu.vector_store %arg19[%swap3A_883], %get3A_882 {strides = array<i32>} : memref<128xi32, #tpu.memory_space<vmem>>, vector<16xi32>,
      %get3A_885 = arith.constant 1440 : index
      %get3A_886 = tpu.vector_load %arg12[%get3A_885] {strides = array<i32>} : memref<1536xi32, #tpu.memory_space<vmem>>, vector<16xi32>,
      %bitcast_convert_type3A_887 = tpu.bitcast %get3A_886 : vector<16xi32> -> vector<16xf32>
      %get3A_888 = arith.constant 32 : index
      %get3A_889 = tpu.vector_load %arg16[%get3A_888] {strides = array<i32>} : memref<128xf32, #tpu.memory_space<vmem>>, vector<16xf32>,
      %mul3A_890 = arith.mulf %get3A_889, %bitcast_convert_type3A_887 : vector<16xf32>
      %swap3A_891 = arith.constant 32 : index
      %swap3A_892 = tpu.vector_load %arg16[%swap3A_891] {strides = array<i32>} : memref<128xf32, #tpu.memory_space<vmem>>, vector<16xf32>,
      tpu.vector_store %arg16[%swap3A_891], %mul3A_890 {strides = array<i32>} : memref<128xf32, #tpu.memory_space<vmem>>, vector<16xf32>,
      %get3A_893 = arith.constant 1312 : index
      %get3A_894 = tpu.vector_load %arg12[%get3A_893] {strides = array<i32>} : memref<1536xi32, #tpu.memory_space<vmem>>, vector<16xi32>,
      %swap3A_895 = arith.constant 32 : index
      %swap3A_896 = tpu.vector_load %arg19[%swap3A_895] {strides = array<i32>} : memref<128xi32, #tpu.memory_space<vmem>>, vector<16xi32>,
      tpu.vector_store %arg19[%swap3A_895], %get3A_894 {strides = array<i32>} : memref<128xi32, #tpu.memory_space<vmem>>, vector<16xi32>,
      %get3A_897 = arith.constant 1456 : index
      %get3A_898 = tpu.vector_load %arg12[%get3A_897] {strides = array<i32>} : memref<1536xi32, #tpu.memory_space<vmem>>, vector<16xi32>,
      %bitcast_convert_type3A_899 = tpu.bitcast %get3A_898 : vector<16xi32> -> vector<16xf32>
      %get3A_900 = arith.constant 48 : index
      %get3A_901 = tpu.vector_load %arg16[%get3A_900] {strides = array<i32>} : memref<128xf32, #tpu.memory_space<vmem>>, vector<16xf32>,
      %mul3A_902 = arith.mulf %get3A_901, %bitcast_convert_type3A_899 : vector<16xf32>
      %swap3A_903 = arith.constant 48 : index
      %swap3A_904 = tpu.vector_load %arg16[%swap3A_903] {strides = array<i32>} : memref<128xf32, #tpu.memory_space<vmem>>, vector<16xf32>,
      tpu.vector_store %arg16[%swap3A_903], %mul3A_902 {strides = array<i32>} : memref<128xf32, #tpu.memory_space<vmem>>, vector<16xf32>,
      %get3A_905 = arith.constant 1328 : index
      %get3A_906 = tpu.vector_load %arg12[%get3A_905] {strides = array<i32>} : memref<1536xi32, #tpu.memory_space<vmem>>, vector<16xi32>,
      %swap3A_907 = arith.constant 48 : index
      %swap3A_908 = tpu.vector_load %arg19[%swap3A_907] {strides = array<i32>} : memref<128xi32, #tpu.memory_space<vmem>>, vector<16xi32>,
      tpu.vector_store %arg19[%swap3A_907], %get3A_906 {strides = array<i32>} : memref<128xi32, #tpu.memory_space<vmem>>, vector<16xi32>,
      %get3A_909 = arith.constant 1472 : index
      %get3A_910 = tpu.vector_load %arg12[%get3A_909] {strides = array<i32>} : memref<1536xi32, #tpu.memory_space<vmem>>, vector<16xi32>,
      %bitcast_convert_type3A_911 = tpu.bitcast %get3A_910 : vector<16xi32> -> vector<16xf32>
      %get3A_912 = arith.constant 64 : index
      %get3A_913 = tpu.vector_load %arg16[%get3A_912] {strides = array<i32>} : memref<128xf32, #tpu.memory_space<vmem>>, vector<16xf32>,
      %mul3A_914 = arith.mulf %get3A_913, %bitcast_convert_type3A_911 : vector<16xf32>
      %swap3A_915 = arith.constant 64 : index
      %swap3A_916 = tpu.vector_load %arg16[%swap3A_915] {strides = array<i32>} : memref<128xf32, #tpu.memory_space<vmem>>, vector<16xf32>,
      tpu.vector_store %arg16[%swap3A_915], %mul3A_914 {strides = array<i32>} : memref<128xf32, #tpu.memory_space<vmem>>, vector<16xf32>,
      %get3A_917 = arith.constant 1344 : index
      %get3A_918 = tpu.vector_load %arg12[%get3A_917] {strides = array<i32>} : memref<1536xi32, #tpu.memory_space<vmem>>, vector<16xi32>,
      %swap3A_919 = arith.constant 64 : index
      %swap3A_920 = tpu.vector_load %arg19[%swap3A_919] {strides = array<i32>} : memref<128xi32, #tpu.memory_space<vmem>>, vector<16xi32>,
      tpu.vector_store %arg19[%swap3A_919], %get3A_918 {strides = array<i32>} : memref<128xi32, #tpu.memory_space<vmem>>, vector<16xi32>,
      %get3A_921 = arith.constant 1488 : index
      %get3A_922 = tpu.vector_load %arg12[%get3A_921] {strides = array<i32>} : memref<1536xi32, #tpu.memory_space<vmem>>, vector<16xi32>,
      %bitcast_convert_type3A_923 = tpu.bitcast %get3A_922 : vector<16xi32> -> vector<16xf32>
      %get3A_924 = arith.constant 80 : index
      %get3A_925 = tpu.vector_load %arg16[%get3A_924] {strides = array<i32>} : memref<128xf32, #tpu.memory_space<vmem>>, vector<16xf32>,
      %mul3A_926 = arith.mulf %get3A_925, %bitcast_convert_type3A_923 : vector<16xf32>
      %swap3A_927 = arith.constant 80 : index
      %swap3A_928 = tpu.vector_load %arg16[%swap3A_927] {strides = array<i32>} : memref<128xf32, #tpu.memory_space<vmem>>, vector<16xf32>,
      tpu.vector_store %arg16[%swap3A_927], %mul3A_926 {strides = array<i32>} : memref<128xf32, #tpu.memory_space<vmem>>, vector<16xf32>,
      %get3A_929 = arith.constant 1360 : index
      %get3A_930 = tpu.vector_load %arg12[%get3A_929] {strides = array<i32>} : memref<1536xi32, #tpu.memory_space<vmem>>, vector<16xi32>,
      %swap3A_931 = arith.constant 80 : index
      %swap3A_932 = tpu.vector_load %arg19[%swap3A_931] {strides = array<i32>} : memref<128xi32, #tpu.memory_space<vmem>>, vector<16xi32>,
      tpu.vector_store %arg19[%swap3A_931], %get3A_930 {strides = array<i32>} : memref<128xi32, #tpu.memory_space<vmem>>, vector<16xi32>,
      %get3A_933 = arith.constant 1504 : index
      %get3A_934 = tpu.vector_load %arg12[%get3A_933] {strides = array<i32>} : memref<1536xi32, #tpu.memory_space<vmem>>, vector<16xi32>,
      %bitcast_convert_type3A_935 = tpu.bitcast %get3A_934 : vector<16xi32> -> vector<16xf32>
      %get3A_936 = arith.constant 96 : index
      %get3A_937 = tpu.vector_load %arg16[%get3A_936] {strides = array<i32>} : memref<128xf32, #tpu.memory_space<vmem>>, vector<16xf32>,
      %mul3A_938 = arith.mulf %get3A_937, %bitcast_convert_type3A_935 : vector<16xf32>
      %swap3A_939 = arith.constant 96 : index
      %swap3A_940 = tpu.vector_load %arg16[%swap3A_939] {strides = array<i32>} : memref<128xf32, #tpu.memory_space<vmem>>, vector<16xf32>,
      tpu.vector_store %arg16[%swap3A_939], %mul3A_938 {strides = array<i32>} : memref<128xf32, #tpu.memory_space<vmem>>, vector<16xf32>,
      %get3A_941 = arith.constant 1376 : index
      %get3A_942 = tpu.vector_load %arg12[%get3A_941] {strides = array<i32>} : memref<1536xi32, #tpu.memory_space<vmem>>, vector<16xi32>,
      %swap3A_943 = arith.constant 96 : index
      %swap3A_944 = tpu.vector_load %arg19[%swap3A_943] {strides = array<i32>} : memref<128xi32, #tpu.memory_space<vmem>>, vector<16xi32>,
      tpu.vector_store %arg19[%swap3A_943], %get3A_942 {strides = array<i32>} : memref<128xi32, #tpu.memory_space<vmem>>, vector<16xi32>,
      %get3A_945 = arith.constant 1520 : index
      %get3A_946 = tpu.vector_load %arg12[%get3A_945] {strides = array<i32>} : memref<1536xi32, #tpu.memory_space<vmem>>, vector<16xi32>,
      %bitcast_convert_type3A_947 = tpu.bitcast %get3A_946 : vector<16xi32> -> vector<16xf32>
      %get3A_948 = arith.constant 112 : index
      %get3A_949 = tpu.vector_load %arg16[%get3A_948] {strides = array<i32>} : memref<128xf32, #tpu.memory_space<vmem>>, vector<16xf32>,
      %mul3A_950 = arith.mulf %get3A_949, %bitcast_convert_type3A_947 : vector<16xf32>
      %swap3A_951 = arith.constant 112 : index
      %swap3A_952 = tpu.vector_load %arg16[%swap3A_951] {strides = array<i32>} : memref<128xf32, #tpu.memory_space<vmem>>, vector<16xf32>,
      tpu.vector_store %arg16[%swap3A_951], %mul3A_950 {strides = array<i32>} : memref<128xf32, #tpu.memory_space<vmem>>, vector<16xf32>,
      %get3A_953 = arith.constant 1392 : index
      %get3A_954 = tpu.vector_load %arg12[%get3A_953] {strides = array<i32>} : memref<1536xi32, #tpu.memory_space<vmem>>, vector<16xi32>,
      %swap3A_955 = arith.constant 112 : index
      %swap3A_956 = tpu.vector_load %arg19[%swap3A_955] {strides = array<i32>} : memref<128xi32, #tpu.memory_space<vmem>>, vector<16xi32>,
      tpu.vector_store %arg19[%swap3A_955], %get3A_954 {strides = array<i32>} : memref<128xi32, #tpu.memory_space<vmem>>, vector<16xi32>,
      %scan3A_957 = arith.constant 0 : i32
      %scan3A_958 = arith.constant 0 : i32
      %scan3A_959 = arith.constant 128 : i32
      %scan3A_960 = arith.addi %scan3A_958, %scan3A_959 : i32
      %scan3A_961 = arith.constant 1 : i32
      %scan3A_962 = scf.for %scan3A_1023 = %scan3A_958 to %scan3A_960 step %scan3A_961 iter_args(%scan3A_1024 = %scan3A_957) -> (i32)  : i32 {
        %broadcast_in_dim3A = vector.broadcast %scan3A_1023 : i32 to vector<16xi32>
        %gather3A = tpu.vector_load_idx %arg16[%broadcast_in_dim3A] : memref<128xf32, #tpu.memory_space<vmem>>[vector<16xi32>], vector<16xf32>,
        %get3A_1025 = arith.index_cast %scan3A_1023 : i32 to index
        %get3A_1026 = arith.constant 0 : index
        %get3A_1027 = tpu.vector_load %arg14[%get3A_1025, %get3A_1026] {strides = array<i32>} : memref<128x128xf32, #tpu.memory_space<vmem>>, vector<16xf32>,
        %mul3A_1028 = arith.mulf %get3A_1027, %gather3A : vector<16xf32>
        %swap3A_1029 = arith.index_cast %scan3A_1023 : i32 to index
        %swap3A_1030 = arith.constant 0 : index
        %swap3A_1031 = tpu.vector_load %arg14[%swap3A_1029, %swap3A_1030] {strides = array<i32>} : memref<128x128xf32, #tpu.memory_space<vmem>>, vector<16xf32>,
        tpu.vector_store %arg14[%swap3A_1029, %swap3A_1030], %mul3A_1028 {strides = array<i32>} : memref<128x128xf32, #tpu.memory_space<vmem>>, vector<16xf32>,
        %get3A_1032 = arith.index_cast %scan3A_1023 : i32 to index
        %get3A_1033 = arith.constant 16 : index
        %get3A_1034 = tpu.vector_load %arg14[%get3A_1032, %get3A_1033] {strides = array<i32>} : memref<128x128xf32, #tpu.memory_space<vmem>>, vector<16xf32>,
        %mul3A_1035 = arith.mulf %get3A_1034, %gather3A : vector<16xf32>
        %swap3A_1036 = arith.index_cast %scan3A_1023 : i32 to index
        %swap3A_1037 = arith.constant 16 : index
        %swap3A_1038 = tpu.vector_load %arg14[%swap3A_1036, %swap3A_1037] {strides = array<i32>} : memref<128x128xf32, #tpu.memory_space<vmem>>, vector<16xf32>,
        tpu.vector_store %arg14[%swap3A_1036, %swap3A_1037], %mul3A_1035 {strides = array<i32>} : memref<128x128xf32, #tpu.memory_space<vmem>>, vector<16xf32>,
        %get3A_1039 = arith.index_cast %scan3A_1023 : i32 to index
        %get3A_1040 = arith.constant 32 : index
        %get3A_1041 = tpu.vector_load %arg14[%get3A_1039, %get3A_1040] {strides = array<i32>} : memref<128x128xf32, #tpu.memory_space<vmem>>, vector<16xf32>,
        %mul3A_1042 = arith.mulf %get3A_1041, %gather3A : vector<16xf32>
        %swap3A_1043 = arith.index_cast %scan3A_1023 : i32 to index
        %swap3A_1044 = arith.constant 32 : index
        %swap3A_1045 = tpu.vector_load %arg14[%swap3A_1043, %swap3A_1044] {strides = array<i32>} : memref<128x128xf32, #tpu.memory_space<vmem>>, vector<16xf32>,
        tpu.vector_store %arg14[%swap3A_1043, %swap3A_1044], %mul3A_1042 {strides = array<i32>} : memref<128x128xf32, #tpu.memory_space<vmem>>, vector<16xf32>,
        %get3A_1046 = arith.index_cast %scan3A_1023 : i32 to index
        %get3A_1047 = arith.constant 48 : index
        %get3A_1048 = tpu.vector_load %arg14[%get3A_1046, %get3A_1047] {strides = array<i32>} : memref<128x128xf32, #tpu.memory_space<vmem>>, vector<16xf32>,
        %mul3A_1049 = arith.mulf %get3A_1048, %gather3A : vector<16xf32>
        %swap3A_1050 = arith.index_cast %scan3A_1023 : i32 to index
        %swap3A_1051 = arith.constant 48 : index
        %swap3A_1052 = tpu.vector_load %arg14[%swap3A_1050, %swap3A_1051] {strides = array<i32>} : memref<128x128xf32, #tpu.memory_space<vmem>>, vector<16xf32>,
        tpu.vector_store %arg14[%swap3A_1050, %swap3A_1051], %mul3A_1049 {strides = array<i32>} : memref<128x128xf32, #tpu.memory_space<vmem>>, vector<16xf32>,
        %get3A_1053 = arith.index_cast %scan3A_1023 : i32 to index
        %get3A_1054 = arith.constant 64 : index
        %get3A_1055 = tpu.vector_load %arg14[%get3A_1053, %get3A_1054] {strides = array<i32>} : memref<128x128xf32, #tpu.memory_space<vmem>>, vector<16xf32>,
        %mul3A_1056 = arith.mulf %get3A_1055, %gather3A : vector<16xf32>
        %swap3A_1057 = arith.index_cast %scan3A_1023 : i32 to index
        %swap3A_1058 = arith.constant 64 : index
        %swap3A_1059 = tpu.vector_load %arg14[%swap3A_1057, %swap3A_1058] {strides = array<i32>} : memref<128x128xf32, #tpu.memory_space<vmem>>, vector<16xf32>,
        tpu.vector_store %arg14[%swap3A_1057, %swap3A_1058], %mul3A_1056 {strides = array<i32>} : memref<128x128xf32, #tpu.memory_space<vmem>>, vector<16xf32>,
        %get3A_1060 = arith.index_cast %scan3A_1023 : i32 to index
        %get3A_1061 = arith.constant 80 : index
        %get3A_1062 = tpu.vector_load %arg14[%get3A_1060, %get3A_1061] {strides = array<i32>} : memref<128x128xf32, #tpu.memory_space<vmem>>, vector<16xf32>,
        %mul3A_1063 = arith.mulf %get3A_1062, %gather3A : vector<16xf32>
        %swap3A_1064 = arith.index_cast %scan3A_1023 : i32 to index
        %swap3A_1065 = arith.constant 80 : index
        %swap3A_1066 = tpu.vector_load %arg14[%swap3A_1064, %swap3A_1065] {strides = array<i32>} : memref<128x128xf32, #tpu.memory_space<vmem>>, vector<16xf32>,
        tpu.vector_store %arg14[%swap3A_1064, %swap3A_1065], %mul3A_1063 {strides = array<i32>} : memref<128x128xf32, #tpu.memory_space<vmem>>, vector<16xf32>,
        %get3A_1067 = arith.index_cast %scan3A_1023 : i32 to index
        %get3A_1068 = arith.constant 96 : index
        %get3A_1069 = tpu.vector_load %arg14[%get3A_1067, %get3A_1068] {strides = array<i32>} : memref<128x128xf32, #tpu.memory_space<vmem>>, vector<16xf32>,
        %mul3A_1070 = arith.mulf %get3A_1069, %gather3A : vector<16xf32>
        %swap3A_1071 = arith.index_cast %scan3A_1023 : i32 to index
        %swap3A_1072 = arith.constant 96 : index
        %swap3A_1073 = tpu.vector_load %arg14[%swap3A_1071, %swap3A_1072] {strides = array<i32>} : memref<128x128xf32, #tpu.memory_space<vmem>>, vector<16xf32>,
        tpu.vector_store %arg14[%swap3A_1071, %swap3A_1072], %mul3A_1070 {strides = array<i32>} : memref<128x128xf32, #tpu.memory_space<vmem>>, vector<16xf32>,
        %get3A_1074 = arith.index_cast %scan3A_1023 : i32 to index
        %get3A_1075 = arith.constant 112 : index
        %get3A_1076 = tpu.vector_load %arg14[%get3A_1074, %get3A_1075] {strides = array<i32>} : memref<128x128xf32, #tpu.memory_space<vmem>>, vector<16xf32>,
        %mul3A_1077 = arith.mulf %get3A_1076, %gather3A : vector<16xf32>
        %swap3A_1078 = arith.index_cast %scan3A_1023 : i32 to index
        %swap3A_1079 = arith.constant 112 : index
        %swap3A_1080 = tpu.vector_load %arg14[%swap3A_1078, %swap3A_1079] {strides = array<i32>} : memref<128x128xf32, #tpu.memory_space<vmem>>, vector<16xf32>,
        tpu.vector_store %arg14[%swap3A_1078, %swap3A_1079], %mul3A_1077 {strides = array<i32>} : memref<128x128xf32, #tpu.memory_space<vmem>>, vector<16xf32>,
        %scan3A_1081 = arith.constant 0 : i32
        scf.yield %scan3A_1081 : i32
      }
      %scan3A_963 = arith.constant 128 : i32
      "tpu.region"() ({
        %run_scoped3A = tpu.sem_alloc : memref<!tpu.dma_semaphore, #tpu.memory_space<semaphore_mem>>
        %dma_start3A_1023 = arith.constant 0 : i32
        %dma_start3A_1024 = arith.constant 0 : i32
        %dma_start3A_1025 = tpu.memref_slice %arg11[%dma_start3A_1023, %dma_start3A_1024] : memref<10112x128xf32, #tpu.memory_space<vmem_shared>> -> memref<10112x128xf32, #tpu.memory_space<vmem_shared>>
        tpu.enqueue_indirect_dma source(%arg14 : memref<128x128xf32, #tpu.memory_space<vmem>>) target(%dma_start3A_1025 : memref<10112x128xf32, #tpu.memory_space<vmem_shared>>) offsets(%arg19 : memref<128xi32, #tpu.memory_space<vmem>>) semaphore(%run_scoped3A : memref<!tpu.dma_semaphore, #tpu.memory_space<semaphore_mem>>) {add = true}
        %dma_wait3A_1026 = arith.constant 0 : i32
        %dma_wait3A_1027 = arith.constant 0 : i32
        %dma_wait3A_1028 = tpu.memref_slice %arg11[%dma_wait3A_1026, %dma_wait3A_1027] : memref<10112x128xf32, #tpu.memory_space<vmem_shared>> -> memref<10112x128xf32, #tpu.memory_space<vmem_shared>>
        tpu.wait_indirect_dma semaphore(%run_scoped3A : memref<!tpu.dma_semaphore, #tpu.memory_space<semaphore_mem>>) src(%arg14 : memref<128x128xf32, #tpu.memory_space<vmem>>) dst(%dma_wait3A_1028 : memref<10112x128xf32, #tpu.memory_space<vmem_shared>>)
        tpu.yield
      }) : () -> ()
      %dma_wait3A_964 = arith.constant 384 : i32
      %dma_wait3A_965 = tpu.memref_slice %arg12[%dma_wait3A_964] : memref<1536xi32, #tpu.memory_space<vmem>> -> memref<384xi32, #tpu.memory_space<vmem>>
      %dma_wait3A_966 = arith.constant 0 : i32
      %dma_wait3A_967 = tpu.memref_slice %arg6[%dma_wait3A_966] : memref<1032192xi32, #tpu.memory_space<hbm>> -> memref<384xi32, #tpu.memory_space<hbm>>
      %dma_wait3A_968 = arith.constant 384 : i32
      %dma_wait3A_969 = tpu.memref_slice %arg12[%dma_wait3A_968] : memref<1536xi32, #tpu.memory_space<vmem>> -> memref<384xi32, #tpu.memory_space<vmem>>
      %dma_wait3A_970 = arith.constant 0 : i32
      %dma_wait3A_971 = tpu.memref_slice %arg6[%dma_wait3A_970] : memref<1032192xi32, #tpu.memory_space<hbm>> -> memref<384xi32, #tpu.memory_space<hbm>>
      tpu.wait_dma2 semaphore(%arg21 : memref<!tpu.dma_semaphore, #tpu.memory_space<semaphore_mem>>) src(%dma_wait3A_971 : memref<384xi32, #tpu.memory_space<hbm>>) dst(%dma_wait3A_969 : memref<384xi32, #tpu.memory_space<vmem>>)
      %get3A_972 = arith.constant 384 : index
      %get3A_973 = tpu.vector_load %arg12[%get3A_972] {strides = array<i32>} : memref<1536xi32, #tpu.memory_space<vmem>>, vector<16xi32>,
      %swap3A_974 = arith.constant 0 : index
      %swap3A_975 = tpu.vector_load %arg18[%swap3A_974] {strides = array<i32>} : memref<128xi32, #tpu.memory_space<vmem>>, vector<16xi32>,
      tpu.vector_store %arg18[%swap3A_974], %get3A_973 {strides = array<i32>} : memref<128xi32, #tpu.memory_space<vmem>>, vector<16xi32>,
      %get3A_976 = arith.constant 400 : index
      %get3A_977 = tpu.vector_load %arg12[%get3A_976] {strides = array<i32>} : memref<1536xi32, #tpu.memory_space<vmem>>, vector<16xi32>,
      %swap3A_978 = arith.constant 16 : index
      %swap3A_979 = tpu.vector_load %arg18[%swap3A_978] {strides = array<i32>} : memref<128xi32, #tpu.memory_space<vmem>>, vector<16xi32>,
      tpu.vector_store %arg18[%swap3A_978], %get3A_977 {strides = array<i32>} : memref<128xi32, #tpu.memory_space<vmem>>, vector<16xi32>,
      %get3A_980 = arith.constant 416 : index
      %get3A_981 = tpu.vector_load %arg12[%get3A_980] {strides = array<i32>} : memref<1536xi32, #tpu.memory_space<vmem>>, vector<16xi32>,
      %swap3A_982 = arith.constant 32 : index
      %swap3A_983 = tpu.vector_load %arg18[%swap3A_982] {strides = array<i32>} : memref<128xi32, #tpu.memory_space<vmem>>, vector<16xi32>,
      tpu.vector_store %arg18[%swap3A_982], %get3A_981 {strides = array<i32>} : memref<128xi32, #tpu.memory_space<vmem>>, vector<16xi32>,
      %get3A_984 = arith.constant 432 : index
      %get3A_985 = tpu.vector_load %arg12[%get3A_984] {strides = array<i32>} : memref<1536xi32, #tpu.memory_space<vmem>>, vector<16xi32>,
      %swap3A_986 = arith.constant 48 : index
      %swap3A_987 = tpu.vector_load %arg18[%swap3A_986] {strides = array<i32>} : memref<128xi32, #tpu.memory_space<vmem>>, vector<16xi32>,
      tpu.vector_store %arg18[%swap3A_986], %get3A_985 {strides = array<i32>} : memref<128xi32, #tpu.memory_space<vmem>>, vector<16xi32>,
      %get3A_988 = arith.constant 448 : index
      %get3A_989 = tpu.vector_load %arg12[%get3A_988] {strides = array<i32>} : memref<1536xi32, #tpu.memory_space<vmem>>, vector<16xi32>,
      %swap3A_990 = arith.constant 64 : index
      %swap3A_991 = tpu.vector_load %arg18[%swap3A_990] {strides = array<i32>} : memref<128xi32, #tpu.memory_space<vmem>>, vector<16xi32>,
      tpu.vector_store %arg18[%swap3A_990], %get3A_989 {strides = array<i32>} : memref<128xi32, #tpu.memory_space<vmem>>, vector<16xi32>,
      %get3A_992 = arith.constant 464 : index
      %get3A_993 = tpu.vector_load %arg12[%get3A_992] {strides = array<i32>} : memref<1536xi32, #tpu.memory_space<vmem>>, vector<16xi32>,
      %swap3A_994 = arith.constant 80 : index
      %swap3A_995 = tpu.vector_load %arg18[%swap3A_994] {strides = array<i32>} : memref<128xi32, #tpu.memory_space<vmem>>, vector<16xi32>,
      tpu.vector_store %arg18[%swap3A_994], %get3A_993 {strides = array<i32>} : memref<128xi32, #tpu.memory_space<vmem>>, vector<16xi32>,
      %get3A_996 = arith.constant 480 : index
      %get3A_997 = tpu.vector_load %arg12[%get3A_996] {strides = array<i32>} : memref<1536xi32, #tpu.memory_space<vmem>>, vector<16xi32>,
      %swap3A_998 = arith.constant 96 : index
      %swap3A_999 = tpu.vector_load %arg18[%swap3A_998] {strides = array<i32>} : memref<128xi32, #tpu.memory_space<vmem>>, vector<16xi32>,
      tpu.vector_store %arg18[%swap3A_998], %get3A_997 {strides = array<i32>} : memref<128xi32, #tpu.memory_space<vmem>>, vector<16xi32>,
      %get3A_1000 = arith.constant 496 : index
      %get3A_1001 = tpu.vector_load %arg12[%get3A_1000] {strides = array<i32>} : memref<1536xi32, #tpu.memory_space<vmem>>, vector<16xi32>,
      %swap3A_1002 = arith.constant 112 : index
      %swap3A_1003 = tpu.vector_load %arg18[%swap3A_1002] {strides = array<i32>} : memref<128xi32, #tpu.memory_space<vmem>>, vector<16xi32>,
      tpu.vector_store %arg18[%swap3A_1002], %get3A_1001 {strides = array<i32>} : memref<128xi32, #tpu.memory_space<vmem>>, vector<16xi32>,
      %dma_start3A_1004 = arith.constant 0 : i32
      %dma_start3A_1005 = arith.constant 0 : i32
      %dma_start3A_1006 = tpu.memref_slice %arg2[%dma_start3A_1004, %dma_start3A_1005] : memref<10000x128xf32, #tpu.memory_space<hbm>> -> memref<10000x128xf32, #tpu.memory_space<hbm>>
      tpu.enqueue_indirect_dma source(%dma_start3A_1006 : memref<10000x128xf32, #tpu.memory_space<hbm>>) target(%arg14 : memref<128x128xf32, #tpu.memory_space<vmem>>) offsets(%arg18 : memref<128xi32, #tpu.memory_space<vmem>>) semaphore(%arg25 : memref<!tpu.dma_semaphore, #tpu.memory_space<semaphore_mem>>)
      %dma_start3A_1007 = arith.constant 0 : i32
      %dma_start3A_1008 = tpu.memref_slice %arg4[%dma_start3A_1007] : memref<10112xf32, #tpu.memory_space<hbm>> -> memref<10112xf32, #tpu.memory_space<hbm>>
      tpu.enqueue_indirect_dma source(%dma_start3A_1008 : memref<10112xf32, #tpu.memory_space<hbm>>) target(%arg16 : memref<128xf32, #tpu.memory_space<vmem>>) offsets(%arg18 : memref<128xi32, #tpu.memory_space<vmem>>) semaphore(%arg27 : memref<!tpu.dma_semaphore, #tpu.memory_space<semaphore_mem>>)
      %add3A_1009 = arith.constant 4 : i32
      %add3A_1010 = arith.addi %add3A_855, %add3A_1009 : i32
      %mul3A_1011 = arith.constant 32 : i32
      %mul3A_1012 = arith.muli %add3A_1010, %mul3A_1011 : i32
      %add3A_1013 = arith.addi %add3A, %mul3A_1012 : i32
      %mul3A_1014 = arith.constant 384 : i32
      %mul3A_1015 = arith.muli %add3A_1013, %mul3A_1014 : i32
      %dma_start3A_1016 = arith.constant 1152 : i32
      %dma_start3A_1017 = tpu.memref_slice %arg12[%dma_start3A_1016] : memref<1536xi32, #tpu.memory_space<vmem>> -> memref<384xi32, #tpu.memory_space<vmem>>
      %dma_start3A_1018 = tpu.memref_slice %arg6[%mul3A_1015] : memref<1032192xi32, #tpu.memory_space<hbm>> -> memref<384xi32, #tpu.memory_space<hbm>>
      %dma_start3A_1019 = arith.constant 1152 : i32
      %dma_start3A_1020 = tpu.memref_slice %arg12[%dma_start3A_1019] : memref<1536xi32, #tpu.memory_space<vmem>> -> memref<384xi32, #tpu.memory_space<vmem>>
      %dma_start3A_1021 = tpu.memref_slice %arg6[%mul3A_1015] : memref<1032192xi32, #tpu.memory_space<hbm>> -> memref<384xi32, #tpu.memory_space<hbm>>
      tpu.enqueue_dma source(%dma_start3A_1021 : memref<384xi32, #tpu.memory_space<hbm>>) target(%dma_start3A_1020 : memref<384xi32, #tpu.memory_space<vmem>>) target_semaphore(%arg23 : memref<!tpu.dma_semaphore, #tpu.memory_space<semaphore_mem>>)
      %scan3A_1022 = arith.constant 0 : i32
      scf.yield %scan3A_1022 : i32
    }
    %scan3A_136 = arith.constant 20 : i32
    %dma_wait3A_137 = arith.constant 768 : i32
    %dma_wait3A_138 = tpu.memref_slice %arg12[%dma_wait3A_137] : memref<1536xi32, #tpu.memory_space<vmem>> -> memref<384xi32, #tpu.memory_space<vmem>>
    %dma_wait3A_139 = arith.constant 0 : i32
    %dma_wait3A_140 = tpu.memref_slice %arg6[%dma_wait3A_139] : memref<1032192xi32, #tpu.memory_space<hbm>> -> memref<384xi32, #tpu.memory_space<hbm>>
    %dma_wait3A_141 = arith.constant 768 : i32
    %dma_wait3A_142 = tpu.memref_slice %arg12[%dma_wait3A_141] : memref<1536xi32, #tpu.memory_space<vmem>> -> memref<384xi32, #tpu.memory_space<vmem>>
    %dma_wait3A_143 = arith.constant 0 : i32
    %dma_wait3A_144 = tpu.memref_slice %arg6[%dma_wait3A_143] : memref<1032192xi32, #tpu.memory_space<hbm>> -> memref<384xi32, #tpu.memory_space<hbm>>
    tpu.wait_dma2 semaphore(%arg22 : memref<!tpu.dma_semaphore, #tpu.memory_space<semaphore_mem>>) src(%dma_wait3A_144 : memref<384xi32, #tpu.memory_space<hbm>>) dst(%dma_wait3A_142 : memref<384xi32, #tpu.memory_space<vmem>>)
    %dma_wait3A_145 = arith.constant 0 : i32
    %dma_wait3A_146 = arith.constant 0 : i32
    %dma_wait3A_147 = tpu.memref_slice %arg2[%dma_wait3A_145, %dma_wait3A_146] : memref<10000x128xf32, #tpu.memory_space<hbm>> -> memref<10000x128xf32, #tpu.memory_space<hbm>>
    tpu.wait_indirect_dma semaphore(%arg24 : memref<!tpu.dma_semaphore, #tpu.memory_space<semaphore_mem>>) src(%dma_wait3A_147 : memref<10000x128xf32, #tpu.memory_space<hbm>>) dst(%arg13 : memref<128x128xf32, #tpu.memory_space<vmem>>)
    %dma_wait3A_148 = arith.constant 0 : i32
    %dma_wait3A_149 = tpu.memref_slice %arg4[%dma_wait3A_148] : memref<10112xf32, #tpu.memory_space<hbm>> -> memref<10112xf32, #tpu.memory_space<hbm>>
    tpu.wait_indirect_dma semaphore(%arg26 : memref<!tpu.dma_semaphore, #tpu.memory_space<semaphore_mem>>) src(%dma_wait3A_149 : memref<10112xf32, #tpu.memory_space<hbm>>) dst(%arg15 : memref<128xf32, #tpu.memory_space<vmem>>)
    %dma_wait3A_150 = arith.constant 1152 : i32
    %dma_wait3A_151 = tpu.memref_slice %arg12[%dma_wait3A_150] : memref<1536xi32, #tpu.memory_space<vmem>> -> memref<384xi32, #tpu.memory_space<vmem>>
    %dma_wait3A_152 = arith.constant 0 : i32
    %dma_wait3A_153 = tpu.memref_slice %arg6[%dma_wait3A_152] : memref<1032192xi32, #tpu.memory_space<hbm>> -> memref<384xi32, #tpu.memory_space<hbm>>
    %dma_wait3A_154 = arith.constant 1152 : i32
    %dma_wait3A_155 = tpu.memref_slice %arg12[%dma_wait3A_154] : memref<1536xi32, #tpu.memory_space<vmem>> -> memref<384xi32, #tpu.memory_space<vmem>>
    %dma_wait3A_156 = arith.constant 0 : i32
    %dma_wait3A_157 = tpu.memref_slice %arg6[%dma_wait3A_156] : memref<1032192xi32, #tpu.memory_space<hbm>> -> memref<384xi32, #tpu.memory_space<hbm>>
    tpu.wait_dma2 semaphore(%arg23 : memref<!tpu.dma_semaphore, #tpu.memory_space<semaphore_mem>>) src(%dma_wait3A_157 : memref<384xi32, #tpu.memory_space<hbm>>) dst(%dma_wait3A_155 : memref<384xi32, #tpu.memory_space<vmem>>)
    %dma_wait3A_158 = arith.constant 0 : i32
    %dma_wait3A_159 = arith.constant 0 : i32
    %dma_wait3A_160 = tpu.memref_slice %arg2[%dma_wait3A_158, %dma_wait3A_159] : memref<10000x128xf32, #tpu.memory_space<hbm>> -> memref<10000x128xf32, #tpu.memory_space<hbm>>
    tpu.wait_indirect_dma semaphore(%arg25 : memref<!tpu.dma_semaphore, #tpu.memory_space<semaphore_mem>>) src(%dma_wait3A_160 : memref<10000x128xf32, #tpu.memory_space<hbm>>) dst(%arg14 : memref<128x128xf32, #tpu.memory_space<vmem>>)
    %dma_wait3A_161 = arith.constant 0 : i32
    %dma_wait3A_162 = tpu.memref_slice %arg4[%dma_wait3A_161] : memref<10112xf32, #tpu.memory_space<hbm>> -> memref<10112xf32, #tpu.memory_space<hbm>>
    tpu.wait_indirect_dma semaphore(%arg27 : memref<!tpu.dma_semaphore, #tpu.memory_space<semaphore_mem>>) src(%dma_wait3A_162 : memref<10112xf32, #tpu.memory_space<hbm>>) dst(%arg16 : memref<128xf32, #tpu.memory_space<vmem>>)
    %barrier3A_163 = arith.constant 0 : index
    tpu.barrier barrier_id(%barrier3A_163)
    %mul3A_164 = arith.constant 632 : i32
    %mul3A_165 = arith.muli %arg1, %mul3A_164 : i32
    %mul3A_166 = arith.constant 632 : i32
    %mul3A_167 = arith.muli %arg1, %mul3A_166 : i32
    "tpu.region"() ({
      %run_scoped3A = tpu.sem_alloc : memref<!tpu.dma_semaphore, #tpu.memory_space<semaphore_mem>>
      %dma_start3A_343 = arith.constant 0 : i32
      %dma_start3A_344 = tpu.memref_slice %arg9[%arg0, %mul3A_167, %dma_start3A_343] : memref<2x10112x128xf32, #tpu.memory_space<hbm>> -> memref<1x632x128xf32, #tpu.memory_space<hbm>>
      %dma_start3A_345 = tpu.memref_squeeze %dma_start3A_344 : memref<1x632x128xf32, #tpu.memory_space<hbm>> -> memref<632x128xf32, #tpu.memory_space<hbm>>
      %dma_start3A_346 = arith.constant 0 : i32
      %dma_start3A_347 = tpu.memref_slice %arg11[%mul3A_165, %dma_start3A_346] : memref<10112x128xf32, #tpu.memory_space<vmem_shared>> -> memref<632x128xf32, #tpu.memory_space<vmem_shared>>
      tpu.enqueue_dma source(%dma_start3A_347 : memref<632x128xf32, #tpu.memory_space<vmem_shared>>) target(%dma_start3A_345 : memref<632x128xf32, #tpu.memory_space<hbm>>) target_semaphore(%run_scoped3A : memref<!tpu.dma_semaphore, #tpu.memory_space<semaphore_mem>>)
      %dma_wait3A_348 = arith.constant 0 : i32
      %dma_wait3A_349 = tpu.memref_slice %arg9[%arg0, %mul3A_167, %dma_wait3A_348] : memref<2x10112x128xf32, #tpu.memory_space<hbm>> -> memref<1x632x128xf32, #tpu.memory_space<hbm>>
      %dma_wait3A_350 = tpu.memref_squeeze %dma_wait3A_349 : memref<1x632x128xf32, #tpu.memory_space<hbm>> -> memref<632x128xf32, #tpu.memory_space<hbm>>
      %dma_wait3A_351 = arith.constant 0 : i32
      %dma_wait3A_352 = tpu.memref_slice %arg11[%mul3A_165, %dma_wait3A_351] : memref<10112x128xf32, #tpu.memory_space<vmem_shared>> -> memref<632x128xf32, #tpu.memory_space<vmem_shared>>
      tpu.wait_dma2 semaphore(%run_scoped3A : memref<!tpu.dma_semaphore, #tpu.memory_space<semaphore_mem>>) src(%dma_wait3A_352 : memref<632x128xf32, #tpu.memory_space<vmem_shared>>) dst(%dma_wait3A_350 : memref<632x128xf32, #tpu.memory_space<hbm>>)
      tpu.yield
    }) : () -> ()
    %barrier3A_168 = arith.constant 0 : index
    tpu.barrier barrier_id(%barrier3A_168)
    %mul3A_169 = arith.constant 632 : i32
    %mul3A_170 = arith.muli %arg1, %mul3A_169 : i32
    %mul3A_171 = arith.constant 632 : i32
    %mul3A_172 = arith.muli %arg1, %mul3A_171 : i32
    "tpu.region"() ({
      %run_scoped3A = tpu.sem_alloc : memref<!tpu.dma_semaphore, #tpu.memory_space<semaphore_mem>>
      %dma_start3A_343 = arith.constant 0 : i32
      %dma_start3A_344 = tpu.memref_slice %arg11[%mul3A_172, %dma_start3A_343] : memref<10112x128xf32, #tpu.memory_space<vmem_shared>> -> memref<632x128xf32, #tpu.memory_space<vmem_shared>>
      %dma_start3A_345 = arith.constant 0 : i32
      %dma_start3A_346 = tpu.memref_slice %arg8[%mul3A_170, %dma_start3A_345] : memref<10112x128xf32, #tpu.memory_space<hbm>> -> memref<632x128xf32, #tpu.memory_space<hbm>>
      tpu.enqueue_dma source(%dma_start3A_346 : memref<632x128xf32, #tpu.memory_space<hbm>>) target(%dma_start3A_344 : memref<632x128xf32, #tpu.memory_space<vmem_shared>>) target_semaphore(%run_scoped3A : memref<!tpu.dma_semaphore, #tpu.memory_space<semaphore_mem>>)
      %dma_wait3A_347 = arith.constant 0 : i32
      %dma_wait3A_348 = tpu.memref_slice %arg11[%mul3A_172, %dma_wait3A_347] : memref<10112x128xf32, #tpu.memory_space<vmem_shared>> -> memref<632x128xf32, #tpu.memory_space<vmem_shared>>
      %dma_wait3A_349 = arith.constant 0 : i32
      %dma_wait3A_350 = tpu.memref_slice %arg8[%mul3A_170, %dma_wait3A_349] : memref<10112x128xf32, #tpu.memory_space<hbm>> -> memref<632x128xf32, #tpu.memory_space<hbm>>
      tpu.wait_dma2 semaphore(%run_scoped3A : memref<!tpu.dma_semaphore, #tpu.memory_space<semaphore_mem>>) src(%dma_wait3A_350 : memref<632x128xf32, #tpu.memory_space<hbm>>) dst(%dma_wait3A_348 : memref<632x128xf32, #tpu.memory_space<vmem_shared>>)
      tpu.yield
    }) : () -> ()
    %add3A_173 = arith.constant 0 : i32
    %add3A_174 = arith.addi %add3A, %add3A_173 : i32
    %mul3A_175 = arith.constant 384 : i32
    %mul3A_176 = arith.muli %add3A_174, %mul3A_175 : i32
    %dma_start3A_177 = arith.constant 0 : i32
    %dma_start3A_178 = tpu.memref_slice %arg12[%dma_start3A_177] : memref<1536xi32, #tpu.memory_space<vmem>> -> memref<384xi32, #tpu.memory_space<vmem>>
    %dma_start3A_179 = tpu.memref_slice %arg7[%mul3A_176] : memref<540672xi32, #tpu.memory_space<hbm>> -> memref<384xi32, #tpu.memory_space<hbm>>
    %dma_start3A_180 = arith.constant 0 : i32
    %dma_start3A_181 = tpu.memref_slice %arg12[%dma_start3A_180] : memref<1536xi32, #tpu.memory_space<vmem>> -> memref<384xi32, #tpu.memory_space<vmem>>
    %dma_start3A_182 = tpu.memref_slice %arg7[%mul3A_176] : memref<540672xi32, #tpu.memory_space<hbm>> -> memref<384xi32, #tpu.memory_space<hbm>>
    tpu.enqueue_dma source(%dma_start3A_182 : memref<384xi32, #tpu.memory_space<hbm>>) target(%dma_start3A_181 : memref<384xi32, #tpu.memory_space<vmem>>) target_semaphore(%arg20 : memref<!tpu.dma_semaphore, #tpu.memory_space<semaphore_mem>>)
    %add3A_183 = arith.constant 32 : i32
    %add3A_184 = arith.addi %add3A, %add3A_183 : i32
    %mul3A_185 = arith.constant 384 : i32
    %mul3A_186 = arith.muli %add3A_184, %mul3A_185 : i32
    %dma_start3A_187 = arith.constant 384 : i32
    %dma_start3A_188 = tpu.memref_slice %arg12[%dma_start3A_187] : memref<1536xi32, #tpu.memory_space<vmem>> -> memref<384xi32, #tpu.memory_space<vmem>>
    %dma_start3A_189 = tpu.memref_slice %arg7[%mul3A_186] : memref<540672xi32, #tpu.memory_space<hbm>> -> memref<384xi32, #tpu.memory_space<hbm>>
    %dma_start3A_190 = arith.constant 384 : i32
    %dma_start3A_191 = tpu.memref_slice %arg12[%dma_start3A_190] : memref<1536xi32, #tpu.memory_space<vmem>> -> memref<384xi32, #tpu.memory_space<vmem>>
    %dma_start3A_192 = tpu.memref_slice %arg7[%mul3A_186] : memref<540672xi32, #tpu.memory_space<hbm>> -> memref<384xi32, #tpu.memory_space<hbm>>
    tpu.enqueue_dma source(%dma_start3A_192 : memref<384xi32, #tpu.memory_space<hbm>>) target(%dma_start3A_191 : memref<384xi32, #tpu.memory_space<vmem>>) target_semaphore(%arg21 : memref<!tpu.dma_semaphore, #tpu.memory_space<semaphore_mem>>)
    %add3A_193 = arith.constant 64 : i32
    %add3A_194 = arith.addi %add3A, %add3A_193 : i32
    %mul3A_195 = arith.constant 384 : i32
    %mul3A_196 = arith.muli %add3A_194, %mul3A_195 : i32
    %dma_start3A_197 = arith.constant 768 : i32
    %dma_start3A_198 = tpu.memref_slice %arg12[%dma_start3A_197] : memref<1536xi32, #tpu.memory_space<vmem>> -> memref<384xi32, #tpu.memory_space<vmem>>
    %dma_start3A_199 = tpu.memref_slice %arg7[%mul3A_196] : memref<540672xi32, #tpu.memory_space<hbm>> -> memref<384xi32, #tpu.memory_space<hbm>>
    %dma_start3A_200 = arith.constant 768 : i32
    %dma_start3A_201 = tpu.memref_slice %arg12[%dma_start3A_200] : memref<1536xi32, #tpu.memory_space<vmem>> -> memref<384xi32, #tpu.memory_space<vmem>>
    %dma_start3A_202 = tpu.memref_slice %arg7[%mul3A_196] : memref<540672xi32, #tpu.memory_space<hbm>> -> memref<384xi32, #tpu.memory_space<hbm>>
    tpu.enqueue_dma source(%dma_start3A_202 : memref<384xi32, #tpu.memory_space<hbm>>) target(%dma_start3A_201 : memref<384xi32, #tpu.memory_space<vmem>>) target_semaphore(%arg22 : memref<!tpu.dma_semaphore, #tpu.memory_space<semaphore_mem>>)
    %add3A_203 = arith.constant 96 : i32
    %add3A_204 = arith.addi %add3A, %add3A_203 : i32
    %mul3A_205 = arith.constant 384 : i32
    %mul3A_206 = arith.muli %add3A_204, %mul3A_205 : i32
    %dma_start3A_207 = arith.constant 1152 : i32
    %dma_start3A_208 = tpu.memref_slice %arg12[%dma_start3A_207] : memref<1536xi32, #tpu.memory_space<vmem>> -> memref<384xi32, #tpu.memory_space<vmem>>
    %dma_start3A_209 = tpu.memref_slice %arg7[%mul3A_206] : memref<540672xi32, #tpu.memory_space<hbm>> -> memref<384xi32, #tpu.memory_space<hbm>>
    %dma_start3A_210 = arith.constant 1152 : i32
    %dma_start3A_211 = tpu.memref_slice %arg12[%dma_start3A_210] : memref<1536xi32, #tpu.memory_space<vmem>> -> memref<384xi32, #tpu.memory_space<vmem>>
    %dma_start3A_212 = tpu.memref_slice %arg7[%mul3A_206] : memref<540672xi32, #tpu.memory_space<hbm>> -> memref<384xi32, #tpu.memory_space<hbm>>
    tpu.enqueue_dma source(%dma_start3A_212 : memref<384xi32, #tpu.memory_space<hbm>>) target(%dma_start3A_211 : memref<384xi32, #tpu.memory_space<vmem>>) target_semaphore(%arg23 : memref<!tpu.dma_semaphore, #tpu.memory_space<semaphore_mem>>)
    %dma_wait3A_213 = arith.constant 0 : i32
    %dma_wait3A_214 = tpu.memref_slice %arg12[%dma_wait3A_213] : memref<1536xi32, #tpu.memory_space<vmem>> -> memref<384xi32, #tpu.memory_space<vmem>>
    %dma_wait3A_215 = arith.constant 0 : i32
    %dma_wait3A_216 = tpu.memref_slice %arg7[%dma_wait3A_215] : memref<540672xi32, #tpu.memory_space<hbm>> -> memref<384xi32, #tpu.memory_space<hbm>>
    %dma_wait3A_217 = arith.constant 0 : i32
    %dma_wait3A_218 = tpu.memref_slice %arg12[%dma_wait3A_217] : memref<1536xi32, #tpu.memory_space<vmem>> -> memref<384xi32, #tpu.memory_space<vmem>>
    %dma_wait3A_219 = arith.constant 0 : i32
    %dma_wait3A_220 = tpu.memref_slice %arg7[%dma_wait3A_219] : memref<540672xi32, #tpu.memory_space<hbm>> -> memref<384xi32, #tpu.memory_space<hbm>>
    tpu.wait_dma2 semaphore(%arg20 : memref<!tpu.dma_semaphore, #tpu.memory_space<semaphore_mem>>) src(%dma_wait3A_220 : memref<384xi32, #tpu.memory_space<hbm>>) dst(%dma_wait3A_218 : memref<384xi32, #tpu.memory_space<vmem>>)
    %get3A_221 = arith.constant 0 : index
    %get3A_222 = tpu.vector_load %arg12[%get3A_221] {strides = array<i32>} : memref<1536xi32, #tpu.memory_space<vmem>>, vector<16xi32>,
    %swap3A_223 = arith.constant 0 : index
    %swap3A_224 = tpu.vector_load %arg17[%swap3A_223] {strides = array<i32>} : memref<128xi32, #tpu.memory_space<vmem>>, vector<16xi32>,
    tpu.vector_store %arg17[%swap3A_223], %get3A_222 {strides = array<i32>} : memref<128xi32, #tpu.memory_space<vmem>>, vector<16xi32>,
    %get3A_225 = arith.constant 16 : index
    %get3A_226 = tpu.vector_load %arg12[%get3A_225] {strides = array<i32>} : memref<1536xi32, #tpu.memory_space<vmem>>, vector<16xi32>,
    %swap3A_227 = arith.constant 16 : index
    %swap3A_228 = tpu.vector_load %arg17[%swap3A_227] {strides = array<i32>} : memref<128xi32, #tpu.memory_space<vmem>>, vector<16xi32>,
    tpu.vector_store %arg17[%swap3A_227], %get3A_226 {strides = array<i32>} : memref<128xi32, #tpu.memory_space<vmem>>, vector<16xi32>,
    %get3A_229 = arith.constant 32 : index
    %get3A_230 = tpu.vector_load %arg12[%get3A_229] {strides = array<i32>} : memref<1536xi32, #tpu.memory_space<vmem>>, vector<16xi32>,
    %swap3A_231 = arith.constant 32 : index
    %swap3A_232 = tpu.vector_load %arg17[%swap3A_231] {strides = array<i32>} : memref<128xi32, #tpu.memory_space<vmem>>, vector<16xi32>,
    tpu.vector_store %arg17[%swap3A_231], %get3A_230 {strides = array<i32>} : memref<128xi32, #tpu.memory_space<vmem>>, vector<16xi32>,
    %get3A_233 = arith.constant 48 : index
    %get3A_234 = tpu.vector_load %arg12[%get3A_233] {strides = array<i32>} : memref<1536xi32, #tpu.memory_space<vmem>>, vector<16xi32>,
    %swap3A_235 = arith.constant 48 : index
    %swap3A_236 = tpu.vector_load %arg17[%swap3A_235] {strides = array<i32>} : memref<128xi32, #tpu.memory_space<vmem>>, vector<16xi32>,
    tpu.vector_store %arg17[%swap3A_235], %get3A_234 {strides = array<i32>} : memref<128xi32, #tpu.memory_space<vmem>>, vector<16xi32>,
    %get3A_237 = arith.constant 64 : index
    %get3A_238 = tpu.vector_load %arg12[%get3A_237] {strides = array<i32>} : memref<1536xi32, #tpu.memory_space<vmem>>, vector<16xi32>,
    %swap3A_239 = arith.constant 64 : index
    %swap3A_240 = tpu.vector_load %arg17[%swap3A_239] {strides = array<i32>} : memref<128xi32, #tpu.memory_space<vmem>>, vector<16xi32>,
    tpu.vector_store %arg17[%swap3A_239], %get3A_238 {strides = array<i32>} : memref<128xi32, #tpu.memory_space<vmem>>, vector<16xi32>,
    %get3A_241 = arith.constant 80 : index
    %get3A_242 = tpu.vector_load %arg12[%get3A_241] {strides = array<i32>} : memref<1536xi32, #tpu.memory_space<vmem>>, vector<16xi32>,
    %swap3A_243 = arith.constant 80 : index
    %swap3A_244 = tpu.vector_load %arg17[%swap3A_243] {strides = array<i32>} : memref<128xi32, #tpu.memory_space<vmem>>, vector<16xi32>,
    tpu.vector_store %arg17[%swap3A_243], %get3A_242 {strides = array<i32>} : memref<128xi32, #tpu.memory_space<vmem>>, vector<16xi32>,
    %get3A_245 = arith.constant 96 : index
    %get3A_246 = tpu.vector_load %arg12[%get3A_245] {strides = array<i32>} : memref<1536xi32, #tpu.memory_space<vmem>>, vector<16xi32>,
    %swap3A_247 = arith.constant 96 : index
    %swap3A_248 = tpu.vector_load %arg17[%swap3A_247] {strides = array<i32>} : memref<128xi32, #tpu.memory_space<vmem>>, vector<16xi32>,
    tpu.vector_store %arg17[%swap3A_247], %get3A_246 {strides = array<i32>} : memref<128xi32, #tpu.memory_space<vmem>>, vector<16xi32>,
    %get3A_249 = arith.constant 112 : index
    %get3A_250 = tpu.vector_load %arg12[%get3A_249] {strides = array<i32>} : memref<1536xi32, #tpu.memory_space<vmem>>, vector<16xi32>,
    %swap3A_251 = arith.constant 112 : index
    %swap3A_252 = tpu.vector_load %arg17[%swap3A_251] {strides = array<i32>} : memref<128xi32, #tpu.memory_space<vmem>>, vector<16xi32>,
    tpu.vector_store %arg17[%swap3A_251], %get3A_250 {strides = array<i32>} : memref<128xi32, #tpu.memory_space<vmem>>, vector<16xi32>,
    %dma_start3A_253 = arith.constant 0 : i32
    %dma_start3A_254 = arith.constant 0 : i32
    %dma_start3A_255 = tpu.memref_slice %arg3[%dma_start3A_253, %dma_start3A_254] : memref<10000x128xf32, #tpu.memory_space<hbm>> -> memref<10000x128xf32, #tpu.memory_space<hbm>>
    tpu.enqueue_indirect_dma source(%dma_start3A_255 : memref<10000x128xf32, #tpu.memory_space<hbm>>) target(%arg13 : memref<128x128xf32, #tpu.memory_space<vmem>>) offsets(%arg17 : memref<128xi32, #tpu.memory_space<vmem>>) semaphore(%arg24 : memref<!tpu.dma_semaphore, #tpu.memory_space<semaphore_mem>>)
    %dma_start3A_256 = arith.constant 0 : i32
    %dma_start3A_257 = tpu.memref_slice %arg5[%dma_start3A_256] : memref<10112xf32, #tpu.memory_space<hbm>> -> memref<10112xf32, #tpu.memory_space<hbm>>
    tpu.enqueue_indirect_dma source(%dma_start3A_257 : memref<10112xf32, #tpu.memory_space<hbm>>) target(%arg15 : memref<128xf32, #tpu.memory_space<vmem>>) offsets(%arg17 : memref<128xi32, #tpu.memory_space<vmem>>) semaphore(%arg26 : memref<!tpu.dma_semaphore, #tpu.memory_space<semaphore_mem>>)
    %dma_wait3A_258 = arith.constant 384 : i32
    %dma_wait3A_259 = tpu.memref_slice %arg12[%dma_wait3A_258] : memref<1536xi32, #tpu.memory_space<vmem>> -> memref<384xi32, #tpu.memory_space<vmem>>
    %dma_wait3A_260 = arith.constant 0 : i32
    %dma_wait3A_261 = tpu.memref_slice %arg7[%dma_wait3A_260] : memref<540672xi32, #tpu.memory_space<hbm>> -> memref<384xi32, #tpu.memory_space<hbm>>
    %dma_wait3A_262 = arith.constant 384 : i32
    %dma_wait3A_263 = tpu.memref_slice %arg12[%dma_wait3A_262] : memref<1536xi32, #tpu.memory_space<vmem>> -> memref<384xi32, #tpu.memory_space<vmem>>
    %dma_wait3A_264 = arith.constant 0 : i32
    %dma_wait3A_265 = tpu.memref_slice %arg7[%dma_wait3A_264] : memref<540672xi32, #tpu.memory_space<hbm>> -> memref<384xi32, #tpu.memory_space<hbm>>
    tpu.wait_dma2 semaphore(%arg21 : memref<!tpu.dma_semaphore, #tpu.memory_space<semaphore_mem>>) src(%dma_wait3A_265 : memref<384xi32, #tpu.memory_space<hbm>>) dst(%dma_wait3A_263 : memref<384xi32, #tpu.memory_space<vmem>>)
    %get3A_266 = arith.constant 384 : index
    %get3A_267 = tpu.vector_load %arg12[%get3A_266] {strides = array<i32>} : memref<1536xi32, #tpu.memory_space<vmem>>, vector<16xi32>,
    %swap3A_268 = arith.constant 0 : index
    %swap3A_269 = tpu.vector_load %arg18[%swap3A_268] {strides = array<i32>} : memref<128xi32, #tpu.memory_space<vmem>>, vector<16xi32>,
    tpu.vector_store %arg18[%swap3A_268], %get3A_267 {strides = array<i32>} : memref<128xi32, #tpu.memory_space<vmem>>, vector<16xi32>,
    %get3A_270 = arith.constant 400 : index
    %get3A_271 = tpu.vector_load %arg12[%get3A_270] {strides = array<i32>} : memref<1536xi32, #tpu.memory_space<vmem>>, vector<16xi32>,
    %swap3A_272 = arith.constant 16 : index
    %swap3A_273 = tpu.vector_load %arg18[%swap3A_272] {strides = array<i32>} : memref<128xi32, #tpu.memory_space<vmem>>, vector<16xi32>,
    tpu.vector_store %arg18[%swap3A_272], %get3A_271 {strides = array<i32>} : memref<128xi32, #tpu.memory_space<vmem>>, vector<16xi32>,
    %get3A_274 = arith.constant 416 : index
    %get3A_275 = tpu.vector_load %arg12[%get3A_274] {strides = array<i32>} : memref<1536xi32, #tpu.memory_space<vmem>>, vector<16xi32>,
    %swap3A_276 = arith.constant 32 : index
    %swap3A_277 = tpu.vector_load %arg18[%swap3A_276] {strides = array<i32>} : memref<128xi32, #tpu.memory_space<vmem>>, vector<16xi32>,
    tpu.vector_store %arg18[%swap3A_276], %get3A_275 {strides = array<i32>} : memref<128xi32, #tpu.memory_space<vmem>>, vector<16xi32>,
    %get3A_278 = arith.constant 432 : index
    %get3A_279 = tpu.vector_load %arg12[%get3A_278] {strides = array<i32>} : memref<1536xi32, #tpu.memory_space<vmem>>, vector<16xi32>,
    %swap3A_280 = arith.constant 48 : index
    %swap3A_281 = tpu.vector_load %arg18[%swap3A_280] {strides = array<i32>} : memref<128xi32, #tpu.memory_space<vmem>>, vector<16xi32>,
    tpu.vector_store %arg18[%swap3A_280], %get3A_279 {strides = array<i32>} : memref<128xi32, #tpu.memory_space<vmem>>, vector<16xi32>,
    %get3A_282 = arith.constant 448 : index
    %get3A_283 = tpu.vector_load %arg12[%get3A_282] {strides = array<i32>} : memref<1536xi32, #tpu.memory_space<vmem>>, vector<16xi32>,
    %swap3A_284 = arith.constant 64 : index
    %swap3A_285 = tpu.vector_load %arg18[%swap3A_284] {strides = array<i32>} : memref<128xi32, #tpu.memory_space<vmem>>, vector<16xi32>,
    tpu.vector_store %arg18[%swap3A_284], %get3A_283 {strides = array<i32>} : memref<128xi32, #tpu.memory_space<vmem>>, vector<16xi32>,
    %get3A_286 = arith.constant 464 : index
    %get3A_287 = tpu.vector_load %arg12[%get3A_286] {strides = array<i32>} : memref<1536xi32, #tpu.memory_space<vmem>>, vector<16xi32>,
    %swap3A_288 = arith.constant 80 : index
    %swap3A_289 = tpu.vector_load %arg18[%swap3A_288] {strides = array<i32>} : memref<128xi32, #tpu.memory_space<vmem>>, vector<16xi32>,
    tpu.vector_store %arg18[%swap3A_288], %get3A_287 {strides = array<i32>} : memref<128xi32, #tpu.memory_space<vmem>>, vector<16xi32>,
    %get3A_290 = arith.constant 480 : index
    %get3A_291 = tpu.vector_load %arg12[%get3A_290] {strides = array<i32>} : memref<1536xi32, #tpu.memory_space<vmem>>, vector<16xi32>,
    %swap3A_292 = arith.constant 96 : index
    %swap3A_293 = tpu.vector_load %arg18[%swap3A_292] {strides = array<i32>} : memref<128xi32, #tpu.memory_space<vmem>>, vector<16xi32>,
    tpu.vector_store %arg18[%swap3A_292], %get3A_291 {strides = array<i32>} : memref<128xi32, #tpu.memory_space<vmem>>, vector<16xi32>,
    %get3A_294 = arith.constant 496 : index
    %get3A_295 = tpu.vector_load %arg12[%get3A_294] {strides = array<i32>} : memref<1536xi32, #tpu.memory_space<vmem>>, vector<16xi32>,
    %swap3A_296 = arith.constant 112 : index
    %swap3A_297 = tpu.vector_load %arg18[%swap3A_296] {strides = array<i32>} : memref<128xi32, #tpu.memory_space<vmem>>, vector<16xi32>,
    tpu.vector_store %arg18[%swap3A_296], %get3A_295 {strides = array<i32>} : memref<128xi32, #tpu.memory_space<vmem>>, vector<16xi32>,
    %dma_start3A_298 = arith.constant 0 : i32
    %dma_start3A_299 = arith.constant 0 : i32
    %dma_start3A_300 = tpu.memref_slice %arg3[%dma_start3A_298, %dma_start3A_299] : memref<10000x128xf32, #tpu.memory_space<hbm>> -> memref<10000x128xf32, #tpu.memory_space<hbm>>
    tpu.enqueue_indirect_dma source(%dma_start3A_300 : memref<10000x128xf32, #tpu.memory_space<hbm>>) target(%arg14 : memref<128x128xf32, #tpu.memory_space<vmem>>) offsets(%arg18 : memref<128xi32, #tpu.memory_space<vmem>>) semaphore(%arg25 : memref<!tpu.dma_semaphore, #tpu.memory_space<semaphore_mem>>)
    %dma_start3A_301 = arith.constant 0 : i32
    %dma_start3A_302 = tpu.memref_slice %arg5[%dma_start3A_301] : memref<10112xf32, #tpu.memory_space<hbm>> -> memref<10112xf32, #tpu.memory_space<hbm>>
    tpu.enqueue_indirect_dma source(%dma_start3A_302 : memref<10112xf32, #tpu.memory_space<hbm>>) target(%arg16 : memref<128xf32, #tpu.memory_space<vmem>>) offsets(%arg18 : memref<128xi32, #tpu.memory_space<vmem>>) semaphore(%arg27 : memref<!tpu.dma_semaphore, #tpu.memory_space<semaphore_mem>>)
    %barrier3A_303 = arith.constant 0 : index
    tpu.barrier barrier_id(%barrier3A_303)
    %scan3A_304 = arith.constant 0 : i32
    %scan3A_305 = arith.constant 0 : i32
    %scan3A_306 = arith.constant 10 : i32
    %scan3A_307 = arith.addi %scan3A_305, %scan3A_306 : i32
    %scan3A_308 = arith.constant 1 : i32
    %scan3A_309 = scf.for %scan3A_343 = %scan3A_305 to %scan3A_307 step %scan3A_308 iter_args(%scan3A_344 = %scan3A_304) -> (i32)  : i32 {
      %mul3A_345 = arith.constant 4 : i32
      %mul3A_346 = arith.muli %mul3A_345, %scan3A_343 : i32
      %dma_wait3A_347 = arith.constant 0 : i32
      %dma_wait3A_348 = tpu.memref_slice %arg5[%dma_wait3A_347] : memref<10112xf32, #tpu.memory_space<hbm>> -> memref<10112xf32, #tpu.memory_space<hbm>>
      tpu.wait_indirect_dma semaphore(%arg26 : memref<!tpu.dma_semaphore, #tpu.memory_space<semaphore_mem>>) src(%dma_wait3A_348 : memref<10112xf32, #tpu.memory_space<hbm>>) dst(%arg15 : memref<128xf32, #tpu.memory_space<vmem>>)
      %dma_wait3A_349 = arith.constant 0 : i32
      %dma_wait3A_350 = arith.constant 0 : i32
      %dma_wait3A_351 = tpu.memref_slice %arg3[%dma_wait3A_349, %dma_wait3A_350] : memref<10000x128xf32, #tpu.memory_space<hbm>> -> memref<10000x128xf32, #tpu.memory_space<hbm>>
      tpu.wait_indirect_dma semaphore(%arg24 : memref<!tpu.dma_semaphore, #tpu.memory_space<semaphore_mem>>) src(%dma_wait3A_351 : memref<10000x128xf32, #tpu.memory_space<hbm>>) dst(%arg13 : memref<128x128xf32, #tpu.memory_space<vmem>>)
      %get3A_352 = arith.constant 256 : index
      %get3A_353 = tpu.vector_load %arg12[%get3A_352] {strides = array<i32>} : memref<1536xi32, #tpu.memory_space<vmem>>, vector<16xi32>,
      %bitcast_convert_type3A = tpu.bitcast %get3A_353 : vector<16xi32> -> vector<16xf32>
      %get3A_354 = arith.constant 0 : index
      %get3A_355 = tpu.vector_load %arg15[%get3A_354] {strides = array<i32>} : memref<128xf32, #tpu.memory_space<vmem>>, vector<16xf32>,
      %mul3A_356 = arith.mulf %get3A_355, %bitcast_convert_type3A : vector<16xf32>
      %swap3A_357 = arith.constant 0 : index
      %swap3A_358 = tpu.vector_load %arg15[%swap3A_357] {strides = array<i32>} : memref<128xf32, #tpu.memory_space<vmem>>, vector<16xf32>,
      tpu.vector_store %arg15[%swap3A_357], %mul3A_356 {strides = array<i32>} : memref<128xf32, #tpu.memory_space<vmem>>, vector<16xf32>,
      %get3A_359 = arith.constant 128 : index
      %get3A_360 = tpu.vector_load %arg12[%get3A_359] {strides = array<i32>} : memref<1536xi32, #tpu.memory_space<vmem>>, vector<16xi32>,
      %swap3A_361 = arith.constant 0 : index
      %swap3A_362 = tpu.vector_load %arg19[%swap3A_361] {strides = array<i32>} : memref<128xi32, #tpu.memory_space<vmem>>, vector<16xi32>,
      tpu.vector_store %arg19[%swap3A_361], %get3A_360 {strides = array<i32>} : memref<128xi32, #tpu.memory_space<vmem>>, vector<16xi32>,
      %get3A_363 = arith.constant 272 : index
      %get3A_364 = tpu.vector_load %arg12[%get3A_363] {strides = array<i32>} : memref<1536xi32, #tpu.memory_space<vmem>>, vector<16xi32>,
      %bitcast_convert_type3A_365 = tpu.bitcast %get3A_364 : vector<16xi32> -> vector<16xf32>
      %get3A_366 = arith.constant 16 : index
      %get3A_367 = tpu.vector_load %arg15[%get3A_366] {strides = array<i32>} : memref<128xf32, #tpu.memory_space<vmem>>, vector<16xf32>,
      %mul3A_368 = arith.mulf %get3A_367, %bitcast_convert_type3A_365 : vector<16xf32>
      %swap3A_369 = arith.constant 16 : index
      %swap3A_370 = tpu.vector_load %arg15[%swap3A_369] {strides = array<i32>} : memref<128xf32, #tpu.memory_space<vmem>>, vector<16xf32>,
      tpu.vector_store %arg15[%swap3A_369], %mul3A_368 {strides = array<i32>} : memref<128xf32, #tpu.memory_space<vmem>>, vector<16xf32>,
      %get3A_371 = arith.constant 144 : index
      %get3A_372 = tpu.vector_load %arg12[%get3A_371] {strides = array<i32>} : memref<1536xi32, #tpu.memory_space<vmem>>, vector<16xi32>,
      %swap3A_373 = arith.constant 16 : index
      %swap3A_374 = tpu.vector_load %arg19[%swap3A_373] {strides = array<i32>} : memref<128xi32, #tpu.memory_space<vmem>>, vector<16xi32>,
      tpu.vector_store %arg19[%swap3A_373], %get3A_372 {strides = array<i32>} : memref<128xi32, #tpu.memory_space<vmem>>, vector<16xi32>,
      %get3A_375 = arith.constant 288 : index
      %get3A_376 = tpu.vector_load %arg12[%get3A_375] {strides = array<i32>} : memref<1536xi32, #tpu.memory_space<vmem>>, vector<16xi32>,
      %bitcast_convert_type3A_377 = tpu.bitcast %get3A_376 : vector<16xi32> -> vector<16xf32>
      %get3A_378 = arith.constant 32 : index
      %get3A_379 = tpu.vector_load %arg15[%get3A_378] {strides = array<i32>} : memref<128xf32, #tpu.memory_space<vmem>>, vector<16xf32>,
      %mul3A_380 = arith.mulf %get3A_379, %bitcast_convert_type3A_377 : vector<16xf32>
      %swap3A_381 = arith.constant 32 : index
      %swap3A_382 = tpu.vector_load %arg15[%swap3A_381] {strides = array<i32>} : memref<128xf32, #tpu.memory_space<vmem>>, vector<16xf32>,
      tpu.vector_store %arg15[%swap3A_381], %mul3A_380 {strides = array<i32>} : memref<128xf32, #tpu.memory_space<vmem>>, vector<16xf32>,
      %get3A_383 = arith.constant 160 : index
      %get3A_384 = tpu.vector_load %arg12[%get3A_383] {strides = array<i32>} : memref<1536xi32, #tpu.memory_space<vmem>>, vector<16xi32>,
      %swap3A_385 = arith.constant 32 : index
      %swap3A_386 = tpu.vector_load %arg19[%swap3A_385] {strides = array<i32>} : memref<128xi32, #tpu.memory_space<vmem>>, vector<16xi32>,
      tpu.vector_store %arg19[%swap3A_385], %get3A_384 {strides = array<i32>} : memref<128xi32, #tpu.memory_space<vmem>>, vector<16xi32>,
      %get3A_387 = arith.constant 304 : index
      %get3A_388 = tpu.vector_load %arg12[%get3A_387] {strides = array<i32>} : memref<1536xi32, #tpu.memory_space<vmem>>, vector<16xi32>,
      %bitcast_convert_type3A_389 = tpu.bitcast %get3A_388 : vector<16xi32> -> vector<16xf32>
      %get3A_390 = arith.constant 48 : index
      %get3A_391 = tpu.vector_load %arg15[%get3A_390] {strides = array<i32>} : memref<128xf32, #tpu.memory_space<vmem>>, vector<16xf32>,
      %mul3A_392 = arith.mulf %get3A_391, %bitcast_convert_type3A_389 : vector<16xf32>
      %swap3A_393 = arith.constant 48 : index
      %swap3A_394 = tpu.vector_load %arg15[%swap3A_393] {strides = array<i32>} : memref<128xf32, #tpu.memory_space<vmem>>, vector<16xf32>,
      tpu.vector_store %arg15[%swap3A_393], %mul3A_392 {strides = array<i32>} : memref<128xf32, #tpu.memory_space<vmem>>, vector<16xf32>,
      %get3A_395 = arith.constant 176 : index
      %get3A_396 = tpu.vector_load %arg12[%get3A_395] {strides = array<i32>} : memref<1536xi32, #tpu.memory_space<vmem>>, vector<16xi32>,
      %swap3A_397 = arith.constant 48 : index
      %swap3A_398 = tpu.vector_load %arg19[%swap3A_397] {strides = array<i32>} : memref<128xi32, #tpu.memory_space<vmem>>, vector<16xi32>,
      tpu.vector_store %arg19[%swap3A_397], %get3A_396 {strides = array<i32>} : memref<128xi32, #tpu.memory_space<vmem>>, vector<16xi32>,
      %get3A_399 = arith.constant 320 : index
      %get3A_400 = tpu.vector_load %arg12[%get3A_399] {strides = array<i32>} : memref<1536xi32, #tpu.memory_space<vmem>>, vector<16xi32>,
      %bitcast_convert_type3A_401 = tpu.bitcast %get3A_400 : vector<16xi32> -> vector<16xf32>
      %get3A_402 = arith.constant 64 : index
      %get3A_403 = tpu.vector_load %arg15[%get3A_402] {strides = array<i32>} : memref<128xf32, #tpu.memory_space<vmem>>, vector<16xf32>,
      %mul3A_404 = arith.mulf %get3A_403, %bitcast_convert_type3A_401 : vector<16xf32>
      %swap3A_405 = arith.constant 64 : index
      %swap3A_406 = tpu.vector_load %arg15[%swap3A_405] {strides = array<i32>} : memref<128xf32, #tpu.memory_space<vmem>>, vector<16xf32>,
      tpu.vector_store %arg15[%swap3A_405], %mul3A_404 {strides = array<i32>} : memref<128xf32, #tpu.memory_space<vmem>>, vector<16xf32>,
      %get3A_407 = arith.constant 192 : index
      %get3A_408 = tpu.vector_load %arg12[%get3A_407] {strides = array<i32>} : memref<1536xi32, #tpu.memory_space<vmem>>, vector<16xi32>,
      %swap3A_409 = arith.constant 64 : index
      %swap3A_410 = tpu.vector_load %arg19[%swap3A_409] {strides = array<i32>} : memref<128xi32, #tpu.memory_space<vmem>>, vector<16xi32>,
      tpu.vector_store %arg19[%swap3A_409], %get3A_408 {strides = array<i32>} : memref<128xi32, #tpu.memory_space<vmem>>, vector<16xi32>,
      %get3A_411 = arith.constant 336 : index
      %get3A_412 = tpu.vector_load %arg12[%get3A_411] {strides = array<i32>} : memref<1536xi32, #tpu.memory_space<vmem>>, vector<16xi32>,
      %bitcast_convert_type3A_413 = tpu.bitcast %get3A_412 : vector<16xi32> -> vector<16xf32>
      %get3A_414 = arith.constant 80 : index
      %get3A_415 = tpu.vector_load %arg15[%get3A_414] {strides = array<i32>} : memref<128xf32, #tpu.memory_space<vmem>>, vector<16xf32>,
      %mul3A_416 = arith.mulf %get3A_415, %bitcast_convert_type3A_413 : vector<16xf32>
      %swap3A_417 = arith.constant 80 : index
      %swap3A_418 = tpu.vector_load %arg15[%swap3A_417] {strides = array<i32>} : memref<128xf32, #tpu.memory_space<vmem>>, vector<16xf32>,
      tpu.vector_store %arg15[%swap3A_417], %mul3A_416 {strides = array<i32>} : memref<128xf32, #tpu.memory_space<vmem>>, vector<16xf32>,
      %get3A_419 = arith.constant 208 : index
      %get3A_420 = tpu.vector_load %arg12[%get3A_419] {strides = array<i32>} : memref<1536xi32, #tpu.memory_space<vmem>>, vector<16xi32>,
      %swap3A_421 = arith.constant 80 : index
      %swap3A_422 = tpu.vector_load %arg19[%swap3A_421] {strides = array<i32>} : memref<128xi32, #tpu.memory_space<vmem>>, vector<16xi32>,
      tpu.vector_store %arg19[%swap3A_421], %get3A_420 {strides = array<i32>} : memref<128xi32, #tpu.memory_space<vmem>>, vector<16xi32>,
      %get3A_423 = arith.constant 352 : index
      %get3A_424 = tpu.vector_load %arg12[%get3A_423] {strides = array<i32>} : memref<1536xi32, #tpu.memory_space<vmem>>, vector<16xi32>,
      %bitcast_convert_type3A_425 = tpu.bitcast %get3A_424 : vector<16xi32> -> vector<16xf32>
      %get3A_426 = arith.constant 96 : index
      %get3A_427 = tpu.vector_load %arg15[%get3A_426] {strides = array<i32>} : memref<128xf32, #tpu.memory_space<vmem>>, vector<16xf32>,
      %mul3A_428 = arith.mulf %get3A_427, %bitcast_convert_type3A_425 : vector<16xf32>
      %swap3A_429 = arith.constant 96 : index
      %swap3A_430 = tpu.vector_load %arg15[%swap3A_429] {strides = array<i32>} : memref<128xf32, #tpu.memory_space<vmem>>, vector<16xf32>,
      tpu.vector_store %arg15[%swap3A_429], %mul3A_428 {strides = array<i32>} : memref<128xf32, #tpu.memory_space<vmem>>, vector<16xf32>,
      %get3A_431 = arith.constant 224 : index
      %get3A_432 = tpu.vector_load %arg12[%get3A_431] {strides = array<i32>} : memref<1536xi32, #tpu.memory_space<vmem>>, vector<16xi32>,
      %swap3A_433 = arith.constant 96 : index
      %swap3A_434 = tpu.vector_load %arg19[%swap3A_433] {strides = array<i32>} : memref<128xi32, #tpu.memory_space<vmem>>, vector<16xi32>,
      tpu.vector_store %arg19[%swap3A_433], %get3A_432 {strides = array<i32>} : memref<128xi32, #tpu.memory_space<vmem>>, vector<16xi32>,
      %get3A_435 = arith.constant 368 : index
      %get3A_436 = tpu.vector_load %arg12[%get3A_435] {strides = array<i32>} : memref<1536xi32, #tpu.memory_space<vmem>>, vector<16xi32>,
      %bitcast_convert_type3A_437 = tpu.bitcast %get3A_436 : vector<16xi32> -> vector<16xf32>
      %get3A_438 = arith.constant 112 : index
      %get3A_439 = tpu.vector_load %arg15[%get3A_438] {strides = array<i32>} : memref<128xf32, #tpu.memory_space<vmem>>, vector<16xf32>,
      %mul3A_440 = arith.mulf %get3A_439, %bitcast_convert_type3A_437 : vector<16xf32>
      %swap3A_441 = arith.constant 112 : index
      %swap3A_442 = tpu.vector_load %arg15[%swap3A_441] {strides = array<i32>} : memref<128xf32, #tpu.memory_space<vmem>>, vector<16xf32>,
      tpu.vector_store %arg15[%swap3A_441], %mul3A_440 {strides = array<i32>} : memref<128xf32, #tpu.memory_space<vmem>>, vector<16xf32>,
      %get3A_443 = arith.constant 240 : index
      %get3A_444 = tpu.vector_load %arg12[%get3A_443] {strides = array<i32>} : memref<1536xi32, #tpu.memory_space<vmem>>, vector<16xi32>,
      %swap3A_445 = arith.constant 112 : index
      %swap3A_446 = tpu.vector_load %arg19[%swap3A_445] {strides = array<i32>} : memref<128xi32, #tpu.memory_space<vmem>>, vector<16xi32>,
      tpu.vector_store %arg19[%swap3A_445], %get3A_444 {strides = array<i32>} : memref<128xi32, #tpu.memory_space<vmem>>, vector<16xi32>,
      %scan3A_447 = arith.constant 0 : i32
      %scan3A_448 = arith.constant 0 : i32
      %scan3A_449 = arith.constant 128 : i32
      %scan3A_450 = arith.addi %scan3A_448, %scan3A_449 : i32
      %scan3A_451 = arith.constant 1 : i32
      %scan3A_452 = scf.for %scan3A_1023 = %scan3A_448 to %scan3A_450 step %scan3A_451 iter_args(%scan3A_1024 = %scan3A_447) -> (i32)  : i32 {
        %broadcast_in_dim3A = vector.broadcast %scan3A_1023 : i32 to vector<16xi32>
        %gather3A = tpu.vector_load_idx %arg15[%broadcast_in_dim3A] : memref<128xf32, #tpu.memory_space<vmem>>[vector<16xi32>], vector<16xf32>,
        %get3A_1025 = arith.index_cast %scan3A_1023 : i32 to index
        %get3A_1026 = arith.constant 0 : index
        %get3A_1027 = tpu.vector_load %arg13[%get3A_1025, %get3A_1026] {strides = array<i32>} : memref<128x128xf32, #tpu.memory_space<vmem>>, vector<16xf32>,
        %mul3A_1028 = arith.mulf %get3A_1027, %gather3A : vector<16xf32>
        %swap3A_1029 = arith.index_cast %scan3A_1023 : i32 to index
        %swap3A_1030 = arith.constant 0 : index
        %swap3A_1031 = tpu.vector_load %arg13[%swap3A_1029, %swap3A_1030] {strides = array<i32>} : memref<128x128xf32, #tpu.memory_space<vmem>>, vector<16xf32>,
        tpu.vector_store %arg13[%swap3A_1029, %swap3A_1030], %mul3A_1028 {strides = array<i32>} : memref<128x128xf32, #tpu.memory_space<vmem>>, vector<16xf32>,
        %get3A_1032 = arith.index_cast %scan3A_1023 : i32 to index
        %get3A_1033 = arith.constant 16 : index
        %get3A_1034 = tpu.vector_load %arg13[%get3A_1032, %get3A_1033] {strides = array<i32>} : memref<128x128xf32, #tpu.memory_space<vmem>>, vector<16xf32>,
        %mul3A_1035 = arith.mulf %get3A_1034, %gather3A : vector<16xf32>
        %swap3A_1036 = arith.index_cast %scan3A_1023 : i32 to index
        %swap3A_1037 = arith.constant 16 : index
        %swap3A_1038 = tpu.vector_load %arg13[%swap3A_1036, %swap3A_1037] {strides = array<i32>} : memref<128x128xf32, #tpu.memory_space<vmem>>, vector<16xf32>,
        tpu.vector_store %arg13[%swap3A_1036, %swap3A_1037], %mul3A_1035 {strides = array<i32>} : memref<128x128xf32, #tpu.memory_space<vmem>>, vector<16xf32>,
        %get3A_1039 = arith.index_cast %scan3A_1023 : i32 to index
        %get3A_1040 = arith.constant 32 : index
        %get3A_1041 = tpu.vector_load %arg13[%get3A_1039, %get3A_1040] {strides = array<i32>} : memref<128x128xf32, #tpu.memory_space<vmem>>, vector<16xf32>,
        %mul3A_1042 = arith.mulf %get3A_1041, %gather3A : vector<16xf32>
        %swap3A_1043 = arith.index_cast %scan3A_1023 : i32 to index
        %swap3A_1044 = arith.constant 32 : index
        %swap3A_1045 = tpu.vector_load %arg13[%swap3A_1043, %swap3A_1044] {strides = array<i32>} : memref<128x128xf32, #tpu.memory_space<vmem>>, vector<16xf32>,
        tpu.vector_store %arg13[%swap3A_1043, %swap3A_1044], %mul3A_1042 {strides = array<i32>} : memref<128x128xf32, #tpu.memory_space<vmem>>, vector<16xf32>,
        %get3A_1046 = arith.index_cast %scan3A_1023 : i32 to index
        %get3A_1047 = arith.constant 48 : index
        %get3A_1048 = tpu.vector_load %arg13[%get3A_1046, %get3A_1047] {strides = array<i32>} : memref<128x128xf32, #tpu.memory_space<vmem>>, vector<16xf32>,
        %mul3A_1049 = arith.mulf %get3A_1048, %gather3A : vector<16xf32>
        %swap3A_1050 = arith.index_cast %scan3A_1023 : i32 to index
        %swap3A_1051 = arith.constant 48 : index
        %swap3A_1052 = tpu.vector_load %arg13[%swap3A_1050, %swap3A_1051] {strides = array<i32>} : memref<128x128xf32, #tpu.memory_space<vmem>>, vector<16xf32>,
        tpu.vector_store %arg13[%swap3A_1050, %swap3A_1051], %mul3A_1049 {strides = array<i32>} : memref<128x128xf32, #tpu.memory_space<vmem>>, vector<16xf32>,
        %get3A_1053 = arith.index_cast %scan3A_1023 : i32 to index
        %get3A_1054 = arith.constant 64 : index
        %get3A_1055 = tpu.vector_load %arg13[%get3A_1053, %get3A_1054] {strides = array<i32>} : memref<128x128xf32, #tpu.memory_space<vmem>>, vector<16xf32>,
        %mul3A_1056 = arith.mulf %get3A_1055, %gather3A : vector<16xf32>
        %swap3A_1057 = arith.index_cast %scan3A_1023 : i32 to index
        %swap3A_1058 = arith.constant 64 : index
        %swap3A_1059 = tpu.vector_load %arg13[%swap3A_1057, %swap3A_1058] {strides = array<i32>} : memref<128x128xf32, #tpu.memory_space<vmem>>, vector<16xf32>,
        tpu.vector_store %arg13[%swap3A_1057, %swap3A_1058], %mul3A_1056 {strides = array<i32>} : memref<128x128xf32, #tpu.memory_space<vmem>>, vector<16xf32>,
        %get3A_1060 = arith.index_cast %scan3A_1023 : i32 to index
        %get3A_1061 = arith.constant 80 : index
        %get3A_1062 = tpu.vector_load %arg13[%get3A_1060, %get3A_1061] {strides = array<i32>} : memref<128x128xf32, #tpu.memory_space<vmem>>, vector<16xf32>,
        %mul3A_1063 = arith.mulf %get3A_1062, %gather3A : vector<16xf32>
        %swap3A_1064 = arith.index_cast %scan3A_1023 : i32 to index
        %swap3A_1065 = arith.constant 80 : index
        %swap3A_1066 = tpu.vector_load %arg13[%swap3A_1064, %swap3A_1065] {strides = array<i32>} : memref<128x128xf32, #tpu.memory_space<vmem>>, vector<16xf32>,
        tpu.vector_store %arg13[%swap3A_1064, %swap3A_1065], %mul3A_1063 {strides = array<i32>} : memref<128x128xf32, #tpu.memory_space<vmem>>, vector<16xf32>,
        %get3A_1067 = arith.index_cast %scan3A_1023 : i32 to index
        %get3A_1068 = arith.constant 96 : index
        %get3A_1069 = tpu.vector_load %arg13[%get3A_1067, %get3A_1068] {strides = array<i32>} : memref<128x128xf32, #tpu.memory_space<vmem>>, vector<16xf32>,
        %mul3A_1070 = arith.mulf %get3A_1069, %gather3A : vector<16xf32>
        %swap3A_1071 = arith.index_cast %scan3A_1023 : i32 to index
        %swap3A_1072 = arith.constant 96 : index
        %swap3A_1073 = tpu.vector_load %arg13[%swap3A_1071, %swap3A_1072] {strides = array<i32>} : memref<128x128xf32, #tpu.memory_space<vmem>>, vector<16xf32>,
        tpu.vector_store %arg13[%swap3A_1071, %swap3A_1072], %mul3A_1070 {strides = array<i32>} : memref<128x128xf32, #tpu.memory_space<vmem>>, vector<16xf32>,
        %get3A_1074 = arith.index_cast %scan3A_1023 : i32 to index
        %get3A_1075 = arith.constant 112 : index
        %get3A_1076 = tpu.vector_load %arg13[%get3A_1074, %get3A_1075] {strides = array<i32>} : memref<128x128xf32, #tpu.memory_space<vmem>>, vector<16xf32>,
        %mul3A_1077 = arith.mulf %get3A_1076, %gather3A : vector<16xf32>
        %swap3A_1078 = arith.index_cast %scan3A_1023 : i32 to index
        %swap3A_1079 = arith.constant 112 : index
        %swap3A_1080 = tpu.vector_load %arg13[%swap3A_1078, %swap3A_1079] {strides = array<i32>} : memref<128x128xf32, #tpu.memory_space<vmem>>, vector<16xf32>,
        tpu.vector_store %arg13[%swap3A_1078, %swap3A_1079], %mul3A_1077 {strides = array<i32>} : memref<128x128xf32, #tpu.memory_space<vmem>>, vector<16xf32>,
        %scan3A_1081 = arith.constant 0 : i32
        scf.yield %scan3A_1081 : i32
      }
      %scan3A_453 = arith.constant 128 : i32
      "tpu.region"() ({
        %run_scoped3A = tpu.sem_alloc : memref<!tpu.dma_semaphore, #tpu.memory_space<semaphore_mem>>
        %dma_start3A_1023 = arith.constant 0 : i32
        %dma_start3A_1024 = arith.constant 0 : i32
        %dma_start3A_1025 = tpu.memref_slice %arg11[%dma_start3A_1023, %dma_start3A_1024] : memref<10112x128xf32, #tpu.memory_space<vmem_shared>> -> memref<10112x128xf32, #tpu.memory_space<vmem_shared>>
        tpu.enqueue_indirect_dma source(%arg13 : memref<128x128xf32, #tpu.memory_space<vmem>>) target(%dma_start3A_1025 : memref<10112x128xf32, #tpu.memory_space<vmem_shared>>) offsets(%arg19 : memref<128xi32, #tpu.memory_space<vmem>>) semaphore(%run_scoped3A : memref<!tpu.dma_semaphore, #tpu.memory_space<semaphore_mem>>) {add = true}
        %dma_wait3A_1026 = arith.constant 0 : i32
        %dma_wait3A_1027 = arith.constant 0 : i32
        %dma_wait3A_1028 = tpu.memref_slice %arg11[%dma_wait3A_1026, %dma_wait3A_1027] : memref<10112x128xf32, #tpu.memory_space<vmem_shared>> -> memref<10112x128xf32, #tpu.memory_space<vmem_shared>>
        tpu.wait_indirect_dma semaphore(%run_scoped3A : memref<!tpu.dma_semaphore, #tpu.memory_space<semaphore_mem>>) src(%arg13 : memref<128x128xf32, #tpu.memory_space<vmem>>) dst(%dma_wait3A_1028 : memref<10112x128xf32, #tpu.memory_space<vmem_shared>>)
        tpu.yield
      }) : () -> ()
      %dma_wait3A_454 = arith.constant 768 : i32
      %dma_wait3A_455 = tpu.memref_slice %arg12[%dma_wait3A_454] : memref<1536xi32, #tpu.memory_space<vmem>> -> memref<384xi32, #tpu.memory_space<vmem>>
      %dma_wait3A_456 = arith.constant 0 : i32
      %dma_wait3A_457 = tpu.memref_slice %arg7[%dma_wait3A_456] : memref<540672xi32, #tpu.memory_space<hbm>> -> memref<384xi32, #tpu.memory_space<hbm>>
      %dma_wait3A_458 = arith.constant 768 : i32
      %dma_wait3A_459 = tpu.memref_slice %arg12[%dma_wait3A_458] : memref<1536xi32, #tpu.memory_space<vmem>> -> memref<384xi32, #tpu.memory_space<vmem>>
      %dma_wait3A_460 = arith.constant 0 : i32
      %dma_wait3A_461 = tpu.memref_slice %arg7[%dma_wait3A_460] : memref<540672xi32, #tpu.memory_space<hbm>> -> memref<384xi32, #tpu.memory_space<hbm>>
      tpu.wait_dma2 semaphore(%arg22 : memref<!tpu.dma_semaphore, #tpu.memory_space<semaphore_mem>>) src(%dma_wait3A_461 : memref<384xi32, #tpu.memory_space<hbm>>) dst(%dma_wait3A_459 : memref<384xi32, #tpu.memory_space<vmem>>)
      %get3A_462 = arith.constant 768 : index
      %get3A_463 = tpu.vector_load %arg12[%get3A_462] {strides = array<i32>} : memref<1536xi32, #tpu.memory_space<vmem>>, vector<16xi32>,
      %swap3A_464 = arith.constant 0 : index
      %swap3A_465 = tpu.vector_load %arg17[%swap3A_464] {strides = array<i32>} : memref<128xi32, #tpu.memory_space<vmem>>, vector<16xi32>,
      tpu.vector_store %arg17[%swap3A_464], %get3A_463 {strides = array<i32>} : memref<128xi32, #tpu.memory_space<vmem>>, vector<16xi32>,
      %get3A_466 = arith.constant 784 : index
      %get3A_467 = tpu.vector_load %arg12[%get3A_466] {strides = array<i32>} : memref<1536xi32, #tpu.memory_space<vmem>>, vector<16xi32>,
      %swap3A_468 = arith.constant 16 : index
      %swap3A_469 = tpu.vector_load %arg17[%swap3A_468] {strides = array<i32>} : memref<128xi32, #tpu.memory_space<vmem>>, vector<16xi32>,
      tpu.vector_store %arg17[%swap3A_468], %get3A_467 {strides = array<i32>} : memref<128xi32, #tpu.memory_space<vmem>>, vector<16xi32>,
      %get3A_470 = arith.constant 800 : index
      %get3A_471 = tpu.vector_load %arg12[%get3A_470] {strides = array<i32>} : memref<1536xi32, #tpu.memory_space<vmem>>, vector<16xi32>,
      %swap3A_472 = arith.constant 32 : index
      %swap3A_473 = tpu.vector_load %arg17[%swap3A_472] {strides = array<i32>} : memref<128xi32, #tpu.memory_space<vmem>>, vector<16xi32>,
      tpu.vector_store %arg17[%swap3A_472], %get3A_471 {strides = array<i32>} : memref<128xi32, #tpu.memory_space<vmem>>, vector<16xi32>,
      %get3A_474 = arith.constant 816 : index
      %get3A_475 = tpu.vector_load %arg12[%get3A_474] {strides = array<i32>} : memref<1536xi32, #tpu.memory_space<vmem>>, vector<16xi32>,
      %swap3A_476 = arith.constant 48 : index
      %swap3A_477 = tpu.vector_load %arg17[%swap3A_476] {strides = array<i32>} : memref<128xi32, #tpu.memory_space<vmem>>, vector<16xi32>,
      tpu.vector_store %arg17[%swap3A_476], %get3A_475 {strides = array<i32>} : memref<128xi32, #tpu.memory_space<vmem>>, vector<16xi32>,
      %get3A_478 = arith.constant 832 : index
      %get3A_479 = tpu.vector_load %arg12[%get3A_478] {strides = array<i32>} : memref<1536xi32, #tpu.memory_space<vmem>>, vector<16xi32>,
      %swap3A_480 = arith.constant 64 : index
      %swap3A_481 = tpu.vector_load %arg17[%swap3A_480] {strides = array<i32>} : memref<128xi32, #tpu.memory_space<vmem>>, vector<16xi32>,
      tpu.vector_store %arg17[%swap3A_480], %get3A_479 {strides = array<i32>} : memref<128xi32, #tpu.memory_space<vmem>>, vector<16xi32>,
      %get3A_482 = arith.constant 848 : index
      %get3A_483 = tpu.vector_load %arg12[%get3A_482] {strides = array<i32>} : memref<1536xi32, #tpu.memory_space<vmem>>, vector<16xi32>,
      %swap3A_484 = arith.constant 80 : index
      %swap3A_485 = tpu.vector_load %arg17[%swap3A_484] {strides = array<i32>} : memref<128xi32, #tpu.memory_space<vmem>>, vector<16xi32>,
      tpu.vector_store %arg17[%swap3A_484], %get3A_483 {strides = array<i32>} : memref<128xi32, #tpu.memory_space<vmem>>, vector<16xi32>,
      %get3A_486 = arith.constant 864 : index
      %get3A_487 = tpu.vector_load %arg12[%get3A_486] {strides = array<i32>} : memref<1536xi32, #tpu.memory_space<vmem>>, vector<16xi32>,
      %swap3A_488 = arith.constant 96 : index
      %swap3A_489 = tpu.vector_load %arg17[%swap3A_488] {strides = array<i32>} : memref<128xi32, #tpu.memory_space<vmem>>, vector<16xi32>,
      tpu.vector_store %arg17[%swap3A_488], %get3A_487 {strides = array<i32>} : memref<128xi32, #tpu.memory_space<vmem>>, vector<16xi32>,
      %get3A_490 = arith.constant 880 : index
      %get3A_491 = tpu.vector_load %arg12[%get3A_490] {strides = array<i32>} : memref<1536xi32, #tpu.memory_space<vmem>>, vector<16xi32>,
      %swap3A_492 = arith.constant 112 : index
      %swap3A_493 = tpu.vector_load %arg17[%swap3A_492] {strides = array<i32>} : memref<128xi32, #tpu.memory_space<vmem>>, vector<16xi32>,
      tpu.vector_store %arg17[%swap3A_492], %get3A_491 {strides = array<i32>} : memref<128xi32, #tpu.memory_space<vmem>>, vector<16xi32>,
      %dma_start3A_494 = arith.constant 0 : i32
      %dma_start3A_495 = arith.constant 0 : i32
      %dma_start3A_496 = tpu.memref_slice %arg3[%dma_start3A_494, %dma_start3A_495] : memref<10000x128xf32, #tpu.memory_space<hbm>> -> memref<10000x128xf32, #tpu.memory_space<hbm>>
      tpu.enqueue_indirect_dma source(%dma_start3A_496 : memref<10000x128xf32, #tpu.memory_space<hbm>>) target(%arg13 : memref<128x128xf32, #tpu.memory_space<vmem>>) offsets(%arg17 : memref<128xi32, #tpu.memory_space<vmem>>) semaphore(%arg24 : memref<!tpu.dma_semaphore, #tpu.memory_space<semaphore_mem>>)
      %dma_start3A_497 = arith.constant 0 : i32
      %dma_start3A_498 = tpu.memref_slice %arg5[%dma_start3A_497] : memref<10112xf32, #tpu.memory_space<hbm>> -> memref<10112xf32, #tpu.memory_space<hbm>>
      tpu.enqueue_indirect_dma source(%dma_start3A_498 : memref<10112xf32, #tpu.memory_space<hbm>>) target(%arg15 : memref<128xf32, #tpu.memory_space<vmem>>) offsets(%arg17 : memref<128xi32, #tpu.memory_space<vmem>>) semaphore(%arg26 : memref<!tpu.dma_semaphore, #tpu.memory_space<semaphore_mem>>)
      %add3A_499 = arith.constant 4 : i32
      %add3A_500 = arith.addi %mul3A_346, %add3A_499 : i32
      %mul3A_501 = arith.constant 32 : i32
      %mul3A_502 = arith.muli %add3A_500, %mul3A_501 : i32
      %add3A_503 = arith.addi %add3A, %mul3A_502 : i32
      %mul3A_504 = arith.constant 384 : i32
      %mul3A_505 = arith.muli %add3A_503, %mul3A_504 : i32
      %dma_start3A_506 = arith.constant 0 : i32
      %dma_start3A_507 = tpu.memref_slice %arg12[%dma_start3A_506] : memref<1536xi32, #tpu.memory_space<vmem>> -> memref<384xi32, #tpu.memory_space<vmem>>
      %dma_start3A_508 = tpu.memref_slice %arg7[%mul3A_505] : memref<540672xi32, #tpu.memory_space<hbm>> -> memref<384xi32, #tpu.memory_space<hbm>>
      %dma_start3A_509 = arith.constant 0 : i32
      %dma_start3A_510 = tpu.memref_slice %arg12[%dma_start3A_509] : memref<1536xi32, #tpu.memory_space<vmem>> -> memref<384xi32, #tpu.memory_space<vmem>>
      %dma_start3A_511 = tpu.memref_slice %arg7[%mul3A_505] : memref<540672xi32, #tpu.memory_space<hbm>> -> memref<384xi32, #tpu.memory_space<hbm>>
      tpu.enqueue_dma source(%dma_start3A_511 : memref<384xi32, #tpu.memory_space<hbm>>) target(%dma_start3A_510 : memref<384xi32, #tpu.memory_space<vmem>>) target_semaphore(%arg20 : memref<!tpu.dma_semaphore, #tpu.memory_space<semaphore_mem>>)
      %mul3A_512 = arith.constant 4 : i32
      %mul3A_513 = arith.muli %mul3A_512, %scan3A_343 : i32
      %add3A_514 = arith.constant 1 : i32
      %add3A_515 = arith.addi %mul3A_513, %add3A_514 : i32
      %dma_wait3A_516 = arith.constant 0 : i32
      %dma_wait3A_517 = tpu.memref_slice %arg5[%dma_wait3A_516] : memref<10112xf32, #tpu.memory_space<hbm>> -> memref<10112xf32, #tpu.memory_space<hbm>>
      tpu.wait_indirect_dma semaphore(%arg27 : memref<!tpu.dma_semaphore, #tpu.memory_space<semaphore_mem>>) src(%dma_wait3A_517 : memref<10112xf32, #tpu.memory_space<hbm>>) dst(%arg16 : memref<128xf32, #tpu.memory_space<vmem>>)
      %dma_wait3A_518 = arith.constant 0 : i32
      %dma_wait3A_519 = arith.constant 0 : i32
      %dma_wait3A_520 = tpu.memref_slice %arg3[%dma_wait3A_518, %dma_wait3A_519] : memref<10000x128xf32, #tpu.memory_space<hbm>> -> memref<10000x128xf32, #tpu.memory_space<hbm>>
      tpu.wait_indirect_dma semaphore(%arg25 : memref<!tpu.dma_semaphore, #tpu.memory_space<semaphore_mem>>) src(%dma_wait3A_520 : memref<10000x128xf32, #tpu.memory_space<hbm>>) dst(%arg14 : memref<128x128xf32, #tpu.memory_space<vmem>>)
      %get3A_521 = arith.constant 640 : index
      %get3A_522 = tpu.vector_load %arg12[%get3A_521] {strides = array<i32>} : memref<1536xi32, #tpu.memory_space<vmem>>, vector<16xi32>,
      %bitcast_convert_type3A_523 = tpu.bitcast %get3A_522 : vector<16xi32> -> vector<16xf32>
      %get3A_524 = arith.constant 0 : index
      %get3A_525 = tpu.vector_load %arg16[%get3A_524] {strides = array<i32>} : memref<128xf32, #tpu.memory_space<vmem>>, vector<16xf32>,
      %mul3A_526 = arith.mulf %get3A_525, %bitcast_convert_type3A_523 : vector<16xf32>
      %swap3A_527 = arith.constant 0 : index
      %swap3A_528 = tpu.vector_load %arg16[%swap3A_527] {strides = array<i32>} : memref<128xf32, #tpu.memory_space<vmem>>, vector<16xf32>,
      tpu.vector_store %arg16[%swap3A_527], %mul3A_526 {strides = array<i32>} : memref<128xf32, #tpu.memory_space<vmem>>, vector<16xf32>,
      %get3A_529 = arith.constant 512 : index
      %get3A_530 = tpu.vector_load %arg12[%get3A_529] {strides = array<i32>} : memref<1536xi32, #tpu.memory_space<vmem>>, vector<16xi32>,
      %swap3A_531 = arith.constant 0 : index
      %swap3A_532 = tpu.vector_load %arg19[%swap3A_531] {strides = array<i32>} : memref<128xi32, #tpu.memory_space<vmem>>, vector<16xi32>,
      tpu.vector_store %arg19[%swap3A_531], %get3A_530 {strides = array<i32>} : memref<128xi32, #tpu.memory_space<vmem>>, vector<16xi32>,
      %get3A_533 = arith.constant 656 : index
      %get3A_534 = tpu.vector_load %arg12[%get3A_533] {strides = array<i32>} : memref<1536xi32, #tpu.memory_space<vmem>>, vector<16xi32>,
      %bitcast_convert_type3A_535 = tpu.bitcast %get3A_534 : vector<16xi32> -> vector<16xf32>
      %get3A_536 = arith.constant 16 : index
      %get3A_537 = tpu.vector_load %arg16[%get3A_536] {strides = array<i32>} : memref<128xf32, #tpu.memory_space<vmem>>, vector<16xf32>,
      %mul3A_538 = arith.mulf %get3A_537, %bitcast_convert_type3A_535 : vector<16xf32>
      %swap3A_539 = arith.constant 16 : index
      %swap3A_540 = tpu.vector_load %arg16[%swap3A_539] {strides = array<i32>} : memref<128xf32, #tpu.memory_space<vmem>>, vector<16xf32>,
      tpu.vector_store %arg16[%swap3A_539], %mul3A_538 {strides = array<i32>} : memref<128xf32, #tpu.memory_space<vmem>>, vector<16xf32>,
      %get3A_541 = arith.constant 528 : index
      %get3A_542 = tpu.vector_load %arg12[%get3A_541] {strides = array<i32>} : memref<1536xi32, #tpu.memory_space<vmem>>, vector<16xi32>,
      %swap3A_543 = arith.constant 16 : index
      %swap3A_544 = tpu.vector_load %arg19[%swap3A_543] {strides = array<i32>} : memref<128xi32, #tpu.memory_space<vmem>>, vector<16xi32>,
      tpu.vector_store %arg19[%swap3A_543], %get3A_542 {strides = array<i32>} : memref<128xi32, #tpu.memory_space<vmem>>, vector<16xi32>,
      %get3A_545 = arith.constant 672 : index
      %get3A_546 = tpu.vector_load %arg12[%get3A_545] {strides = array<i32>} : memref<1536xi32, #tpu.memory_space<vmem>>, vector<16xi32>,
      %bitcast_convert_type3A_547 = tpu.bitcast %get3A_546 : vector<16xi32> -> vector<16xf32>
      %get3A_548 = arith.constant 32 : index
      %get3A_549 = tpu.vector_load %arg16[%get3A_548] {strides = array<i32>} : memref<128xf32, #tpu.memory_space<vmem>>, vector<16xf32>,
      %mul3A_550 = arith.mulf %get3A_549, %bitcast_convert_type3A_547 : vector<16xf32>
      %swap3A_551 = arith.constant 32 : index
      %swap3A_552 = tpu.vector_load %arg16[%swap3A_551] {strides = array<i32>} : memref<128xf32, #tpu.memory_space<vmem>>, vector<16xf32>,
      tpu.vector_store %arg16[%swap3A_551], %mul3A_550 {strides = array<i32>} : memref<128xf32, #tpu.memory_space<vmem>>, vector<16xf32>,
      %get3A_553 = arith.constant 544 : index
      %get3A_554 = tpu.vector_load %arg12[%get3A_553] {strides = array<i32>} : memref<1536xi32, #tpu.memory_space<vmem>>, vector<16xi32>,
      %swap3A_555 = arith.constant 32 : index
      %swap3A_556 = tpu.vector_load %arg19[%swap3A_555] {strides = array<i32>} : memref<128xi32, #tpu.memory_space<vmem>>, vector<16xi32>,
      tpu.vector_store %arg19[%swap3A_555], %get3A_554 {strides = array<i32>} : memref<128xi32, #tpu.memory_space<vmem>>, vector<16xi32>,
      %get3A_557 = arith.constant 688 : index
      %get3A_558 = tpu.vector_load %arg12[%get3A_557] {strides = array<i32>} : memref<1536xi32, #tpu.memory_space<vmem>>, vector<16xi32>,
      %bitcast_convert_type3A_559 = tpu.bitcast %get3A_558 : vector<16xi32> -> vector<16xf32>
      %get3A_560 = arith.constant 48 : index
      %get3A_561 = tpu.vector_load %arg16[%get3A_560] {strides = array<i32>} : memref<128xf32, #tpu.memory_space<vmem>>, vector<16xf32>,
      %mul3A_562 = arith.mulf %get3A_561, %bitcast_convert_type3A_559 : vector<16xf32>
      %swap3A_563 = arith.constant 48 : index
      %swap3A_564 = tpu.vector_load %arg16[%swap3A_563] {strides = array<i32>} : memref<128xf32, #tpu.memory_space<vmem>>, vector<16xf32>,
      tpu.vector_store %arg16[%swap3A_563], %mul3A_562 {strides = array<i32>} : memref<128xf32, #tpu.memory_space<vmem>>, vector<16xf32>,
      %get3A_565 = arith.constant 560 : index
      %get3A_566 = tpu.vector_load %arg12[%get3A_565] {strides = array<i32>} : memref<1536xi32, #tpu.memory_space<vmem>>, vector<16xi32>,
      %swap3A_567 = arith.constant 48 : index
      %swap3A_568 = tpu.vector_load %arg19[%swap3A_567] {strides = array<i32>} : memref<128xi32, #tpu.memory_space<vmem>>, vector<16xi32>,
      tpu.vector_store %arg19[%swap3A_567], %get3A_566 {strides = array<i32>} : memref<128xi32, #tpu.memory_space<vmem>>, vector<16xi32>,
      %get3A_569 = arith.constant 704 : index
      %get3A_570 = tpu.vector_load %arg12[%get3A_569] {strides = array<i32>} : memref<1536xi32, #tpu.memory_space<vmem>>, vector<16xi32>,
      %bitcast_convert_type3A_571 = tpu.bitcast %get3A_570 : vector<16xi32> -> vector<16xf32>
      %get3A_572 = arith.constant 64 : index
      %get3A_573 = tpu.vector_load %arg16[%get3A_572] {strides = array<i32>} : memref<128xf32, #tpu.memory_space<vmem>>, vector<16xf32>,
      %mul3A_574 = arith.mulf %get3A_573, %bitcast_convert_type3A_571 : vector<16xf32>
      %swap3A_575 = arith.constant 64 : index
      %swap3A_576 = tpu.vector_load %arg16[%swap3A_575] {strides = array<i32>} : memref<128xf32, #tpu.memory_space<vmem>>, vector<16xf32>,
      tpu.vector_store %arg16[%swap3A_575], %mul3A_574 {strides = array<i32>} : memref<128xf32, #tpu.memory_space<vmem>>, vector<16xf32>,
      %get3A_577 = arith.constant 576 : index
      %get3A_578 = tpu.vector_load %arg12[%get3A_577] {strides = array<i32>} : memref<1536xi32, #tpu.memory_space<vmem>>, vector<16xi32>,
      %swap3A_579 = arith.constant 64 : index
      %swap3A_580 = tpu.vector_load %arg19[%swap3A_579] {strides = array<i32>} : memref<128xi32, #tpu.memory_space<vmem>>, vector<16xi32>,
      tpu.vector_store %arg19[%swap3A_579], %get3A_578 {strides = array<i32>} : memref<128xi32, #tpu.memory_space<vmem>>, vector<16xi32>,
      %get3A_581 = arith.constant 720 : index
      %get3A_582 = tpu.vector_load %arg12[%get3A_581] {strides = array<i32>} : memref<1536xi32, #tpu.memory_space<vmem>>, vector<16xi32>,
      %bitcast_convert_type3A_583 = tpu.bitcast %get3A_582 : vector<16xi32> -> vector<16xf32>
      %get3A_584 = arith.constant 80 : index
      %get3A_585 = tpu.vector_load %arg16[%get3A_584] {strides = array<i32>} : memref<128xf32, #tpu.memory_space<vmem>>, vector<16xf32>,
      %mul3A_586 = arith.mulf %get3A_585, %bitcast_convert_type3A_583 : vector<16xf32>
      %swap3A_587 = arith.constant 80 : index
      %swap3A_588 = tpu.vector_load %arg16[%swap3A_587] {strides = array<i32>} : memref<128xf32, #tpu.memory_space<vmem>>, vector<16xf32>,
      tpu.vector_store %arg16[%swap3A_587], %mul3A_586 {strides = array<i32>} : memref<128xf32, #tpu.memory_space<vmem>>, vector<16xf32>,
      %get3A_589 = arith.constant 592 : index
      %get3A_590 = tpu.vector_load %arg12[%get3A_589] {strides = array<i32>} : memref<1536xi32, #tpu.memory_space<vmem>>, vector<16xi32>,
      %swap3A_591 = arith.constant 80 : index
      %swap3A_592 = tpu.vector_load %arg19[%swap3A_591] {strides = array<i32>} : memref<128xi32, #tpu.memory_space<vmem>>, vector<16xi32>,
      tpu.vector_store %arg19[%swap3A_591], %get3A_590 {strides = array<i32>} : memref<128xi32, #tpu.memory_space<vmem>>, vector<16xi32>,
      %get3A_593 = arith.constant 736 : index
      %get3A_594 = tpu.vector_load %arg12[%get3A_593] {strides = array<i32>} : memref<1536xi32, #tpu.memory_space<vmem>>, vector<16xi32>,
      %bitcast_convert_type3A_595 = tpu.bitcast %get3A_594 : vector<16xi32> -> vector<16xf32>
      %get3A_596 = arith.constant 96 : index
      %get3A_597 = tpu.vector_load %arg16[%get3A_596] {strides = array<i32>} : memref<128xf32, #tpu.memory_space<vmem>>, vector<16xf32>,
      %mul3A_598 = arith.mulf %get3A_597, %bitcast_convert_type3A_595 : vector<16xf32>
      %swap3A_599 = arith.constant 96 : index
      %swap3A_600 = tpu.vector_load %arg16[%swap3A_599] {strides = array<i32>} : memref<128xf32, #tpu.memory_space<vmem>>, vector<16xf32>,
      tpu.vector_store %arg16[%swap3A_599], %mul3A_598 {strides = array<i32>} : memref<128xf32, #tpu.memory_space<vmem>>, vector<16xf32>,
      %get3A_601 = arith.constant 608 : index
      %get3A_602 = tpu.vector_load %arg12[%get3A_601] {strides = array<i32>} : memref<1536xi32, #tpu.memory_space<vmem>>, vector<16xi32>,
      %swap3A_603 = arith.constant 96 : index
      %swap3A_604 = tpu.vector_load %arg19[%swap3A_603] {strides = array<i32>} : memref<128xi32, #tpu.memory_space<vmem>>, vector<16xi32>,
      tpu.vector_store %arg19[%swap3A_603], %get3A_602 {strides = array<i32>} : memref<128xi32, #tpu.memory_space<vmem>>, vector<16xi32>,
      %get3A_605 = arith.constant 752 : index
      %get3A_606 = tpu.vector_load %arg12[%get3A_605] {strides = array<i32>} : memref<1536xi32, #tpu.memory_space<vmem>>, vector<16xi32>,
      %bitcast_convert_type3A_607 = tpu.bitcast %get3A_606 : vector<16xi32> -> vector<16xf32>
      %get3A_608 = arith.constant 112 : index
      %get3A_609 = tpu.vector_load %arg16[%get3A_608] {strides = array<i32>} : memref<128xf32, #tpu.memory_space<vmem>>, vector<16xf32>,
      %mul3A_610 = arith.mulf %get3A_609, %bitcast_convert_type3A_607 : vector<16xf32>
      %swap3A_611 = arith.constant 112 : index
      %swap3A_612 = tpu.vector_load %arg16[%swap3A_611] {strides = array<i32>} : memref<128xf32, #tpu.memory_space<vmem>>, vector<16xf32>,
      tpu.vector_store %arg16[%swap3A_611], %mul3A_610 {strides = array<i32>} : memref<128xf32, #tpu.memory_space<vmem>>, vector<16xf32>,
      %get3A_613 = arith.constant 624 : index
      %get3A_614 = tpu.vector_load %arg12[%get3A_613] {strides = array<i32>} : memref<1536xi32, #tpu.memory_space<vmem>>, vector<16xi32>,
      %swap3A_615 = arith.constant 112 : index
      %swap3A_616 = tpu.vector_load %arg19[%swap3A_615] {strides = array<i32>} : memref<128xi32, #tpu.memory_space<vmem>>, vector<16xi32>,
      tpu.vector_store %arg19[%swap3A_615], %get3A_614 {strides = array<i32>} : memref<128xi32, #tpu.memory_space<vmem>>, vector<16xi32>,
      %scan3A_617 = arith.constant 0 : i32
      %scan3A_618 = arith.constant 0 : i32
      %scan3A_619 = arith.constant 128 : i32
      %scan3A_620 = arith.addi %scan3A_618, %scan3A_619 : i32
      %scan3A_621 = arith.constant 1 : i32
      %scan3A_622 = scf.for %scan3A_1023 = %scan3A_618 to %scan3A_620 step %scan3A_621 iter_args(%scan3A_1024 = %scan3A_617) -> (i32)  : i32 {
        %broadcast_in_dim3A = vector.broadcast %scan3A_1023 : i32 to vector<16xi32>
        %gather3A = tpu.vector_load_idx %arg16[%broadcast_in_dim3A] : memref<128xf32, #tpu.memory_space<vmem>>[vector<16xi32>], vector<16xf32>,
        %get3A_1025 = arith.index_cast %scan3A_1023 : i32 to index
        %get3A_1026 = arith.constant 0 : index
        %get3A_1027 = tpu.vector_load %arg14[%get3A_1025, %get3A_1026] {strides = array<i32>} : memref<128x128xf32, #tpu.memory_space<vmem>>, vector<16xf32>,
        %mul3A_1028 = arith.mulf %get3A_1027, %gather3A : vector<16xf32>
        %swap3A_1029 = arith.index_cast %scan3A_1023 : i32 to index
        %swap3A_1030 = arith.constant 0 : index
        %swap3A_1031 = tpu.vector_load %arg14[%swap3A_1029, %swap3A_1030] {strides = array<i32>} : memref<128x128xf32, #tpu.memory_space<vmem>>, vector<16xf32>,
        tpu.vector_store %arg14[%swap3A_1029, %swap3A_1030], %mul3A_1028 {strides = array<i32>} : memref<128x128xf32, #tpu.memory_space<vmem>>, vector<16xf32>,
        %get3A_1032 = arith.index_cast %scan3A_1023 : i32 to index
        %get3A_1033 = arith.constant 16 : index
        %get3A_1034 = tpu.vector_load %arg14[%get3A_1032, %get3A_1033] {strides = array<i32>} : memref<128x128xf32, #tpu.memory_space<vmem>>, vector<16xf32>,
        %mul3A_1035 = arith.mulf %get3A_1034, %gather3A : vector<16xf32>
        %swap3A_1036 = arith.index_cast %scan3A_1023 : i32 to index
        %swap3A_1037 = arith.constant 16 : index
        %swap3A_1038 = tpu.vector_load %arg14[%swap3A_1036, %swap3A_1037] {strides = array<i32>} : memref<128x128xf32, #tpu.memory_space<vmem>>, vector<16xf32>,
        tpu.vector_store %arg14[%swap3A_1036, %swap3A_1037], %mul3A_1035 {strides = array<i32>} : memref<128x128xf32, #tpu.memory_space<vmem>>, vector<16xf32>,
        %get3A_1039 = arith.index_cast %scan3A_1023 : i32 to index
        %get3A_1040 = arith.constant 32 : index
        %get3A_1041 = tpu.vector_load %arg14[%get3A_1039, %get3A_1040] {strides = array<i32>} : memref<128x128xf32, #tpu.memory_space<vmem>>, vector<16xf32>,
        %mul3A_1042 = arith.mulf %get3A_1041, %gather3A : vector<16xf32>
        %swap3A_1043 = arith.index_cast %scan3A_1023 : i32 to index
        %swap3A_1044 = arith.constant 32 : index
        %swap3A_1045 = tpu.vector_load %arg14[%swap3A_1043, %swap3A_1044] {strides = array<i32>} : memref<128x128xf32, #tpu.memory_space<vmem>>, vector<16xf32>,
        tpu.vector_store %arg14[%swap3A_1043, %swap3A_1044], %mul3A_1042 {strides = array<i32>} : memref<128x128xf32, #tpu.memory_space<vmem>>, vector<16xf32>,
        %get3A_1046 = arith.index_cast %scan3A_1023 : i32 to index
        %get3A_1047 = arith.constant 48 : index
        %get3A_1048 = tpu.vector_load %arg14[%get3A_1046, %get3A_1047] {strides = array<i32>} : memref<128x128xf32, #tpu.memory_space<vmem>>, vector<16xf32>,
        %mul3A_1049 = arith.mulf %get3A_1048, %gather3A : vector<16xf32>
        %swap3A_1050 = arith.index_cast %scan3A_1023 : i32 to index
        %swap3A_1051 = arith.constant 48 : index
        %swap3A_1052 = tpu.vector_load %arg14[%swap3A_1050, %swap3A_1051] {strides = array<i32>} : memref<128x128xf32, #tpu.memory_space<vmem>>, vector<16xf32>,
        tpu.vector_store %arg14[%swap3A_1050, %swap3A_1051], %mul3A_1049 {strides = array<i32>} : memref<128x128xf32, #tpu.memory_space<vmem>>, vector<16xf32>,
        %get3A_1053 = arith.index_cast %scan3A_1023 : i32 to index
        %get3A_1054 = arith.constant 64 : index
        %get3A_1055 = tpu.vector_load %arg14[%get3A_1053, %get3A_1054] {strides = array<i32>} : memref<128x128xf32, #tpu.memory_space<vmem>>, vector<16xf32>,
        %mul3A_1056 = arith.mulf %get3A_1055, %gather3A : vector<16xf32>
        %swap3A_1057 = arith.index_cast %scan3A_1023 : i32 to index
        %swap3A_1058 = arith.constant 64 : index
        %swap3A_1059 = tpu.vector_load %arg14[%swap3A_1057, %swap3A_1058] {strides = array<i32>} : memref<128x128xf32, #tpu.memory_space<vmem>>, vector<16xf32>,
        tpu.vector_store %arg14[%swap3A_1057, %swap3A_1058], %mul3A_1056 {strides = array<i32>} : memref<128x128xf32, #tpu.memory_space<vmem>>, vector<16xf32>,
        %get3A_1060 = arith.index_cast %scan3A_1023 : i32 to index
        %get3A_1061 = arith.constant 80 : index
        %get3A_1062 = tpu.vector_load %arg14[%get3A_1060, %get3A_1061] {strides = array<i32>} : memref<128x128xf32, #tpu.memory_space<vmem>>, vector<16xf32>,
        %mul3A_1063 = arith.mulf %get3A_1062, %gather3A : vector<16xf32>
        %swap3A_1064 = arith.index_cast %scan3A_1023 : i32 to index
        %swap3A_1065 = arith.constant 80 : index
        %swap3A_1066 = tpu.vector_load %arg14[%swap3A_1064, %swap3A_1065] {strides = array<i32>} : memref<128x128xf32, #tpu.memory_space<vmem>>, vector<16xf32>,
        tpu.vector_store %arg14[%swap3A_1064, %swap3A_1065], %mul3A_1063 {strides = array<i32>} : memref<128x128xf32, #tpu.memory_space<vmem>>, vector<16xf32>,
        %get3A_1067 = arith.index_cast %scan3A_1023 : i32 to index
        %get3A_1068 = arith.constant 96 : index
        %get3A_1069 = tpu.vector_load %arg14[%get3A_1067, %get3A_1068] {strides = array<i32>} : memref<128x128xf32, #tpu.memory_space<vmem>>, vector<16xf32>,
        %mul3A_1070 = arith.mulf %get3A_1069, %gather3A : vector<16xf32>
        %swap3A_1071 = arith.index_cast %scan3A_1023 : i32 to index
        %swap3A_1072 = arith.constant 96 : index
        %swap3A_1073 = tpu.vector_load %arg14[%swap3A_1071, %swap3A_1072] {strides = array<i32>} : memref<128x128xf32, #tpu.memory_space<vmem>>, vector<16xf32>,
        tpu.vector_store %arg14[%swap3A_1071, %swap3A_1072], %mul3A_1070 {strides = array<i32>} : memref<128x128xf32, #tpu.memory_space<vmem>>, vector<16xf32>,
        %get3A_1074 = arith.index_cast %scan3A_1023 : i32 to index
        %get3A_1075 = arith.constant 112 : index
        %get3A_1076 = tpu.vector_load %arg14[%get3A_1074, %get3A_1075] {strides = array<i32>} : memref<128x128xf32, #tpu.memory_space<vmem>>, vector<16xf32>,
        %mul3A_1077 = arith.mulf %get3A_1076, %gather3A : vector<16xf32>
        %swap3A_1078 = arith.index_cast %scan3A_1023 : i32 to index
        %swap3A_1079 = arith.constant 112 : index
        %swap3A_1080 = tpu.vector_load %arg14[%swap3A_1078, %swap3A_1079] {strides = array<i32>} : memref<128x128xf32, #tpu.memory_space<vmem>>, vector<16xf32>,
        tpu.vector_store %arg14[%swap3A_1078, %swap3A_1079], %mul3A_1077 {strides = array<i32>} : memref<128x128xf32, #tpu.memory_space<vmem>>, vector<16xf32>,
        %scan3A_1081 = arith.constant 0 : i32
        scf.yield %scan3A_1081 : i32
      }
      %scan3A_623 = arith.constant 128 : i32
      "tpu.region"() ({
        %run_scoped3A = tpu.sem_alloc : memref<!tpu.dma_semaphore, #tpu.memory_space<semaphore_mem>>
        %dma_start3A_1023 = arith.constant 0 : i32
        %dma_start3A_1024 = arith.constant 0 : i32
        %dma_start3A_1025 = tpu.memref_slice %arg11[%dma_start3A_1023, %dma_start3A_1024] : memref<10112x128xf32, #tpu.memory_space<vmem_shared>> -> memref<10112x128xf32, #tpu.memory_space<vmem_shared>>
        tpu.enqueue_indirect_dma source(%arg14 : memref<128x128xf32, #tpu.memory_space<vmem>>) target(%dma_start3A_1025 : memref<10112x128xf32, #tpu.memory_space<vmem_shared>>) offsets(%arg19 : memref<128xi32, #tpu.memory_space<vmem>>) semaphore(%run_scoped3A : memref<!tpu.dma_semaphore, #tpu.memory_space<semaphore_mem>>) {add = true}
        %dma_wait3A_1026 = arith.constant 0 : i32
        %dma_wait3A_1027 = arith.constant 0 : i32
        %dma_wait3A_1028 = tpu.memref_slice %arg11[%dma_wait3A_1026, %dma_wait3A_1027] : memref<10112x128xf32, #tpu.memory_space<vmem_shared>> -> memref<10112x128xf32, #tpu.memory_space<vmem_shared>>
        tpu.wait_indirect_dma semaphore(%run_scoped3A : memref<!tpu.dma_semaphore, #tpu.memory_space<semaphore_mem>>) src(%arg14 : memref<128x128xf32, #tpu.memory_space<vmem>>) dst(%dma_wait3A_1028 : memref<10112x128xf32, #tpu.memory_space<vmem_shared>>)
        tpu.yield
      }) : () -> ()
      %dma_wait3A_624 = arith.constant 1152 : i32
      %dma_wait3A_625 = tpu.memref_slice %arg12[%dma_wait3A_624] : memref<1536xi32, #tpu.memory_space<vmem>> -> memref<384xi32, #tpu.memory_space<vmem>>
      %dma_wait3A_626 = arith.constant 0 : i32
      %dma_wait3A_627 = tpu.memref_slice %arg7[%dma_wait3A_626] : memref<540672xi32, #tpu.memory_space<hbm>> -> memref<384xi32, #tpu.memory_space<hbm>>
      %dma_wait3A_628 = arith.constant 1152 : i32
      %dma_wait3A_629 = tpu.memref_slice %arg12[%dma_wait3A_628] : memref<1536xi32, #tpu.memory_space<vmem>> -> memref<384xi32, #tpu.memory_space<vmem>>
      %dma_wait3A_630 = arith.constant 0 : i32
      %dma_wait3A_631 = tpu.memref_slice %arg7[%dma_wait3A_630] : memref<540672xi32, #tpu.memory_space<hbm>> -> memref<384xi32, #tpu.memory_space<hbm>>
      tpu.wait_dma2 semaphore(%arg23 : memref<!tpu.dma_semaphore, #tpu.memory_space<semaphore_mem>>) src(%dma_wait3A_631 : memref<384xi32, #tpu.memory_space<hbm>>) dst(%dma_wait3A_629 : memref<384xi32, #tpu.memory_space<vmem>>)
      %get3A_632 = arith.constant 1152 : index
      %get3A_633 = tpu.vector_load %arg12[%get3A_632] {strides = array<i32>} : memref<1536xi32, #tpu.memory_space<vmem>>, vector<16xi32>,
      %swap3A_634 = arith.constant 0 : index
      %swap3A_635 = tpu.vector_load %arg18[%swap3A_634] {strides = array<i32>} : memref<128xi32, #tpu.memory_space<vmem>>, vector<16xi32>,
      tpu.vector_store %arg18[%swap3A_634], %get3A_633 {strides = array<i32>} : memref<128xi32, #tpu.memory_space<vmem>>, vector<16xi32>,
      %get3A_636 = arith.constant 1168 : index
      %get3A_637 = tpu.vector_load %arg12[%get3A_636] {strides = array<i32>} : memref<1536xi32, #tpu.memory_space<vmem>>, vector<16xi32>,
      %swap3A_638 = arith.constant 16 : index
      %swap3A_639 = tpu.vector_load %arg18[%swap3A_638] {strides = array<i32>} : memref<128xi32, #tpu.memory_space<vmem>>, vector<16xi32>,
      tpu.vector_store %arg18[%swap3A_638], %get3A_637 {strides = array<i32>} : memref<128xi32, #tpu.memory_space<vmem>>, vector<16xi32>,
      %get3A_640 = arith.constant 1184 : index
      %get3A_641 = tpu.vector_load %arg12[%get3A_640] {strides = array<i32>} : memref<1536xi32, #tpu.memory_space<vmem>>, vector<16xi32>,
      %swap3A_642 = arith.constant 32 : index
      %swap3A_643 = tpu.vector_load %arg18[%swap3A_642] {strides = array<i32>} : memref<128xi32, #tpu.memory_space<vmem>>, vector<16xi32>,
      tpu.vector_store %arg18[%swap3A_642], %get3A_641 {strides = array<i32>} : memref<128xi32, #tpu.memory_space<vmem>>, vector<16xi32>,
      %get3A_644 = arith.constant 1200 : index
      %get3A_645 = tpu.vector_load %arg12[%get3A_644] {strides = array<i32>} : memref<1536xi32, #tpu.memory_space<vmem>>, vector<16xi32>,
      %swap3A_646 = arith.constant 48 : index
      %swap3A_647 = tpu.vector_load %arg18[%swap3A_646] {strides = array<i32>} : memref<128xi32, #tpu.memory_space<vmem>>, vector<16xi32>,
      tpu.vector_store %arg18[%swap3A_646], %get3A_645 {strides = array<i32>} : memref<128xi32, #tpu.memory_space<vmem>>, vector<16xi32>,
      %get3A_648 = arith.constant 1216 : index
      %get3A_649 = tpu.vector_load %arg12[%get3A_648] {strides = array<i32>} : memref<1536xi32, #tpu.memory_space<vmem>>, vector<16xi32>,
      %swap3A_650 = arith.constant 64 : index
      %swap3A_651 = tpu.vector_load %arg18[%swap3A_650] {strides = array<i32>} : memref<128xi32, #tpu.memory_space<vmem>>, vector<16xi32>,
      tpu.vector_store %arg18[%swap3A_650], %get3A_649 {strides = array<i32>} : memref<128xi32, #tpu.memory_space<vmem>>, vector<16xi32>,
      %get3A_652 = arith.constant 1232 : index
      %get3A_653 = tpu.vector_load %arg12[%get3A_652] {strides = array<i32>} : memref<1536xi32, #tpu.memory_space<vmem>>, vector<16xi32>,
      %swap3A_654 = arith.constant 80 : index
      %swap3A_655 = tpu.vector_load %arg18[%swap3A_654] {strides = array<i32>} : memref<128xi32, #tpu.memory_space<vmem>>, vector<16xi32>,
      tpu.vector_store %arg18[%swap3A_654], %get3A_653 {strides = array<i32>} : memref<128xi32, #tpu.memory_space<vmem>>, vector<16xi32>,
      %get3A_656 = arith.constant 1248 : index
      %get3A_657 = tpu.vector_load %arg12[%get3A_656] {strides = array<i32>} : memref<1536xi32, #tpu.memory_space<vmem>>, vector<16xi32>,
      %swap3A_658 = arith.constant 96 : index
      %swap3A_659 = tpu.vector_load %arg18[%swap3A_658] {strides = array<i32>} : memref<128xi32, #tpu.memory_space<vmem>>, vector<16xi32>,
      tpu.vector_store %arg18[%swap3A_658], %get3A_657 {strides = array<i32>} : memref<128xi32, #tpu.memory_space<vmem>>, vector<16xi32>,
      %get3A_660 = arith.constant 1264 : index
      %get3A_661 = tpu.vector_load %arg12[%get3A_660] {strides = array<i32>} : memref<1536xi32, #tpu.memory_space<vmem>>, vector<16xi32>,
      %swap3A_662 = arith.constant 112 : index
      %swap3A_663 = tpu.vector_load %arg18[%swap3A_662] {strides = array<i32>} : memref<128xi32, #tpu.memory_space<vmem>>, vector<16xi32>,
      tpu.vector_store %arg18[%swap3A_662], %get3A_661 {strides = array<i32>} : memref<128xi32, #tpu.memory_space<vmem>>, vector<16xi32>,
      %dma_start3A_664 = arith.constant 0 : i32
      %dma_start3A_665 = arith.constant 0 : i32
      %dma_start3A_666 = tpu.memref_slice %arg3[%dma_start3A_664, %dma_start3A_665] : memref<10000x128xf32, #tpu.memory_space<hbm>> -> memref<10000x128xf32, #tpu.memory_space<hbm>>
      tpu.enqueue_indirect_dma source(%dma_start3A_666 : memref<10000x128xf32, #tpu.memory_space<hbm>>) target(%arg14 : memref<128x128xf32, #tpu.memory_space<vmem>>) offsets(%arg18 : memref<128xi32, #tpu.memory_space<vmem>>) semaphore(%arg25 : memref<!tpu.dma_semaphore, #tpu.memory_space<semaphore_mem>>)
      %dma_start3A_667 = arith.constant 0 : i32
      %dma_start3A_668 = tpu.memref_slice %arg5[%dma_start3A_667] : memref<10112xf32, #tpu.memory_space<hbm>> -> memref<10112xf32, #tpu.memory_space<hbm>>
      tpu.enqueue_indirect_dma source(%dma_start3A_668 : memref<10112xf32, #tpu.memory_space<hbm>>) target(%arg16 : memref<128xf32, #tpu.memory_space<vmem>>) offsets(%arg18 : memref<128xi32, #tpu.memory_space<vmem>>) semaphore(%arg27 : memref<!tpu.dma_semaphore, #tpu.memory_space<semaphore_mem>>)
      %add3A_669 = arith.constant 4 : i32
      %add3A_670 = arith.addi %add3A_515, %add3A_669 : i32
      %mul3A_671 = arith.constant 32 : i32
      %mul3A_672 = arith.muli %add3A_670, %mul3A_671 : i32
      %add3A_673 = arith.addi %add3A, %mul3A_672 : i32
      %mul3A_674 = arith.constant 384 : i32
      %mul3A_675 = arith.muli %add3A_673, %mul3A_674 : i32
      %dma_start3A_676 = arith.constant 384 : i32
      %dma_start3A_677 = tpu.memref_slice %arg12[%dma_start3A_676] : memref<1536xi32, #tpu.memory_space<vmem>> -> memref<384xi32, #tpu.memory_space<vmem>>
      %dma_start3A_678 = tpu.memref_slice %arg7[%mul3A_675] : memref<540672xi32, #tpu.memory_space<hbm>> -> memref<384xi32, #tpu.memory_space<hbm>>
      %dma_start3A_679 = arith.constant 384 : i32
      %dma_start3A_680 = tpu.memref_slice %arg12[%dma_start3A_679] : memref<1536xi32, #tpu.memory_space<vmem>> -> memref<384xi32, #tpu.memory_space<vmem>>
      %dma_start3A_681 = tpu.memref_slice %arg7[%mul3A_675] : memref<540672xi32, #tpu.memory_space<hbm>> -> memref<384xi32, #tpu.memory_space<hbm>>
      tpu.enqueue_dma source(%dma_start3A_681 : memref<384xi32, #tpu.memory_space<hbm>>) target(%dma_start3A_680 : memref<384xi32, #tpu.memory_space<vmem>>) target_semaphore(%arg21 : memref<!tpu.dma_semaphore, #tpu.memory_space<semaphore_mem>>)
      %mul3A_682 = arith.constant 4 : i32
      %mul3A_683 = arith.muli %mul3A_682, %scan3A_343 : i32
      %add3A_684 = arith.constant 2 : i32
      %add3A_685 = arith.addi %mul3A_683, %add3A_684 : i32
      %dma_wait3A_686 = arith.constant 0 : i32
      %dma_wait3A_687 = tpu.memref_slice %arg5[%dma_wait3A_686] : memref<10112xf32, #tpu.memory_space<hbm>> -> memref<10112xf32, #tpu.memory_space<hbm>>
      tpu.wait_indirect_dma semaphore(%arg26 : memref<!tpu.dma_semaphore, #tpu.memory_space<semaphore_mem>>) src(%dma_wait3A_687 : memref<10112xf32, #tpu.memory_space<hbm>>) dst(%arg15 : memref<128xf32, #tpu.memory_space<vmem>>)
      %dma_wait3A_688 = arith.constant 0 : i32
      %dma_wait3A_689 = arith.constant 0 : i32
      %dma_wait3A_690 = tpu.memref_slice %arg3[%dma_wait3A_688, %dma_wait3A_689] : memref<10000x128xf32, #tpu.memory_space<hbm>> -> memref<10000x128xf32, #tpu.memory_space<hbm>>
      tpu.wait_indirect_dma semaphore(%arg24 : memref<!tpu.dma_semaphore, #tpu.memory_space<semaphore_mem>>) src(%dma_wait3A_690 : memref<10000x128xf32, #tpu.memory_space<hbm>>) dst(%arg13 : memref<128x128xf32, #tpu.memory_space<vmem>>)
      %get3A_691 = arith.constant 1024 : index
      %get3A_692 = tpu.vector_load %arg12[%get3A_691] {strides = array<i32>} : memref<1536xi32, #tpu.memory_space<vmem>>, vector<16xi32>,
      %bitcast_convert_type3A_693 = tpu.bitcast %get3A_692 : vector<16xi32> -> vector<16xf32>
      %get3A_694 = arith.constant 0 : index
      %get3A_695 = tpu.vector_load %arg15[%get3A_694] {strides = array<i32>} : memref<128xf32, #tpu.memory_space<vmem>>, vector<16xf32>,
      %mul3A_696 = arith.mulf %get3A_695, %bitcast_convert_type3A_693 : vector<16xf32>
      %swap3A_697 = arith.constant 0 : index
      %swap3A_698 = tpu.vector_load %arg15[%swap3A_697] {strides = array<i32>} : memref<128xf32, #tpu.memory_space<vmem>>, vector<16xf32>,
      tpu.vector_store %arg15[%swap3A_697], %mul3A_696 {strides = array<i32>} : memref<128xf32, #tpu.memory_space<vmem>>, vector<16xf32>,
      %get3A_699 = arith.constant 896 : index
      %get3A_700 = tpu.vector_load %arg12[%get3A_699] {strides = array<i32>} : memref<1536xi32, #tpu.memory_space<vmem>>, vector<16xi32>,
      %swap3A_701 = arith.constant 0 : index
      %swap3A_702 = tpu.vector_load %arg19[%swap3A_701] {strides = array<i32>} : memref<128xi32, #tpu.memory_space<vmem>>, vector<16xi32>,
      tpu.vector_store %arg19[%swap3A_701], %get3A_700 {strides = array<i32>} : memref<128xi32, #tpu.memory_space<vmem>>, vector<16xi32>,
      %get3A_703 = arith.constant 1040 : index
      %get3A_704 = tpu.vector_load %arg12[%get3A_703] {strides = array<i32>} : memref<1536xi32, #tpu.memory_space<vmem>>, vector<16xi32>,
      %bitcast_convert_type3A_705 = tpu.bitcast %get3A_704 : vector<16xi32> -> vector<16xf32>
      %get3A_706 = arith.constant 16 : index
      %get3A_707 = tpu.vector_load %arg15[%get3A_706] {strides = array<i32>} : memref<128xf32, #tpu.memory_space<vmem>>, vector<16xf32>,
      %mul3A_708 = arith.mulf %get3A_707, %bitcast_convert_type3A_705 : vector<16xf32>
      %swap3A_709 = arith.constant 16 : index
      %swap3A_710 = tpu.vector_load %arg15[%swap3A_709] {strides = array<i32>} : memref<128xf32, #tpu.memory_space<vmem>>, vector<16xf32>,
      tpu.vector_store %arg15[%swap3A_709], %mul3A_708 {strides = array<i32>} : memref<128xf32, #tpu.memory_space<vmem>>, vector<16xf32>,
      %get3A_711 = arith.constant 912 : index
      %get3A_712 = tpu.vector_load %arg12[%get3A_711] {strides = array<i32>} : memref<1536xi32, #tpu.memory_space<vmem>>, vector<16xi32>,
      %swap3A_713 = arith.constant 16 : index
      %swap3A_714 = tpu.vector_load %arg19[%swap3A_713] {strides = array<i32>} : memref<128xi32, #tpu.memory_space<vmem>>, vector<16xi32>,
      tpu.vector_store %arg19[%swap3A_713], %get3A_712 {strides = array<i32>} : memref<128xi32, #tpu.memory_space<vmem>>, vector<16xi32>,
      %get3A_715 = arith.constant 1056 : index
      %get3A_716 = tpu.vector_load %arg12[%get3A_715] {strides = array<i32>} : memref<1536xi32, #tpu.memory_space<vmem>>, vector<16xi32>,
      %bitcast_convert_type3A_717 = tpu.bitcast %get3A_716 : vector<16xi32> -> vector<16xf32>
      %get3A_718 = arith.constant 32 : index
      %get3A_719 = tpu.vector_load %arg15[%get3A_718] {strides = array<i32>} : memref<128xf32, #tpu.memory_space<vmem>>, vector<16xf32>,
      %mul3A_720 = arith.mulf %get3A_719, %bitcast_convert_type3A_717 : vector<16xf32>
      %swap3A_721 = arith.constant 32 : index
      %swap3A_722 = tpu.vector_load %arg15[%swap3A_721] {strides = array<i32>} : memref<128xf32, #tpu.memory_space<vmem>>, vector<16xf32>,
      tpu.vector_store %arg15[%swap3A_721], %mul3A_720 {strides = array<i32>} : memref<128xf32, #tpu.memory_space<vmem>>, vector<16xf32>,
      %get3A_723 = arith.constant 928 : index
      %get3A_724 = tpu.vector_load %arg12[%get3A_723] {strides = array<i32>} : memref<1536xi32, #tpu.memory_space<vmem>>, vector<16xi32>,
      %swap3A_725 = arith.constant 32 : index
      %swap3A_726 = tpu.vector_load %arg19[%swap3A_725] {strides = array<i32>} : memref<128xi32, #tpu.memory_space<vmem>>, vector<16xi32>,
      tpu.vector_store %arg19[%swap3A_725], %get3A_724 {strides = array<i32>} : memref<128xi32, #tpu.memory_space<vmem>>, vector<16xi32>,
      %get3A_727 = arith.constant 1072 : index
      %get3A_728 = tpu.vector_load %arg12[%get3A_727] {strides = array<i32>} : memref<1536xi32, #tpu.memory_space<vmem>>, vector<16xi32>,
      %bitcast_convert_type3A_729 = tpu.bitcast %get3A_728 : vector<16xi32> -> vector<16xf32>
      %get3A_730 = arith.constant 48 : index
      %get3A_731 = tpu.vector_load %arg15[%get3A_730] {strides = array<i32>} : memref<128xf32, #tpu.memory_space<vmem>>, vector<16xf32>,
      %mul3A_732 = arith.mulf %get3A_731, %bitcast_convert_type3A_729 : vector<16xf32>
      %swap3A_733 = arith.constant 48 : index
      %swap3A_734 = tpu.vector_load %arg15[%swap3A_733] {strides = array<i32>} : memref<128xf32, #tpu.memory_space<vmem>>, vector<16xf32>,
      tpu.vector_store %arg15[%swap3A_733], %mul3A_732 {strides = array<i32>} : memref<128xf32, #tpu.memory_space<vmem>>, vector<16xf32>,
      %get3A_735 = arith.constant 944 : index
      %get3A_736 = tpu.vector_load %arg12[%get3A_735] {strides = array<i32>} : memref<1536xi32, #tpu.memory_space<vmem>>, vector<16xi32>,
      %swap3A_737 = arith.constant 48 : index
      %swap3A_738 = tpu.vector_load %arg19[%swap3A_737] {strides = array<i32>} : memref<128xi32, #tpu.memory_space<vmem>>, vector<16xi32>,
      tpu.vector_store %arg19[%swap3A_737], %get3A_736 {strides = array<i32>} : memref<128xi32, #tpu.memory_space<vmem>>, vector<16xi32>,
      %get3A_739 = arith.constant 1088 : index
      %get3A_740 = tpu.vector_load %arg12[%get3A_739] {strides = array<i32>} : memref<1536xi32, #tpu.memory_space<vmem>>, vector<16xi32>,
      %bitcast_convert_type3A_741 = tpu.bitcast %get3A_740 : vector<16xi32> -> vector<16xf32>
      %get3A_742 = arith.constant 64 : index
      %get3A_743 = tpu.vector_load %arg15[%get3A_742] {strides = array<i32>} : memref<128xf32, #tpu.memory_space<vmem>>, vector<16xf32>,
      %mul3A_744 = arith.mulf %get3A_743, %bitcast_convert_type3A_741 : vector<16xf32>
      %swap3A_745 = arith.constant 64 : index
      %swap3A_746 = tpu.vector_load %arg15[%swap3A_745] {strides = array<i32>} : memref<128xf32, #tpu.memory_space<vmem>>, vector<16xf32>,
      tpu.vector_store %arg15[%swap3A_745], %mul3A_744 {strides = array<i32>} : memref<128xf32, #tpu.memory_space<vmem>>, vector<16xf32>,
      %get3A_747 = arith.constant 960 : index
      %get3A_748 = tpu.vector_load %arg12[%get3A_747] {strides = array<i32>} : memref<1536xi32, #tpu.memory_space<vmem>>, vector<16xi32>,
      %swap3A_749 = arith.constant 64 : index
      %swap3A_750 = tpu.vector_load %arg19[%swap3A_749] {strides = array<i32>} : memref<128xi32, #tpu.memory_space<vmem>>, vector<16xi32>,
      tpu.vector_store %arg19[%swap3A_749], %get3A_748 {strides = array<i32>} : memref<128xi32, #tpu.memory_space<vmem>>, vector<16xi32>,
      %get3A_751 = arith.constant 1104 : index
      %get3A_752 = tpu.vector_load %arg12[%get3A_751] {strides = array<i32>} : memref<1536xi32, #tpu.memory_space<vmem>>, vector<16xi32>,
      %bitcast_convert_type3A_753 = tpu.bitcast %get3A_752 : vector<16xi32> -> vector<16xf32>
      %get3A_754 = arith.constant 80 : index
      %get3A_755 = tpu.vector_load %arg15[%get3A_754] {strides = array<i32>} : memref<128xf32, #tpu.memory_space<vmem>>, vector<16xf32>,
      %mul3A_756 = arith.mulf %get3A_755, %bitcast_convert_type3A_753 : vector<16xf32>
      %swap3A_757 = arith.constant 80 : index
      %swap3A_758 = tpu.vector_load %arg15[%swap3A_757] {strides = array<i32>} : memref<128xf32, #tpu.memory_space<vmem>>, vector<16xf32>,
      tpu.vector_store %arg15[%swap3A_757], %mul3A_756 {strides = array<i32>} : memref<128xf32, #tpu.memory_space<vmem>>, vector<16xf32>,
      %get3A_759 = arith.constant 976 : index
      %get3A_760 = tpu.vector_load %arg12[%get3A_759] {strides = array<i32>} : memref<1536xi32, #tpu.memory_space<vmem>>, vector<16xi32>,
      %swap3A_761 = arith.constant 80 : index
      %swap3A_762 = tpu.vector_load %arg19[%swap3A_761] {strides = array<i32>} : memref<128xi32, #tpu.memory_space<vmem>>, vector<16xi32>,
      tpu.vector_store %arg19[%swap3A_761], %get3A_760 {strides = array<i32>} : memref<128xi32, #tpu.memory_space<vmem>>, vector<16xi32>,
      %get3A_763 = arith.constant 1120 : index
      %get3A_764 = tpu.vector_load %arg12[%get3A_763] {strides = array<i32>} : memref<1536xi32, #tpu.memory_space<vmem>>, vector<16xi32>,
      %bitcast_convert_type3A_765 = tpu.bitcast %get3A_764 : vector<16xi32> -> vector<16xf32>
      %get3A_766 = arith.constant 96 : index
      %get3A_767 = tpu.vector_load %arg15[%get3A_766] {strides = array<i32>} : memref<128xf32, #tpu.memory_space<vmem>>, vector<16xf32>,
      %mul3A_768 = arith.mulf %get3A_767, %bitcast_convert_type3A_765 : vector<16xf32>
      %swap3A_769 = arith.constant 96 : index
      %swap3A_770 = tpu.vector_load %arg15[%swap3A_769] {strides = array<i32>} : memref<128xf32, #tpu.memory_space<vmem>>, vector<16xf32>,
      tpu.vector_store %arg15[%swap3A_769], %mul3A_768 {strides = array<i32>} : memref<128xf32, #tpu.memory_space<vmem>>, vector<16xf32>,
      %get3A_771 = arith.constant 992 : index
      %get3A_772 = tpu.vector_load %arg12[%get3A_771] {strides = array<i32>} : memref<1536xi32, #tpu.memory_space<vmem>>, vector<16xi32>,
      %swap3A_773 = arith.constant 96 : index
      %swap3A_774 = tpu.vector_load %arg19[%swap3A_773] {strides = array<i32>} : memref<128xi32, #tpu.memory_space<vmem>>, vector<16xi32>,
      tpu.vector_store %arg19[%swap3A_773], %get3A_772 {strides = array<i32>} : memref<128xi32, #tpu.memory_space<vmem>>, vector<16xi32>,
      %get3A_775 = arith.constant 1136 : index
      %get3A_776 = tpu.vector_load %arg12[%get3A_775] {strides = array<i32>} : memref<1536xi32, #tpu.memory_space<vmem>>, vector<16xi32>,
      %bitcast_convert_type3A_777 = tpu.bitcast %get3A_776 : vector<16xi32> -> vector<16xf32>
      %get3A_778 = arith.constant 112 : index
      %get3A_779 = tpu.vector_load %arg15[%get3A_778] {strides = array<i32>} : memref<128xf32, #tpu.memory_space<vmem>>, vector<16xf32>,
      %mul3A_780 = arith.mulf %get3A_779, %bitcast_convert_type3A_777 : vector<16xf32>
      %swap3A_781 = arith.constant 112 : index
      %swap3A_782 = tpu.vector_load %arg15[%swap3A_781] {strides = array<i32>} : memref<128xf32, #tpu.memory_space<vmem>>, vector<16xf32>,
      tpu.vector_store %arg15[%swap3A_781], %mul3A_780 {strides = array<i32>} : memref<128xf32, #tpu.memory_space<vmem>>, vector<16xf32>,
      %get3A_783 = arith.constant 1008 : index
      %get3A_784 = tpu.vector_load %arg12[%get3A_783] {strides = array<i32>} : memref<1536xi32, #tpu.memory_space<vmem>>, vector<16xi32>,
      %swap3A_785 = arith.constant 112 : index
      %swap3A_786 = tpu.vector_load %arg19[%swap3A_785] {strides = array<i32>} : memref<128xi32, #tpu.memory_space<vmem>>, vector<16xi32>,
      tpu.vector_store %arg19[%swap3A_785], %get3A_784 {strides = array<i32>} : memref<128xi32, #tpu.memory_space<vmem>>, vector<16xi32>,
      %scan3A_787 = arith.constant 0 : i32
      %scan3A_788 = arith.constant 0 : i32
      %scan3A_789 = arith.constant 128 : i32
      %scan3A_790 = arith.addi %scan3A_788, %scan3A_789 : i32
      %scan3A_791 = arith.constant 1 : i32
      %scan3A_792 = scf.for %scan3A_1023 = %scan3A_788 to %scan3A_790 step %scan3A_791 iter_args(%scan3A_1024 = %scan3A_787) -> (i32)  : i32 {
        %broadcast_in_dim3A = vector.broadcast %scan3A_1023 : i32 to vector<16xi32>
        %gather3A = tpu.vector_load_idx %arg15[%broadcast_in_dim3A] : memref<128xf32, #tpu.memory_space<vmem>>[vector<16xi32>], vector<16xf32>,
        %get3A_1025 = arith.index_cast %scan3A_1023 : i32 to index
        %get3A_1026 = arith.constant 0 : index
        %get3A_1027 = tpu.vector_load %arg13[%get3A_1025, %get3A_1026] {strides = array<i32>} : memref<128x128xf32, #tpu.memory_space<vmem>>, vector<16xf32>,
        %mul3A_1028 = arith.mulf %get3A_1027, %gather3A : vector<16xf32>
        %swap3A_1029 = arith.index_cast %scan3A_1023 : i32 to index
        %swap3A_1030 = arith.constant 0 : index
        %swap3A_1031 = tpu.vector_load %arg13[%swap3A_1029, %swap3A_1030] {strides = array<i32>} : memref<128x128xf32, #tpu.memory_space<vmem>>, vector<16xf32>,
        tpu.vector_store %arg13[%swap3A_1029, %swap3A_1030], %mul3A_1028 {strides = array<i32>} : memref<128x128xf32, #tpu.memory_space<vmem>>, vector<16xf32>,
        %get3A_1032 = arith.index_cast %scan3A_1023 : i32 to index
        %get3A_1033 = arith.constant 16 : index
        %get3A_1034 = tpu.vector_load %arg13[%get3A_1032, %get3A_1033] {strides = array<i32>} : memref<128x128xf32, #tpu.memory_space<vmem>>, vector<16xf32>,
        %mul3A_1035 = arith.mulf %get3A_1034, %gather3A : vector<16xf32>
        %swap3A_1036 = arith.index_cast %scan3A_1023 : i32 to index
        %swap3A_1037 = arith.constant 16 : index
        %swap3A_1038 = tpu.vector_load %arg13[%swap3A_1036, %swap3A_1037] {strides = array<i32>} : memref<128x128xf32, #tpu.memory_space<vmem>>, vector<16xf32>,
        tpu.vector_store %arg13[%swap3A_1036, %swap3A_1037], %mul3A_1035 {strides = array<i32>} : memref<128x128xf32, #tpu.memory_space<vmem>>, vector<16xf32>,
        %get3A_1039 = arith.index_cast %scan3A_1023 : i32 to index
        %get3A_1040 = arith.constant 32 : index
        %get3A_1041 = tpu.vector_load %arg13[%get3A_1039, %get3A_1040] {strides = array<i32>} : memref<128x128xf32, #tpu.memory_space<vmem>>, vector<16xf32>,
        %mul3A_1042 = arith.mulf %get3A_1041, %gather3A : vector<16xf32>
        %swap3A_1043 = arith.index_cast %scan3A_1023 : i32 to index
        %swap3A_1044 = arith.constant 32 : index
        %swap3A_1045 = tpu.vector_load %arg13[%swap3A_1043, %swap3A_1044] {strides = array<i32>} : memref<128x128xf32, #tpu.memory_space<vmem>>, vector<16xf32>,
        tpu.vector_store %arg13[%swap3A_1043, %swap3A_1044], %mul3A_1042 {strides = array<i32>} : memref<128x128xf32, #tpu.memory_space<vmem>>, vector<16xf32>,
        %get3A_1046 = arith.index_cast %scan3A_1023 : i32 to index
        %get3A_1047 = arith.constant 48 : index
        %get3A_1048 = tpu.vector_load %arg13[%get3A_1046, %get3A_1047] {strides = array<i32>} : memref<128x128xf32, #tpu.memory_space<vmem>>, vector<16xf32>,
        %mul3A_1049 = arith.mulf %get3A_1048, %gather3A : vector<16xf32>
        %swap3A_1050 = arith.index_cast %scan3A_1023 : i32 to index
        %swap3A_1051 = arith.constant 48 : index
        %swap3A_1052 = tpu.vector_load %arg13[%swap3A_1050, %swap3A_1051] {strides = array<i32>} : memref<128x128xf32, #tpu.memory_space<vmem>>, vector<16xf32>,
        tpu.vector_store %arg13[%swap3A_1050, %swap3A_1051], %mul3A_1049 {strides = array<i32>} : memref<128x128xf32, #tpu.memory_space<vmem>>, vector<16xf32>,
        %get3A_1053 = arith.index_cast %scan3A_1023 : i32 to index
        %get3A_1054 = arith.constant 64 : index
        %get3A_1055 = tpu.vector_load %arg13[%get3A_1053, %get3A_1054] {strides = array<i32>} : memref<128x128xf32, #tpu.memory_space<vmem>>, vector<16xf32>,
        %mul3A_1056 = arith.mulf %get3A_1055, %gather3A : vector<16xf32>
        %swap3A_1057 = arith.index_cast %scan3A_1023 : i32 to index
        %swap3A_1058 = arith.constant 64 : index
        %swap3A_1059 = tpu.vector_load %arg13[%swap3A_1057, %swap3A_1058] {strides = array<i32>} : memref<128x128xf32, #tpu.memory_space<vmem>>, vector<16xf32>,
        tpu.vector_store %arg13[%swap3A_1057, %swap3A_1058], %mul3A_1056 {strides = array<i32>} : memref<128x128xf32, #tpu.memory_space<vmem>>, vector<16xf32>,
        %get3A_1060 = arith.index_cast %scan3A_1023 : i32 to index
        %get3A_1061 = arith.constant 80 : index
        %get3A_1062 = tpu.vector_load %arg13[%get3A_1060, %get3A_1061] {strides = array<i32>} : memref<128x128xf32, #tpu.memory_space<vmem>>, vector<16xf32>,
        %mul3A_1063 = arith.mulf %get3A_1062, %gather3A : vector<16xf32>
        %swap3A_1064 = arith.index_cast %scan3A_1023 : i32 to index
        %swap3A_1065 = arith.constant 80 : index
        %swap3A_1066 = tpu.vector_load %arg13[%swap3A_1064, %swap3A_1065] {strides = array<i32>} : memref<128x128xf32, #tpu.memory_space<vmem>>, vector<16xf32>,
        tpu.vector_store %arg13[%swap3A_1064, %swap3A_1065], %mul3A_1063 {strides = array<i32>} : memref<128x128xf32, #tpu.memory_space<vmem>>, vector<16xf32>,
        %get3A_1067 = arith.index_cast %scan3A_1023 : i32 to index
        %get3A_1068 = arith.constant 96 : index
        %get3A_1069 = tpu.vector_load %arg13[%get3A_1067, %get3A_1068] {strides = array<i32>} : memref<128x128xf32, #tpu.memory_space<vmem>>, vector<16xf32>,
        %mul3A_1070 = arith.mulf %get3A_1069, %gather3A : vector<16xf32>
        %swap3A_1071 = arith.index_cast %scan3A_1023 : i32 to index
        %swap3A_1072 = arith.constant 96 : index
        %swap3A_1073 = tpu.vector_load %arg13[%swap3A_1071, %swap3A_1072] {strides = array<i32>} : memref<128x128xf32, #tpu.memory_space<vmem>>, vector<16xf32>,
        tpu.vector_store %arg13[%swap3A_1071, %swap3A_1072], %mul3A_1070 {strides = array<i32>} : memref<128x128xf32, #tpu.memory_space<vmem>>, vector<16xf32>,
        %get3A_1074 = arith.index_cast %scan3A_1023 : i32 to index
        %get3A_1075 = arith.constant 112 : index
        %get3A_1076 = tpu.vector_load %arg13[%get3A_1074, %get3A_1075] {strides = array<i32>} : memref<128x128xf32, #tpu.memory_space<vmem>>, vector<16xf32>,
        %mul3A_1077 = arith.mulf %get3A_1076, %gather3A : vector<16xf32>
        %swap3A_1078 = arith.index_cast %scan3A_1023 : i32 to index
        %swap3A_1079 = arith.constant 112 : index
        %swap3A_1080 = tpu.vector_load %arg13[%swap3A_1078, %swap3A_1079] {strides = array<i32>} : memref<128x128xf32, #tpu.memory_space<vmem>>, vector<16xf32>,
        tpu.vector_store %arg13[%swap3A_1078, %swap3A_1079], %mul3A_1077 {strides = array<i32>} : memref<128x128xf32, #tpu.memory_space<vmem>>, vector<16xf32>,
        %scan3A_1081 = arith.constant 0 : i32
        scf.yield %scan3A_1081 : i32
      }
      %scan3A_793 = arith.constant 128 : i32
      "tpu.region"() ({
        %run_scoped3A = tpu.sem_alloc : memref<!tpu.dma_semaphore, #tpu.memory_space<semaphore_mem>>
        %dma_start3A_1023 = arith.constant 0 : i32
        %dma_start3A_1024 = arith.constant 0 : i32
        %dma_start3A_1025 = tpu.memref_slice %arg11[%dma_start3A_1023, %dma_start3A_1024] : memref<10112x128xf32, #tpu.memory_space<vmem_shared>> -> memref<10112x128xf32, #tpu.memory_space<vmem_shared>>
        tpu.enqueue_indirect_dma source(%arg13 : memref<128x128xf32, #tpu.memory_space<vmem>>) target(%dma_start3A_1025 : memref<10112x128xf32, #tpu.memory_space<vmem_shared>>) offsets(%arg19 : memref<128xi32, #tpu.memory_space<vmem>>) semaphore(%run_scoped3A : memref<!tpu.dma_semaphore, #tpu.memory_space<semaphore_mem>>) {add = true}
        %dma_wait3A_1026 = arith.constant 0 : i32
        %dma_wait3A_1027 = arith.constant 0 : i32
        %dma_wait3A_1028 = tpu.memref_slice %arg11[%dma_wait3A_1026, %dma_wait3A_1027] : memref<10112x128xf32, #tpu.memory_space<vmem_shared>> -> memref<10112x128xf32, #tpu.memory_space<vmem_shared>>
        tpu.wait_indirect_dma semaphore(%run_scoped3A : memref<!tpu.dma_semaphore, #tpu.memory_space<semaphore_mem>>) src(%arg13 : memref<128x128xf32, #tpu.memory_space<vmem>>) dst(%dma_wait3A_1028 : memref<10112x128xf32, #tpu.memory_space<vmem_shared>>)
        tpu.yield
      }) : () -> ()
      %dma_wait3A_794 = arith.constant 0 : i32
      %dma_wait3A_795 = tpu.memref_slice %arg12[%dma_wait3A_794] : memref<1536xi32, #tpu.memory_space<vmem>> -> memref<384xi32, #tpu.memory_space<vmem>>
      %dma_wait3A_796 = arith.constant 0 : i32
      %dma_wait3A_797 = tpu.memref_slice %arg7[%dma_wait3A_796] : memref<540672xi32, #tpu.memory_space<hbm>> -> memref<384xi32, #tpu.memory_space<hbm>>
      %dma_wait3A_798 = arith.constant 0 : i32
      %dma_wait3A_799 = tpu.memref_slice %arg12[%dma_wait3A_798] : memref<1536xi32, #tpu.memory_space<vmem>> -> memref<384xi32, #tpu.memory_space<vmem>>
      %dma_wait3A_800 = arith.constant 0 : i32
      %dma_wait3A_801 = tpu.memref_slice %arg7[%dma_wait3A_800] : memref<540672xi32, #tpu.memory_space<hbm>> -> memref<384xi32, #tpu.memory_space<hbm>>
      tpu.wait_dma2 semaphore(%arg20 : memref<!tpu.dma_semaphore, #tpu.memory_space<semaphore_mem>>) src(%dma_wait3A_801 : memref<384xi32, #tpu.memory_space<hbm>>) dst(%dma_wait3A_799 : memref<384xi32, #tpu.memory_space<vmem>>)
      %get3A_802 = arith.constant 0 : index
      %get3A_803 = tpu.vector_load %arg12[%get3A_802] {strides = array<i32>} : memref<1536xi32, #tpu.memory_space<vmem>>, vector<16xi32>,
      %swap3A_804 = arith.constant 0 : index
      %swap3A_805 = tpu.vector_load %arg17[%swap3A_804] {strides = array<i32>} : memref<128xi32, #tpu.memory_space<vmem>>, vector<16xi32>,
      tpu.vector_store %arg17[%swap3A_804], %get3A_803 {strides = array<i32>} : memref<128xi32, #tpu.memory_space<vmem>>, vector<16xi32>,
      %get3A_806 = arith.constant 16 : index
      %get3A_807 = tpu.vector_load %arg12[%get3A_806] {strides = array<i32>} : memref<1536xi32, #tpu.memory_space<vmem>>, vector<16xi32>,
      %swap3A_808 = arith.constant 16 : index
      %swap3A_809 = tpu.vector_load %arg17[%swap3A_808] {strides = array<i32>} : memref<128xi32, #tpu.memory_space<vmem>>, vector<16xi32>,
      tpu.vector_store %arg17[%swap3A_808], %get3A_807 {strides = array<i32>} : memref<128xi32, #tpu.memory_space<vmem>>, vector<16xi32>,
      %get3A_810 = arith.constant 32 : index
      %get3A_811 = tpu.vector_load %arg12[%get3A_810] {strides = array<i32>} : memref<1536xi32, #tpu.memory_space<vmem>>, vector<16xi32>,
      %swap3A_812 = arith.constant 32 : index
      %swap3A_813 = tpu.vector_load %arg17[%swap3A_812] {strides = array<i32>} : memref<128xi32, #tpu.memory_space<vmem>>, vector<16xi32>,
      tpu.vector_store %arg17[%swap3A_812], %get3A_811 {strides = array<i32>} : memref<128xi32, #tpu.memory_space<vmem>>, vector<16xi32>,
      %get3A_814 = arith.constant 48 : index
      %get3A_815 = tpu.vector_load %arg12[%get3A_814] {strides = array<i32>} : memref<1536xi32, #tpu.memory_space<vmem>>, vector<16xi32>,
      %swap3A_816 = arith.constant 48 : index
      %swap3A_817 = tpu.vector_load %arg17[%swap3A_816] {strides = array<i32>} : memref<128xi32, #tpu.memory_space<vmem>>, vector<16xi32>,
      tpu.vector_store %arg17[%swap3A_816], %get3A_815 {strides = array<i32>} : memref<128xi32, #tpu.memory_space<vmem>>, vector<16xi32>,
      %get3A_818 = arith.constant 64 : index
      %get3A_819 = tpu.vector_load %arg12[%get3A_818] {strides = array<i32>} : memref<1536xi32, #tpu.memory_space<vmem>>, vector<16xi32>,
      %swap3A_820 = arith.constant 64 : index
      %swap3A_821 = tpu.vector_load %arg17[%swap3A_820] {strides = array<i32>} : memref<128xi32, #tpu.memory_space<vmem>>, vector<16xi32>,
      tpu.vector_store %arg17[%swap3A_820], %get3A_819 {strides = array<i32>} : memref<128xi32, #tpu.memory_space<vmem>>, vector<16xi32>,
      %get3A_822 = arith.constant 80 : index
      %get3A_823 = tpu.vector_load %arg12[%get3A_822] {strides = array<i32>} : memref<1536xi32, #tpu.memory_space<vmem>>, vector<16xi32>,
      %swap3A_824 = arith.constant 80 : index
      %swap3A_825 = tpu.vector_load %arg17[%swap3A_824] {strides = array<i32>} : memref<128xi32, #tpu.memory_space<vmem>>, vector<16xi32>,
      tpu.vector_store %arg17[%swap3A_824], %get3A_823 {strides = array<i32>} : memref<128xi32, #tpu.memory_space<vmem>>, vector<16xi32>,
      %get3A_826 = arith.constant 96 : index
      %get3A_827 = tpu.vector_load %arg12[%get3A_826] {strides = array<i32>} : memref<1536xi32, #tpu.memory_space<vmem>>, vector<16xi32>,
      %swap3A_828 = arith.constant 96 : index
      %swap3A_829 = tpu.vector_load %arg17[%swap3A_828] {strides = array<i32>} : memref<128xi32, #tpu.memory_space<vmem>>, vector<16xi32>,
      tpu.vector_store %arg17[%swap3A_828], %get3A_827 {strides = array<i32>} : memref<128xi32, #tpu.memory_space<vmem>>, vector<16xi32>,
      %get3A_830 = arith.constant 112 : index
      %get3A_831 = tpu.vector_load %arg12[%get3A_830] {strides = array<i32>} : memref<1536xi32, #tpu.memory_space<vmem>>, vector<16xi32>,
      %swap3A_832 = arith.constant 112 : index
      %swap3A_833 = tpu.vector_load %arg17[%swap3A_832] {strides = array<i32>} : memref<128xi32, #tpu.memory_space<vmem>>, vector<16xi32>,
      tpu.vector_store %arg17[%swap3A_832], %get3A_831 {strides = array<i32>} : memref<128xi32, #tpu.memory_space<vmem>>, vector<16xi32>,
      %dma_start3A_834 = arith.constant 0 : i32
      %dma_start3A_835 = arith.constant 0 : i32
      %dma_start3A_836 = tpu.memref_slice %arg3[%dma_start3A_834, %dma_start3A_835] : memref<10000x128xf32, #tpu.memory_space<hbm>> -> memref<10000x128xf32, #tpu.memory_space<hbm>>
      tpu.enqueue_indirect_dma source(%dma_start3A_836 : memref<10000x128xf32, #tpu.memory_space<hbm>>) target(%arg13 : memref<128x128xf32, #tpu.memory_space<vmem>>) offsets(%arg17 : memref<128xi32, #tpu.memory_space<vmem>>) semaphore(%arg24 : memref<!tpu.dma_semaphore, #tpu.memory_space<semaphore_mem>>)
      %dma_start3A_837 = arith.constant 0 : i32
      %dma_start3A_838 = tpu.memref_slice %arg5[%dma_start3A_837] : memref<10112xf32, #tpu.memory_space<hbm>> -> memref<10112xf32, #tpu.memory_space<hbm>>
      tpu.enqueue_indirect_dma source(%dma_start3A_838 : memref<10112xf32, #tpu.memory_space<hbm>>) target(%arg15 : memref<128xf32, #tpu.memory_space<vmem>>) offsets(%arg17 : memref<128xi32, #tpu.memory_space<vmem>>) semaphore(%arg26 : memref<!tpu.dma_semaphore, #tpu.memory_space<semaphore_mem>>)
      %add3A_839 = arith.constant 4 : i32
      %add3A_840 = arith.addi %add3A_685, %add3A_839 : i32
      %mul3A_841 = arith.constant 32 : i32
      %mul3A_842 = arith.muli %add3A_840, %mul3A_841 : i32
      %add3A_843 = arith.addi %add3A, %mul3A_842 : i32
      %mul3A_844 = arith.constant 384 : i32
      %mul3A_845 = arith.muli %add3A_843, %mul3A_844 : i32
      %dma_start3A_846 = arith.constant 768 : i32
      %dma_start3A_847 = tpu.memref_slice %arg12[%dma_start3A_846] : memref<1536xi32, #tpu.memory_space<vmem>> -> memref<384xi32, #tpu.memory_space<vmem>>
      %dma_start3A_848 = tpu.memref_slice %arg7[%mul3A_845] : memref<540672xi32, #tpu.memory_space<hbm>> -> memref<384xi32, #tpu.memory_space<hbm>>
      %dma_start3A_849 = arith.constant 768 : i32
      %dma_start3A_850 = tpu.memref_slice %arg12[%dma_start3A_849] : memref<1536xi32, #tpu.memory_space<vmem>> -> memref<384xi32, #tpu.memory_space<vmem>>
      %dma_start3A_851 = tpu.memref_slice %arg7[%mul3A_845] : memref<540672xi32, #tpu.memory_space<hbm>> -> memref<384xi32, #tpu.memory_space<hbm>>
      tpu.enqueue_dma source(%dma_start3A_851 : memref<384xi32, #tpu.memory_space<hbm>>) target(%dma_start3A_850 : memref<384xi32, #tpu.memory_space<vmem>>) target_semaphore(%arg22 : memref<!tpu.dma_semaphore, #tpu.memory_space<semaphore_mem>>)
      %mul3A_852 = arith.constant 4 : i32
      %mul3A_853 = arith.muli %mul3A_852, %scan3A_343 : i32
      %add3A_854 = arith.constant 3 : i32
      %add3A_855 = arith.addi %mul3A_853, %add3A_854 : i32
      %dma_wait3A_856 = arith.constant 0 : i32
      %dma_wait3A_857 = tpu.memref_slice %arg5[%dma_wait3A_856] : memref<10112xf32, #tpu.memory_space<hbm>> -> memref<10112xf32, #tpu.memory_space<hbm>>
      tpu.wait_indirect_dma semaphore(%arg27 : memref<!tpu.dma_semaphore, #tpu.memory_space<semaphore_mem>>) src(%dma_wait3A_857 : memref<10112xf32, #tpu.memory_space<hbm>>) dst(%arg16 : memref<128xf32, #tpu.memory_space<vmem>>)
      %dma_wait3A_858 = arith.constant 0 : i32
      %dma_wait3A_859 = arith.constant 0 : i32
      %dma_wait3A_860 = tpu.memref_slice %arg3[%dma_wait3A_858, %dma_wait3A_859] : memref<10000x128xf32, #tpu.memory_space<hbm>> -> memref<10000x128xf32, #tpu.memory_space<hbm>>
      tpu.wait_indirect_dma semaphore(%arg25 : memref<!tpu.dma_semaphore, #tpu.memory_space<semaphore_mem>>) src(%dma_wait3A_860 : memref<10000x128xf32, #tpu.memory_space<hbm>>) dst(%arg14 : memref<128x128xf32, #tpu.memory_space<vmem>>)
      %get3A_861 = arith.constant 1408 : index
      %get3A_862 = tpu.vector_load %arg12[%get3A_861] {strides = array<i32>} : memref<1536xi32, #tpu.memory_space<vmem>>, vector<16xi32>,
      %bitcast_convert_type3A_863 = tpu.bitcast %get3A_862 : vector<16xi32> -> vector<16xf32>
      %get3A_864 = arith.constant 0 : index
      %get3A_865 = tpu.vector_load %arg16[%get3A_864] {strides = array<i32>} : memref<128xf32, #tpu.memory_space<vmem>>, vector<16xf32>,
      %mul3A_866 = arith.mulf %get3A_865, %bitcast_convert_type3A_863 : vector<16xf32>
      %swap3A_867 = arith.constant 0 : index
      %swap3A_868 = tpu.vector_load %arg16[%swap3A_867] {strides = array<i32>} : memref<128xf32, #tpu.memory_space<vmem>>, vector<16xf32>,
      tpu.vector_store %arg16[%swap3A_867], %mul3A_866 {strides = array<i32>} : memref<128xf32, #tpu.memory_space<vmem>>, vector<16xf32>,
      %get3A_869 = arith.constant 1280 : index
      %get3A_870 = tpu.vector_load %arg12[%get3A_869] {strides = array<i32>} : memref<1536xi32, #tpu.memory_space<vmem>>, vector<16xi32>,
      %swap3A_871 = arith.constant 0 : index
      %swap3A_872 = tpu.vector_load %arg19[%swap3A_871] {strides = array<i32>} : memref<128xi32, #tpu.memory_space<vmem>>, vector<16xi32>,
      tpu.vector_store %arg19[%swap3A_871], %get3A_870 {strides = array<i32>} : memref<128xi32, #tpu.memory_space<vmem>>, vector<16xi32>,
      %get3A_873 = arith.constant 1424 : index
      %get3A_874 = tpu.vector_load %arg12[%get3A_873] {strides = array<i32>} : memref<1536xi32, #tpu.memory_space<vmem>>, vector<16xi32>,
      %bitcast_convert_type3A_875 = tpu.bitcast %get3A_874 : vector<16xi32> -> vector<16xf32>
      %get3A_876 = arith.constant 16 : index
      %get3A_877 = tpu.vector_load %arg16[%get3A_876] {strides = array<i32>} : memref<128xf32, #tpu.memory_space<vmem>>, vector<16xf32>,
      %mul3A_878 = arith.mulf %get3A_877, %bitcast_convert_type3A_875 : vector<16xf32>
      %swap3A_879 = arith.constant 16 : index
      %swap3A_880 = tpu.vector_load %arg16[%swap3A_879] {strides = array<i32>} : memref<128xf32, #tpu.memory_space<vmem>>, vector<16xf32>,
      tpu.vector_store %arg16[%swap3A_879], %mul3A_878 {strides = array<i32>} : memref<128xf32, #tpu.memory_space<vmem>>, vector<16xf32>,
      %get3A_881 = arith.constant 1296 : index
      %get3A_882 = tpu.vector_load %arg12[%get3A_881] {strides = array<i32>} : memref<1536xi32, #tpu.memory_space<vmem>>, vector<16xi32>,
      %swap3A_883 = arith.constant 16 : index
      %swap3A_884 = tpu.vector_load %arg19[%swap3A_883] {strides = array<i32>} : memref<128xi32, #tpu.memory_space<vmem>>, vector<16xi32>,
      tpu.vector_store %arg19[%swap3A_883], %get3A_882 {strides = array<i32>} : memref<128xi32, #tpu.memory_space<vmem>>, vector<16xi32>,
      %get3A_885 = arith.constant 1440 : index
      %get3A_886 = tpu.vector_load %arg12[%get3A_885] {strides = array<i32>} : memref<1536xi32, #tpu.memory_space<vmem>>, vector<16xi32>,
      %bitcast_convert_type3A_887 = tpu.bitcast %get3A_886 : vector<16xi32> -> vector<16xf32>
      %get3A_888 = arith.constant 32 : index
      %get3A_889 = tpu.vector_load %arg16[%get3A_888] {strides = array<i32>} : memref<128xf32, #tpu.memory_space<vmem>>, vector<16xf32>,
      %mul3A_890 = arith.mulf %get3A_889, %bitcast_convert_type3A_887 : vector<16xf32>
      %swap3A_891 = arith.constant 32 : index
      %swap3A_892 = tpu.vector_load %arg16[%swap3A_891] {strides = array<i32>} : memref<128xf32, #tpu.memory_space<vmem>>, vector<16xf32>,
      tpu.vector_store %arg16[%swap3A_891], %mul3A_890 {strides = array<i32>} : memref<128xf32, #tpu.memory_space<vmem>>, vector<16xf32>,
      %get3A_893 = arith.constant 1312 : index
      %get3A_894 = tpu.vector_load %arg12[%get3A_893] {strides = array<i32>} : memref<1536xi32, #tpu.memory_space<vmem>>, vector<16xi32>,
      %swap3A_895 = arith.constant 32 : index
      %swap3A_896 = tpu.vector_load %arg19[%swap3A_895] {strides = array<i32>} : memref<128xi32, #tpu.memory_space<vmem>>, vector<16xi32>,
      tpu.vector_store %arg19[%swap3A_895], %get3A_894 {strides = array<i32>} : memref<128xi32, #tpu.memory_space<vmem>>, vector<16xi32>,
      %get3A_897 = arith.constant 1456 : index
      %get3A_898 = tpu.vector_load %arg12[%get3A_897] {strides = array<i32>} : memref<1536xi32, #tpu.memory_space<vmem>>, vector<16xi32>,
      %bitcast_convert_type3A_899 = tpu.bitcast %get3A_898 : vector<16xi32> -> vector<16xf32>
      %get3A_900 = arith.constant 48 : index
      %get3A_901 = tpu.vector_load %arg16[%get3A_900] {strides = array<i32>} : memref<128xf32, #tpu.memory_space<vmem>>, vector<16xf32>,
      %mul3A_902 = arith.mulf %get3A_901, %bitcast_convert_type3A_899 : vector<16xf32>
      %swap3A_903 = arith.constant 48 : index
      %swap3A_904 = tpu.vector_load %arg16[%swap3A_903] {strides = array<i32>} : memref<128xf32, #tpu.memory_space<vmem>>, vector<16xf32>,
      tpu.vector_store %arg16[%swap3A_903], %mul3A_902 {strides = array<i32>} : memref<128xf32, #tpu.memory_space<vmem>>, vector<16xf32>,
      %get3A_905 = arith.constant 1328 : index
      %get3A_906 = tpu.vector_load %arg12[%get3A_905] {strides = array<i32>} : memref<1536xi32, #tpu.memory_space<vmem>>, vector<16xi32>,
      %swap3A_907 = arith.constant 48 : index
      %swap3A_908 = tpu.vector_load %arg19[%swap3A_907] {strides = array<i32>} : memref<128xi32, #tpu.memory_space<vmem>>, vector<16xi32>,
      tpu.vector_store %arg19[%swap3A_907], %get3A_906 {strides = array<i32>} : memref<128xi32, #tpu.memory_space<vmem>>, vector<16xi32>,
      %get3A_909 = arith.constant 1472 : index
      %get3A_910 = tpu.vector_load %arg12[%get3A_909] {strides = array<i32>} : memref<1536xi32, #tpu.memory_space<vmem>>, vector<16xi32>,
      %bitcast_convert_type3A_911 = tpu.bitcast %get3A_910 : vector<16xi32> -> vector<16xf32>
      %get3A_912 = arith.constant 64 : index
      %get3A_913 = tpu.vector_load %arg16[%get3A_912] {strides = array<i32>} : memref<128xf32, #tpu.memory_space<vmem>>, vector<16xf32>,
      %mul3A_914 = arith.mulf %get3A_913, %bitcast_convert_type3A_911 : vector<16xf32>
      %swap3A_915 = arith.constant 64 : index
      %swap3A_916 = tpu.vector_load %arg16[%swap3A_915] {strides = array<i32>} : memref<128xf32, #tpu.memory_space<vmem>>, vector<16xf32>,
      tpu.vector_store %arg16[%swap3A_915], %mul3A_914 {strides = array<i32>} : memref<128xf32, #tpu.memory_space<vmem>>, vector<16xf32>,
      %get3A_917 = arith.constant 1344 : index
      %get3A_918 = tpu.vector_load %arg12[%get3A_917] {strides = array<i32>} : memref<1536xi32, #tpu.memory_space<vmem>>, vector<16xi32>,
      %swap3A_919 = arith.constant 64 : index
      %swap3A_920 = tpu.vector_load %arg19[%swap3A_919] {strides = array<i32>} : memref<128xi32, #tpu.memory_space<vmem>>, vector<16xi32>,
      tpu.vector_store %arg19[%swap3A_919], %get3A_918 {strides = array<i32>} : memref<128xi32, #tpu.memory_space<vmem>>, vector<16xi32>,
      %get3A_921 = arith.constant 1488 : index
      %get3A_922 = tpu.vector_load %arg12[%get3A_921] {strides = array<i32>} : memref<1536xi32, #tpu.memory_space<vmem>>, vector<16xi32>,
      %bitcast_convert_type3A_923 = tpu.bitcast %get3A_922 : vector<16xi32> -> vector<16xf32>
      %get3A_924 = arith.constant 80 : index
      %get3A_925 = tpu.vector_load %arg16[%get3A_924] {strides = array<i32>} : memref<128xf32, #tpu.memory_space<vmem>>, vector<16xf32>,
      %mul3A_926 = arith.mulf %get3A_925, %bitcast_convert_type3A_923 : vector<16xf32>
      %swap3A_927 = arith.constant 80 : index
      %swap3A_928 = tpu.vector_load %arg16[%swap3A_927] {strides = array<i32>} : memref<128xf32, #tpu.memory_space<vmem>>, vector<16xf32>,
      tpu.vector_store %arg16[%swap3A_927], %mul3A_926 {strides = array<i32>} : memref<128xf32, #tpu.memory_space<vmem>>, vector<16xf32>,
      %get3A_929 = arith.constant 1360 : index
      %get3A_930 = tpu.vector_load %arg12[%get3A_929] {strides = array<i32>} : memref<1536xi32, #tpu.memory_space<vmem>>, vector<16xi32>,
      %swap3A_931 = arith.constant 80 : index
      %swap3A_932 = tpu.vector_load %arg19[%swap3A_931] {strides = array<i32>} : memref<128xi32, #tpu.memory_space<vmem>>, vector<16xi32>,
      tpu.vector_store %arg19[%swap3A_931], %get3A_930 {strides = array<i32>} : memref<128xi32, #tpu.memory_space<vmem>>, vector<16xi32>,
      %get3A_933 = arith.constant 1504 : index
      %get3A_934 = tpu.vector_load %arg12[%get3A_933] {strides = array<i32>} : memref<1536xi32, #tpu.memory_space<vmem>>, vector<16xi32>,
      %bitcast_convert_type3A_935 = tpu.bitcast %get3A_934 : vector<16xi32> -> vector<16xf32>
      %get3A_936 = arith.constant 96 : index
      %get3A_937 = tpu.vector_load %arg16[%get3A_936] {strides = array<i32>} : memref<128xf32, #tpu.memory_space<vmem>>, vector<16xf32>,
      %mul3A_938 = arith.mulf %get3A_937, %bitcast_convert_type3A_935 : vector<16xf32>
      %swap3A_939 = arith.constant 96 : index
      %swap3A_940 = tpu.vector_load %arg16[%swap3A_939] {strides = array<i32>} : memref<128xf32, #tpu.memory_space<vmem>>, vector<16xf32>,
      tpu.vector_store %arg16[%swap3A_939], %mul3A_938 {strides = array<i32>} : memref<128xf32, #tpu.memory_space<vmem>>, vector<16xf32>,
      %get3A_941 = arith.constant 1376 : index
      %get3A_942 = tpu.vector_load %arg12[%get3A_941] {strides = array<i32>} : memref<1536xi32, #tpu.memory_space<vmem>>, vector<16xi32>,
      %swap3A_943 = arith.constant 96 : index
      %swap3A_944 = tpu.vector_load %arg19[%swap3A_943] {strides = array<i32>} : memref<128xi32, #tpu.memory_space<vmem>>, vector<16xi32>,
      tpu.vector_store %arg19[%swap3A_943], %get3A_942 {strides = array<i32>} : memref<128xi32, #tpu.memory_space<vmem>>, vector<16xi32>,
      %get3A_945 = arith.constant 1520 : index
      %get3A_946 = tpu.vector_load %arg12[%get3A_945] {strides = array<i32>} : memref<1536xi32, #tpu.memory_space<vmem>>, vector<16xi32>,
      %bitcast_convert_type3A_947 = tpu.bitcast %get3A_946 : vector<16xi32> -> vector<16xf32>
      %get3A_948 = arith.constant 112 : index
      %get3A_949 = tpu.vector_load %arg16[%get3A_948] {strides = array<i32>} : memref<128xf32, #tpu.memory_space<vmem>>, vector<16xf32>,
      %mul3A_950 = arith.mulf %get3A_949, %bitcast_convert_type3A_947 : vector<16xf32>
      %swap3A_951 = arith.constant 112 : index
      %swap3A_952 = tpu.vector_load %arg16[%swap3A_951] {strides = array<i32>} : memref<128xf32, #tpu.memory_space<vmem>>, vector<16xf32>,
      tpu.vector_store %arg16[%swap3A_951], %mul3A_950 {strides = array<i32>} : memref<128xf32, #tpu.memory_space<vmem>>, vector<16xf32>,
      %get3A_953 = arith.constant 1392 : index
      %get3A_954 = tpu.vector_load %arg12[%get3A_953] {strides = array<i32>} : memref<1536xi32, #tpu.memory_space<vmem>>, vector<16xi32>,
      %swap3A_955 = arith.constant 112 : index
      %swap3A_956 = tpu.vector_load %arg19[%swap3A_955] {strides = array<i32>} : memref<128xi32, #tpu.memory_space<vmem>>, vector<16xi32>,
      tpu.vector_store %arg19[%swap3A_955], %get3A_954 {strides = array<i32>} : memref<128xi32, #tpu.memory_space<vmem>>, vector<16xi32>,
      %scan3A_957 = arith.constant 0 : i32
      %scan3A_958 = arith.constant 0 : i32
      %scan3A_959 = arith.constant 128 : i32
      %scan3A_960 = arith.addi %scan3A_958, %scan3A_959 : i32
      %scan3A_961 = arith.constant 1 : i32
      %scan3A_962 = scf.for %scan3A_1023 = %scan3A_958 to %scan3A_960 step %scan3A_961 iter_args(%scan3A_1024 = %scan3A_957) -> (i32)  : i32 {
        %broadcast_in_dim3A = vector.broadcast %scan3A_1023 : i32 to vector<16xi32>
        %gather3A = tpu.vector_load_idx %arg16[%broadcast_in_dim3A] : memref<128xf32, #tpu.memory_space<vmem>>[vector<16xi32>], vector<16xf32>,
        %get3A_1025 = arith.index_cast %scan3A_1023 : i32 to index
        %get3A_1026 = arith.constant 0 : index
        %get3A_1027 = tpu.vector_load %arg14[%get3A_1025, %get3A_1026] {strides = array<i32>} : memref<128x128xf32, #tpu.memory_space<vmem>>, vector<16xf32>,
        %mul3A_1028 = arith.mulf %get3A_1027, %gather3A : vector<16xf32>
        %swap3A_1029 = arith.index_cast %scan3A_1023 : i32 to index
        %swap3A_1030 = arith.constant 0 : index
        %swap3A_1031 = tpu.vector_load %arg14[%swap3A_1029, %swap3A_1030] {strides = array<i32>} : memref<128x128xf32, #tpu.memory_space<vmem>>, vector<16xf32>,
        tpu.vector_store %arg14[%swap3A_1029, %swap3A_1030], %mul3A_1028 {strides = array<i32>} : memref<128x128xf32, #tpu.memory_space<vmem>>, vector<16xf32>,
        %get3A_1032 = arith.index_cast %scan3A_1023 : i32 to index
        %get3A_1033 = arith.constant 16 : index
        %get3A_1034 = tpu.vector_load %arg14[%get3A_1032, %get3A_1033] {strides = array<i32>} : memref<128x128xf32, #tpu.memory_space<vmem>>, vector<16xf32>,
        %mul3A_1035 = arith.mulf %get3A_1034, %gather3A : vector<16xf32>
        %swap3A_1036 = arith.index_cast %scan3A_1023 : i32 to index
        %swap3A_1037 = arith.constant 16 : index
        %swap3A_1038 = tpu.vector_load %arg14[%swap3A_1036, %swap3A_1037] {strides = array<i32>} : memref<128x128xf32, #tpu.memory_space<vmem>>, vector<16xf32>,
        tpu.vector_store %arg14[%swap3A_1036, %swap3A_1037], %mul3A_1035 {strides = array<i32>} : memref<128x128xf32, #tpu.memory_space<vmem>>, vector<16xf32>,
        %get3A_1039 = arith.index_cast %scan3A_1023 : i32 to index
        %get3A_1040 = arith.constant 32 : index
        %get3A_1041 = tpu.vector_load %arg14[%get3A_1039, %get3A_1040] {strides = array<i32>} : memref<128x128xf32, #tpu.memory_space<vmem>>, vector<16xf32>,
        %mul3A_1042 = arith.mulf %get3A_1041, %gather3A : vector<16xf32>
        %swap3A_1043 = arith.index_cast %scan3A_1023 : i32 to index
        %swap3A_1044 = arith.constant 32 : index
        %swap3A_1045 = tpu.vector_load %arg14[%swap3A_1043, %swap3A_1044] {strides = array<i32>} : memref<128x128xf32, #tpu.memory_space<vmem>>, vector<16xf32>,
        tpu.vector_store %arg14[%swap3A_1043, %swap3A_1044], %mul3A_1042 {strides = array<i32>} : memref<128x128xf32, #tpu.memory_space<vmem>>, vector<16xf32>,
        %get3A_1046 = arith.index_cast %scan3A_1023 : i32 to index
        %get3A_1047 = arith.constant 48 : index
        %get3A_1048 = tpu.vector_load %arg14[%get3A_1046, %get3A_1047] {strides = array<i32>} : memref<128x128xf32, #tpu.memory_space<vmem>>, vector<16xf32>,
        %mul3A_1049 = arith.mulf %get3A_1048, %gather3A : vector<16xf32>
        %swap3A_1050 = arith.index_cast %scan3A_1023 : i32 to index
        %swap3A_1051 = arith.constant 48 : index
        %swap3A_1052 = tpu.vector_load %arg14[%swap3A_1050, %swap3A_1051] {strides = array<i32>} : memref<128x128xf32, #tpu.memory_space<vmem>>, vector<16xf32>,
        tpu.vector_store %arg14[%swap3A_1050, %swap3A_1051], %mul3A_1049 {strides = array<i32>} : memref<128x128xf32, #tpu.memory_space<vmem>>, vector<16xf32>,
        %get3A_1053 = arith.index_cast %scan3A_1023 : i32 to index
        %get3A_1054 = arith.constant 64 : index
        %get3A_1055 = tpu.vector_load %arg14[%get3A_1053, %get3A_1054] {strides = array<i32>} : memref<128x128xf32, #tpu.memory_space<vmem>>, vector<16xf32>,
        %mul3A_1056 = arith.mulf %get3A_1055, %gather3A : vector<16xf32>
        %swap3A_1057 = arith.index_cast %scan3A_1023 : i32 to index
        %swap3A_1058 = arith.constant 64 : index
        %swap3A_1059 = tpu.vector_load %arg14[%swap3A_1057, %swap3A_1058] {strides = array<i32>} : memref<128x128xf32, #tpu.memory_space<vmem>>, vector<16xf32>,
        tpu.vector_store %arg14[%swap3A_1057, %swap3A_1058], %mul3A_1056 {strides = array<i32>} : memref<128x128xf32, #tpu.memory_space<vmem>>, vector<16xf32>,
        %get3A_1060 = arith.index_cast %scan3A_1023 : i32 to index
        %get3A_1061 = arith.constant 80 : index
        %get3A_1062 = tpu.vector_load %arg14[%get3A_1060, %get3A_1061] {strides = array<i32>} : memref<128x128xf32, #tpu.memory_space<vmem>>, vector<16xf32>,
        %mul3A_1063 = arith.mulf %get3A_1062, %gather3A : vector<16xf32>
        %swap3A_1064 = arith.index_cast %scan3A_1023 : i32 to index
        %swap3A_1065 = arith.constant 80 : index
        %swap3A_1066 = tpu.vector_load %arg14[%swap3A_1064, %swap3A_1065] {strides = array<i32>} : memref<128x128xf32, #tpu.memory_space<vmem>>, vector<16xf32>,
        tpu.vector_store %arg14[%swap3A_1064, %swap3A_1065], %mul3A_1063 {strides = array<i32>} : memref<128x128xf32, #tpu.memory_space<vmem>>, vector<16xf32>,
        %get3A_1067 = arith.index_cast %scan3A_1023 : i32 to index
        %get3A_1068 = arith.constant 96 : index
        %get3A_1069 = tpu.vector_load %arg14[%get3A_1067, %get3A_1068] {strides = array<i32>} : memref<128x128xf32, #tpu.memory_space<vmem>>, vector<16xf32>,
        %mul3A_1070 = arith.mulf %get3A_1069, %gather3A : vector<16xf32>
        %swap3A_1071 = arith.index_cast %scan3A_1023 : i32 to index
        %swap3A_1072 = arith.constant 96 : index
        %swap3A_1073 = tpu.vector_load %arg14[%swap3A_1071, %swap3A_1072] {strides = array<i32>} : memref<128x128xf32, #tpu.memory_space<vmem>>, vector<16xf32>,
        tpu.vector_store %arg14[%swap3A_1071, %swap3A_1072], %mul3A_1070 {strides = array<i32>} : memref<128x128xf32, #tpu.memory_space<vmem>>, vector<16xf32>,
        %get3A_1074 = arith.index_cast %scan3A_1023 : i32 to index
        %get3A_1075 = arith.constant 112 : index
        %get3A_1076 = tpu.vector_load %arg14[%get3A_1074, %get3A_1075] {strides = array<i32>} : memref<128x128xf32, #tpu.memory_space<vmem>>, vector<16xf32>,
        %mul3A_1077 = arith.mulf %get3A_1076, %gather3A : vector<16xf32>
        %swap3A_1078 = arith.index_cast %scan3A_1023 : i32 to index
        %swap3A_1079 = arith.constant 112 : index
        %swap3A_1080 = tpu.vector_load %arg14[%swap3A_1078, %swap3A_1079] {strides = array<i32>} : memref<128x128xf32, #tpu.memory_space<vmem>>, vector<16xf32>,
        tpu.vector_store %arg14[%swap3A_1078, %swap3A_1079], %mul3A_1077 {strides = array<i32>} : memref<128x128xf32, #tpu.memory_space<vmem>>, vector<16xf32>,
        %scan3A_1081 = arith.constant 0 : i32
        scf.yield %scan3A_1081 : i32
      }
      %scan3A_963 = arith.constant 128 : i32
      "tpu.region"() ({
        %run_scoped3A = tpu.sem_alloc : memref<!tpu.dma_semaphore, #tpu.memory_space<semaphore_mem>>
        %dma_start3A_1023 = arith.constant 0 : i32
        %dma_start3A_1024 = arith.constant 0 : i32
        %dma_start3A_1025 = tpu.memref_slice %arg11[%dma_start3A_1023, %dma_start3A_1024] : memref<10112x128xf32, #tpu.memory_space<vmem_shared>> -> memref<10112x128xf32, #tpu.memory_space<vmem_shared>>
        tpu.enqueue_indirect_dma source(%arg14 : memref<128x128xf32, #tpu.memory_space<vmem>>) target(%dma_start3A_1025 : memref<10112x128xf32, #tpu.memory_space<vmem_shared>>) offsets(%arg19 : memref<128xi32, #tpu.memory_space<vmem>>) semaphore(%run_scoped3A : memref<!tpu.dma_semaphore, #tpu.memory_space<semaphore_mem>>) {add = true}
        %dma_wait3A_1026 = arith.constant 0 : i32
        %dma_wait3A_1027 = arith.constant 0 : i32
        %dma_wait3A_1028 = tpu.memref_slice %arg11[%dma_wait3A_1026, %dma_wait3A_1027] : memref<10112x128xf32, #tpu.memory_space<vmem_shared>> -> memref<10112x128xf32, #tpu.memory_space<vmem_shared>>
        tpu.wait_indirect_dma semaphore(%run_scoped3A : memref<!tpu.dma_semaphore, #tpu.memory_space<semaphore_mem>>) src(%arg14 : memref<128x128xf32, #tpu.memory_space<vmem>>) dst(%dma_wait3A_1028 : memref<10112x128xf32, #tpu.memory_space<vmem_shared>>)
        tpu.yield
      }) : () -> ()
      %dma_wait3A_964 = arith.constant 384 : i32
      %dma_wait3A_965 = tpu.memref_slice %arg12[%dma_wait3A_964] : memref<1536xi32, #tpu.memory_space<vmem>> -> memref<384xi32, #tpu.memory_space<vmem>>
      %dma_wait3A_966 = arith.constant 0 : i32
      %dma_wait3A_967 = tpu.memref_slice %arg7[%dma_wait3A_966] : memref<540672xi32, #tpu.memory_space<hbm>> -> memref<384xi32, #tpu.memory_space<hbm>>
      %dma_wait3A_968 = arith.constant 384 : i32
      %dma_wait3A_969 = tpu.memref_slice %arg12[%dma_wait3A_968] : memref<1536xi32, #tpu.memory_space<vmem>> -> memref<384xi32, #tpu.memory_space<vmem>>
      %dma_wait3A_970 = arith.constant 0 : i32
      %dma_wait3A_971 = tpu.memref_slice %arg7[%dma_wait3A_970] : memref<540672xi32, #tpu.memory_space<hbm>> -> memref<384xi32, #tpu.memory_space<hbm>>
      tpu.wait_dma2 semaphore(%arg21 : memref<!tpu.dma_semaphore, #tpu.memory_space<semaphore_mem>>) src(%dma_wait3A_971 : memref<384xi32, #tpu.memory_space<hbm>>) dst(%dma_wait3A_969 : memref<384xi32, #tpu.memory_space<vmem>>)
      %get3A_972 = arith.constant 384 : index
      %get3A_973 = tpu.vector_load %arg12[%get3A_972] {strides = array<i32>} : memref<1536xi32, #tpu.memory_space<vmem>>, vector<16xi32>,
      %swap3A_974 = arith.constant 0 : index
      %swap3A_975 = tpu.vector_load %arg18[%swap3A_974] {strides = array<i32>} : memref<128xi32, #tpu.memory_space<vmem>>, vector<16xi32>,
      tpu.vector_store %arg18[%swap3A_974], %get3A_973 {strides = array<i32>} : memref<128xi32, #tpu.memory_space<vmem>>, vector<16xi32>,
      %get3A_976 = arith.constant 400 : index
      %get3A_977 = tpu.vector_load %arg12[%get3A_976] {strides = array<i32>} : memref<1536xi32, #tpu.memory_space<vmem>>, vector<16xi32>,
      %swap3A_978 = arith.constant 16 : index
      %swap3A_979 = tpu.vector_load %arg18[%swap3A_978] {strides = array<i32>} : memref<128xi32, #tpu.memory_space<vmem>>, vector<16xi32>,
      tpu.vector_store %arg18[%swap3A_978], %get3A_977 {strides = array<i32>} : memref<128xi32, #tpu.memory_space<vmem>>, vector<16xi32>,
      %get3A_980 = arith.constant 416 : index
      %get3A_981 = tpu.vector_load %arg12[%get3A_980] {strides = array<i32>} : memref<1536xi32, #tpu.memory_space<vmem>>, vector<16xi32>,
      %swap3A_982 = arith.constant 32 : index
      %swap3A_983 = tpu.vector_load %arg18[%swap3A_982] {strides = array<i32>} : memref<128xi32, #tpu.memory_space<vmem>>, vector<16xi32>,
      tpu.vector_store %arg18[%swap3A_982], %get3A_981 {strides = array<i32>} : memref<128xi32, #tpu.memory_space<vmem>>, vector<16xi32>,
      %get3A_984 = arith.constant 432 : index
      %get3A_985 = tpu.vector_load %arg12[%get3A_984] {strides = array<i32>} : memref<1536xi32, #tpu.memory_space<vmem>>, vector<16xi32>,
      %swap3A_986 = arith.constant 48 : index
      %swap3A_987 = tpu.vector_load %arg18[%swap3A_986] {strides = array<i32>} : memref<128xi32, #tpu.memory_space<vmem>>, vector<16xi32>,
      tpu.vector_store %arg18[%swap3A_986], %get3A_985 {strides = array<i32>} : memref<128xi32, #tpu.memory_space<vmem>>, vector<16xi32>,
      %get3A_988 = arith.constant 448 : index
      %get3A_989 = tpu.vector_load %arg12[%get3A_988] {strides = array<i32>} : memref<1536xi32, #tpu.memory_space<vmem>>, vector<16xi32>,
      %swap3A_990 = arith.constant 64 : index
      %swap3A_991 = tpu.vector_load %arg18[%swap3A_990] {strides = array<i32>} : memref<128xi32, #tpu.memory_space<vmem>>, vector<16xi32>,
      tpu.vector_store %arg18[%swap3A_990], %get3A_989 {strides = array<i32>} : memref<128xi32, #tpu.memory_space<vmem>>, vector<16xi32>,
      %get3A_992 = arith.constant 464 : index
      %get3A_993 = tpu.vector_load %arg12[%get3A_992] {strides = array<i32>} : memref<1536xi32, #tpu.memory_space<vmem>>, vector<16xi32>,
      %swap3A_994 = arith.constant 80 : index
      %swap3A_995 = tpu.vector_load %arg18[%swap3A_994] {strides = array<i32>} : memref<128xi32, #tpu.memory_space<vmem>>, vector<16xi32>,
      tpu.vector_store %arg18[%swap3A_994], %get3A_993 {strides = array<i32>} : memref<128xi32, #tpu.memory_space<vmem>>, vector<16xi32>,
      %get3A_996 = arith.constant 480 : index
      %get3A_997 = tpu.vector_load %arg12[%get3A_996] {strides = array<i32>} : memref<1536xi32, #tpu.memory_space<vmem>>, vector<16xi32>,
      %swap3A_998 = arith.constant 96 : index
      %swap3A_999 = tpu.vector_load %arg18[%swap3A_998] {strides = array<i32>} : memref<128xi32, #tpu.memory_space<vmem>>, vector<16xi32>,
      tpu.vector_store %arg18[%swap3A_998], %get3A_997 {strides = array<i32>} : memref<128xi32, #tpu.memory_space<vmem>>, vector<16xi32>,
      %get3A_1000 = arith.constant 496 : index
      %get3A_1001 = tpu.vector_load %arg12[%get3A_1000] {strides = array<i32>} : memref<1536xi32, #tpu.memory_space<vmem>>, vector<16xi32>,
      %swap3A_1002 = arith.constant 112 : index
      %swap3A_1003 = tpu.vector_load %arg18[%swap3A_1002] {strides = array<i32>} : memref<128xi32, #tpu.memory_space<vmem>>, vector<16xi32>,
      tpu.vector_store %arg18[%swap3A_1002], %get3A_1001 {strides = array<i32>} : memref<128xi32, #tpu.memory_space<vmem>>, vector<16xi32>,
      %dma_start3A_1004 = arith.constant 0 : i32
      %dma_start3A_1005 = arith.constant 0 : i32
      %dma_start3A_1006 = tpu.memref_slice %arg3[%dma_start3A_1004, %dma_start3A_1005] : memref<10000x128xf32, #tpu.memory_space<hbm>> -> memref<10000x128xf32, #tpu.memory_space<hbm>>
      tpu.enqueue_indirect_dma source(%dma_start3A_1006 : memref<10000x128xf32, #tpu.memory_space<hbm>>) target(%arg14 : memref<128x128xf32, #tpu.memory_space<vmem>>) offsets(%arg18 : memref<128xi32, #tpu.memory_space<vmem>>) semaphore(%arg25 : memref<!tpu.dma_semaphore, #tpu.memory_space<semaphore_mem>>)
      %dma_start3A_1007 = arith.constant 0 : i32
      %dma_start3A_1008 = tpu.memref_slice %arg5[%dma_start3A_1007] : memref<10112xf32, #tpu.memory_space<hbm>> -> memref<10112xf32, #tpu.memory_space<hbm>>
      tpu.enqueue_indirect_dma source(%dma_start3A_1008 : memref<10112xf32, #tpu.memory_space<hbm>>) target(%arg16 : memref<128xf32, #tpu.memory_space<vmem>>) offsets(%arg18 : memref<128xi32, #tpu.memory_space<vmem>>) semaphore(%arg27 : memref<!tpu.dma_semaphore, #tpu.memory_space<semaphore_mem>>)
      %add3A_1009 = arith.constant 4 : i32
      %add3A_1010 = arith.addi %add3A_855, %add3A_1009 : i32
      %mul3A_1011 = arith.constant 32 : i32
      %mul3A_1012 = arith.muli %add3A_1010, %mul3A_1011 : i32
      %add3A_1013 = arith.addi %add3A, %mul3A_1012 : i32
      %mul3A_1014 = arith.constant 384 : i32
      %mul3A_1015 = arith.muli %add3A_1013, %mul3A_1014 : i32
      %dma_start3A_1016 = arith.constant 1152 : i32
      %dma_start3A_1017 = tpu.memref_slice %arg12[%dma_start3A_1016] : memref<1536xi32, #tpu.memory_space<vmem>> -> memref<384xi32, #tpu.memory_space<vmem>>
      %dma_start3A_1018 = tpu.memref_slice %arg7[%mul3A_1015] : memref<540672xi32, #tpu.memory_space<hbm>> -> memref<384xi32, #tpu.memory_space<hbm>>
      %dma_start3A_1019 = arith.constant 1152 : i32
      %dma_start3A_1020 = tpu.memref_slice %arg12[%dma_start3A_1019] : memref<1536xi32, #tpu.memory_space<vmem>> -> memref<384xi32, #tpu.memory_space<vmem>>
      %dma_start3A_1021 = tpu.memref_slice %arg7[%mul3A_1015] : memref<540672xi32, #tpu.memory_space<hbm>> -> memref<384xi32, #tpu.memory_space<hbm>>
      tpu.enqueue_dma source(%dma_start3A_1021 : memref<384xi32, #tpu.memory_space<hbm>>) target(%dma_start3A_1020 : memref<384xi32, #tpu.memory_space<vmem>>) target_semaphore(%arg23 : memref<!tpu.dma_semaphore, #tpu.memory_space<semaphore_mem>>)
      %scan3A_1022 = arith.constant 0 : i32
      scf.yield %scan3A_1022 : i32
    }
    %scan3A_310 = arith.constant 10 : i32
    %dma_wait3A_311 = arith.constant 768 : i32
    %dma_wait3A_312 = tpu.memref_slice %arg12[%dma_wait3A_311] : memref<1536xi32, #tpu.memory_space<vmem>> -> memref<384xi32, #tpu.memory_space<vmem>>
    %dma_wait3A_313 = arith.constant 0 : i32
    %dma_wait3A_314 = tpu.memref_slice %arg7[%dma_wait3A_313] : memref<540672xi32, #tpu.memory_space<hbm>> -> memref<384xi32, #tpu.memory_space<hbm>>
    %dma_wait3A_315 = arith.constant 768 : i32
    %dma_wait3A_316 = tpu.memref_slice %arg12[%dma_wait3A_315] : memref<1536xi32, #tpu.memory_space<vmem>> -> memref<384xi32, #tpu.memory_space<vmem>>
    %dma_wait3A_317 = arith.constant 0 : i32
    %dma_wait3A_318 = tpu.memref_slice %arg7[%dma_wait3A_317] : memref<540672xi32, #tpu.memory_space<hbm>> -> memref<384xi32, #tpu.memory_space<hbm>>
    tpu.wait_dma2 semaphore(%arg22 : memref<!tpu.dma_semaphore, #tpu.memory_space<semaphore_mem>>) src(%dma_wait3A_318 : memref<384xi32, #tpu.memory_space<hbm>>) dst(%dma_wait3A_316 : memref<384xi32, #tpu.memory_space<vmem>>)
    %dma_wait3A_319 = arith.constant 0 : i32
    %dma_wait3A_320 = arith.constant 0 : i32
    %dma_wait3A_321 = tpu.memref_slice %arg3[%dma_wait3A_319, %dma_wait3A_320] : memref<10000x128xf32, #tpu.memory_space<hbm>> -> memref<10000x128xf32, #tpu.memory_space<hbm>>
    tpu.wait_indirect_dma semaphore(%arg24 : memref<!tpu.dma_semaphore, #tpu.memory_space<semaphore_mem>>) src(%dma_wait3A_321 : memref<10000x128xf32, #tpu.memory_space<hbm>>) dst(%arg13 : memref<128x128xf32, #tpu.memory_space<vmem>>)
    %dma_wait3A_322 = arith.constant 0 : i32
    %dma_wait3A_323 = tpu.memref_slice %arg5[%dma_wait3A_322] : memref<10112xf32, #tpu.memory_space<hbm>> -> memref<10112xf32, #tpu.memory_space<hbm>>
    tpu.wait_indirect_dma semaphore(%arg26 : memref<!tpu.dma_semaphore, #tpu.memory_space<semaphore_mem>>) src(%dma_wait3A_323 : memref<10112xf32, #tpu.memory_space<hbm>>) dst(%arg15 : memref<128xf32, #tpu.memory_space<vmem>>)
    %dma_wait3A_324 = arith.constant 1152 : i32
    %dma_wait3A_325 = tpu.memref_slice %arg12[%dma_wait3A_324] : memref<1536xi32, #tpu.memory_space<vmem>> -> memref<384xi32, #tpu.memory_space<vmem>>
    %dma_wait3A_326 = arith.constant 0 : i32
    %dma_wait3A_327 = tpu.memref_slice %arg7[%dma_wait3A_326] : memref<540672xi32, #tpu.memory_space<hbm>> -> memref<384xi32, #tpu.memory_space<hbm>>
    %dma_wait3A_328 = arith.constant 1152 : i32
    %dma_wait3A_329 = tpu.memref_slice %arg12[%dma_wait3A_328] : memref<1536xi32, #tpu.memory_space<vmem>> -> memref<384xi32, #tpu.memory_space<vmem>>
    %dma_wait3A_330 = arith.constant 0 : i32
    %dma_wait3A_331 = tpu.memref_slice %arg7[%dma_wait3A_330] : memref<540672xi32, #tpu.memory_space<hbm>> -> memref<384xi32, #tpu.memory_space<hbm>>
    tpu.wait_dma2 semaphore(%arg23 : memref<!tpu.dma_semaphore, #tpu.memory_space<semaphore_mem>>) src(%dma_wait3A_331 : memref<384xi32, #tpu.memory_space<hbm>>) dst(%dma_wait3A_329 : memref<384xi32, #tpu.memory_space<vmem>>)
    %dma_wait3A_332 = arith.constant 0 : i32
    %dma_wait3A_333 = arith.constant 0 : i32
    %dma_wait3A_334 = tpu.memref_slice %arg3[%dma_wait3A_332, %dma_wait3A_333] : memref<10000x128xf32, #tpu.memory_space<hbm>> -> memref<10000x128xf32, #tpu.memory_space<hbm>>
    tpu.wait_indirect_dma semaphore(%arg25 : memref<!tpu.dma_semaphore, #tpu.memory_space<semaphore_mem>>) src(%dma_wait3A_334 : memref<10000x128xf32, #tpu.memory_space<hbm>>) dst(%arg14 : memref<128x128xf32, #tpu.memory_space<vmem>>)
    %dma_wait3A_335 = arith.constant 0 : i32
    %dma_wait3A_336 = tpu.memref_slice %arg5[%dma_wait3A_335] : memref<10112xf32, #tpu.memory_space<hbm>> -> memref<10112xf32, #tpu.memory_space<hbm>>
    tpu.wait_indirect_dma semaphore(%arg27 : memref<!tpu.dma_semaphore, #tpu.memory_space<semaphore_mem>>) src(%dma_wait3A_336 : memref<10112xf32, #tpu.memory_space<hbm>>) dst(%arg16 : memref<128xf32, #tpu.memory_space<vmem>>)
    %barrier3A_337 = arith.constant 0 : index
    tpu.barrier barrier_id(%barrier3A_337)
    %mul3A_338 = arith.constant 632 : i32
    %mul3A_339 = arith.muli %arg1, %mul3A_338 : i32
    %mul3A_340 = arith.constant 632 : i32
    %mul3A_341 = arith.muli %arg1, %mul3A_340 : i32
    "tpu.region"() ({
      %run_scoped3A = tpu.sem_alloc : memref<!tpu.dma_semaphore, #tpu.memory_space<semaphore_mem>>
      %dma_start3A_343 = arith.constant 0 : i32
      %dma_start3A_344 = tpu.memref_slice %arg10[%arg0, %mul3A_341, %dma_start3A_343] : memref<2x10112x128xf32, #tpu.memory_space<hbm>> -> memref<1x632x128xf32, #tpu.memory_space<hbm>>
      %dma_start3A_345 = tpu.memref_squeeze %dma_start3A_344 : memref<1x632x128xf32, #tpu.memory_space<hbm>> -> memref<632x128xf32, #tpu.memory_space<hbm>>
      %dma_start3A_346 = arith.constant 0 : i32
      %dma_start3A_347 = tpu.memref_slice %arg11[%mul3A_339, %dma_start3A_346] : memref<10112x128xf32, #tpu.memory_space<vmem_shared>> -> memref<632x128xf32, #tpu.memory_space<vmem_shared>>
      tpu.enqueue_dma source(%dma_start3A_347 : memref<632x128xf32, #tpu.memory_space<vmem_shared>>) target(%dma_start3A_345 : memref<632x128xf32, #tpu.memory_space<hbm>>) target_semaphore(%run_scoped3A : memref<!tpu.dma_semaphore, #tpu.memory_space<semaphore_mem>>)
      %dma_wait3A_348 = arith.constant 0 : i32
      %dma_wait3A_349 = tpu.memref_slice %arg10[%arg0, %mul3A_341, %dma_wait3A_348] : memref<2x10112x128xf32, #tpu.memory_space<hbm>> -> memref<1x632x128xf32, #tpu.memory_space<hbm>>
      %dma_wait3A_350 = tpu.memref_squeeze %dma_wait3A_349 : memref<1x632x128xf32, #tpu.memory_space<hbm>> -> memref<632x128xf32, #tpu.memory_space<hbm>>
      %dma_wait3A_351 = arith.constant 0 : i32
      %dma_wait3A_352 = tpu.memref_slice %arg11[%mul3A_339, %dma_wait3A_351] : memref<10112x128xf32, #tpu.memory_space<vmem_shared>> -> memref<632x128xf32, #tpu.memory_space<vmem_shared>>
      tpu.wait_dma2 semaphore(%run_scoped3A : memref<!tpu.dma_semaphore, #tpu.memory_space<semaphore_mem>>) src(%dma_wait3A_352 : memref<632x128xf32, #tpu.memory_space<vmem_shared>>) dst(%dma_wait3A_350 : memref<632x128xf32, #tpu.memory_space<hbm>>)
      tpu.yield
    }) : () -> ()
    %barrier3A_342 = arith.constant 0 : index
    tpu.barrier barrier_id(%barrier3A_342)
    return
  }
}

module attributes {stable_mosaic.version = 14 : i64} {
  func.func @_mm_body(%arg0: memref<10000x128xf32, #tpu.memory_space<vmem>>, %arg1: memref<128x128xf32, #tpu.memory_space<vmem>>, %arg2: memref<10000x128xf32, #tpu.memory_space<vmem>>, %arg3: memref<128x128xf32, #tpu.memory_space<vmem>>, %arg4: memref<10000x128xf32, #tpu.memory_space<vmem>>, %arg5: memref<10000x128xf32, #tpu.memory_space<vmem>>) attributes {dimension_semantics = [], scalar_prefetch = 0 : i64, scratch_operands = 0 : i64, tpu.core_type = #tpu.core_type<tc>} {
    %get3A = arith.constant 0 : index
    %get3A_0 = arith.constant 0 : index
    %get3A_1 = vector.load %arg0[%get3A, %get3A_0] : memref<10000x128xf32, #tpu.memory_space<vmem>>, vector<10000x128xf32>
    %get3A_2 = arith.constant 0 : index
    %get3A_3 = arith.constant 0 : index
    %get3A_4 = vector.load %arg1[%get3A_2, %get3A_3] : memref<128x128xf32, #tpu.memory_space<vmem>>, vector<128x128xf32>
    %dot_general3A = arith.constant dense<0.000000e+00> : vector<10000x128xf32>
    %dot_general3A_5 = tpu.matmul %get3A_1, %get3A_4, %dot_general3A {dimension_numbers = #tpu.dot_dimension_numbers<[1], [0], [0], [1], [0, 0, 1, 1], [], []>, transpose_lhs_hint = false} : vector<10000x128xf32>, vector<128x128xf32>, vector<10000x128xf32> -> vector<10000x128xf32>
    %swap3A = arith.constant 0 : index
    %swap3A_6 = arith.constant 0 : index
    %swap3A_7 = vector.load %arg4[%swap3A, %swap3A_6] : memref<10000x128xf32, #tpu.memory_space<vmem>>, vector<10000x128xf32>
    tpu.vector_store %arg4[%swap3A, %swap3A_6], %dot_general3A_5 {strides = array<i32>} : memref<10000x128xf32, #tpu.memory_space<vmem>>, vector<10000x128xf32>,
    %get3A_8 = arith.constant 0 : index
    %get3A_9 = arith.constant 0 : index
    %get3A_10 = vector.load %arg2[%get3A_8, %get3A_9] : memref<10000x128xf32, #tpu.memory_space<vmem>>, vector<10000x128xf32>
    %get3A_11 = arith.constant 0 : index
    %get3A_12 = arith.constant 0 : index
    %get3A_13 = vector.load %arg3[%get3A_11, %get3A_12] : memref<128x128xf32, #tpu.memory_space<vmem>>, vector<128x128xf32>
    %dot_general3A_14 = arith.constant dense<0.000000e+00> : vector<10000x128xf32>
    %dot_general3A_15 = tpu.matmul %get3A_10, %get3A_13, %dot_general3A_14 {dimension_numbers = #tpu.dot_dimension_numbers<[1], [0], [0], [1], [0, 0, 1, 1], [], []>, transpose_lhs_hint = false} : vector<10000x128xf32>, vector<128x128xf32>, vector<10000x128xf32> -> vector<10000x128xf32>
    %swap3A_16 = arith.constant 0 : index
    %swap3A_17 = arith.constant 0 : index
    %swap3A_18 = vector.load %arg5[%swap3A_16, %swap3A_17] : memref<10000x128xf32, #tpu.memory_space<vmem>>, vector<10000x128xf32>
    tpu.vector_store %arg5[%swap3A_16, %swap3A_17], %dot_general3A_15 {strides = array<i32>} : memref<10000x128xf32, #tpu.memory_space<vmem>>, vector<10000x128xf32>,
    return
  }
}

module attributes {stable_mosaic.version = 14 : i64} {
  func.func @_dinv_body(%arg0: memref<2x79x128xf32, #tpu.memory_space<vmem>>, %arg1: memref<2x79x128xf32, #tpu.memory_space<vmem>>, %arg2: memref<79x128xf32, #tpu.memory_space<vmem>>, %arg3: memref<79x128xf32, #tpu.memory_space<vmem>>) attributes {dimension_semantics = [], scalar_prefetch = 0 : i64, scratch_operands = 0 : i64, tpu.core_type = #tpu.core_type<tc>} {
    %get3A = arith.constant 0 : index
    %get3A_0 = arith.constant 0 : index
    %get3A_1 = arith.constant 0 : index
    %get3A_2 = vector.load %arg0[%get3A, %get3A_0, %get3A_1] : memref<2x79x128xf32, #tpu.memory_space<vmem>>, vector<1x79x128xf32>
    %get3A_3 = vector.shape_cast %get3A_2 : vector<1x79x128xf32> to vector<79x128xf32>
    %get3A_4 = arith.constant 1 : index
    %get3A_5 = arith.constant 0 : index
    %get3A_6 = arith.constant 0 : index
    %get3A_7 = vector.load %arg0[%get3A_4, %get3A_5, %get3A_6] : memref<2x79x128xf32, #tpu.memory_space<vmem>>, vector<1x79x128xf32>
    %get3A_8 = vector.shape_cast %get3A_7 : vector<1x79x128xf32> to vector<79x128xf32>
    %add3A = arith.addf %get3A_3, %get3A_8 : vector<79x128xf32>
    %gt3A = arith.constant 0.000000e+00 : f32
    %gt3A_9 = vector.broadcast %gt3A : f32 to vector<79x128xf32>
    %gt3A_10 = arith.cmpf ogt, %add3A, %gt3A_9 : vector<79x128xf32>
    %rsqrt3A = math.rsqrt %add3A : vector<79x128xf32>
    %jit3A = arith.constant 0.000000e+00 : f32
    %broadcast_in_dim3A = vector.broadcast %jit3A : f32 to vector<79x128xf32>
    %select_n3A = arith.select %gt3A_10, %rsqrt3A, %broadcast_in_dim3A : vector<79x128xi1>, vector<79x128xf32>
    %swap3A = arith.constant 0 : index
    %swap3A_11 = arith.constant 0 : index
    %swap3A_12 = vector.load %arg2[%swap3A, %swap3A_11] : memref<79x128xf32, #tpu.memory_space<vmem>>, vector<79x128xf32>
    tpu.vector_store %arg2[%swap3A, %swap3A_11], %select_n3A {strides = array<i32>} : memref<79x128xf32, #tpu.memory_space<vmem>>, vector<79x128xf32>,
    %get3A_13 = arith.constant 0 : index
    %get3A_14 = arith.constant 0 : index
    %get3A_15 = arith.constant 0 : index
    %get3A_16 = vector.load %arg1[%get3A_13, %get3A_14, %get3A_15] : memref<2x79x128xf32, #tpu.memory_space<vmem>>, vector<1x79x128xf32>
    %get3A_17 = vector.shape_cast %get3A_16 : vector<1x79x128xf32> to vector<79x128xf32>
    %get3A_18 = arith.constant 1 : index
    %get3A_19 = arith.constant 0 : index
    %get3A_20 = arith.constant 0 : index
    %get3A_21 = vector.load %arg1[%get3A_18, %get3A_19, %get3A_20] : memref<2x79x128xf32, #tpu.memory_space<vmem>>, vector<1x79x128xf32>
    %get3A_22 = vector.shape_cast %get3A_21 : vector<1x79x128xf32> to vector<79x128xf32>
    %add3A_23 = arith.addf %get3A_17, %get3A_22 : vector<79x128xf32>
    %gt3A_24 = arith.constant 0.000000e+00 : f32
    %gt3A_25 = vector.broadcast %gt3A_24 : f32 to vector<79x128xf32>
    %gt3A_26 = arith.cmpf ogt, %add3A_23, %gt3A_25 : vector<79x128xf32>
    %rsqrt3A_27 = math.rsqrt %add3A_23 : vector<79x128xf32>
    %jit3A_28 = arith.constant 0.000000e+00 : f32
    %broadcast_in_dim3A_29 = vector.broadcast %jit3A_28 : f32 to vector<79x128xf32>
    %select_n3A_30 = arith.select %gt3A_26, %rsqrt3A_27, %broadcast_in_dim3A_29 : vector<79x128xi1>, vector<79x128xf32>
    %swap3A_31 = arith.constant 0 : index
    %swap3A_32 = arith.constant 0 : index
    %swap3A_33 = vector.load %arg3[%swap3A_31, %swap3A_32] : memref<79x128xf32, #tpu.memory_space<vmem>>, vector<79x128xf32>
    tpu.vector_store %arg3[%swap3A_31, %swap3A_32], %select_n3A_30 {strides = array<i32>} : memref<79x128xf32, #tpu.memory_space<vmem>>, vector<79x128xf32>,
    return
  }
}

module attributes {stable_mosaic.version = 14 : i64} {
  func.func @_head_body(%arg0: memref<2x10112x128xf32, #tpu.memory_space<vmem>>, %arg1: memref<2x10112x128xf32, #tpu.memory_space<vmem>>, %arg2: memref<2x10112x1xf32, #tpu.memory_space<vmem>>, %arg3: memref<2x10112x1xf32, #tpu.memory_space<vmem>>, %arg4: memref<1x10112xi32, #tpu.memory_space<vmem>>, %arg5: memref<1x10112xi32, #tpu.memory_space<vmem>>, %arg6: memref<1x128xf32, #tpu.memory_space<vmem>>, %arg7: memref<1x128xf32, #tpu.memory_space<vmem>>, %arg8: memref<256x256xf32, #tpu.memory_space<vmem>>, %arg9: memref<1x256xf32, #tpu.memory_space<vmem>>, %arg10: memref<256x128xf32, #tpu.memory_space<vmem>>, %arg11: memref<1x128xf32, #tpu.memory_space<vmem>>, %arg12: memref<1x128xf32, #tpu.memory_space<vmem>>, %arg13: memref<1x128xf32, #tpu.memory_space<vmem>>, %arg14: memref<128x1xf32, #tpu.memory_space<vmem>>, %arg15: memref<1x1xf32, #tpu.memory_space<vmem>>, %arg16: memref<128x1xf32, #tpu.memory_space<vmem>>, %arg17: memref<128x128xf32, #tpu.memory_space<vmem>>) attributes {dimension_semantics = [], scalar_prefetch = 0 : i64, scratch_operands = 0 : i64, tpu.core_type = #tpu.core_type<tc>} {
    %get3A = arith.constant 0 : index
    %get3A_0 = arith.constant 0 : index
    %get3A_1 = arith.constant 0 : index
    %get3A_2 = vector.load %arg0[%get3A, %get3A_0, %get3A_1] : memref<2x10112x128xf32, #tpu.memory_space<vmem>>, vector<1x10112x128xf32>
    %get3A_3 = vector.shape_cast %get3A_2 : vector<1x10112x128xf32> to vector<10112x128xf32>
    %get3A_4 = arith.constant 1 : index
    %get3A_5 = arith.constant 0 : index
    %get3A_6 = arith.constant 0 : index
    %get3A_7 = vector.load %arg0[%get3A_4, %get3A_5, %get3A_6] : memref<2x10112x128xf32, #tpu.memory_space<vmem>>, vector<1x10112x128xf32>
    %get3A_8 = vector.shape_cast %get3A_7 : vector<1x10112x128xf32> to vector<10112x128xf32>
    %add3A = arith.addf %get3A_3, %get3A_8 : vector<10112x128xf32>
    %get3A_9 = arith.constant 0 : index
    %get3A_10 = arith.constant 0 : index
    %get3A_11 = arith.constant 0 : index
    %get3A_12 = vector.load %arg2[%get3A_9, %get3A_10, %get3A_11] : memref<2x10112x1xf32, #tpu.memory_space<vmem>>, vector<1x10112x1xf32>
    %get3A_13 = vector.shape_cast %get3A_12 : vector<1x10112x1xf32> to vector<10112x1xf32>
    %get3A_14 = arith.constant 1 : index
    %get3A_15 = arith.constant 0 : index
    %get3A_16 = arith.constant 0 : index
    %get3A_17 = vector.load %arg2[%get3A_14, %get3A_15, %get3A_16] : memref<2x10112x1xf32, #tpu.memory_space<vmem>>, vector<1x10112x1xf32>
    %get3A_18 = vector.shape_cast %get3A_17 : vector<1x10112x1xf32> to vector<10112x1xf32>
    %add3A_19 = arith.addf %get3A_13, %get3A_18 : vector<10112x1xf32>
    %gt3A = arith.constant 0.000000e+00 : f32
    %gt3A_20 = vector.broadcast %gt3A : f32 to vector<10112x1xf32>
    %gt3A_21 = arith.cmpf ogt, %add3A_19, %gt3A_20 : vector<10112x1xf32>
    %rsqrt3A = math.rsqrt %add3A_19 : vector<10112x1xf32>
    %jit3A = arith.constant 0.000000e+00 : f32
    %broadcast_in_dim3A = vector.broadcast %jit3A : f32 to vector<10112x1xf32>
    %select_n3A = arith.select %gt3A_21, %rsqrt3A, %broadcast_in_dim3A : vector<10112x1xi1>, vector<10112x1xf32>
    %mul3A = vector.broadcast %select_n3A : vector<10112x1xf32> to vector<10112x128xf32>
    %mul3A_22 = arith.mulf %add3A, %mul3A : vector<10112x128xf32>
    %get3A_23 = arith.constant 0 : index
    %get3A_24 = arith.constant 0 : index
    %get3A_25 = vector.load %arg6[%get3A_23, %get3A_24] : memref<1x128xf32, #tpu.memory_space<vmem>>, vector<1x128xf32>
    %add3A_26 = vector.broadcast %get3A_25 : vector<1x128xf32> to vector<10112x128xf32>
    %add3A_27 = arith.addf %mul3A_22, %add3A_26 : vector<10112x128xf32>
    %max3A = arith.constant 0.000000e+00 : f32
    %max3A_28 = vector.broadcast %max3A : f32 to vector<10112x128xf32>
    %max3A_29 = arith.maximumf %add3A_27, %max3A_28 : vector<10112x128xf32>
    %iota3A = tpu.iota {dimensions = array<i32: 0>} : vector<128x10112xi32>
    %get3A_30 = arith.constant 0 : index
    %get3A_31 = arith.constant 0 : index
    %get3A_32 = vector.load %arg4[%get3A_30, %get3A_31] : memref<1x10112xi32, #tpu.memory_space<vmem>>, vector<1x10112xi32>
    %eq3A = vector.broadcast %get3A_32 : vector<1x10112xi32> to vector<128x10112xi32>
    %eq3A_33 = arith.cmpi eq, %iota3A, %eq3A : vector<128x10112xi32>
    %convert_element_type3A = arith.extui %eq3A_33 : vector<128x10112xi1> to vector<128x10112xi32>
    %convert_element_type3A_34 = arith.sitofp %convert_element_type3A : vector<128x10112xi32> to vector<128x10112xf32>
    %dot_general3A = arith.constant dense<0.000000e+00> : vector<128x128xf32>
    %dot_general3A_35 = tpu.matmul %convert_element_type3A_34, %max3A_29, %dot_general3A {dimension_numbers = #tpu.dot_dimension_numbers<[1], [0], [0], [1], [0, 0, 1, 1], [], []>, precision = #tpu.contract_precision<fp32>, transpose_lhs_hint = false} : vector<128x10112xf32>, vector<10112x128xf32>, vector<128x128xf32> -> vector<128x128xf32>
    %reduce_sum3A = arith.constant dense<0.000000e+00> : vector<128xf32>
    %reduce_sum3A_36 = vector.multi_reduction <add>, %convert_element_type3A_34, %reduce_sum3A [1] : vector<128x10112xf32> to vector<128xf32>
    %broadcast_in_dim3A_37 = vector.shape_cast %reduce_sum3A_36 : vector<128xf32> to vector<128x1xf32>
    %max3A_38 = arith.constant 1.000000e+00 : f32
    %max3A_39 = vector.broadcast %max3A_38 : f32 to vector<128x1xf32>
    %max3A_40 = arith.maximumf %broadcast_in_dim3A_37, %max3A_39 : vector<128x1xf32>
    %div3A = vector.broadcast %max3A_40 : vector<128x1xf32> to vector<128x128xf32>
    %div3A_41 = arith.divf %dot_general3A_35, %div3A : vector<128x128xf32>
    %get3A_42 = arith.constant 0 : index
    %get3A_43 = arith.constant 0 : index
    %get3A_44 = arith.constant 0 : index
    %get3A_45 = vector.load %arg1[%get3A_42, %get3A_43, %get3A_44] : memref<2x10112x128xf32, #tpu.memory_space<vmem>>, vector<1x10112x128xf32>
    %get3A_46 = vector.shape_cast %get3A_45 : vector<1x10112x128xf32> to vector<10112x128xf32>
    %get3A_47 = arith.constant 1 : index
    %get3A_48 = arith.constant 0 : index
    %get3A_49 = arith.constant 0 : index
    %get3A_50 = vector.load %arg1[%get3A_47, %get3A_48, %get3A_49] : memref<2x10112x128xf32, #tpu.memory_space<vmem>>, vector<1x10112x128xf32>
    %get3A_51 = vector.shape_cast %get3A_50 : vector<1x10112x128xf32> to vector<10112x128xf32>
    %add3A_52 = arith.addf %get3A_46, %get3A_51 : vector<10112x128xf32>
    %get3A_53 = arith.constant 0 : index
    %get3A_54 = arith.constant 0 : index
    %get3A_55 = arith.constant 0 : index
    %get3A_56 = vector.load %arg3[%get3A_53, %get3A_54, %get3A_55] : memref<2x10112x1xf32, #tpu.memory_space<vmem>>, vector<1x10112x1xf32>
    %get3A_57 = vector.shape_cast %get3A_56 : vector<1x10112x1xf32> to vector<10112x1xf32>
    %get3A_58 = arith.constant 1 : index
    %get3A_59 = arith.constant 0 : index
    %get3A_60 = arith.constant 0 : index
    %get3A_61 = vector.load %arg3[%get3A_58, %get3A_59, %get3A_60] : memref<2x10112x1xf32, #tpu.memory_space<vmem>>, vector<1x10112x1xf32>
    %get3A_62 = vector.shape_cast %get3A_61 : vector<1x10112x1xf32> to vector<10112x1xf32>
    %add3A_63 = arith.addf %get3A_57, %get3A_62 : vector<10112x1xf32>
    %gt3A_64 = arith.constant 0.000000e+00 : f32
    %gt3A_65 = vector.broadcast %gt3A_64 : f32 to vector<10112x1xf32>
    %gt3A_66 = arith.cmpf ogt, %add3A_63, %gt3A_65 : vector<10112x1xf32>
    %rsqrt3A_67 = math.rsqrt %add3A_63 : vector<10112x1xf32>
    %jit3A_68 = arith.constant 0.000000e+00 : f32
    %broadcast_in_dim3A_69 = vector.broadcast %jit3A_68 : f32 to vector<10112x1xf32>
    %select_n3A_70 = arith.select %gt3A_66, %rsqrt3A_67, %broadcast_in_dim3A_69 : vector<10112x1xi1>, vector<10112x1xf32>
    %mul3A_71 = vector.broadcast %select_n3A_70 : vector<10112x1xf32> to vector<10112x128xf32>
    %mul3A_72 = arith.mulf %add3A_52, %mul3A_71 : vector<10112x128xf32>
    %get3A_73 = arith.constant 0 : index
    %get3A_74 = arith.constant 0 : index
    %get3A_75 = vector.load %arg7[%get3A_73, %get3A_74] : memref<1x128xf32, #tpu.memory_space<vmem>>, vector<1x128xf32>
    %add3A_76 = vector.broadcast %get3A_75 : vector<1x128xf32> to vector<10112x128xf32>
    %add3A_77 = arith.addf %mul3A_72, %add3A_76 : vector<10112x128xf32>
    %max3A_78 = arith.constant 0.000000e+00 : f32
    %max3A_79 = vector.broadcast %max3A_78 : f32 to vector<10112x128xf32>
    %max3A_80 = arith.maximumf %add3A_77, %max3A_79 : vector<10112x128xf32>
    %iota3A_81 = tpu.iota {dimensions = array<i32: 0>} : vector<128x10112xi32>
    %get3A_82 = arith.constant 0 : index
    %get3A_83 = arith.constant 0 : index
    %get3A_84 = vector.load %arg5[%get3A_82, %get3A_83] : memref<1x10112xi32, #tpu.memory_space<vmem>>, vector<1x10112xi32>
    %eq3A_85 = vector.broadcast %get3A_84 : vector<1x10112xi32> to vector<128x10112xi32>
    %eq3A_86 = arith.cmpi eq, %iota3A_81, %eq3A_85 : vector<128x10112xi32>
    %convert_element_type3A_87 = arith.extui %eq3A_86 : vector<128x10112xi1> to vector<128x10112xi32>
    %convert_element_type3A_88 = arith.sitofp %convert_element_type3A_87 : vector<128x10112xi32> to vector<128x10112xf32>
    %dot_general3A_89 = arith.constant dense<0.000000e+00> : vector<128x128xf32>
    %dot_general3A_90 = tpu.matmul %convert_element_type3A_88, %max3A_80, %dot_general3A_89 {dimension_numbers = #tpu.dot_dimension_numbers<[1], [0], [0], [1], [0, 0, 1, 1], [], []>, precision = #tpu.contract_precision<fp32>, transpose_lhs_hint = false} : vector<128x10112xf32>, vector<10112x128xf32>, vector<128x128xf32> -> vector<128x128xf32>
    %reduce_sum3A_91 = arith.constant dense<0.000000e+00> : vector<128xf32>
    %reduce_sum3A_92 = vector.multi_reduction <add>, %convert_element_type3A_88, %reduce_sum3A_91 [1] : vector<128x10112xf32> to vector<128xf32>
    %broadcast_in_dim3A_93 = vector.shape_cast %reduce_sum3A_92 : vector<128xf32> to vector<128x1xf32>
    %max3A_94 = arith.constant 1.000000e+00 : f32
    %max3A_95 = vector.broadcast %max3A_94 : f32 to vector<128x1xf32>
    %max3A_96 = arith.maximumf %broadcast_in_dim3A_93, %max3A_95 : vector<128x1xf32>
    %div3A_97 = vector.broadcast %max3A_96 : vector<128x1xf32> to vector<128x128xf32>
    %div3A_98 = arith.divf %dot_general3A_90, %div3A_97 : vector<128x128xf32>
    %concatenate3A = tpu.concatenate %div3A_41, %div3A_98 in 1 : vector<128x128xf32>, vector<128x128xf32> -> vector<128x256xf32>
    %get3A_99 = arith.constant 0 : index
    %get3A_100 = arith.constant 0 : index
    %get3A_101 = vector.load %arg8[%get3A_99, %get3A_100] : memref<256x256xf32, #tpu.memory_space<vmem>>, vector<256x256xf32>
    %dot_general3A_102 = arith.constant dense<0.000000e+00> : vector<128x256xf32>
    %dot_general3A_103 = tpu.matmul %concatenate3A, %get3A_101, %dot_general3A_102 {dimension_numbers = #tpu.dot_dimension_numbers<[1], [0], [0], [1], [0, 0, 1, 1], [], []>, transpose_lhs_hint = false} : vector<128x256xf32>, vector<256x256xf32>, vector<128x256xf32> -> vector<128x256xf32>
    %get3A_104 = arith.constant 0 : index
    %get3A_105 = arith.constant 0 : index
    %get3A_106 = vector.load %arg9[%get3A_104, %get3A_105] : memref<1x256xf32, #tpu.memory_space<vmem>>, vector<1x256xf32>
    %add3A_107 = vector.broadcast %get3A_106 : vector<1x256xf32> to vector<128x256xf32>
    %add3A_108 = arith.addf %dot_general3A_103, %add3A_107 : vector<128x256xf32>
    %get3A_109 = arith.constant 0 : index
    %get3A_110 = arith.constant 0 : index
    %get3A_111 = vector.load %arg10[%get3A_109, %get3A_110] : memref<256x128xf32, #tpu.memory_space<vmem>>, vector<256x128xf32>
    %dot_general3A_112 = arith.constant dense<0.000000e+00> : vector<128x128xf32>
    %dot_general3A_113 = tpu.matmul %add3A_108, %get3A_111, %dot_general3A_112 {dimension_numbers = #tpu.dot_dimension_numbers<[1], [0], [0], [1], [0, 0, 1, 1], [], []>, transpose_lhs_hint = false} : vector<128x256xf32>, vector<256x128xf32>, vector<128x128xf32> -> vector<128x128xf32>
    %get3A_114 = arith.constant 0 : index
    %get3A_115 = arith.constant 0 : index
    %get3A_116 = vector.load %arg11[%get3A_114, %get3A_115] : memref<1x128xf32, #tpu.memory_space<vmem>>, vector<1x128xf32>
    %add3A_117 = vector.broadcast %get3A_116 : vector<1x128xf32> to vector<128x128xf32>
    %add3A_118 = arith.addf %dot_general3A_113, %add3A_117 : vector<128x128xf32>
    %reduce_sum3A_119 = arith.constant dense<0.000000e+00> : vector<128xf32>
    %reduce_sum3A_120 = vector.multi_reduction <add>, %add3A_118, %reduce_sum3A_119 [0] : vector<128x128xf32> to vector<128xf32>
    %broadcast_in_dim3A_121 = vector.shape_cast %reduce_sum3A_120 : vector<128xf32> to vector<1x128xf32>
    %div3A_122 = arith.constant 1.280000e+02 : f32
    %div3A_123 = vector.broadcast %div3A_122 : f32 to vector<1x128xf32>
    %div3A_124 = arith.divf %broadcast_in_dim3A_121, %div3A_123 : vector<1x128xf32>
    %sub3A = vector.broadcast %div3A_124 : vector<1x128xf32> to vector<128x128xf32>
    %sub3A_125 = arith.subf %add3A_118, %sub3A : vector<128x128xf32>
    %integer_pow3A = arith.mulf %sub3A_125, %sub3A_125 : vector<128x128xf32>
    %reduce_sum3A_126 = arith.constant dense<0.000000e+00> : vector<128xf32>
    %reduce_sum3A_127 = vector.multi_reduction <add>, %integer_pow3A, %reduce_sum3A_126 [0] : vector<128x128xf32> to vector<128xf32>
    %broadcast_in_dim3A_128 = vector.shape_cast %reduce_sum3A_127 : vector<128xf32> to vector<1x128xf32>
    %div3A_129 = arith.constant 1.280000e+02 : f32
    %div3A_130 = vector.broadcast %div3A_129 : f32 to vector<1x128xf32>
    %div3A_131 = arith.divf %broadcast_in_dim3A_128, %div3A_130 : vector<1x128xf32>
    %get3A_132 = arith.constant 0 : index
    %get3A_133 = arith.constant 0 : index
    %get3A_134 = vector.load %arg12[%get3A_132, %get3A_133] : memref<1x128xf32, #tpu.memory_space<vmem>>, vector<1x128xf32>
    %sub3A_135 = vector.broadcast %div3A_124 : vector<1x128xf32> to vector<128x128xf32>
    %sub3A_136 = arith.subf %add3A_118, %sub3A_135 : vector<128x128xf32>
    %mul3A_137 = vector.broadcast %get3A_134 : vector<1x128xf32> to vector<128x128xf32>
    %mul3A_138 = arith.mulf %mul3A_137, %sub3A_136 : vector<128x128xf32>
    %add3A_139 = arith.constant 9.99999974E-6 : f32
    %add3A_140 = vector.broadcast %add3A_139 : f32 to vector<1x128xf32>
    %add3A_141 = arith.addf %div3A_131, %add3A_140 : vector<1x128xf32>
    %sqrt3A = math.sqrt %add3A_141 : vector<1x128xf32>
    %div3A_142 = vector.broadcast %sqrt3A : vector<1x128xf32> to vector<128x128xf32>
    %div3A_143 = arith.divf %mul3A_138, %div3A_142 : vector<128x128xf32>
    %get3A_144 = arith.constant 0 : index
    %get3A_145 = arith.constant 0 : index
    %get3A_146 = vector.load %arg13[%get3A_144, %get3A_145] : memref<1x128xf32, #tpu.memory_space<vmem>>, vector<1x128xf32>
    %add3A_147 = vector.broadcast %get3A_146 : vector<1x128xf32> to vector<128x128xf32>
    %add3A_148 = arith.addf %div3A_143, %add3A_147 : vector<128x128xf32>
    %max3A_149 = arith.constant 0.000000e+00 : f32
    %max3A_150 = vector.broadcast %max3A_149 : f32 to vector<128x128xf32>
    %max3A_151 = arith.maximumf %add3A_148, %max3A_150 : vector<128x128xf32>
    %swap3A = arith.constant 0 : index
    %swap3A_152 = arith.constant 0 : index
    %swap3A_153 = vector.load %arg17[%swap3A, %swap3A_152] : memref<128x128xf32, #tpu.memory_space<vmem>>, vector<128x128xf32>
    tpu.vector_store %arg17[%swap3A, %swap3A_152], %max3A_151 {strides = array<i32>} : memref<128x128xf32, #tpu.memory_space<vmem>>, vector<128x128xf32>,
    %get3A_154 = arith.constant 0 : index
    %get3A_155 = arith.constant 0 : index
    %get3A_156 = vector.load %arg14[%get3A_154, %get3A_155] : memref<128x1xf32, #tpu.memory_space<vmem>>, vector<128x1xf32>
    %dot_general3A_157 = arith.constant dense<0.000000e+00> : vector<128x1xf32>
    %dot_general3A_158 = tpu.matmul %max3A_151, %get3A_156, %dot_general3A_157 {dimension_numbers = #tpu.dot_dimension_numbers<[1], [0], [0], [1], [0, 0, 1, 1], [], []>, transpose_lhs_hint = false} : vector<128x128xf32>, vector<128x1xf32>, vector<128x1xf32> -> vector<128x1xf32>
    %get3A_159 = arith.constant 0 : index
    %get3A_160 = arith.constant 0 : index
    %get3A_161 = vector.load %arg15[%get3A_159, %get3A_160] : memref<1x1xf32, #tpu.memory_space<vmem>>, vector<1x1xf32>
    %add3A_162 = vector.broadcast %get3A_161 : vector<1x1xf32> to vector<128x1xf32>
    %add3A_163 = arith.addf %dot_general3A_158, %add3A_162 : vector<128x1xf32>
    %swap3A_164 = arith.constant 0 : index
    %swap3A_165 = arith.constant 0 : index
    %swap3A_166 = vector.load %arg16[%swap3A_164, %swap3A_165] : memref<128x1xf32, #tpu.memory_space<vmem>>, vector<128x1xf32>
    tpu.vector_store %arg16[%swap3A_164, %swap3A_165], %add3A_163 {strides = array<i32>} : memref<128x1xf32, #tpu.memory_space<vmem>>, vector<128x1xf32>,
    return
  }
}

</mosaic_0001>

<sc_bundles>
// kernel: kernel.10.cloned.1.call-start
scs
__scs_entry_jumppad:
0x0: {  	(pc) =	sbr.rel $0x88, $3  }
0x1: {  	(tag) =	ssettag $0x0;
	lr =	simm.s32 $0x1  }
0x2: {  	[smem:$0x3F8D] =	sst lr;
	_ =	strace $0xD0000000  }
0x3: {  	_ = 	snop  }
0x4: {  	_ = 	snop  }
0x5: {  	_ = 	snop  }
0x6: {  	_ = 	snop  }
0x7: {  	_ = 	snop  }
__scs_overlays_trampoline_lowered:
0x8: {  	[smem:$0x3F9C] =	sst s0  }
0x9: {  	[smem:$0x3F9D] =	sst s1  }
0xa: {  	[smem:$0x3F9E] =	sst s2  }
0xb: {  	[smem:$0x3F9F] =	sst s3  }
0xc: {  	[smem:$0x3FA0] =	sst s4  }
0xd: {  	[smem:$0x3FA1] =	sst s5  }
0xe: {  	[smem:$0x3FA2] =	sst s6  }
0xf: {  	[smem:$0x3FA3] =	sst s7  }
0x10: {  	[smem:$0x3FA4] =	sst s8  }
0x11: {  	[smem:$0x3FA5] =	sst s9;
	s0 =	simm.s32 @!p0 $0x0  }
0x12: {  	s1 =	sld [smem:$0x3F8B];
	s0 =	simm.s32 @p0 $0x1  }
0x13: {  	[smem:$0x3FA6] =	sst s0;
	s0 =	simm.s32 @!p1 $0x0  }
0x14: {  	s2 =	sld [smem:$0x3F8A];
	s0 =	simm.s32 @p1 $0x1  }
0x15: {  	[smem:$0x3FA7] =	sst s0;
	s0 =	simm.s32 @!p2 $0x0  }
0x16: {  	s3 =	sld [smem:$0x3FDB];
	s0 =	simm.s32 @p2 $0x1  }
0x17: {  	s4 =	simm.s32 $0x1BF5;
	[smem:$0x3FA9] =	sst s0  }
0x18: {  	s0 =	sld [smem:$0x3F8C];
	_ =	swait.ge [sflag:s4], $0x0  }
0x19: {  	s7 =	sld [smem:$0x3F8D]  }
0x1a: {  	s8 =	sadd.s32 $0xFFFFE003, lr  }
0x1b: {  	s9 =	sadd.s32 $0xFFFFFEF7, lr;
	s5 =	simm.s32 $0xFFFFFFFF;
	p2 =	slt.u32 s8, $0xFFFFF086  }
0x1c: {  	p1 =	slt.u32 s9, $0xF7A;
	s5 =	simm.s32 @!p2 $0x0  }
0x1d: {  	s5 =	simm.s32 @p1 $0x1;
	p0 =	seq.s32 s7, s2  }
0x1e: {  	s7 =	smul.u32 @!p0 $0xF7A, s2;
	p2 =	seq.s32 @!p0 s5, $0x0  }
0x1f: {  	s9 =	smul.u32 $0xF7A, s1;
	s8 =	simm.s32 @!p0 $0x1BF5;
	p2 =	por !p2, p0  }
0x20: {  	[sflag:s8] =	ssyncset.s32 @!p0 $0xFFFFF086;
	s6 =	sadd.s32 @!p0 s3, s7;
	s7 =	simm.s32 @!p0 $0x108  }
0x21: {  	s3 =	sadd.s32 s3, s9;
	s6 =	sadd.s32 @!p0 $0x88, s6;
	s7 =	simm.s32 @p2 $0x1082  }
0x22: {  	[simem:s7], [sflag:s8] =	dma.local @!p0 [hbm:s6], $0xF7A  }
0x23: {  	s9 =	sor.u32 $0xD0000000, s2;
	s6 =	simm.s32 $0x108;
	_ =	swait.ge @!p0 [sflag:s8], $0x0  }
0x24: {  	s3 =	sadd.s32 $0x88, s3;
	s6 =	simm.s32 @!p1 $0x1082;
	[sflag:s4] =	ssyncset.s32 $0xFFFFF086  }
0x25: {  	[simem:s6], [sflag:s4] =	dma.local [hbm:s3], $0xF7A  }
0x26: {  	[smem:$0x3F8D] =	sst s1;
	(tag) =	ssettag s2;
	_ =	strace s9  }
0x27: {  	s1 =	sld [smem:$0x3F9D]  }
0x28: {  	s2 =	sld [smem:$0x3F9E]  }
0x29: {  	s4 =	sld [smem:$0x3FA0]  }
0x2a: {  	p0 =	seq.s32 s5, $0x0;
	s5 =	sld [smem:$0x3FA1]  }
0x2b: {  	s6 =	sld [smem:$0x3FA2]  }
0x2c: {  	s7 =	sld [smem:$0x3FA3]  }
0x2d: {  	s3 =	simm.s32 $0x108;
	s8 =	sld [smem:$0x3FA4]  }
0x2e: {  	s3 =	simm.s32 @!p0 $0x1082;
	s9 =	sld [smem:$0x3FA5]  }
0x2f: {  	lr =	sadd.s32 s0, s3;
	s0 =	sld [smem:$0x3F9C]  }
0x30: {  	s3 =	sld [smem:$0x3F9F]  }
0x31: {  	[smem:$0x3FA8] =	sst s10  }
0x32: {  	s10 =	sld [smem:$0x3FA6];
	_ =	sdelay $0x3  }
0x33: {  	p0 =	seq.s32 s10, $0x1;
	s10 =	sld [smem:$0x3FA8];
	_ =	sdelay $0x3  }
0x34: {  	[smem:$0x3FA8] =	sst s10  }
0x35: {  	s10 =	sld [smem:$0x3FA7];
	_ =	sdelay $0x3  }
0x36: {  	p1 =	seq.s32 s10, $0x1;
	s10 =	sld [smem:$0x3FA8];
	_ =	sdelay $0x3  }
0x37: {  	[smem:$0x3FA8] =	sst s10  }
0x38: {  	s10 =	sld [smem:$0x3FA9]  }
0x39: {  	_ = 	snop;
	(pc) =	sbr.ind lr, $3  }
0x3a: {  	_ = 	snop  }
0x3b: {  	_ = 	snop  }
0x3c: {  	p2 =	seq.s32 s10, $0x1;
	s10 =	sld [smem:$0x3FA8]  }
0x3d: {  	_ =	shalt  }
0x3e: {  	_ =	shalt  }
0x3f: {  	_ =	shalt  }
0x40: {  	_ =	shalt  }
0x41: {  	_ =	shalt  }
0x42: {  	_ =	shalt  }
0x43: {  	_ =	shalt  }
0x44: {  	_ =	shalt  }
0x45: {  	_ =	shalt  }
0x46: {  	_ =	shalt  }
0x47: {  	_ =	shalt  }
0x48: {  	_ =	shalt  }
0x49: {  	_ =	shalt  }
0x4a: {  	_ =	shalt  }
0x4b: {  	_ =	shalt  }
0x4c: {  	_ =	shalt  }
0x4d: {  	_ =	shalt  }
0x4e: {  	_ =	shalt  }
0x4f: {  	_ =	shalt  }
0x50: {  	_ =	shalt  }
0x51: {  	_ =	shalt  }
0x52: {  	_ =	shalt  }
0x53: {  	_ =	shalt  }
0x54: {  	_ =	shalt  }
0x55: {  	_ =	shalt  }
0x56: {  	_ =	shalt  }
0x57: {  	_ =	shalt  }
0x58: {  	_ =	shalt  }
0x59: {  	_ =	shalt  }
0x5a: {  	_ =	shalt  }
0x5b: {  	_ =	shalt  }
0x5c: {  	_ =	shalt  }
0x5d: {  	_ =	shalt  }
0x5e: {  	_ =	shalt  }
0x5f: {  	_ =	shalt  }
0x60: {  	_ =	shalt  }
0x61: {  	_ =	shalt  }
0x62: {  	_ =	shalt  }
0x63: {  	_ =	shalt  }
0x64: {  	_ =	shalt  }
0x65: {  	_ =	shalt  }
0x66: {  	_ =	shalt  }
0x67: {  	_ =	shalt  }
0x68: {  	_ =	shalt  }
0x69: {  	_ =	shalt  }
0x6a: {  	_ =	shalt  }
0x6b: {  	_ =	shalt  }
0x6c: {  	_ =	shalt  }
0x6d: {  	_ =	shalt  }
0x6e: {  	_ =	shalt  }
0x6f: {  	_ =	shalt  }
0x70: {  	_ =	shalt  }
0x71: {  	_ =	shalt  }
0x72: {  	_ =	shalt  }
0x73: {  	_ =	shalt  }
0x74: {  	_ =	shalt  }
0x75: {  	_ =	shalt  }
0x76: {  	_ =	shalt  }
0x77: {  	_ =	shalt  }
0x78: {  	_ =	shalt  }
0x79: {  	_ =	shalt  }
0x7a: {  	_ =	shalt  }
0x7b: {  	_ =	shalt  }
0x7c: {  	_ =	shalt  }
0x7d: {  	_ =	shalt  }
0x7e: {  	_ =	shalt  }
0x7f: {  	_ =	shalt  }
0x80: {  	_ =	shalt  }
0x81: {  	_ =	shalt  }
0x82: {  	_ =	shalt  }
0x83: {  	_ =	shalt  }
0x84: {  	_ =	shalt  }
0x85: {  	_ =	shalt  }
0x86: {  	_ =	shalt  }
0x87: {  	_ =	shalt  }
.Lfunc_end0:
.L_simem_size_0:
called_computation.1_lowered:
.L_overlay_start_0:
0x88: {  	s2 =	sld [smem:$0x3FD9]  }
0x89: {  	s3 =	sld [smem:$0x3FFE];
	_ =	sdelay $0x1  }
0x8a: {  	s1 =	srdreg.scid  }
0x8b: {  	s0 =	sand.u32 $0x1, s1  }
0x8c: {  	s14 =	sshll.u32 s0, $0xA;
	s2 =	sadd.s32 s3, s2  }
0x8d: {  	s2 =	sadd.s32 s2, s14  }
0x8e: {  	[smem:$0x3FB4] =	sst s2  }
0x8f: {  	_ = 	snop  }
0x90: {  	s2 =	sld [smem:$0x3FD0];
	_ =	sdelay $0x2  }
0x91: {  	s15 =	simm.s32 $0xA;
	s4 =	simm.s32 $0x10  }
0x92: {  	[smem:s4], [sflag:s15] =	dma.local [hbm:s2], $0x1  }
0x93: {  	_ =	swait.eq [sflag:s15], $0x1  }
0x94: {  	[sflag:s15] =	ssyncset.done $0x0  }
0x95: {  	[sflag:s15] =	ssyncadd.s32 $0xFFFFFFFF  }
0x96: {  	s16 =	sld [smem:$0x11];
	(tm) =	ssettm $0x1  }
0x97: {  	s17 =	sld [smem:$0x3FFB];
	_ =	sdelay $0x3  }
0x98: {  	_ =	strace s17  }
0x99: {  	s3 =	sld [smem:$0x3FFC];
	_ =	sdelay $0x3  }
0x9a: {  	_ =	strace s3  }
0x9b: {  	s3 =	sld [smem:$0x3FFD];
	_ =	sdelay $0x3  }
0x9c: {  	_ =	strace s3  }
0x9d: {  	_ =	strace $0x8FFFFFFF  }
0x9e: {  	s18 =	sld [smem:$0x3FDB];
	_ =	sdelay $0x1  }
0x9f: {  	s19 =	simm.s32 $_scs_section_size  }
0xa0: {  	s5 =	simm.s32 $_size__tile_overlayer_lowered;
	s6 =	simm.s32 $_tile_overlayer_lowered  }
0xa1: {  	s22 =	simm.s32 $0x1BFF;
	s21 =	sshll.u32 s6, $0x1;
	s3 =	sadd.s32 s19, s18  }
0xa2: {  	s7 =	simm.s32 $0x0;
	s20 =	sshll.u32 s5, $0x1;
	s5 =	sadd.s32 s21, s3  }
0xa3: {  	[timem:s7], [sflag:s22] =	dma.local [hbm:s5], s20  }
0xa4: {  	_ =	swait.ge [sflag:s22], s20  }
0xa5: {  	s4 =	ssub.s32 $0x0, s20;
	[sflag:s22] =	ssyncset.done $0x0  }
0xa6: {  	[sflag:s22] =	ssyncadd.s32 s4;
	_ =	sdelay $0x1  }
0xa7: {  	s23 =	simm.s32 $0x1B8B  }
0xa8: {  	_ =	swait.ge [sflag:s23], $0x1  }
0xa9: {  	[sflag:s23] =	ssyncset.done $0x0  }
0xaa: {  	s25 =	simm.s32 $0x1B8E;
	s24 =	sld [smem:$0x3FFE];
	[sflag:s23] =	ssyncadd.s32 $0xFFFFFFFF  }
0xab: {  	s26 =	simm.s32 $execute0_lowered;
	[smem:$0x3FD2] =	sst s25  }
0xac: {  	s5 =	sshll.u32 s26, $0x1;
	_ =	strace $0x80000049;
	[dreg:$0x1] =	wrdreg $0xFFFFFFFF  }
0xad: {  	s28 =	simm.s32 $_size_execute0_lowered;
	s3 =	sadd.s32 s3, s5;
	[dreg:$0x0] =	wrdreg $0x0  }
0xae: {  	s5 =	sshll.u32 s28, $0x1;
	[dreg:$0x2] =	wrdreg s3  }
0xaf: {  	[dreg:$0x3] =	wrdreg s5  }
0xb0: {  	[dreg:$0x4] =	wrdreg $0xC0  }
0xb1: {  	_ =	task [dreg:s7], $0x5FFFF  }
0xb2: {  	[dreg:$0x1] =	wrdreg $0xFFFFFFFF  }
0xb3: {  	[dreg:$0x0] =	wrdreg $0x60  }
0xb4: {  	[dreg:$0x2] =	wrdreg s24  }
0xb5: {  	[dreg:$0x3] =	wrdreg s16  }
0xb6: {  	[dreg:$0x4] =	wrdreg $0x0  }
0xb7: {  	[dreg:$0x5] =	wrdreg $0x9  }
0xb8: {  	_ =	task.clear_ibuf [dreg:s7], $0x6FFFF;
	_ =	strace $0x90000049  }
0xb9: {  	s29 =	simm.s32 $0x9;
	_ =	strace $0x8000004B  }
0xba: {  	_ =	swait.ge [sflag:s29], $0x1  }
0xbb: {  	[sflag:s29] =	ssyncadd.s32 $0xFFFFFFFF  }
0xbc: {  	_ =	strace $0x9000004B  }
0xbd: {  	_ =	sfence  }
0xbe: {  	s30 =	sld [smem:$0x0];
	_ =	sdelay $0x2  }
0xbf: {  	s31 =	sshll.u32 s1, $0xD;
	s1 =	sshrl.u32 s1, $0x2  }
0xc0: {  	s3 =	sand.u32 $0x4000, s31;
	s1 =	sadd.s32 s1, s30  }
0xc1: {  	s0 =	sor.u32 s3, s0;
	s1 =	sshll.u32 s1, $0x11  }
0xc2: {  	s0 =	sor.u32 s1, s0  }
0xc3: {  	s0 =	sadd.s32 $0x8F2B, s0  }
0xc4: {  	[sflag:s0] =	ssyncadd.remote.s32 $0x1  }
0xc5: {  	_ =	sfence.sel $0xFFFF  }
0xc6: {  	[dreg:$0x0] =	wrdreg $0xFFFFFFFF;
	(pc) =	sbr.abs _section_cstart, $3  }
0xc7: {  	[dreg:$0x1] =	wrdreg $0xFFFFFFFF  }
0xc8: {  	_ =	task.clear_ibuf [dreg:s7], $0x2FFFF;
	_ =	strace $0x9FFFFFFF  }
0xc9: {  	(tm) =	ssettm $0x7FFFFFFF  }
tec
execute0_lowered:
.L_overlay_start_1:
0x0: {  	(tag) =	ssettag $0x1  }
0x1: {  	s0 =	rddreg [dreg:$0x0]  }
0x2: {  	s3 =	rddreg [dreg:$0x2]  }
0x3: {  	s1 =	simm.s32 $0x0;
	s14 =	stileid.u32;
	s2 =	srdreg.scid  }
0x4: {  	s29 =	simm.s32 $0x9;
	s28 =	simm.s32 $0x1C400;
	s30 =	simm.s32 $0x4  }
0x5: {  	[smem:$0x7FF] =	sst s1;
	s20 =	smul.u32 $0x13C00, s14;
	s5 =	sadd.s32 $0x35800, s0  }
0x6: {  	s6 =	sadd.s32 $0x5CA00, s0;
	s2 =	sand.u32 $0x1, s2;
	s7 =	sadd.s32 $0x83C00, s0  }
0x7: {  	s8 =	sadd.s32 $0x4400, s0;
	s9 =	sadd.s32 $0x23C00, s0;
	s21 =	sshll.u32 s14, $0x1  }
0x8: {  	s11 =	smul.u32 $0x4F000, s14;
	s24 =	sshll.u32 s14, $0x6;
	_ =	strace $0x8000004A  }
0x9: {  	s10 =	smul.u32 $0x13C000, s2;
	s12 =	ssub.s32 $0x2, s2;
	s2 =	sor.u32 s2, s21  }
0xa: {  	s16 =	sor.u32 $0x1C09, s24;
	s4 =	sshrl.u32 s20, $0x3;
	s13 =	smul.u32 $0x180, s2  }
0xb: {  	s22 =	sshrl.u32 s12, $0x1;
	s11 =	sshrl.u32 s11, $0x2;
	s25 =	smul.u32 $0x30, s2  }
0xc: {  	s19 =	sor.u32 $0x80, s2;
	[dreg:$0x6] =	wrdreg s16;
	s4 =	sadd.s32 s4, s0  }
0xd: {  	s1 =	sadd.s32 s20, s10;
	s23 =	sadd.s32 s11, s3;
	[dreg:$0xa] =	wrdreg s19  }
0xe: {  	s20 =	sor.u32 $0xA0, s2;
	s19 =	sor.u32 $0xE0, s2;
	s10 =	simm.s32 $0x1  }
0xf: {  	s11 =	simm.s32 $0x3;
	s1 =	sshrl.u32 s1, $0x3;
	[dreg:$0x4] =	wrdreg s23  }
0x10: {  	s26 =	sshrl.u32 s13, $0x3;
	s4 =	sadd.s32 $0x84200, s4;
	[dreg:$0xb] =	wrdreg s20  }
0x11: {  	s14 =	sadd.s32 s8, s25;
	s21 =	sadd.s32 s9, s25;
	[dreg:$0x5] =	wrdreg s4  }
0x12: {  	s13 =	simm.s32 $0x80;
	s31 =	sadd.s32 $0x600, s26;
	[dreg:$0x7] =	wrdreg s14  }
0x13: {  	s17 =	sadd.s32 $0xC00, s26;
	[dreg:$0xc] =	wrdreg s21;
	s15 =	sadd.s32 s8, s31  }
0x14: {  	s0 =	sadd.s32 s1, s0;
	s18 =	sadd.s32 s8, s17;
	[dreg:$0x8] =	wrdreg s15  }
0x15: {  	s1 =	ssub.s32 s12, s22;
	s22 =	sadd.s32 s9, s31;
	[dreg:$0x9] =	wrdreg s18  }
0x16: {  	s12 =	sadd.s32 $0x1200, s26;
	s23 =	sadd.s32 s9, s17;
	[dreg:$0xd] =	wrdreg s22  }
0x17: {  	s20 =	simm.s32 $0x1C200;
	s24 =	sadd.s32 s8, s12;
	[dreg:$0xe] =	wrdreg s23  }
0x18: {  	s14 =	simm.s32 $0x1C300;
	s25 =	sadd.s32 s9, s12;
	[dreg:$0xf] =	wrdreg s24  }
0x19: {  	s21 =	simm.s32 $0x2;
	s26 =	sadd.s32 $0xABA00, s0;
	[dreg:$0x10] =	wrdreg s25  }
0x1a: {  	s4 =	simm.s32 $0x6;
	s0 =	sadd.s32 $0xFAA00, s0;
	[dreg:$0x11] =	wrdreg s26  }
0x1b: {  	s31 =	smax.u32 s1, $0x1;
	s12 =	simm.s32 $0x8;
	[dreg:$0x12] =	wrdreg s0  }
0x1c: {  	s1 =	simm.s32 $0x0;
	s18 =	sor.u32 $0xC0, s2;
	[dreg:$0x13] =	wrdreg s31  }
0x1d: {  	s15 =	simm.s32 $0x14200;
	s22 =	simm.s32 $0x1C380;
	s23 =	simm.s32 $0x18200  }
0x1e: {  	s24 =	simm.s32 $0x1C280;
	s25 =	simm.s32 $0x7;
	s26 =	simm.s32 $0x5  }
.LBB2_1:
0x1f: {  	[dreg:$0x14] =	wrdreg s1  }
0x20: {  	s0 =	rddreg [dreg:$0x4]  }
0x21: {  	s2 =	rddreg [dreg:$0x5];
	s0 =	sshrl.u32 s0, $0x3  }
0x22: {  	[dreg:$0x15] =	wrdreg s0  }
0x23: {  	[spmem:s0], [sflag:s16] =	dma.local [hbm:s2], $0x2780  }
0x24: {  	_ =	swait.ge [sflag:s29], $0x2780  }
0x25: {  	s0 =	simm.s32 $0x0;
	[sflag:s29] =	ssyncset.done $0x0  }
0x26: {  	s2 =	simm.s32 $0x13C00;
	s17 =	rddreg [dreg:$0x7];
	[sflag:s29] =	ssyncadd.s32 $0xFFFFD880  }
0x27: {  	[tilespmem:s2], [sflag:$0x1] =	stream.linear.gather [hbm4b:s17+s0], $0x180, $0x38;
	[tilespmem:$0x1C480] =	vst v63  }
0x28: {  	s16 =	rddreg [dreg:$0x8];
	s17 =	simm.s32 $0x13D80  }
0x29: {  	[tilespmem:s17], [sflag:$0x2] =	stream.linear.gather [hbm4b:s16+s0], $0x180, $0x38;
	[tilespmem:$0x1C480] =	vst v63  }
0x2a: {  	s16 =	rddreg [dreg:$0x9];
	s17 =	simm.s32 $0x13F00  }
0x2b: {  	[tilespmem:s17], [sflag:$0x3] =	stream.linear.gather [hbm4b:s16+s0], $0x180, $0x38;
	[tilespmem:$0x1C480] =	vst v63  }
0x2c: {  	s2 =	rddreg [dreg:$0xf];
	s16 =	simm.s32 $0x14080  }
0x2d: {  	[tilespmem:s16], [sflag:$0x4] =	stream.linear.gather [hbm4b:s2+s0], $0x180, $0x38;
	[tilespmem:$0x1C480] =	vst v63  }
0x2e: {  	_ =	swait.ge [sflag:s10], $0x180  }
0x2f: {  	[sflag:s10] =	ssyncset.done $0x0  }
0x30: {  	[sflag:s10] =	ssyncadd.s32 $0xFFFFFE80  }
0x31: {  	v0 =	vld [tilespmem:$0x13C00]  }
0x32: {  	v1 =	vld [tilespmem:$0x13C10]  }
0x33: {  	v2 =	vld [tilespmem:$0x13C20]  }
0x34: {  	v3 =	vld [tilespmem:$0x13C30]  }
0x35: {  	v4 =	vld [tilespmem:$0x13C40]  }
0x36: {  	v53 =	vld [tilespmem:$0x13C50];
	[tilespmem:$0x1C300] =	vst v0  }
0x37: {  	v54 =	vld [tilespmem:$0x13C60];
	[tilespmem:$0x1C310] =	vst v1  }
0x38: {  	v55 =	vld [tilespmem:$0x13C70];
	[tilespmem:$0x1C320] =	vst v2  }
0x39: {  	[tilespmem:$0x1C330] =	vst v3  }
0x3a: {  	[tilespmem:$0x1C340] =	vst v4  }
0x3b: {  	[tilespmem:$0x1C350] =	vst v53  }
0x3c: {  	[tilespmem:$0x1C360] =	vst v54  }
0x3d: {  	[tilespmem:$0x1C370] =	vst v55  }
0x3e: {  	[tilespmem:s15], [sflag:$0x5] =	stream.indirect.gather [hbm4b:s5+s13], $0x80, s14, s13, $0xb8;
	[tilespmem:$0x1C480] =	vst v63  }
0x3f: {  	s17 =	rddreg [dreg:$0x1]  }
0x40: {  	[tilespmem:s20], [sflag:$0x7] =	stream.indirect.gather [hbm4b:s17+s13], $0x1, s14, s13, $0xb8;
	[tilespmem:$0x1C480] =	vst v63  }
0x41: {  	_ =	swait.ge [sflag:s21], $0x180  }
0x42: {  	[sflag:s21] =	ssyncset.done $0x0  }
0x43: {  	[sflag:s21] =	ssyncadd.s32 $0xFFFFFE80  }
0x44: {  	v56 =	vld [tilespmem:$0x13D80]  }
0x45: {  	v57 =	vld [tilespmem:$0x13D90]  }
0x46: {  	v58 =	vld [tilespmem:$0x13DA0]  }
0x47: {  	v59 =	vld [tilespmem:$0x13DB0]  }
0x48: {  	v60 =	vld [tilespmem:$0x13DC0]  }
0x49: {  	v61 =	vld [tilespmem:$0x13DD0];
	[tilespmem:$0x1C380] =	vst v56  }
0x4a: {  	v62 =	vld [tilespmem:$0x13DE0];
	[tilespmem:$0x1C390] =	vst v57  }
0x4b: {  	v63 =	vld [tilespmem:$0x13DF0];
	[tilespmem:$0x1C3A0] =	vst v58  }
0x4c: {  	[tilespmem:$0x1C3B0] =	vst v59  }
0x4d: {  	[tilespmem:$0x1C3C0] =	vst v60  }
0x4e: {  	[tilespmem:$0x1C3D0] =	vst v61  }
0x4f: {  	[tilespmem:$0x1C3E0] =	vst v62  }
0x50: {  	[tilespmem:$0x1C3F0] =	vst v63  }
0x51: {  	[tilespmem:s23], [sflag:$0x6] =	stream.indirect.gather [hbm4b:s5+s13], $0x80, s22, s13, $0xb8;
	[tilespmem:$0x1C480] =	vst v63  }
0x52: {  	_ = 	snop  }
0x53: {  	[tilespmem:s24], [sflag:$0x8] =	stream.indirect.gather [hbm4b:s17+s13], $0x1, s22, s13, $0xb8;
	[tilespmem:$0x1C480] =	vst v63  }
0x54: {  	s31 =	simm.s32 $0x0;
	[bflag:$0x0] =	sbarrier.arrive $0xFFFF  }
.LBB2_2:
0x55: {  	_ =	swait.ge [sflag:s25], $0x80  }
0x56: {  	[sflag:s25] =	ssyncset.done $0x0  }
0x57: {  	[sflag:s25] =	ssyncadd.s32 $0xFFFFFF80  }
0x58: {  	_ =	swait.ge [sflag:s26], $0x4000  }
0x59: {  	[sflag:s26] =	ssyncset.done $0x0  }
0x5a: {  	[sflag:s26] =	ssyncadd.s32 $0xFFFFC000  }
0x5b: {  	v0 =	vld [tilespmem:$0x13D00]  }
0x5c: {  	v1 =	vld [tilespmem:$0x1C200]  }
0x5d: {  	v2 =	vld [tilespmem:$0x13C80]  }
0x5e: {  	v3 =	vld [tilespmem:$0x13D10]  }
0x5f: {  	v4 =	vld [tilespmem:$0x1C210]  }
0x60: {  	v5 =	vld [tilespmem:$0x13C90]  }
0x61: {  	v6 =	vld [tilespmem:$0x13D20]  }
0x62: {  	v7 =	vld [tilespmem:$0x1C220]  }
0x63: {  	v8 =	vld [tilespmem:$0x13CA0]  }
0x64: {  	v9 =	vld [tilespmem:$0x13D30]  }
0x65: {  	v10 =	vld [tilespmem:$0x1C230]  }
0x66: {  	v11 =	vld [tilespmem:$0x13CB0]  }
0x67: {  	v12 =	vld [tilespmem:$0x1C240];
	v0 =	vmul.f32 v1, v0  }
0x68: {  	v1 =	vld [tilespmem:$0x13D40];
	[tilespmem:$0x1C400] =	vst v2  }
0x69: {  	v2 =	vld [tilespmem:$0x13D50];
	[tilespmem:$0x1C200] =	vst v0;
	v0 =	vmul.f32 v4, v3  }
0x6a: {  	[tilespmem:$0x1C410] =	vst v5;
	v5 =	vld [tilespmem:$0x13CD0]  }
0x6b: {  	v3 =	vld [tilespmem:$0x13CC0];
	[tilespmem:$0x1C210] =	vst v0;
	v0 =	vmul.f32 v7, v6  }
0x6c: {  	v4 =	vld [tilespmem:$0x1C250]  }
0x6d: {  	v6 =	vld [tilespmem:$0x13D60];
	[tilespmem:$0x1C220] =	vst v0;
	v0 =	vmul.f32 v10, v9  }
0x6e: {  	[tilespmem:$0x1C420] =	vst v8;
	v7 =	vld [tilespmem:$0x1C260]  }
0x6f: {  	v8 =	vld [tilespmem:$0x1C270];
	[tilespmem:$0x1C230] =	vst v0;
	v0 =	vmul.f32 v12, v1  }
0x70: {  	[tilespmem:$0x1C440] =	vst v3;
	v1 =	vld [tilespmem:$0x13D70]  }
0x71: {  	v3 =	vld [tilespmem:$0x13CF0];
	[tilespmem:$0x1C240] =	vst v0;
	v0 =	vmul.f32 v4, v2  }
0x72: {  	[tilespmem:$0x1C430] =	vst v11  }
0x73: {  	v2 =	vld [tilespmem:$0x13CE0];
	[tilespmem:$0x1C250] =	vst v0;
	v0 =	vmul.f32 v7, v6  }
0x74: {  	[tilespmem:$0x1C450] =	vst v5  }
0x75: {  	[tilespmem:$0x1C260] =	vst v0;
	v0 =	vmul.f32 v8, v1  }
0x76: {  	s0 =	simm.s32 $0x0;
	[tilespmem:$0x1C470] =	vst v3  }
0x77: {  	[tilespmem:$0x1C270] =	vst v0;
	v0 =	vmov s0  }
0x78: {  	[tilespmem:$0x1C460] =	vst v2;
	s0 =	simm.s32 $0x14240  }
0x79: {  	v4 =	vld [tilespmem:s0+$0x30]  }
0x7a: {  	v7 =	vld [tilespmem:s0+$0x10]  }
0x7b: {  	v5 =	vld [tilespmem:s0+$0xFFFFFFC0]  }
0x7c: {  	v1 =	vld.idx.msk [tilespmem:v0+s20+$0x0], $0xffff  }
0x7d: {  	v9 =	vld [tilespmem:s0+$0xFFFFFFE0]  }
0x7e: {  	v2 =	vld [tilespmem:s0+$0x20]  }
0x7f: {  	v3 =	vld [tilespmem:s0+$0xFFFFFFD0]  }
0x80: {  	v0 =	vld [tilespmem:s0+$0xFFFFFFF0]  }
0x81: {  	v8 =	vmul.f32 v4, v1;
	v4 =	vld [tilespmem:s0+$0x0]  }
0x82: {  	v6 =	vmul.f32 v5, v1  }
0x83: {  	s2 =	simm.s32 $0x1;
	s1 =	simm.s32 $0x14240;
	v5 =	vmul.f32 v9, v1;
	v7 =	vmul.f32 v7, v1  }
.LBB2_3:
0x84: {  	p0 =	sne.s32 s2, $0x7F  }
0x85: {  	v3 =	vmul.f32 v3, v1;
	v2 =	vmul.f32 v2, v1;
	[tilespmem:s0+$0x30] =	vst v8;
	s1 =	sadd.s32 $0x80, s1;
	s16 =	smov.u32 s2;
	s2 =	sadd.s32 $0x1, s2  }
0x86: {  	[tilespmem:s0+$0xFFFFFFC0] =	vst v6;
	v6 =	vmul.f32 v0, v1;
	v1 =	vmul.f32 v4, v1  }
0x87: {  	[tilespmem:s0+$0x10] =	vst v7  }
0x88: {  	v4 =	vmov s16;
	[tilespmem:s0+$0xFFFFFFE0] =	vst v5  }
0x89: {  	v0 =	vld [tilespmem:s1+$0xFFFFFFF0];
	[tilespmem:s0+$0xFFFFFFF0] =	vst v6  }
0x8a: {  	v5 =	vld [tilespmem:s1+$0x30];
	[tilespmem:s0+$0x0] =	vst v1  }
0x8b: {  	v7 =	vld [tilespmem:s1+$0x10];
	[tilespmem:s0+$0x20] =	vst v2  }
0x8c: {  	v6 =	vld [tilespmem:s1+$0xFFFFFFC0];
	[tilespmem:s0+$0xFFFFFFD0] =	vst v3;
	s0 =	smov.u32 s1  }
0x8d: {  	v1 =	vld.idx.msk [tilespmem:v4+s20+$0x0], $0xffff  }
0x8e: {  	v9 =	vld [tilespmem:s1+$0xFFFFFFE0]  }
0x8f: {  	v2 =	vld [tilespmem:s1+$0x20]  }
.Ltmp0:
0x90: {  	v3 =	vld [tilespmem:s1+$0xFFFFFFD0];
	(pc) =	sbr.rel @p0 .LBB2_3-.Ltmp0, $3  }
0x91: {  	v4 =	vld [tilespmem:s1+$0x0];
	_ =	sdelay $0x1  }
0x92: {  	v6 =	vmul.f32 v6, v1;
	v8 =	vmul.f32 v5, v1  }
0x93: {  	v7 =	vmul.f32 v7, v1;
	v5 =	vmul.f32 v9, v1  }
0x94: {  	[tilespmem:s0+$0x30] =	vst v8  }
0x95: {  	[tilespmem:s0+$0xFFFFFFC0] =	vst v6  }
0x96: {  	v0 =	vmul.f32 v0, v1;
	[tilespmem:s0+$0x10] =	vst v7  }
0x97: {  	v2 =	vmul.f32 v2, v1;
	[tilespmem:s0+$0xFFFFFFE0] =	vst v5  }
0x98: {  	v4 =	vmul.f32 v4, v1;
	[tilespmem:s0+$0xFFFFFFF0] =	vst v0  }
0x99: {  	v0 =	vmul.f32 v3, v1;
	[tilespmem:s0+$0x20] =	vst v2  }
0x9a: {  	[tilespmem:s0+$0x0] =	vst v4  }
0x9b: {  	[tilespmem:s0+$0xFFFFFFD0] =	vst v0  }
0x9c: {  	[spmem:s3] =	stream.indirect.scatter.add.f32 [tilespmem:s15], [sflag:$0x9], $0x80, s28, s13, $0xb8;
	[tilespmem:$0x1C480] =	vst v63  }
0x9d: {  	_ =	swait.ge [sflag:s29], $0x4000  }
0x9e: {  	[sflag:s29] =	ssyncset.done $0x0  }
0x9f: {  	[sflag:s29] =	ssyncadd.s32 $0xFFFFC000  }
0xa0: {  	_ =	swait.ge [sflag:s11], $0x180  }
0xa1: {  	[sflag:s11] =	ssyncset.done $0x0  }
0xa2: {  	[sflag:s11] =	ssyncadd.s32 $0xFFFFFE80  }
0xa3: {  	v0 =	vld [tilespmem:$0x13F00]  }
0xa4: {  	v1 =	vld [tilespmem:$0x13F10]  }
0xa5: {  	v2 =	vld [tilespmem:$0x13F20]  }
0xa6: {  	v3 =	vld [tilespmem:$0x13F30]  }
0xa7: {  	v4 =	vld [tilespmem:$0x13F40]  }
0xa8: {  	[tilespmem:$0x1C300] =	vst v0;
	v0 =	vld [tilespmem:$0x13F50]  }
0xa9: {  	[tilespmem:$0x1C310] =	vst v1;
	v1 =	vld [tilespmem:$0x13F60]  }
0xaa: {  	[tilespmem:$0x1C320] =	vst v2;
	v2 =	vld [tilespmem:$0x13F70]  }
0xab: {  	[tilespmem:$0x1C330] =	vst v3  }
0xac: {  	[tilespmem:$0x1C340] =	vst v4  }
0xad: {  	[tilespmem:$0x1C350] =	vst v0  }
0xae: {  	s0 =	sshll.u32 s31, $0x7;
	s1 =	rddreg [dreg:$0xa];
	[tilespmem:$0x1C360] =	vst v1  }
0xaf: {  	s1 =	sadd.s32 s1, s0;
	[tilespmem:$0x1C370] =	vst v2  }
0xb0: {  	[tilespmem:s15], [sflag:$0x5] =	stream.indirect.gather [hbm4b:s5+s13], $0x80, s14, s13, $0xb8;
	[tilespmem:$0x1C480] =	vst v63  }
0xb1: {  	s1 =	smul.u32 $0x30, s1;
	s2 =	rddreg [dreg:$0x1]  }
0xb2: {  	[tilespmem:s20], [sflag:$0x7] =	stream.indirect.gather [hbm4b:s2+s13], $0x1, s14, s13, $0xb8;
	[tilespmem:$0x1C480] =	vst v63  }
0xb3: {  	s17 =	simm.s32 $0x0;
	s16 =	simm.s32 $0x13C00;
	s1 =	sadd.s32 s8, s1  }
0xb4: {  	[tilespmem:s16], [sflag:$0x1] =	stream.linear.gather [hbm4b:s1+s17], $0x180, $0x38;
	[tilespmem:$0x1C480] =	vst v63  }
0xb5: {  	_ =	swait.ge [sflag:s12], $0x80  }
0xb6: {  	[sflag:s12] =	ssyncset.done $0x0  }
0xb7: {  	[sflag:s12] =	ssyncadd.s32 $0xFFFFFF80  }
0xb8: {  	_ =	swait.ge [sflag:s4], $0x4000  }
0xb9: {  	[sflag:s4] =	ssyncset.done $0x0  }
0xba: {  	[sflag:s4] =	ssyncadd.s32 $0xFFFFC000  }
0xbb: {  	v0 =	vld [tilespmem:$0x13E80]  }
0xbc: {  	v1 =	vld [tilespmem:$0x1C280]  }
0xbd: {  	v2 =	vld [tilespmem:$0x13E00]  }
0xbe: {  	v3 =	vld [tilespmem:$0x13E90]  }
0xbf: {  	v4 =	vld [tilespmem:$0x1C290]  }
0xc0: {  	v5 =	vld [tilespmem:$0x13E10]  }
0xc1: {  	v6 =	vld [tilespmem:$0x13EA0]  }
0xc2: {  	v7 =	vld [tilespmem:$0x1C2A0]  }
0xc3: {  	v8 =	vld [tilespmem:$0x13E20]  }
0xc4: {  	v9 =	vld [tilespmem:$0x13EB0]  }
0xc5: {  	v10 =	vld [tilespmem:$0x1C2B0]  }
0xc6: {  	v11 =	vld [tilespmem:$0x13E30]  }
0xc7: {  	v12 =	vld [tilespmem:$0x1C2C0];
	v0 =	vmul.f32 v1, v0  }
0xc8: {  	v1 =	vld [tilespmem:$0x13EC0];
	[tilespmem:$0x1C400] =	vst v2  }
0xc9: {  	v2 =	vld [tilespmem:$0x13ED0];
	[tilespmem:$0x1C280] =	vst v0;
	v0 =	vmul.f32 v4, v3  }
0xca: {  	[tilespmem:$0x1C410] =	vst v5;
	v5 =	vld [tilespmem:$0x13E50]  }
0xcb: {  	v3 =	vld [tilespmem:$0x13E40];
	[tilespmem:$0x1C290] =	vst v0;
	v0 =	vmul.f32 v7, v6  }
0xcc: {  	v4 =	vld [tilespmem:$0x1C2D0]  }
0xcd: {  	v6 =	vld [tilespmem:$0x13EE0];
	[tilespmem:$0x1C2A0] =	vst v0;
	v0 =	vmul.f32 v10, v9  }
0xce: {  	[tilespmem:$0x1C420] =	vst v8;
	v7 =	vld [tilespmem:$0x1C2E0]  }
0xcf: {  	v8 =	vld [tilespmem:$0x1C2F0];
	[tilespmem:$0x1C2B0] =	vst v0;
	v0 =	vmul.f32 v12, v1  }
0xd0: {  	[tilespmem:$0x1C440] =	vst v3;
	v1 =	vld [tilespmem:$0x13EF0]  }
0xd1: {  	v3 =	vld [tilespmem:$0x13E70];
	[tilespmem:$0x1C2C0] =	vst v0;
	v0 =	vmul.f32 v4, v2  }
0xd2: {  	[tilespmem:$0x1C430] =	vst v11  }
0xd3: {  	v2 =	vld [tilespmem:$0x13E60];
	[tilespmem:$0x1C2D0] =	vst v0;
	v0 =	vmul.f32 v7, v6  }
0xd4: {  	[tilespmem:$0x1C450] =	vst v5  }
0xd5: {  	[tilespmem:$0x1C2E0] =	vst v0;
	v0 =	vmul.f32 v8, v1  }
0xd6: {  	[tilespmem:$0x1C470] =	vst v3  }
0xd7: {  	[tilespmem:$0x1C2F0] =	vst v0;
	v0 =	vmov s17  }
0xd8: {  	s2 =	simm.s32 $0x18240;
	[tilespmem:$0x1C460] =	vst v2  }
0xd9: {  	v4 =	vld [tilespmem:s2+$0x30]  }
0xda: {  	v7 =	vld [tilespmem:s2+$0x10]  }
0xdb: {  	v5 =	vld [tilespmem:s2+$0xFFFFFFC0]  }
0xdc: {  	v1 =	vld.idx.msk [tilespmem:v0+s24+$0x0], $0xffff  }
0xdd: {  	v9 =	vld [tilespmem:s2+$0xFFFFFFE0]  }
0xde: {  	v2 =	vld [tilespmem:s2+$0x20]  }
0xdf: {  	v3 =	vld [tilespmem:s2+$0xFFFFFFD0]  }
0xe0: {  	v0 =	vld [tilespmem:s2+$0xFFFFFFF0]  }
0xe1: {  	v8 =	vmul.f32 v4, v1;
	v4 =	vld [tilespmem:s2+$0x0]  }
0xe2: {  	v6 =	vmul.f32 v5, v1  }
0xe3: {  	s1 =	simm.s32 $0x1;
	s16 =	simm.s32 $0x18240;
	v5 =	vmul.f32 v9, v1;
	v7 =	vmul.f32 v7, v1  }
.LBB2_5:
0xe4: {  	p0 =	sne.s32 s1, $0x7F  }
0xe5: {  	v3 =	vmul.f32 v3, v1;
	v2 =	vmul.f32 v2, v1;
	[tilespmem:s2+$0x30] =	vst v8;
	s16 =	sadd.s32 $0x80, s16;
	s17 =	smov.u32 s1;
	s1 =	sadd.s32 $0x1, s1  }
0xe6: {  	[tilespmem:s2+$0xFFFFFFC0] =	vst v6;
	v6 =	vmul.f32 v0, v1;
	v1 =	vmul.f32 v4, v1  }
0xe7: {  	[tilespmem:s2+$0x10] =	vst v7  }
0xe8: {  	v4 =	vmov s17;
	[tilespmem:s2+$0xFFFFFFE0] =	vst v5  }
0xe9: {  	v0 =	vld [tilespmem:s16+$0xFFFFFFF0];
	[tilespmem:s2+$0xFFFFFFF0] =	vst v6  }
0xea: {  	v5 =	vld [tilespmem:s16+$0x30];
	[tilespmem:s2+$0x0] =	vst v1  }
0xeb: {  	v7 =	vld [tilespmem:s16+$0x10];
	[tilespmem:s2+$0x20] =	vst v2  }
0xec: {  	v6 =	vld [tilespmem:s16+$0xFFFFFFC0];
	[tilespmem:s2+$0xFFFFFFD0] =	vst v3;
	s2 =	smov.u32 s16  }
0xed: {  	v1 =	vld.idx.msk [tilespmem:v4+s24+$0x0], $0xffff  }
0xee: {  	v9 =	vld [tilespmem:s16+$0xFFFFFFE0]  }
0xef: {  	v2 =	vld [tilespmem:s16+$0x20]  }
.Ltmp1:
0xf0: {  	v3 =	vld [tilespmem:s16+$0xFFFFFFD0];
	(pc) =	sbr.rel @p0 .LBB2_5-.Ltmp1, $3  }
0xf1: {  	v4 =	vld [tilespmem:s16+$0x0];
	_ =	sdelay $0x1  }
0xf2: {  	v6 =	vmul.f32 v6, v1;
	v8 =	vmul.f32 v5, v1  }
0xf3: {  	v7 =	vmul.f32 v7, v1;
	v5 =	vmul.f32 v9, v1  }
0xf4: {  	[tilespmem:s2+$0x30] =	vst v8  }
0xf5: {  	[tilespmem:s2+$0xFFFFFFC0] =	vst v6  }
0xf6: {  	v0 =	vmul.f32 v0, v1;
	[tilespmem:s2+$0x10] =	vst v7  }
0xf7: {  	v2 =	vmul.f32 v2, v1;
	[tilespmem:s2+$0xFFFFFFE0] =	vst v5  }
0xf8: {  	v4 =	vmul.f32 v4, v1;
	[tilespmem:s2+$0xFFFFFFF0] =	vst v0  }
0xf9: {  	v0 =	vmul.f32 v3, v1;
	[tilespmem:s2+$0x20] =	vst v2  }
0xfa: {  	[tilespmem:s2+$0x0] =	vst v4  }
0xfb: {  	[tilespmem:s2+$0xFFFFFFD0] =	vst v0  }
0xfc: {  	[spmem:s3] =	stream.indirect.scatter.add.f32 [tilespmem:s23], [sflag:$0x9], $0x80, s28, s13, $0xb8;
	[tilespmem:$0x1C480] =	vst v63  }
0xfd: {  	_ =	swait.ge [sflag:s29], $0x4000  }
0xfe: {  	[sflag:s29] =	ssyncset.done $0x0  }
0xff: {  	[sflag:s29] =	ssyncadd.s32 $0xFFFFC000  }
0x100: {  	_ =	swait.ge [sflag:s30], $0x180  }
0x101: {  	[sflag:s30] =	ssyncset.done $0x0  }
0x102: {  	[sflag:s30] =	ssyncadd.s32 $0xFFFFFE80  }
0x103: {  	v0 =	vld [tilespmem:$0x14080]  }
0x104: {  	v1 =	vld [tilespmem:$0x14090]  }
0x105: {  	v2 =	vld [tilespmem:$0x140A0]  }
0x106: {  	v3 =	vld [tilespmem:$0x140B0]  }
0x107: {  	v4 =	vld [tilespmem:$0x140C0]  }
0x108: {  	[tilespmem:$0x1C380] =	vst v0;
	v0 =	vld [tilespmem:$0x140D0]  }
0x109: {  	[tilespmem:$0x1C390] =	vst v1;
	v1 =	vld [tilespmem:$0x140E0]  }
0x10a: {  	[tilespmem:$0x1C3A0] =	vst v2;
	v2 =	vld [tilespmem:$0x140F0]  }
0x10b: {  	[tilespmem:$0x1C3B0] =	vst v3  }
0x10c: {  	[tilespmem:$0x1C3C0] =	vst v4  }
0x10d: {  	[tilespmem:$0x1C3D0] =	vst v0  }
0x10e: {  	s1 =	rddreg [dreg:$0xb];
	[tilespmem:$0x1C3E0] =	vst v1  }
0x10f: {  	s1 =	sadd.s32 s1, s0;
	[tilespmem:$0x1C3F0] =	vst v2  }
0x110: {  	[tilespmem:s23], [sflag:$0x6] =	stream.indirect.gather [hbm4b:s5+s13], $0x80, s22, s13, $0xb8;
	[tilespmem:$0x1C480] =	vst v63  }
0x111: {  	s1 =	smul.u32 $0x30, s1;
	s16 =	rddreg [dreg:$0x1]  }
0x112: {  	[tilespmem:s24], [sflag:$0x8] =	stream.indirect.gather [hbm4b:s16+s13], $0x1, s22, s13, $0xb8;
	[tilespmem:$0x1C480] =	vst v63  }
0x113: {  	s17 =	simm.s32 $0x0;
	s1 =	sadd.s32 s8, s1;
	s16 =	simm.s32 $0x13D80  }
0x114: {  	[tilespmem:s16], [sflag:$0x2] =	stream.linear.gather [hbm4b:s1+s17], $0x180, $0x38;
	[tilespmem:$0x1C480] =	vst v63  }
0x115: {  	_ =	swait.ge [sflag:s25], $0x80  }
0x116: {  	[sflag:s25] =	ssyncset.done $0x0  }
0x117: {  	[sflag:s25] =	ssyncadd.s32 $0xFFFFFF80  }
0x118: {  	_ =	swait.ge [sflag:s26], $0x4000  }
0x119: {  	[sflag:s26] =	ssyncset.done $0x0  }
0x11a: {  	[sflag:s26] =	ssyncadd.s32 $0xFFFFC000  }
0x11b: {  	v0 =	vld [tilespmem:$0x14000]  }
0x11c: {  	v1 =	vld [tilespmem:$0x1C200]  }
0x11d: {  	v2 =	vld [tilespmem:$0x13F80]  }
0x11e: {  	v3 =	vld [tilespmem:$0x14010]  }
0x11f: {  	v4 =	vld [tilespmem:$0x1C210]  }
0x120: {  	v5 =	vld [tilespmem:$0x13F90]  }
0x121: {  	v6 =	vld [tilespmem:$0x14020]  }
0x122: {  	v7 =	vld [tilespmem:$0x1C220]  }
0x123: {  	v8 =	vld [tilespmem:$0x13FA0]  }
0x124: {  	v9 =	vld [tilespmem:$0x14030]  }
0x125: {  	v10 =	vld [tilespmem:$0x1C230]  }
0x126: {  	v11 =	vld [tilespmem:$0x13FB0]  }
0x127: {  	v12 =	vld [tilespmem:$0x1C240];
	v0 =	vmul.f32 v1, v0  }
0x128: {  	v1 =	vld [tilespmem:$0x14040];
	[tilespmem:$0x1C400] =	vst v2  }
0x129: {  	v2 =	vld [tilespmem:$0x14050];
	[tilespmem:$0x1C200] =	vst v0;
	v0 =	vmul.f32 v4, v3  }
0x12a: {  	[tilespmem:$0x1C410] =	vst v5;
	v5 =	vld [tilespmem:$0x13FD0]  }
0x12b: {  	v3 =	vld [tilespmem:$0x13FC0];
	[tilespmem:$0x1C210] =	vst v0;
	v0 =	vmul.f32 v7, v6  }
0x12c: {  	v4 =	vld [tilespmem:$0x1C250]  }
0x12d: {  	v6 =	vld [tilespmem:$0x14060];
	[tilespmem:$0x1C220] =	vst v0;
	v0 =	vmul.f32 v10, v9  }
0x12e: {  	[tilespmem:$0x1C420] =	vst v8;
	v7 =	vld [tilespmem:$0x1C260]  }
0x12f: {  	v8 =	vld [tilespmem:$0x1C270];
	[tilespmem:$0x1C230] =	vst v0;
	v0 =	vmul.f32 v12, v1  }
0x130: {  	[tilespmem:$0x1C440] =	vst v3;
	v1 =	vld [tilespmem:$0x14070]  }
0x131: {  	v3 =	vld [tilespmem:$0x13FF0];
	[tilespmem:$0x1C240] =	vst v0;
	v0 =	vmul.f32 v4, v2  }
0x132: {  	[tilespmem:$0x1C430] =	vst v11  }
0x133: {  	v2 =	vld [tilespmem:$0x13FE0];
	[tilespmem:$0x1C250] =	vst v0;
	v0 =	vmul.f32 v7, v6  }
0x134: {  	[tilespmem:$0x1C450] =	vst v5  }
0x135: {  	[tilespmem:$0x1C260] =	vst v0;
	v0 =	vmul.f32 v8, v1  }
0x136: {  	[tilespmem:$0x1C470] =	vst v3  }
0x137: {  	[tilespmem:$0x1C270] =	vst v0;
	v0 =	vmov s17  }
0x138: {  	s2 =	simm.s32 $0x14240;
	[tilespmem:$0x1C460] =	vst v2  }
0x139: {  	v4 =	vld [tilespmem:s2+$0x30]  }
0x13a: {  	v7 =	vld [tilespmem:s2+$0x10]  }
0x13b: {  	v5 =	vld [tilespmem:s2+$0xFFFFFFC0]  }
0x13c: {  	v1 =	vld.idx.msk [tilespmem:v0+s20+$0x0], $0xffff  }
0x13d: {  	v9 =	vld [tilespmem:s2+$0xFFFFFFE0]  }
0x13e: {  	v2 =	vld [tilespmem:s2+$0x20]  }
0x13f: {  	v3 =	vld [tilespmem:s2+$0xFFFFFFD0]  }
0x140: {  	v0 =	vld [tilespmem:s2+$0xFFFFFFF0]  }
0x141: {  	v8 =	vmul.f32 v4, v1;
	v4 =	vld [tilespmem:s2+$0x0]  }
0x142: {  	v6 =	vmul.f32 v5, v1  }
0x143: {  	s1 =	simm.s32 $0x1;
	s16 =	simm.s32 $0x14240;
	v5 =	vmul.f32 v9, v1;
	v7 =	vmul.f32 v7, v1  }
.LBB2_7:
0x144: {  	p0 =	sne.s32 s1, $0x7F  }
0x145: {  	v3 =	vmul.f32 v3, v1;
	v2 =	vmul.f32 v2, v1;
	[tilespmem:s2+$0x30] =	vst v8;
	s16 =	sadd.s32 $0x80, s16;
	s17 =	smov.u32 s1;
	s1 =	sadd.s32 $0x1, s1  }
0x146: {  	[tilespmem:s2+$0xFFFFFFC0] =	vst v6;
	v6 =	vmul.f32 v0, v1;
	v1 =	vmul.f32 v4, v1  }
0x147: {  	[tilespmem:s2+$0x10] =	vst v7  }
0x148: {  	v4 =	vmov s17;
	[tilespmem:s2+$0xFFFFFFE0] =	vst v5  }
0x149: {  	v0 =	vld [tilespmem:s16+$0xFFFFFFF0];
	[tilespmem:s2+$0xFFFFFFF0] =	vst v6  }
0x14a: {  	v5 =	vld [tilespmem:s16+$0x30];
	[tilespmem:s2+$0x0] =	vst v1  }
0x14b: {  	v7 =	vld [tilespmem:s16+$0x10];
	[tilespmem:s2+$0x20] =	vst v2  }
0x14c: {  	v6 =	vld [tilespmem:s16+$0xFFFFFFC0];
	[tilespmem:s2+$0xFFFFFFD0] =	vst v3;
	s2 =	smov.u32 s16  }
0x14d: {  	v1 =	vld.idx.msk [tilespmem:v4+s20+$0x0], $0xffff  }
0x14e: {  	v9 =	vld [tilespmem:s16+$0xFFFFFFE0]  }
0x14f: {  	v2 =	vld [tilespmem:s16+$0x20]  }
.Ltmp2:
0x150: {  	v3 =	vld [tilespmem:s16+$0xFFFFFFD0];
	(pc) =	sbr.rel @p0 .LBB2_7-.Ltmp2, $3  }
0x151: {  	v4 =	vld [tilespmem:s16+$0x0];
	_ =	sdelay $0x1  }
0x152: {  	v6 =	vmul.f32 v6, v1;
	v8 =	vmul.f32 v5, v1  }
0x153: {  	v7 =	vmul.f32 v7, v1;
	v5 =	vmul.f32 v9, v1  }
0x154: {  	[tilespmem:s2+$0x30] =	vst v8  }
0x155: {  	[tilespmem:s2+$0xFFFFFFC0] =	vst v6  }
0x156: {  	v0 =	vmul.f32 v0, v1;
	[tilespmem:s2+$0x10] =	vst v7  }
0x157: {  	v2 =	vmul.f32 v2, v1;
	[tilespmem:s2+$0xFFFFFFE0] =	vst v5  }
0x158: {  	v4 =	vmul.f32 v4, v1;
	[tilespmem:s2+$0xFFFFFFF0] =	vst v0  }
0x159: {  	v0 =	vmul.f32 v3, v1;
	[tilespmem:s2+$0x20] =	vst v2  }
0x15a: {  	[tilespmem:s2+$0x0] =	vst v4  }
0x15b: {  	[tilespmem:s2+$0xFFFFFFD0] =	vst v0  }
0x15c: {  	[spmem:s3] =	stream.indirect.scatter.add.f32 [tilespmem:s15], [sflag:$0x9], $0x80, s28, s13, $0xb8;
	[tilespmem:$0x1C480] =	vst v63  }
0x15d: {  	_ =	swait.ge [sflag:s29], $0x4000  }
0x15e: {  	[sflag:s29] =	ssyncset.done $0x0  }
0x15f: {  	[sflag:s29] =	ssyncadd.s32 $0xFFFFC000  }
0x160: {  	_ =	swait.ge [sflag:s10], $0x180  }
0x161: {  	[sflag:s10] =	ssyncset.done $0x0  }
0x162: {  	[sflag:s10] =	ssyncadd.s32 $0xFFFFFE80  }
0x163: {  	v0 =	vld [tilespmem:$0x13C00]  }
0x164: {  	v1 =	vld [tilespmem:$0x13C10]  }
0x165: {  	v2 =	vld [tilespmem:$0x13C20]  }
0x166: {  	v3 =	vld [tilespmem:$0x13C30]  }
0x167: {  	v4 =	vld [tilespmem:$0x13C40]  }
0x168: {  	[tilespmem:$0x1C300] =	vst v0;
	v0 =	vld [tilespmem:$0x13C50]  }
0x169: {  	[tilespmem:$0x1C310] =	vst v1;
	v1 =	vld [tilespmem:$0x13C60]  }
0x16a: {  	[tilespmem:$0x1C320] =	vst v2;
	v2 =	vld [tilespmem:$0x13C70]  }
0x16b: {  	[tilespmem:$0x1C330] =	vst v3  }
0x16c: {  	[tilespmem:$0x1C340] =	vst v4  }
0x16d: {  	[tilespmem:$0x1C350] =	vst v0  }
0x16e: {  	[tilespmem:$0x1C360] =	vst v1  }
0x16f: {  	s1 =	sadd.s32 s18, s0;
	[tilespmem:$0x1C370] =	vst v2  }
0x170: {  	[tilespmem:s15], [sflag:$0x5] =	stream.indirect.gather [hbm4b:s5+s13], $0x80, s14, s13, $0xb8;
	[tilespmem:$0x1C480] =	vst v63  }
0x171: {  	s1 =	smul.u32 $0x30, s1;
	s16 =	rddreg [dreg:$0x1]  }
0x172: {  	[tilespmem:s20], [sflag:$0x7] =	stream.indirect.gather [hbm4b:s16+s13], $0x1, s14, s13, $0xb8;
	[tilespmem:$0x1C480] =	vst v63  }
0x173: {  	s17 =	simm.s32 $0x0;
	s1 =	sadd.s32 s8, s1;
	s16 =	simm.s32 $0x13F00  }
0x174: {  	[tilespmem:s16], [sflag:$0x3] =	stream.linear.gather [hbm4b:s1+s17], $0x180, $0x38;
	[tilespmem:$0x1C480] =	vst v63  }
0x175: {  	_ =	swait.ge [sflag:s12], $0x80  }
0x176: {  	[sflag:s12] =	ssyncset.done $0x0  }
0x177: {  	[sflag:s12] =	ssyncadd.s32 $0xFFFFFF80  }
0x178: {  	_ =	swait.ge [sflag:s4], $0x4000  }
0x179: {  	[sflag:s4] =	ssyncset.done $0x0  }
0x17a: {  	[sflag:s4] =	ssyncadd.s32 $0xFFFFC000  }
0x17b: {  	v0 =	vld [tilespmem:$0x14180]  }
0x17c: {  	v1 =	vld [tilespmem:$0x1C280]  }
0x17d: {  	v2 =	vld [tilespmem:$0x14100]  }
0x17e: {  	v3 =	vld [tilespmem:$0x14190]  }
0x17f: {  	v4 =	vld [tilespmem:$0x1C290]  }
0x180: {  	v5 =	vld [tilespmem:$0x14110]  }
0x181: {  	v6 =	vld [tilespmem:$0x141A0]  }
0x182: {  	v7 =	vld [tilespmem:$0x1C2A0]  }
0x183: {  	v8 =	vld [tilespmem:$0x14120]  }
0x184: {  	v9 =	vld [tilespmem:$0x141B0]  }
0x185: {  	v10 =	vld [tilespmem:$0x1C2B0]  }
0x186: {  	v11 =	vld [tilespmem:$0x14130]  }
0x187: {  	v12 =	vld [tilespmem:$0x1C2C0];
	v0 =	vmul.f32 v1, v0  }
0x188: {  	v1 =	vld [tilespmem:$0x141C0];
	[tilespmem:$0x1C400] =	vst v2  }
0x189: {  	v2 =	vld [tilespmem:$0x141D0];
	[tilespmem:$0x1C280] =	vst v0;
	v0 =	vmul.f32 v4, v3  }
0x18a: {  	[tilespmem:$0x1C410] =	vst v5;
	v5 =	vld [tilespmem:$0x14150]  }
0x18b: {  	v3 =	vld [tilespmem:$0x14140];
	[tilespmem:$0x1C290] =	vst v0;
	v0 =	vmul.f32 v7, v6  }
0x18c: {  	v4 =	vld [tilespmem:$0x1C2D0]  }
0x18d: {  	v6 =	vld [tilespmem:$0x141E0];
	[tilespmem:$0x1C2A0] =	vst v0;
	v0 =	vmul.f32 v10, v9  }
0x18e: {  	[tilespmem:$0x1C420] =	vst v8;
	v7 =	vld [tilespmem:$0x1C2E0]  }
0x18f: {  	v8 =	vld [tilespmem:$0x1C2F0];
	[tilespmem:$0x1C2B0] =	vst v0;
	v0 =	vmul.f32 v12, v1  }
0x190: {  	[tilespmem:$0x1C440] =	vst v3;
	v1 =	vld [tilespmem:$0x141F0]  }
0x191: {  	v3 =	vld [tilespmem:$0x14170];
	[tilespmem:$0x1C2C0] =	vst v0;
	v0 =	vmul.f32 v4, v2  }
0x192: {  	[tilespmem:$0x1C430] =	vst v11  }
0x193: {  	v2 =	vld [tilespmem:$0x14160];
	[tilespmem:$0x1C2D0] =	vst v0;
	v0 =	vmul.f32 v7, v6  }
0x194: {  	[tilespmem:$0x1C450] =	vst v5  }
0x195: {  	[tilespmem:$0x1C2E0] =	vst v0;
	v0 =	vmul.f32 v8, v1  }
0x196: {  	[tilespmem:$0x1C470] =	vst v3  }
0x197: {  	[tilespmem:$0x1C2F0] =	vst v0;
	v0 =	vmov s17  }
0x198: {  	s2 =	simm.s32 $0x18240;
	[tilespmem:$0x1C460] =	vst v2  }
0x199: {  	v4 =	vld [tilespmem:s2+$0x30]  }
0x19a: {  	v7 =	vld [tilespmem:s2+$0x10]  }
0x19b: {  	v5 =	vld [tilespmem:s2+$0xFFFFFFC0]  }
0x19c: {  	v1 =	vld.idx.msk [tilespmem:v0+s24+$0x0], $0xffff  }
0x19d: {  	v9 =	vld [tilespmem:s2+$0xFFFFFFE0]  }
0x19e: {  	v2 =	vld [tilespmem:s2+$0x20]  }
0x19f: {  	v3 =	vld [tilespmem:s2+$0xFFFFFFD0]  }
0x1a0: {  	v0 =	vld [tilespmem:s2+$0xFFFFFFF0]  }
0x1a1: {  	v8 =	vmul.f32 v4, v1;
	v4 =	vld [tilespmem:s2+$0x0]  }
0x1a2: {  	v6 =	vmul.f32 v5, v1  }
0x1a3: {  	s1 =	simm.s32 $0x1;
	s16 =	simm.s32 $0x18240;
	v5 =	vmul.f32 v9, v1;
	v7 =	vmul.f32 v7, v1  }
.LBB2_9:
0x1a4: {  	p0 =	sne.s32 s1, $0x7F  }
0x1a5: {  	v3 =	vmul.f32 v3, v1;
	v2 =	vmul.f32 v2, v1;
	[tilespmem:s2+$0x30] =	vst v8;
	s16 =	sadd.s32 $0x80, s16;
	s17 =	smov.u32 s1;
	s1 =	sadd.s32 $0x1, s1  }
0x1a6: {  	[tilespmem:s2+$0xFFFFFFC0] =	vst v6;
	v6 =	vmul.f32 v0, v1;
	v1 =	vmul.f32 v4, v1  }
0x1a7: {  	[tilespmem:s2+$0x10] =	vst v7  }
0x1a8: {  	v4 =	vmov s17;
	[tilespmem:s2+$0xFFFFFFE0] =	vst v5  }
0x1a9: {  	v0 =	vld [tilespmem:s16+$0xFFFFFFF0];
	[tilespmem:s2+$0xFFFFFFF0] =	vst v6  }
0x1aa: {  	v5 =	vld [tilespmem:s16+$0x30];
	[tilespmem:s2+$0x0] =	vst v1  }
0x1ab: {  	v7 =	vld [tilespmem:s16+$0x10];
	[tilespmem:s2+$0x20] =	vst v2  }
0x1ac: {  	v6 =	vld [tilespmem:s16+$0xFFFFFFC0];
	[tilespmem:s2+$0xFFFFFFD0] =	vst v3;
	s2 =	smov.u32 s16  }
0x1ad: {  	v1 =	vld.idx.msk [tilespmem:v4+s24+$0x0], $0xffff  }
0x1ae: {  	v9 =	vld [tilespmem:s16+$0xFFFFFFE0]  }
0x1af: {  	v2 =	vld [tilespmem:s16+$0x20]  }
.Ltmp3:
0x1b0: {  	v3 =	vld [tilespmem:s16+$0xFFFFFFD0];
	(pc) =	sbr.rel @p0 .LBB2_9-.Ltmp3, $3  }
0x1b1: {  	v4 =	vld [tilespmem:s16+$0x0];
	_ =	sdelay $0x1  }
0x1b2: {  	v6 =	vmul.f32 v6, v1;
	v8 =	vmul.f32 v5, v1  }
0x1b3: {  	v7 =	vmul.f32 v7, v1;
	v5 =	vmul.f32 v9, v1  }
0x1b4: {  	[tilespmem:s2+$0x30] =	vst v8  }
0x1b5: {  	[tilespmem:s2+$0xFFFFFFC0] =	vst v6  }
0x1b6: {  	v0 =	vmul.f32 v0, v1;
	[tilespmem:s2+$0x10] =	vst v7  }
0x1b7: {  	v2 =	vmul.f32 v2, v1;
	[tilespmem:s2+$0xFFFFFFE0] =	vst v5  }
0x1b8: {  	v55 =	vmul.f32 v3, v1;
	[tilespmem:s2+$0xFFFFFFF0] =	vst v0  }
0x1b9: {  	v4 =	vmul.f32 v4, v1;
	[tilespmem:s2+$0x20] =	vst v2  }
0x1ba: {  	[tilespmem:s2+$0xFFFFFFD0] =	vst v55  }
0x1bb: {  	[tilespmem:s2+$0x0] =	vst v4  }
0x1bc: {  	[spmem:s3] =	stream.indirect.scatter.add.f32 [tilespmem:s23], [sflag:$0x9], $0x80, s28, s13, $0xb8;
	[tilespmem:$0x1C480] =	vst v63  }
0x1bd: {  	_ =	swait.ge [sflag:s29], $0x4000  }
0x1be: {  	[sflag:s29] =	ssyncset.done $0x0  }
0x1bf: {  	[sflag:s29] =	ssyncadd.s32 $0xFFFFC000  }
0x1c0: {  	_ =	swait.ge [sflag:s21], $0x180  }
0x1c1: {  	[sflag:s21] =	ssyncset.done $0x0  }
0x1c2: {  	[sflag:s21] =	ssyncadd.s32 $0xFFFFFE80  }
0x1c3: {  	v56 =	vld [tilespmem:$0x13D80]  }
0x1c4: {  	v57 =	vld [tilespmem:$0x13D90]  }
0x1c5: {  	v58 =	vld [tilespmem:$0x13DA0]  }
0x1c6: {  	v59 =	vld [tilespmem:$0x13DB0]  }
0x1c7: {  	v60 =	vld [tilespmem:$0x13DC0]  }
0x1c8: {  	v61 =	vld [tilespmem:$0x13DD0];
	[tilespmem:$0x1C380] =	vst v56  }
0x1c9: {  	v62 =	vld [tilespmem:$0x13DE0];
	[tilespmem:$0x1C390] =	vst v57  }
0x1ca: {  	v63 =	vld [tilespmem:$0x13DF0];
	[tilespmem:$0x1C3A0] =	vst v58  }
0x1cb: {  	[tilespmem:$0x1C3B0] =	vst v59  }
0x1cc: {  	[tilespmem:$0x1C3C0] =	vst v60  }
0x1cd: {  	[tilespmem:$0x1C3D0] =	vst v61  }
0x1ce: {  	s31 =	sadd.s32 $0x1, s31;
	[tilespmem:$0x1C3E0] =	vst v62  }
0x1cf: {  	p0 =	sne.s32 s31, $0x14;
	[tilespmem:$0x1C3F0] =	vst v63  }
0x1d0: {  	[tilespmem:s23], [sflag:$0x6] =	stream.indirect.gather [hbm4b:s5+s13], $0x80, s22, s13, $0xb8;
	[tilespmem:$0x1C480] =	vst v63  }
.Ltmp4:
0x1d1: {  	s0 =	sadd.s32 s19, s0;
	(pc) =	sbr.rel @p0 .LBB2_2-.Ltmp4, $4  }
0x1d2: {  	s0 =	smul.u32 $0x30, s0;
	s1 =	rddreg [dreg:$0x1]  }
0x1d3: {  	[tilespmem:s24], [sflag:$0x8] =	stream.indirect.gather [hbm4b:s1+s13], $0x1, s22, s13, $0xb8;
	[tilespmem:$0x1C480] =	vst v63  }
0x1d4: {  	s16 =	simm.s32 $0x0;
	s17 =	simm.s32 $0x14080;
	s0 =	sadd.s32 s8, s0  }
0x1d5: {  	[tilespmem:s17], [sflag:$0x4] =	stream.linear.gather [hbm4b:s0+s16], $0x180, $0x38;
	[tilespmem:$0x1C480] =	vst v63  }
0x1d6: {  	_ =	swait.ge [sflag:s11], $0x180  }
0x1d7: {  	[sflag:s11] =	ssyncset.done $0x0  }
0x1d8: {  	[sflag:s11] =	ssyncadd.s32 $0xFFFFFE80  }
0x1d9: {  	_ =	swait.ge [sflag:s26], $0x4000  }
0x1da: {  	[sflag:s26] =	ssyncset.done $0x0  }
0x1db: {  	[sflag:s26] =	ssyncadd.s32 $0xFFFFC000  }
0x1dc: {  	_ =	swait.ge [sflag:s25], $0x80  }
0x1dd: {  	[sflag:s25] =	ssyncset.done $0x0  }
0x1de: {  	[sflag:s25] =	ssyncadd.s32 $0xFFFFFF80  }
0x1df: {  	_ =	swait.ge [sflag:s30], $0x180  }
0x1e0: {  	[sflag:s30] =	ssyncset.done $0x0  }
0x1e1: {  	[sflag:s30] =	ssyncadd.s32 $0xFFFFFE80  }
0x1e2: {  	_ =	swait.ge [sflag:s4], $0x4000  }
0x1e3: {  	[sflag:s4] =	ssyncset.done $0x0  }
0x1e4: {  	[sflag:s4] =	ssyncadd.s32 $0xFFFFC000  }
0x1e5: {  	_ =	swait.ge [sflag:s12], $0x80  }
0x1e6: {  	[sflag:s12] =	ssyncset.done $0x0  }
0x1e7: {  	[sflag:s12] =	ssyncadd.s32 $0xFFFFFF80  }
0x1e8: {  	[bflag:$0x0] =	sbarrier.arrive $0xFFFF  }
0x1e9: {  	s1 =	rddreg [dreg:$0x6]  }
0x1ea: {  	s0 =	rddreg [dreg:$0x11]  }
0x1eb: {  	s2 =	rddreg [dreg:$0x15]  }
0x1ec: {  	[hbm:s0], [sflag:s1] =	dma.local [spmem:s2], $0x2780  }
0x1ed: {  	_ =	swait.ge [sflag:s29], $0x2780  }
0x1ee: {  	[sflag:s29] =	ssyncset.done $0x0  }
0x1ef: {  	[sflag:s29] =	ssyncadd.s32 $0xFFFFD880  }
0x1f0: {  	[bflag:$0x0] =	sbarrier.arrive $0xFFFF  }
0x1f1: {  	s31 =	rddreg [dreg:$0x5]  }
0x1f2: {  	[spmem:s2], [sflag:s1] =	dma.local [hbm:s31], $0x2780  }
0x1f3: {  	_ =	swait.ge [sflag:s29], $0x2780  }
0x1f4: {  	s16 =	simm.s32 $0x13C00;
	[sflag:s29] =	ssyncset.done $0x0  }
0x1f5: {  	s2 =	simm.s32 $0x0;
	s1 =	rddreg [dreg:$0xc];
	[sflag:s29] =	ssyncadd.s32 $0xFFFFD880  }
0x1f6: {  	[tilespmem:s16], [sflag:$0x1] =	stream.linear.gather [hbm4b:s1+s2], $0x180, $0x38;
	[tilespmem:$0x1C480] =	vst v63  }
0x1f7: {  	s31 =	simm.s32 $0x13D80;
	s17 =	rddreg [dreg:$0xd]  }
0x1f8: {  	[tilespmem:s31], [sflag:$0x2] =	stream.linear.gather [hbm4b:s17+s2], $0x180, $0x38;
	[tilespmem:$0x1C480] =	vst v63  }
0x1f9: {  	s1 =	rddreg [dreg:$0xe];
	s16 =	simm.s32 $0x13F00  }
0x1fa: {  	[tilespmem:s16], [sflag:$0x3] =	stream.linear.gather [hbm4b:s1+s2], $0x180, $0x38;
	[tilespmem:$0x1C480] =	vst v63  }
0x1fb: {  	s17 =	rddreg [dreg:$0x10];
	s31 =	simm.s32 $0x14080  }
0x1fc: {  	[tilespmem:s31], [sflag:$0x4] =	stream.linear.gather [hbm4b:s17+s2], $0x180, $0x38;
	[tilespmem:$0x1C480] =	vst v63  }
0x1fd: {  	_ =	swait.ge [sflag:s10], $0x180  }
0x1fe: {  	[sflag:s10] =	ssyncset.done $0x0  }
0x1ff: {  	[sflag:s10] =	ssyncadd.s32 $0xFFFFFE80  }
0x200: {  	v0 =	vld [tilespmem:$0x13C00]  }
0x201: {  	v1 =	vld [tilespmem:$0x13C10]  }
0x202: {  	v2 =	vld [tilespmem:$0x13C20]  }
0x203: {  	v3 =	vld [tilespmem:$0x13C30]  }
0x204: {  	v4 =	vld [tilespmem:$0x13C40]  }
0x205: {  	v53 =	vld [tilespmem:$0x13C50];
	[tilespmem:$0x1C300] =	vst v0  }
0x206: {  	v54 =	vld [tilespmem:$0x13C60];
	[tilespmem:$0x1C310] =	vst v1  }
0x207: {  	v55 =	vld [tilespmem:$0x13C70];
	[tilespmem:$0x1C320] =	vst v2  }
0x208: {  	[tilespmem:$0x1C330] =	vst v3  }
0x209: {  	[tilespmem:$0x1C340] =	vst v4  }
0x20a: {  	[tilespmem:$0x1C350] =	vst v53  }
0x20b: {  	[tilespmem:$0x1C360] =	vst v54  }
0x20c: {  	[tilespmem:$0x1C370] =	vst v55  }
0x20d: {  	[tilespmem:s15], [sflag:$0x5] =	stream.indirect.gather [hbm4b:s6+s13], $0x80, s14, s13, $0xb8;
	[tilespmem:$0x1C480] =	vst v63  }
0x20e: {  	_ = 	snop  }
0x20f: {  	[tilespmem:s20], [sflag:$0x7] =	stream.indirect.gather [hbm4b:s7+s13], $0x1, s14, s13, $0xb8;
	[tilespmem:$0x1C480] =	vst v63  }
0x210: {  	_ =	swait.ge [sflag:s21], $0x180  }
0x211: {  	[sflag:s21] =	ssyncset.done $0x0  }
0x212: {  	[sflag:s21] =	ssyncadd.s32 $0xFFFFFE80  }
0x213: {  	v56 =	vld [tilespmem:$0x13D80]  }
0x214: {  	v57 =	vld [tilespmem:$0x13D90]  }
0x215: {  	v58 =	vld [tilespmem:$0x13DA0]  }
0x216: {  	v59 =	vld [tilespmem:$0x13DB0]  }
0x217: {  	v60 =	vld [tilespmem:$0x13DC0]  }
0x218: {  	v61 =	vld [tilespmem:$0x13DD0];
	[tilespmem:$0x1C380] =	vst v56  }
0x219: {  	v62 =	vld [tilespmem:$0x13DE0];
	[tilespmem:$0x1C390] =	vst v57  }
0x21a: {  	v63 =	vld [tilespmem:$0x13DF0];
	[tilespmem:$0x1C3A0] =	vst v58  }
0x21b: {  	[tilespmem:$0x1C3B0] =	vst v59  }
0x21c: {  	[tilespmem:$0x1C3C0] =	vst v60  }
0x21d: {  	[tilespmem:$0x1C3D0] =	vst v61  }
0x21e: {  	[tilespmem:$0x1C3E0] =	vst v62  }
0x21f: {  	[tilespmem:$0x1C3F0] =	vst v63  }
0x220: {  	[tilespmem:s23], [sflag:$0x6] =	stream.indirect.gather [hbm4b:s6+s13], $0x80, s22, s13, $0xb8;
	[tilespmem:$0x1C480] =	vst v63  }
0x221: {  	_ = 	snop  }
0x222: {  	[tilespmem:s24], [sflag:$0x8] =	stream.indirect.gather [hbm4b:s7+s13], $0x1, s22, s13, $0xb8;
	[tilespmem:$0x1C480] =	vst v63  }
0x223: {  	s0 =	simm.s32 $0x0;
	[bflag:$0x0] =	sbarrier.arrive $0xFFFF  }
.LBB2_12:
0x224: {  	_ =	swait.ge [sflag:s25], $0x80  }
0x225: {  	[sflag:s25] =	ssyncset.done $0x0  }
0x226: {  	[sflag:s25] =	ssyncadd.s32 $0xFFFFFF80  }
0x227: {  	_ =	swait.ge [sflag:s26], $0x4000  }
0x228: {  	[sflag:s26] =	ssyncset.done $0x0  }
0x229: {  	[sflag:s26] =	ssyncadd.s32 $0xFFFFC000  }
0x22a: {  	v0 =	vld [tilespmem:$0x13D00]  }
0x22b: {  	v1 =	vld [tilespmem:$0x1C200]  }
0x22c: {  	v2 =	vld [tilespmem:$0x13C80]  }
0x22d: {  	v3 =	vld [tilespmem:$0x13D10]  }
0x22e: {  	v4 =	vld [tilespmem:$0x1C210]  }
0x22f: {  	v5 =	vld [tilespmem:$0x13C90]  }
0x230: {  	v6 =	vld [tilespmem:$0x13D20]  }
0x231: {  	v7 =	vld [tilespmem:$0x1C220]  }
0x232: {  	v8 =	vld [tilespmem:$0x13CA0]  }
0x233: {  	v9 =	vld [tilespmem:$0x13D30]  }
0x234: {  	v10 =	vld [tilespmem:$0x1C230]  }
0x235: {  	v11 =	vld [tilespmem:$0x13CB0]  }
0x236: {  	v12 =	vld [tilespmem:$0x1C240];
	v0 =	vmul.f32 v1, v0  }
0x237: {  	v1 =	vld [tilespmem:$0x13D40];
	[tilespmem:$0x1C400] =	vst v2  }
0x238: {  	v2 =	vld [tilespmem:$0x13D50];
	[tilespmem:$0x1C200] =	vst v0;
	v0 =	vmul.f32 v4, v3  }
0x239: {  	[tilespmem:$0x1C410] =	vst v5;
	v5 =	vld [tilespmem:$0x13CD0]  }
0x23a: {  	v3 =	vld [tilespmem:$0x13CC0];
	[tilespmem:$0x1C210] =	vst v0;
	v0 =	vmul.f32 v7, v6  }
0x23b: {  	v4 =	vld [tilespmem:$0x1C250]  }
0x23c: {  	v6 =	vld [tilespmem:$0x13D60];
	[tilespmem:$0x1C220] =	vst v0;
	v0 =	vmul.f32 v10, v9  }
0x23d: {  	[tilespmem:$0x1C420] =	vst v8;
	v7 =	vld [tilespmem:$0x1C260]  }
0x23e: {  	v8 =	vld [tilespmem:$0x1C270];
	[tilespmem:$0x1C230] =	vst v0;
	v0 =	vmul.f32 v12, v1  }
0x23f: {  	[tilespmem:$0x1C440] =	vst v3;
	v1 =	vld [tilespmem:$0x13D70]  }
0x240: {  	v3 =	vld [tilespmem:$0x13CF0];
	[tilespmem:$0x1C240] =	vst v0;
	v0 =	vmul.f32 v4, v2  }
0x241: {  	[tilespmem:$0x1C430] =	vst v11  }
0x242: {  	v2 =	vld [tilespmem:$0x13CE0];
	[tilespmem:$0x1C250] =	vst v0;
	v0 =	vmul.f32 v7, v6  }
0x243: {  	[tilespmem:$0x1C450] =	vst v5  }
0x244: {  	[tilespmem:$0x1C260] =	vst v0;
	v0 =	vmul.f32 v8, v1  }
0x245: {  	s1 =	simm.s32 $0x0;
	[tilespmem:$0x1C470] =	vst v3  }
0x246: {  	[tilespmem:$0x1C270] =	vst v0;
	v0 =	vmov s1  }
0x247: {  	s2 =	simm.s32 $0x14240;
	[tilespmem:$0x1C460] =	vst v2  }
0x248: {  	v4 =	vld [tilespmem:s2+$0x30]  }
0x249: {  	v7 =	vld [tilespmem:s2+$0x10]  }
0x24a: {  	v5 =	vld [tilespmem:s2+$0xFFFFFFC0]  }
0x24b: {  	v1 =	vld.idx.msk [tilespmem:v0+s20+$0x0], $0xffff  }
0x24c: {  	v9 =	vld [tilespmem:s2+$0xFFFFFFE0]  }
0x24d: {  	v2 =	vld [tilespmem:s2+$0x20]  }
0x24e: {  	v3 =	vld [tilespmem:s2+$0xFFFFFFD0]  }
0x24f: {  	v0 =	vld [tilespmem:s2+$0xFFFFFFF0]  }
0x250: {  	v8 =	vmul.f32 v4, v1;
	v4 =	vld [tilespmem:s2+$0x0]  }
0x251: {  	v6 =	vmul.f32 v5, v1  }
0x252: {  	s16 =	simm.s32 $0x14240;
	s1 =	simm.s32 $0x1;
	v5 =	vmul.f32 v9, v1;
	v7 =	vmul.f32 v7, v1  }
.LBB2_13:
0x253: {  	p0 =	sne.s32 s1, $0x7F  }
0x254: {  	v3 =	vmul.f32 v3, v1;
	v2 =	vmul.f32 v2, v1;
	[tilespmem:s2+$0x30] =	vst v8;
	s16 =	sadd.s32 $0x80, s16;
	s17 =	smov.u32 s1;
	s1 =	sadd.s32 $0x1, s1  }
0x255: {  	[tilespmem:s2+$0xFFFFFFC0] =	vst v6;
	v6 =	vmul.f32 v0, v1;
	v1 =	vmul.f32 v4, v1  }
0x256: {  	[tilespmem:s2+$0x10] =	vst v7  }
0x257: {  	v4 =	vmov s17;
	[tilespmem:s2+$0xFFFFFFE0] =	vst v5  }
0x258: {  	v0 =	vld [tilespmem:s16+$0xFFFFFFF0];
	[tilespmem:s2+$0xFFFFFFF0] =	vst v6  }
0x259: {  	v5 =	vld [tilespmem:s16+$0x30];
	[tilespmem:s2+$0x0] =	vst v1  }
0x25a: {  	v7 =	vld [tilespmem:s16+$0x10];
	[tilespmem:s2+$0x20] =	vst v2  }
0x25b: {  	v6 =	vld [tilespmem:s16+$0xFFFFFFC0];
	[tilespmem:s2+$0xFFFFFFD0] =	vst v3;
	s2 =	smov.u32 s16  }
0x25c: {  	v1 =	vld.idx.msk [tilespmem:v4+s20+$0x0], $0xffff  }
0x25d: {  	v9 =	vld [tilespmem:s16+$0xFFFFFFE0]  }
0x25e: {  	v2 =	vld [tilespmem:s16+$0x20]  }
.Ltmp5:
0x25f: {  	v3 =	vld [tilespmem:s16+$0xFFFFFFD0];
	(pc) =	sbr.rel @p0 .LBB2_13-.Ltmp5, $3  }
0x260: {  	v4 =	vld [tilespmem:s16+$0x0];
	_ =	sdelay $0x1  }
0x261: {  	v6 =	vmul.f32 v6, v1;
	v8 =	vmul.f32 v5, v1  }
0x262: {  	v7 =	vmul.f32 v7, v1;
	v5 =	vmul.f32 v9, v1  }
0x263: {  	[tilespmem:s2+$0x30] =	vst v8  }
0x264: {  	[tilespmem:s2+$0xFFFFFFC0] =	vst v6  }
0x265: {  	v0 =	vmul.f32 v0, v1;
	[tilespmem:s2+$0x10] =	vst v7  }
0x266: {  	v2 =	vmul.f32 v2, v1;
	[tilespmem:s2+$0xFFFFFFE0] =	vst v5  }
0x267: {  	v4 =	vmul.f32 v4, v1;
	[tilespmem:s2+$0xFFFFFFF0] =	vst v0  }
0x268: {  	v0 =	vmul.f32 v3, v1;
	[tilespmem:s2+$0x20] =	vst v2  }
0x269: {  	[tilespmem:s2+$0x0] =	vst v4  }
0x26a: {  	[tilespmem:s2+$0xFFFFFFD0] =	vst v0  }
0x26b: {  	[spmem:s3] =	stream.indirect.scatter.add.f32 [tilespmem:s15], [sflag:$0x9], $0x80, s28, s13, $0xb8;
	[tilespmem:$0x1C480] =	vst v63  }
0x26c: {  	_ =	swait.ge [sflag:s29], $0x4000  }
0x26d: {  	[sflag:s29] =	ssyncset.done $0x0  }
0x26e: {  	[sflag:s29] =	ssyncadd.s32 $0xFFFFC000  }
0x26f: {  	_ =	swait.ge [sflag:s11], $0x180  }
0x270: {  	[sflag:s11] =	ssyncset.done $0x0  }
0x271: {  	[sflag:s11] =	ssyncadd.s32 $0xFFFFFE80  }
0x272: {  	v0 =	vld [tilespmem:$0x13F00]  }
0x273: {  	v1 =	vld [tilespmem:$0x13F10]  }
0x274: {  	v2 =	vld [tilespmem:$0x13F20]  }
0x275: {  	v3 =	vld [tilespmem:$0x13F30]  }
0x276: {  	v4 =	vld [tilespmem:$0x13F40]  }
0x277: {  	[tilespmem:$0x1C300] =	vst v0;
	v0 =	vld [tilespmem:$0x13F50]  }
0x278: {  	[tilespmem:$0x1C310] =	vst v1;
	v1 =	vld [tilespmem:$0x13F60]  }
0x279: {  	[tilespmem:$0x1C320] =	vst v2;
	v2 =	vld [tilespmem:$0x13F70]  }
0x27a: {  	[tilespmem:$0x1C330] =	vst v3  }
0x27b: {  	[tilespmem:$0x1C340] =	vst v4  }
0x27c: {  	[tilespmem:$0x1C350] =	vst v0  }
0x27d: {  	s2 =	sshll.u32 s0, $0x7;
	s1 =	rddreg [dreg:$0xa];
	[tilespmem:$0x1C360] =	vst v1  }
0x27e: {  	s1 =	sadd.s32 s1, s2;
	[tilespmem:$0x1C370] =	vst v2  }
0x27f: {  	[tilespmem:s15], [sflag:$0x5] =	stream.indirect.gather [hbm4b:s6+s13], $0x80, s14, s13, $0xb8;
	[tilespmem:$0x1C480] =	vst v63  }
0x280: {  	s1 =	smul.u32 $0x30, s1  }
0x281: {  	[tilespmem:s20], [sflag:$0x7] =	stream.indirect.gather [hbm4b:s7+s13], $0x1, s14, s13, $0xb8;
	[tilespmem:$0x1C480] =	vst v63  }
0x282: {  	s16 =	simm.s32 $0x0;
	s17 =	simm.s32 $0x13C00;
	s1 =	sadd.s32 s9, s1  }
0x283: {  	[tilespmem:s17], [sflag:$0x1] =	stream.linear.gather [hbm4b:s1+s16], $0x180, $0x38;
	[tilespmem:$0x1C480] =	vst v63  }
0x284: {  	_ =	swait.ge [sflag:s12], $0x80  }
0x285: {  	[sflag:s12] =	ssyncset.done $0x0  }
0x286: {  	[sflag:s12] =	ssyncadd.s32 $0xFFFFFF80  }
0x287: {  	_ =	swait.ge [sflag:s4], $0x4000  }
0x288: {  	[sflag:s4] =	ssyncset.done $0x0  }
0x289: {  	[sflag:s4] =	ssyncadd.s32 $0xFFFFC000  }
0x28a: {  	v0 =	vld [tilespmem:$0x13E80]  }
0x28b: {  	v1 =	vld [tilespmem:$0x1C280]  }
0x28c: {  	v2 =	vld [tilespmem:$0x13E00]  }
0x28d: {  	v3 =	vld [tilespmem:$0x13E90]  }
0x28e: {  	v4 =	vld [tilespmem:$0x1C290]  }
0x28f: {  	v5 =	vld [tilespmem:$0x13E10]  }
0x290: {  	v6 =	vld [tilespmem:$0x13EA0]  }
0x291: {  	v7 =	vld [tilespmem:$0x1C2A0]  }
0x292: {  	v8 =	vld [tilespmem:$0x13E20]  }
0x293: {  	v9 =	vld [tilespmem:$0x13EB0]  }
0x294: {  	v10 =	vld [tilespmem:$0x1C2B0]  }
0x295: {  	v11 =	vld [tilespmem:$0x13E30]  }
0x296: {  	v12 =	vld [tilespmem:$0x1C2C0];
	v0 =	vmul.f32 v1, v0  }
0x297: {  	v1 =	vld [tilespmem:$0x13EC0];
	[tilespmem:$0x1C400] =	vst v2  }
0x298: {  	v2 =	vld [tilespmem:$0x13ED0];
	[tilespmem:$0x1C280] =	vst v0;
	v0 =	vmul.f32 v4, v3  }
0x299: {  	[tilespmem:$0x1C410] =	vst v5;
	v5 =	vld [tilespmem:$0x13E50]  }
0x29a: {  	v3 =	vld [tilespmem:$0x13E40];
	[tilespmem:$0x1C290] =	vst v0;
	v0 =	vmul.f32 v7, v6  }
0x29b: {  	v4 =	vld [tilespmem:$0x1C2D0]  }
0x29c: {  	v6 =	vld [tilespmem:$0x13EE0];
	[tilespmem:$0x1C2A0] =	vst v0;
	v0 =	vmul.f32 v10, v9  }
0x29d: {  	[tilespmem:$0x1C420] =	vst v8;
	v7 =	vld [tilespmem:$0x1C2E0]  }
0x29e: {  	v8 =	vld [tilespmem:$0x1C2F0];
	[tilespmem:$0x1C2B0] =	vst v0;
	v0 =	vmul.f32 v12, v1  }
0x29f: {  	[tilespmem:$0x1C440] =	vst v3;
	v1 =	vld [tilespmem:$0x13EF0]  }
0x2a0: {  	v3 =	vld [tilespmem:$0x13E70];
	[tilespmem:$0x1C2C0] =	vst v0;
	v0 =	vmul.f32 v4, v2  }
0x2a1: {  	[tilespmem:$0x1C430] =	vst v11  }
0x2a2: {  	v2 =	vld [tilespmem:$0x13E60];
	[tilespmem:$0x1C2D0] =	vst v0;
	v0 =	vmul.f32 v7, v6  }
0x2a3: {  	[tilespmem:$0x1C450] =	vst v5  }
0x2a4: {  	[tilespmem:$0x1C2E0] =	vst v0;
	v0 =	vmul.f32 v8, v1  }
0x2a5: {  	[tilespmem:$0x1C470] =	vst v3  }
0x2a6: {  	[tilespmem:$0x1C2F0] =	vst v0;
	v0 =	vmov s16  }
0x2a7: {  	s31 =	simm.s32 $0x18240;
	[tilespmem:$0x1C460] =	vst v2  }
0x2a8: {  	v4 =	vld [tilespmem:s31+$0x30]  }
0x2a9: {  	v7 =	vld [tilespmem:s31+$0x10]  }
0x2aa: {  	v5 =	vld [tilespmem:s31+$0xFFFFFFC0]  }
0x2ab: {  	v1 =	vld.idx.msk [tilespmem:v0+s24+$0x0], $0xffff  }
0x2ac: {  	v9 =	vld [tilespmem:s31+$0xFFFFFFE0]  }
0x2ad: {  	v2 =	vld [tilespmem:s31+$0x20]  }
0x2ae: {  	v3 =	vld [tilespmem:s31+$0xFFFFFFD0]  }
0x2af: {  	v0 =	vld [tilespmem:s31+$0xFFFFFFF0]  }
0x2b0: {  	v8 =	vmul.f32 v4, v1;
	v4 =	vld [tilespmem:s31+$0x0]  }
0x2b1: {  	v6 =	vmul.f32 v5, v1  }
0x2b2: {  	s1 =	simm.s32 $0x1;
	s16 =	simm.s32 $0x18240;
	v5 =	vmul.f32 v9, v1;
	v7 =	vmul.f32 v7, v1  }
.LBB2_15:
0x2b3: {  	p0 =	sne.s32 s1, $0x7F  }
0x2b4: {  	v3 =	vmul.f32 v3, v1;
	v2 =	vmul.f32 v2, v1;
	[tilespmem:s31+$0x30] =	vst v8;
	s16 =	sadd.s32 $0x80, s16;
	s17 =	smov.u32 s1;
	s1 =	sadd.s32 $0x1, s1  }
0x2b5: {  	[tilespmem:s31+$0xFFFFFFC0] =	vst v6;
	v6 =	vmul.f32 v0, v1;
	v1 =	vmul.f32 v4, v1  }
0x2b6: {  	[tilespmem:s31+$0x10] =	vst v7  }
0x2b7: {  	v4 =	vmov s17;
	[tilespmem:s31+$0xFFFFFFE0] =	vst v5  }
0x2b8: {  	v0 =	vld [tilespmem:s16+$0xFFFFFFF0];
	[tilespmem:s31+$0xFFFFFFF0] =	vst v6  }
0x2b9: {  	v5 =	vld [tilespmem:s16+$0x30];
	[tilespmem:s31+$0x0] =	vst v1  }
0x2ba: {  	v7 =	vld [tilespmem:s16+$0x10];
	[tilespmem:s31+$0x20] =	vst v2  }
0x2bb: {  	v6 =	vld [tilespmem:s16+$0xFFFFFFC0];
	[tilespmem:s31+$0xFFFFFFD0] =	vst v3;
	s31 =	smov.u32 s16  }
0x2bc: {  	v1 =	vld.idx.msk [tilespmem:v4+s24+$0x0], $0xffff  }
0x2bd: {  	v9 =	vld [tilespmem:s16+$0xFFFFFFE0]  }
0x2be: {  	v2 =	vld [tilespmem:s16+$0x20]  }
.Ltmp6:
0x2bf: {  	v3 =	vld [tilespmem:s16+$0xFFFFFFD0];
	(pc) =	sbr.rel @p0 .LBB2_15-.Ltmp6, $3  }
0x2c0: {  	v4 =	vld [tilespmem:s16+$0x0];
	_ =	sdelay $0x1  }
0x2c1: {  	v6 =	vmul.f32 v6, v1;
	v8 =	vmul.f32 v5, v1  }
0x2c2: {  	v7 =	vmul.f32 v7, v1;
	v5 =	vmul.f32 v9, v1  }
0x2c3: {  	[tilespmem:s31+$0x30] =	vst v8  }
0x2c4: {  	[tilespmem:s31+$0xFFFFFFC0] =	vst v6  }
0x2c5: {  	v0 =	vmul.f32 v0, v1;
	[tilespmem:s31+$0x10] =	vst v7  }
0x2c6: {  	v2 =	vmul.f32 v2, v1;
	[tilespmem:s31+$0xFFFFFFE0] =	vst v5  }
0x2c7: {  	v4 =	vmul.f32 v4, v1;
	[tilespmem:s31+$0xFFFFFFF0] =	vst v0  }
0x2c8: {  	v0 =	vmul.f32 v3, v1;
	[tilespmem:s31+$0x20] =	vst v2  }
0x2c9: {  	[tilespmem:s31+$0x0] =	vst v4  }
0x2ca: {  	[tilespmem:s31+$0xFFFFFFD0] =	vst v0  }
0x2cb: {  	[spmem:s3] =	stream.indirect.scatter.add.f32 [tilespmem:s23], [sflag:$0x9], $0x80, s28, s13, $0xb8;
	[tilespmem:$0x1C480] =	vst v63  }
0x2cc: {  	_ =	swait.ge [sflag:s29], $0x4000  }
0x2cd: {  	[sflag:s29] =	ssyncset.done $0x0  }
0x2ce: {  	[sflag:s29] =	ssyncadd.s32 $0xFFFFC000  }
0x2cf: {  	_ =	swait.ge [sflag:s30], $0x180  }
0x2d0: {  	[sflag:s30] =	ssyncset.done $0x0  }
0x2d1: {  	[sflag:s30] =	ssyncadd.s32 $0xFFFFFE80  }
0x2d2: {  	v0 =	vld [tilespmem:$0x14080]  }
0x2d3: {  	v1 =	vld [tilespmem:$0x14090]  }
0x2d4: {  	v2 =	vld [tilespmem:$0x140A0]  }
0x2d5: {  	v3 =	vld [tilespmem:$0x140B0]  }
0x2d6: {  	v4 =	vld [tilespmem:$0x140C0]  }
0x2d7: {  	[tilespmem:$0x1C380] =	vst v0;
	v0 =	vld [tilespmem:$0x140D0]  }
0x2d8: {  	[tilespmem:$0x1C390] =	vst v1;
	v1 =	vld [tilespmem:$0x140E0]  }
0x2d9: {  	[tilespmem:$0x1C3A0] =	vst v2;
	v2 =	vld [tilespmem:$0x140F0]  }
0x2da: {  	[tilespmem:$0x1C3B0] =	vst v3  }
0x2db: {  	[tilespmem:$0x1C3C0] =	vst v4  }
0x2dc: {  	[tilespmem:$0x1C3D0] =	vst v0  }
0x2dd: {  	s1 =	rddreg [dreg:$0xb];
	[tilespmem:$0x1C3E0] =	vst v1  }
0x2de: {  	s1 =	sadd.s32 s1, s2;
	[tilespmem:$0x1C3F0] =	vst v2  }
0x2df: {  	[tilespmem:s23], [sflag:$0x6] =	stream.indirect.gather [hbm4b:s6+s13], $0x80, s22, s13, $0xb8;
	[tilespmem:$0x1C480] =	vst v63  }
0x2e0: {  	s1 =	smul.u32 $0x30, s1  }
0x2e1: {  	[tilespmem:s24], [sflag:$0x8] =	stream.indirect.gather [hbm4b:s7+s13], $0x1, s22, s13, $0xb8;
	[tilespmem:$0x1C480] =	vst v63  }
0x2e2: {  	s16 =	simm.s32 $0x0;
	s17 =	simm.s32 $0x13D80;
	s1 =	sadd.s32 s9, s1  }
0x2e3: {  	[tilespmem:s17], [sflag:$0x2] =	stream.linear.gather [hbm4b:s1+s16], $0x180, $0x38;
	[tilespmem:$0x1C480] =	vst v63  }
0x2e4: {  	_ =	swait.ge [sflag:s25], $0x80  }
0x2e5: {  	[sflag:s25] =	ssyncset.done $0x0  }
0x2e6: {  	[sflag:s25] =	ssyncadd.s32 $0xFFFFFF80  }
0x2e7: {  	_ =	swait.ge [sflag:s26], $0x4000  }
0x2e8: {  	[sflag:s26] =	ssyncset.done $0x0  }
0x2e9: {  	[sflag:s26] =	ssyncadd.s32 $0xFFFFC000  }
0x2ea: {  	v0 =	vld [tilespmem:$0x14000]  }
0x2eb: {  	v1 =	vld [tilespmem:$0x1C200]  }
0x2ec: {  	v2 =	vld [tilespmem:$0x13F80]  }
0x2ed: {  	v3 =	vld [tilespmem:$0x14010]  }
0x2ee: {  	v4 =	vld [tilespmem:$0x1C210]  }
0x2ef: {  	v5 =	vld [tilespmem:$0x13F90]  }
0x2f0: {  	v6 =	vld [tilespmem:$0x14020]  }
0x2f1: {  	v7 =	vld [tilespmem:$0x1C220]  }
0x2f2: {  	v8 =	vld [tilespmem:$0x13FA0]  }
0x2f3: {  	v9 =	vld [tilespmem:$0x14030]  }
0x2f4: {  	v10 =	vld [tilespmem:$0x1C230]  }
0x2f5: {  	v11 =	vld [tilespmem:$0x13FB0]  }
0x2f6: {  	v12 =	vld [tilespmem:$0x1C240];
	v0 =	vmul.f32 v1, v0  }
0x2f7: {  	v1 =	vld [tilespmem:$0x14040];
	[tilespmem:$0x1C400] =	vst v2  }
0x2f8: {  	v2 =	vld [tilespmem:$0x14050];
	[tilespmem:$0x1C200] =	vst v0;
	v0 =	vmul.f32 v4, v3  }
0x2f9: {  	[tilespmem:$0x1C410] =	vst v5;
	v5 =	vld [tilespmem:$0x13FD0]  }
0x2fa: {  	v3 =	vld [tilespmem:$0x13FC0];
	[tilespmem:$0x1C210] =	vst v0;
	v0 =	vmul.f32 v7, v6  }
0x2fb: {  	v4 =	vld [tilespmem:$0x1C250]  }
0x2fc: {  	v6 =	vld [tilespmem:$0x14060];
	[tilespmem:$0x1C220] =	vst v0;
	v0 =	vmul.f32 v10, v9  }
0x2fd: {  	[tilespmem:$0x1C420] =	vst v8;
	v7 =	vld [tilespmem:$0x1C260]  }
0x2fe: {  	v8 =	vld [tilespmem:$0x1C270];
	[tilespmem:$0x1C230] =	vst v0;
	v0 =	vmul.f32 v12, v1  }
0x2ff: {  	[tilespmem:$0x1C440] =	vst v3;
	v1 =	vld [tilespmem:$0x14070]  }
0x300: {  	v3 =	vld [tilespmem:$0x13FF0];
	[tilespmem:$0x1C240] =	vst v0;
	v0 =	vmul.f32 v4, v2  }
0x301: {  	[tilespmem:$0x1C430] =	vst v11  }
0x302: {  	v2 =	vld [tilespmem:$0x13FE0];
	[tilespmem:$0x1C250] =	vst v0;
	v0 =	vmul.f32 v7, v6  }
0x303: {  	[tilespmem:$0x1C450] =	vst v5  }
0x304: {  	[tilespmem:$0x1C260] =	vst v0;
	v0 =	vmul.f32 v8, v1  }
0x305: {  	[tilespmem:$0x1C470] =	vst v3  }
0x306: {  	[tilespmem:$0x1C270] =	vst v0;
	v0 =	vmov s16  }
0x307: {  	s31 =	simm.s32 $0x14240;
	[tilespmem:$0x1C460] =	vst v2  }
0x308: {  	v4 =	vld [tilespmem:s31+$0x30]  }
0x309: {  	v7 =	vld [tilespmem:s31+$0x10]  }
0x30a: {  	v5 =	vld [tilespmem:s31+$0xFFFFFFC0]  }
0x30b: {  	v1 =	vld.idx.msk [tilespmem:v0+s20+$0x0], $0xffff  }
0x30c: {  	v9 =	vld [tilespmem:s31+$0xFFFFFFE0]  }
0x30d: {  	v2 =	vld [tilespmem:s31+$0x20]  }
0x30e: {  	v3 =	vld [tilespmem:s31+$0xFFFFFFD0]  }
0x30f: {  	v0 =	vld [tilespmem:s31+$0xFFFFFFF0]  }
0x310: {  	v8 =	vmul.f32 v4, v1;
	v4 =	vld [tilespmem:s31+$0x0]  }
0x311: {  	v6 =	vmul.f32 v5, v1  }
0x312: {  	s1 =	simm.s32 $0x1;
	s16 =	simm.s32 $0x14240;
	v5 =	vmul.f32 v9, v1;
	v7 =	vmul.f32 v7, v1  }
.LBB2_17:
0x313: {  	p0 =	sne.s32 s1, $0x7F  }
0x314: {  	v3 =	vmul.f32 v3, v1;
	v2 =	vmul.f32 v2, v1;
	[tilespmem:s31+$0x30] =	vst v8;
	s16 =	sadd.s32 $0x80, s16;
	s17 =	smov.u32 s1;
	s1 =	sadd.s32 $0x1, s1  }
0x315: {  	[tilespmem:s31+$0xFFFFFFC0] =	vst v6;
	v6 =	vmul.f32 v0, v1;
	v1 =	vmul.f32 v4, v1  }
0x316: {  	[tilespmem:s31+$0x10] =	vst v7  }
0x317: {  	v4 =	vmov s17;
	[tilespmem:s31+$0xFFFFFFE0] =	vst v5  }
0x318: {  	v0 =	vld [tilespmem:s16+$0xFFFFFFF0];
	[tilespmem:s31+$0xFFFFFFF0] =	vst v6  }
0x319: {  	v5 =	vld [tilespmem:s16+$0x30];
	[tilespmem:s31+$0x0] =	vst v1  }
0x31a: {  	v7 =	vld [tilespmem:s16+$0x10];
	[tilespmem:s31+$0x20] =	vst v2  }
0x31b: {  	v6 =	vld [tilespmem:s16+$0xFFFFFFC0];
	[tilespmem:s31+$0xFFFFFFD0] =	vst v3;
	s31 =	smov.u32 s16  }
0x31c: {  	v1 =	vld.idx.msk [tilespmem:v4+s20+$0x0], $0xffff  }
0x31d: {  	v9 =	vld [tilespmem:s16+$0xFFFFFFE0]  }
0x31e: {  	v2 =	vld [tilespmem:s16+$0x20]  }
.Ltmp7:
0x31f: {  	v3 =	vld [tilespmem:s16+$0xFFFFFFD0];
	(pc) =	sbr.rel @p0 .LBB2_17-.Ltmp7, $3  }
0x320: {  	v4 =	vld [tilespmem:s16+$0x0];
	_ =	sdelay $0x1  }
0x321: {  	v6 =	vmul.f32 v6, v1;
	v8 =	vmul.f32 v5, v1  }
0x322: {  	v7 =	vmul.f32 v7, v1;
	v5 =	vmul.f32 v9, v1  }
0x323: {  	[tilespmem:s31+$0x30] =	vst v8  }
0x324: {  	[tilespmem:s31+$0xFFFFFFC0] =	vst v6  }
0x325: {  	v0 =	vmul.f32 v0, v1;
	[tilespmem:s31+$0x10] =	vst v7  }
0x326: {  	v2 =	vmul.f32 v2, v1;
	[tilespmem:s31+$0xFFFFFFE0] =	vst v5  }
0x327: {  	v4 =	vmul.f32 v4, v1;
	[tilespmem:s31+$0xFFFFFFF0] =	vst v0  }
0x328: {  	v0 =	vmul.f32 v3, v1;
	[tilespmem:s31+$0x20] =	vst v2  }
0x329: {  	[tilespmem:s31+$0x0] =	vst v4  }
0x32a: {  	[tilespmem:s31+$0xFFFFFFD0] =	vst v0  }
0x32b: {  	[spmem:s3] =	stream.indirect.scatter.add.f32 [tilespmem:s15], [sflag:$0x9], $0x80, s28, s13, $0xb8;
	[tilespmem:$0x1C480] =	vst v63  }
0x32c: {  	_ =	swait.ge [sflag:s29], $0x4000  }
0x32d: {  	[sflag:s29] =	ssyncset.done $0x0  }
0x32e: {  	[sflag:s29] =	ssyncadd.s32 $0xFFFFC000  }
0x32f: {  	_ =	swait.ge [sflag:s10], $0x180  }
0x330: {  	[sflag:s10] =	ssyncset.done $0x0  }
0x331: {  	[sflag:s10] =	ssyncadd.s32 $0xFFFFFE80  }
0x332: {  	v0 =	vld [tilespmem:$0x13C00]  }
0x333: {  	v1 =	vld [tilespmem:$0x13C10]  }
0x334: {  	v2 =	vld [tilespmem:$0x13C20]  }
0x335: {  	v3 =	vld [tilespmem:$0x13C30]  }
0x336: {  	v4 =	vld [tilespmem:$0x13C40]  }
0x337: {  	[tilespmem:$0x1C300] =	vst v0;
	v0 =	vld [tilespmem:$0x13C50]  }
0x338: {  	[tilespmem:$0x1C310] =	vst v1;
	v1 =	vld [tilespmem:$0x13C60]  }
0x339: {  	[tilespmem:$0x1C320] =	vst v2;
	v2 =	vld [tilespmem:$0x13C70]  }
0x33a: {  	[tilespmem:$0x1C330] =	vst v3  }
0x33b: {  	[tilespmem:$0x1C340] =	vst v4  }
0x33c: {  	[tilespmem:$0x1C350] =	vst v0  }
0x33d: {  	[tilespmem:$0x1C360] =	vst v1  }
0x33e: {  	s1 =	sadd.s32 s18, s2;
	[tilespmem:$0x1C370] =	vst v2  }
0x33f: {  	[tilespmem:s15], [sflag:$0x5] =	stream.indirect.gather [hbm4b:s6+s13], $0x80, s14, s13, $0xb8;
	[tilespmem:$0x1C480] =	vst v63  }
0x340: {  	s1 =	smul.u32 $0x30, s1  }
0x341: {  	[tilespmem:s20], [sflag:$0x7] =	stream.indirect.gather [hbm4b:s7+s13], $0x1, s14, s13, $0xb8;
	[tilespmem:$0x1C480] =	vst v63  }
0x342: {  	s16 =	simm.s32 $0x0;
	s17 =	simm.s32 $0x13F00;
	s1 =	sadd.s32 s9, s1  }
0x343: {  	[tilespmem:s17], [sflag:$0x3] =	stream.linear.gather [hbm4b:s1+s16], $0x180, $0x38;
	[tilespmem:$0x1C480] =	vst v63  }
0x344: {  	_ =	swait.ge [sflag:s12], $0x80  }
0x345: {  	[sflag:s12] =	ssyncset.done $0x0  }
0x346: {  	[sflag:s12] =	ssyncadd.s32 $0xFFFFFF80  }
0x347: {  	_ =	swait.ge [sflag:s4], $0x4000  }
0x348: {  	[sflag:s4] =	ssyncset.done $0x0  }
0x349: {  	[sflag:s4] =	ssyncadd.s32 $0xFFFFC000  }
0x34a: {  	v0 =	vld [tilespmem:$0x14180]  }
0x34b: {  	v1 =	vld [tilespmem:$0x1C280]  }
0x34c: {  	v2 =	vld [tilespmem:$0x14100]  }
0x34d: {  	v3 =	vld [tilespmem:$0x14190]  }
0x34e: {  	v4 =	vld [tilespmem:$0x1C290]  }
0x34f: {  	v5 =	vld [tilespmem:$0x14110]  }
0x350: {  	v6 =	vld [tilespmem:$0x141A0]  }
0x351: {  	v7 =	vld [tilespmem:$0x1C2A0]  }
0x352: {  	v8 =	vld [tilespmem:$0x14120]  }
0x353: {  	v9 =	vld [tilespmem:$0x141B0]  }
0x354: {  	v10 =	vld [tilespmem:$0x1C2B0]  }
0x355: {  	v11 =	vld [tilespmem:$0x14130]  }
0x356: {  	v12 =	vld [tilespmem:$0x1C2C0];
	v0 =	vmul.f32 v1, v0  }
0x357: {  	v1 =	vld [tilespmem:$0x141C0];
	[tilespmem:$0x1C400] =	vst v2  }
0x358: {  	v2 =	vld [tilespmem:$0x141D0];
	[tilespmem:$0x1C280] =	vst v0;
	v0 =	vmul.f32 v4, v3  }
0x359: {  	[tilespmem:$0x1C410] =	vst v5;
	v5 =	vld [tilespmem:$0x14150]  }
0x35a: {  	v3 =	vld [tilespmem:$0x14140];
	[tilespmem:$0x1C290] =	vst v0;
	v0 =	vmul.f32 v7, v6  }
0x35b: {  	v4 =	vld [tilespmem:$0x1C2D0]  }
0x35c: {  	v6 =	vld [tilespmem:$0x141E0];
	[tilespmem:$0x1C2A0] =	vst v0;
	v0 =	vmul.f32 v10, v9  }
0x35d: {  	[tilespmem:$0x1C420] =	vst v8;
	v7 =	vld [tilespmem:$0x1C2E0]  }
0x35e: {  	v8 =	vld [tilespmem:$0x1C2F0];
	[tilespmem:$0x1C2B0] =	vst v0;
	v0 =	vmul.f32 v12, v1  }
0x35f: {  	[tilespmem:$0x1C440] =	vst v3;
	v1 =	vld [tilespmem:$0x141F0]  }
0x360: {  	v3 =	vld [tilespmem:$0x14170];
	[tilespmem:$0x1C2C0] =	vst v0;
	v0 =	vmul.f32 v4, v2  }
0x361: {  	[tilespmem:$0x1C430] =	vst v11  }
0x362: {  	v2 =	vld [tilespmem:$0x14160];
	[tilespmem:$0x1C2D0] =	vst v0;
	v0 =	vmul.f32 v7, v6  }
0x363: {  	[tilespmem:$0x1C450] =	vst v5  }
0x364: {  	[tilespmem:$0x1C2E0] =	vst v0;
	v0 =	vmul.f32 v8, v1  }
0x365: {  	[tilespmem:$0x1C470] =	vst v3  }
0x366: {  	[tilespmem:$0x1C2F0] =	vst v0;
	v0 =	vmov s16  }
0x367: {  	s31 =	simm.s32 $0x18240;
	[tilespmem:$0x1C460] =	vst v2  }
0x368: {  	v4 =	vld [tilespmem:s31+$0x30]  }
0x369: {  	v7 =	vld [tilespmem:s31+$0x10]  }
0x36a: {  	v5 =	vld [tilespmem:s31+$0xFFFFFFC0]  }
0x36b: {  	v1 =	vld.idx.msk [tilespmem:v0+s24+$0x0], $0xffff  }
0x36c: {  	v9 =	vld [tilespmem:s31+$0xFFFFFFE0]  }
0x36d: {  	v2 =	vld [tilespmem:s31+$0x20]  }
0x36e: {  	v3 =	vld [tilespmem:s31+$0xFFFFFFD0]  }
0x36f: {  	v0 =	vld [tilespmem:s31+$0xFFFFFFF0]  }
0x370: {  	v8 =	vmul.f32 v4, v1;
	v4 =	vld [tilespmem:s31+$0x0]  }
0x371: {  	v6 =	vmul.f32 v5, v1  }
0x372: {  	s1 =	simm.s32 $0x1;
	s16 =	simm.s32 $0x18240;
	v5 =	vmul.f32 v9, v1;
	v7 =	vmul.f32 v7, v1  }
.LBB2_19:
0x373: {  	p0 =	sne.s32 s1, $0x7F  }
0x374: {  	v3 =	vmul.f32 v3, v1;
	v2 =	vmul.f32 v2, v1;
	[tilespmem:s31+$0x30] =	vst v8;
	s16 =	sadd.s32 $0x80, s16;
	s17 =	smov.u32 s1;
	s1 =	sadd.s32 $0x1, s1  }
0x375: {  	[tilespmem:s31+$0xFFFFFFC0] =	vst v6;
	v6 =	vmul.f32 v0, v1;
	v1 =	vmul.f32 v4, v1  }
0x376: {  	[tilespmem:s31+$0x10] =	vst v7  }
0x377: {  	v4 =	vmov s17;
	[tilespmem:s31+$0xFFFFFFE0] =	vst v5  }
0x378: {  	v0 =	vld [tilespmem:s16+$0xFFFFFFF0];
	[tilespmem:s31+$0xFFFFFFF0] =	vst v6  }
0x379: {  	v5 =	vld [tilespmem:s16+$0x30];
	[tilespmem:s31+$0x0] =	vst v1  }
0x37a: {  	v7 =	vld [tilespmem:s16+$0x10];
	[tilespmem:s31+$0x20] =	vst v2  }
0x37b: {  	v6 =	vld [tilespmem:s16+$0xFFFFFFC0];
	[tilespmem:s31+$0xFFFFFFD0] =	vst v3;
	s31 =	smov.u32 s16  }
0x37c: {  	v1 =	vld.idx.msk [tilespmem:v4+s24+$0x0], $0xffff  }
0x37d: {  	v9 =	vld [tilespmem:s16+$0xFFFFFFE0]  }
0x37e: {  	v2 =	vld [tilespmem:s16+$0x20]  }
.Ltmp8:
0x37f: {  	v3 =	vld [tilespmem:s16+$0xFFFFFFD0];
	(pc) =	sbr.rel @p0 .LBB2_19-.Ltmp8, $3  }
0x380: {  	v4 =	vld [tilespmem:s16+$0x0];
	_ =	sdelay $0x1  }
0x381: {  	v6 =	vmul.f32 v6, v1;
	v8 =	vmul.f32 v5, v1  }
0x382: {  	v7 =	vmul.f32 v7, v1;
	v5 =	vmul.f32 v9, v1  }
0x383: {  	[tilespmem:s31+$0x30] =	vst v8  }
0x384: {  	[tilespmem:s31+$0xFFFFFFC0] =	vst v6  }
0x385: {  	v0 =	vmul.f32 v0, v1;
	[tilespmem:s31+$0x10] =	vst v7  }
0x386: {  	v2 =	vmul.f32 v2, v1;
	[tilespmem:s31+$0xFFFFFFE0] =	vst v5  }
0x387: {  	v55 =	vmul.f32 v3, v1;
	[tilespmem:s31+$0xFFFFFFF0] =	vst v0  }
0x388: {  	v4 =	vmul.f32 v4, v1;
	[tilespmem:s31+$0x20] =	vst v2  }
0x389: {  	[tilespmem:s31+$0xFFFFFFD0] =	vst v55  }
0x38a: {  	[tilespmem:s31+$0x0] =	vst v4  }
0x38b: {  	[spmem:s3] =	stream.indirect.scatter.add.f32 [tilespmem:s23], [sflag:$0x9], $0x80, s28, s13, $0xb8;
	[tilespmem:$0x1C480] =	vst v63  }
0x38c: {  	_ =	swait.ge [sflag:s29], $0x4000  }
0x38d: {  	[sflag:s29] =	ssyncset.done $0x0  }
0x38e: {  	[sflag:s29] =	ssyncadd.s32 $0xFFFFC000  }
0x38f: {  	_ =	swait.ge [sflag:s21], $0x180  }
0x390: {  	[sflag:s21] =	ssyncset.done $0x0  }
0x391: {  	[sflag:s21] =	ssyncadd.s32 $0xFFFFFE80  }
0x392: {  	v56 =	vld [tilespmem:$0x13D80]  }
0x393: {  	v57 =	vld [tilespmem:$0x13D90]  }
0x394: {  	v58 =	vld [tilespmem:$0x13DA0]  }
0x395: {  	v59 =	vld [tilespmem:$0x13DB0]  }
0x396: {  	v60 =	vld [tilespmem:$0x13DC0]  }
0x397: {  	v61 =	vld [tilespmem:$0x13DD0];
	[tilespmem:$0x1C380] =	vst v56  }
0x398: {  	v62 =	vld [tilespmem:$0x13DE0];
	[tilespmem:$0x1C390] =	vst v57  }
0x399: {  	v63 =	vld [tilespmem:$0x13DF0];
	[tilespmem:$0x1C3A0] =	vst v58  }
0x39a: {  	[tilespmem:$0x1C3B0] =	vst v59  }
0x39b: {  	[tilespmem:$0x1C3C0] =	vst v60  }
0x39c: {  	[tilespmem:$0x1C3D0] =	vst v61  }
0x39d: {  	s0 =	sadd.s32 $0x1, s0;
	[tilespmem:$0x1C3E0] =	vst v62  }
0x39e: {  	p0 =	sne.s32 s0, $0xA;
	[tilespmem:$0x1C3F0] =	vst v63  }
0x39f: {  	[tilespmem:s23], [sflag:$0x6] =	stream.indirect.gather [hbm4b:s6+s13], $0x80, s22, s13, $0xb8;
	[tilespmem:$0x1C480] =	vst v63  }
.Ltmp9:
0x3a0: {  	s1 =	sadd.s32 s19, s2;
	(pc) =	sbr.rel @p0 .LBB2_12-.Ltmp9, $4  }
0x3a1: {  	s1 =	smul.u32 $0x30, s1  }
0x3a2: {  	[tilespmem:s24], [sflag:$0x8] =	stream.indirect.gather [hbm4b:s7+s13], $0x1, s22, s13, $0xb8;
	[tilespmem:$0x1C480] =	vst v63  }
0x3a3: {  	s16 =	simm.s32 $0x14080;
	s1 =	sadd.s32 s9, s1;
	s31 =	simm.s32 $0x0  }
0x3a4: {  	[tilespmem:s16], [sflag:$0x4] =	stream.linear.gather [hbm4b:s1+s31], $0x180, $0x38;
	[tilespmem:$0x1C480] =	vst v63  }
0x3a5: {  	_ =	swait.ge [sflag:s11], $0x180  }
0x3a6: {  	[sflag:s11] =	ssyncset.done $0x0  }
0x3a7: {  	[sflag:s11] =	ssyncadd.s32 $0xFFFFFE80  }
0x3a8: {  	_ =	swait.ge [sflag:s26], $0x4000  }
0x3a9: {  	[sflag:s26] =	ssyncset.done $0x0  }
0x3aa: {  	[sflag:s26] =	ssyncadd.s32 $0xFFFFC000  }
0x3ab: {  	_ =	swait.ge [sflag:s25], $0x80  }
0x3ac: {  	[sflag:s25] =	ssyncset.done $0x0  }
0x3ad: {  	[sflag:s25] =	ssyncadd.s32 $0xFFFFFF80  }
0x3ae: {  	_ =	swait.ge [sflag:s30], $0x180  }
0x3af: {  	[sflag:s30] =	ssyncset.done $0x0  }
0x3b0: {  	[sflag:s30] =	ssyncadd.s32 $0xFFFFFE80  }
0x3b1: {  	_ =	swait.ge [sflag:s4], $0x4000  }
0x3b2: {  	[sflag:s4] =	ssyncset.done $0x0  }
0x3b3: {  	[sflag:s4] =	ssyncadd.s32 $0xFFFFC000  }
0x3b4: {  	_ =	swait.ge [sflag:s12], $0x80  }
0x3b5: {  	[sflag:s12] =	ssyncset.done $0x0  }
0x3b6: {  	[sflag:s12] =	ssyncadd.s32 $0xFFFFFF80  }
0x3b7: {  	[bflag:$0x0] =	sbarrier.arrive $0xFFFF  }
0x3b8: {  	s16 =	rddreg [dreg:$0x6]  }
0x3b9: {  	s0 =	rddreg [dreg:$0x12]  }
0x3ba: {  	s1 =	rddreg [dreg:$0x15]  }
0x3bb: {  	[hbm:s0], [sflag:s16] =	dma.local [spmem:s1], $0x2780  }
0x3bc: {  	_ =	swait.ge [sflag:s29], $0x2780  }
0x3bd: {  	s17 =	rddreg [dreg:$0x14]  }
0x3be: {  	s31 =	rddreg [dreg:$0x13];
	s1 =	sadd.s32 $0x1, s17  }
0x3bf: {  	p0 =	sne.s32 s1, s31  }
.Ltmp10:
0x3c0: {  	_ = 	snop;
	(pc) =	sbr.rel @p0 .LBB2_1-.Ltmp10, $3  }
0x3c1: {  	[sflag:s29] =	ssyncset.done $0x0  }
0x3c2: {  	[sflag:s29] =	ssyncadd.s32 $0xFFFFD880  }
0x3c3: {  	[bflag:$0x0] =	sbarrier.arrive $0xFFFF;
	_ =	sdelay $0x1  }
0x3c4: {  	_ =	sfence.sel $0x180000  }
0x3c5: {  	[bflag:$0x0] =	sbarrier.arrive $0xFFFF  }
0x3c6: {  	_ =	strace $0x9000004A  }
0x3c7: {  	s0 =	stileid.u32;
	[bflag:$0x2] =	sbarrier.arrive $0xFFFF  }
0x3c8: {  	p0 =	sne.s32 s0, $0x0;
	s0 =	rddreg [dreg:$0x3]  }
0x3c9: {  	s0 =	sadd.s32 @!p0 $0x100000, s0  }
0x3ca: {  	[sflag:s0] =	ssyncadd.tile.s32 @!p0 $0x1;
	_ =	shalt  }
.Lfunc_end2:
_tile_overlayer_lowered:
.L_overlay_start_2:
0x3cb: {  	(tag) =	ssettag $0x2  }
0x3cc: {  	s0 =	rddreg [dreg:$0x0];
	s2 =	stileid.u32  }
0x3cd: {  	s1 =	rddreg [dreg:$0x1];
	p0 =	sne.s32 s2, $0x0  }
0x3ce: {  	s3 =	rddreg [dreg:$0x2];
	[bflag:$0x3] =	sbarrier.arrive $0xFFFF;
	s2 =	simm.s32 @!p0 $0x1C09  }
0x3cf: {  	[timem:s3], [sflag:s2] =	dma.local @!p0 [hbm:s0], s1  }
0x3d0: {  	s0 =	simm.s32 @!p0 $0x9  }
0x3d1: {  	_ =	swait.ge @!p0 [sflag:s0], s1  }
0x3d2: {  	s1 =	ssub.s32 @!p0 $0x0, s1;
	[sflag:s0] =	ssyncset.done @!p0 $0x0  }
0x3d3: {  	[sflag:s0] =	ssyncadd.s32 @!p0 s1  }
0x3d4: {  	[bflag:$0x3] =	sbarrier.arrive $0xFFFF  }
0x3d5: {  	_ =	shalt  }

// kernel: kernel.7.cloned.1.call-start
scs
__scs_entry_jumppad:
0x0: {  	(pc) =	sbr.rel $0x88, $3  }
0x1: {  	(tag) =	ssettag $0x0;
	lr =	simm.s32 $0x1  }
0x2: {  	[smem:$0x3F8D] =	sst lr;
	_ =	strace $0xD0000000  }
0x3: {  	_ = 	snop  }
0x4: {  	_ = 	snop  }
0x5: {  	_ = 	snop  }
0x6: {  	_ = 	snop  }
0x7: {  	_ = 	snop  }
__scs_overlays_trampoline_lowered:
0x8: {  	[smem:$0x3F9C] =	sst s0  }
0x9: {  	[smem:$0x3F9D] =	sst s1  }
0xa: {  	[smem:$0x3F9E] =	sst s2  }
0xb: {  	[smem:$0x3F9F] =	sst s3  }
0xc: {  	[smem:$0x3FA0] =	sst s4  }
0xd: {  	[smem:$0x3FA1] =	sst s5  }
0xe: {  	[smem:$0x3FA2] =	sst s6  }
0xf: {  	[smem:$0x3FA3] =	sst s7  }
0x10: {  	[smem:$0x3FA4] =	sst s8  }
0x11: {  	[smem:$0x3FA5] =	sst s9;
	s0 =	simm.s32 @!p0 $0x0  }
0x12: {  	s1 =	sld [smem:$0x3F8B];
	s0 =	simm.s32 @p0 $0x1  }
0x13: {  	[smem:$0x3FA6] =	sst s0;
	s0 =	simm.s32 @!p1 $0x0  }
0x14: {  	s2 =	sld [smem:$0x3F8A];
	s0 =	simm.s32 @p1 $0x1  }
0x15: {  	[smem:$0x3FA7] =	sst s0;
	s0 =	simm.s32 @!p2 $0x0  }
0x16: {  	s3 =	sld [smem:$0x3FDB];
	s0 =	simm.s32 @p2 $0x1  }
0x17: {  	s4 =	simm.s32 $0x1BF5;
	[smem:$0x3FA9] =	sst s0  }
0x18: {  	s0 =	sld [smem:$0x3F8C];
	_ =	swait.ge [sflag:s4], $0x0  }
0x19: {  	s7 =	sld [smem:$0x3F8D]  }
0x1a: {  	s8 =	sadd.s32 $0xFFFFE003, lr  }
0x1b: {  	s9 =	sadd.s32 $0xFFFFFEF7, lr;
	s5 =	simm.s32 $0xFFFFFFFF;
	p2 =	slt.u32 s8, $0xFFFFF086  }
0x1c: {  	p1 =	slt.u32 s9, $0xF7A;
	s5 =	simm.s32 @!p2 $0x0  }
0x1d: {  	s5 =	simm.s32 @p1 $0x1;
	p0 =	seq.s32 s7, s2  }
0x1e: {  	s7 =	smul.u32 @!p0 $0xF7A, s2;
	p2 =	seq.s32 @!p0 s5, $0x0  }
0x1f: {  	s9 =	smul.u32 $0xF7A, s1;
	s8 =	simm.s32 @!p0 $0x1BF5;
	p2 =	por !p2, p0  }
0x20: {  	[sflag:s8] =	ssyncset.s32 @!p0 $0xFFFFF086;
	s6 =	sadd.s32 @!p0 s3, s7;
	s7 =	simm.s32 @!p0 $0x108  }
0x21: {  	s3 =	sadd.s32 s3, s9;
	s6 =	sadd.s32 @!p0 $0x88, s6;
	s7 =	simm.s32 @p2 $0x1082  }
0x22: {  	[simem:s7], [sflag:s8] =	dma.local @!p0 [hbm:s6], $0xF7A  }
0x23: {  	s9 =	sor.u32 $0xD0000000, s2;
	s6 =	simm.s32 $0x108;
	_ =	swait.ge @!p0 [sflag:s8], $0x0  }
0x24: {  	s3 =	sadd.s32 $0x88, s3;
	s6 =	simm.s32 @!p1 $0x1082;
	[sflag:s4] =	ssyncset.s32 $0xFFFFF086  }
0x25: {  	[simem:s6], [sflag:s4] =	dma.local [hbm:s3], $0xF7A  }
0x26: {  	[smem:$0x3F8D] =	sst s1;
	(tag) =	ssettag s2;
	_ =	strace s9  }
0x27: {  	s1 =	sld [smem:$0x3F9D]  }
0x28: {  	s2 =	sld [smem:$0x3F9E]  }
0x29: {  	s4 =	sld [smem:$0x3FA0]  }
0x2a: {  	p0 =	seq.s32 s5, $0x0;
	s5 =	sld [smem:$0x3FA1]  }
0x2b: {  	s6 =	sld [smem:$0x3FA2]  }
0x2c: {  	s7 =	sld [smem:$0x3FA3]  }
0x2d: {  	s3 =	simm.s32 $0x108;
	s8 =	sld [smem:$0x3FA4]  }
0x2e: {  	s3 =	simm.s32 @!p0 $0x1082;
	s9 =	sld [smem:$0x3FA5]  }
0x2f: {  	lr =	sadd.s32 s0, s3;
	s0 =	sld [smem:$0x3F9C]  }
0x30: {  	s3 =	sld [smem:$0x3F9F]  }
0x31: {  	[smem:$0x3FA8] =	sst s10  }
0x32: {  	s10 =	sld [smem:$0x3FA6];
	_ =	sdelay $0x3  }
0x33: {  	p0 =	seq.s32 s10, $0x1;
	s10 =	sld [smem:$0x3FA8];
	_ =	sdelay $0x3  }
0x34: {  	[smem:$0x3FA8] =	sst s10  }
0x35: {  	s10 =	sld [smem:$0x3FA7];
	_ =	sdelay $0x3  }
0x36: {  	p1 =	seq.s32 s10, $0x1;
	s10 =	sld [smem:$0x3FA8];
	_ =	sdelay $0x3  }
0x37: {  	[smem:$0x3FA8] =	sst s10  }
0x38: {  	s10 =	sld [smem:$0x3FA9]  }
0x39: {  	_ = 	snop;
	(pc) =	sbr.ind lr, $3  }
0x3a: {  	_ = 	snop  }
0x3b: {  	_ = 	snop  }
0x3c: {  	p2 =	seq.s32 s10, $0x1;
	s10 =	sld [smem:$0x3FA8]  }
0x3d: {  	_ =	shalt  }
0x3e: {  	_ =	shalt  }
0x3f: {  	_ =	shalt  }
0x40: {  	_ =	shalt  }
0x41: {  	_ =	shalt  }
0x42: {  	_ =	shalt  }
0x43: {  	_ =	shalt  }
0x44: {  	_ =	shalt  }
0x45: {  	_ =	shalt  }
0x46: {  	_ =	shalt  }
0x47: {  	_ =	shalt  }
0x48: {  	_ =	shalt  }
0x49: {  	_ =	shalt  }
0x4a: {  	_ =	shalt  }
0x4b: {  	_ =	shalt  }
0x4c: {  	_ =	shalt  }
0x4d: {  	_ =	shalt  }
0x4e: {  	_ =	shalt  }
0x4f: {  	_ =	shalt  }
0x50: {  	_ =	shalt  }
0x51: {  	_ =	shalt  }
0x52: {  	_ =	shalt  }
0x53: {  	_ =	shalt  }
0x54: {  	_ =	shalt  }
0x55: {  	_ =	shalt  }
0x56: {  	_ =	shalt  }
0x57: {  	_ =	shalt  }
0x58: {  	_ =	shalt  }
0x59: {  	_ =	shalt  }
0x5a: {  	_ =	shalt  }
0x5b: {  	_ =	shalt  }
0x5c: {  	_ =	shalt  }
0x5d: {  	_ =	shalt  }
0x5e: {  	_ =	shalt  }
0x5f: {  	_ =	shalt  }
0x60: {  	_ =	shalt  }
0x61: {  	_ =	shalt  }
0x62: {  	_ =	shalt  }
0x63: {  	_ =	shalt  }
0x64: {  	_ =	shalt  }
0x65: {  	_ =	shalt  }
0x66: {  	_ =	shalt  }
0x67: {  	_ =	shalt  }
0x68: {  	_ =	shalt  }
0x69: {  	_ =	shalt  }
0x6a: {  	_ =	shalt  }
0x6b: {  	_ =	shalt  }
0x6c: {  	_ =	shalt  }
0x6d: {  	_ =	shalt  }
0x6e: {  	_ =	shalt  }
0x6f: {  	_ =	shalt  }
0x70: {  	_ =	shalt  }
0x71: {  	_ =	shalt  }
0x72: {  	_ =	shalt  }
0x73: {  	_ =	shalt  }
0x74: {  	_ =	shalt  }
0x75: {  	_ =	shalt  }
0x76: {  	_ =	shalt  }
0x77: {  	_ =	shalt  }
0x78: {  	_ =	shalt  }
0x79: {  	_ =	shalt  }
0x7a: {  	_ =	shalt  }
0x7b: {  	_ =	shalt  }
0x7c: {  	_ =	shalt  }
0x7d: {  	_ =	shalt  }
0x7e: {  	_ =	shalt  }
0x7f: {  	_ =	shalt  }
0x80: {  	_ =	shalt  }
0x81: {  	_ =	shalt  }
0x82: {  	_ =	shalt  }
0x83: {  	_ =	shalt  }
0x84: {  	_ =	shalt  }
0x85: {  	_ =	shalt  }
0x86: {  	_ =	shalt  }
0x87: {  	_ =	shalt  }
.Lfunc_end0:
.L_simem_size_0:
called_computation_lowered:
.L_overlay_start_0:
0x88: {  	s2 =	sld [smem:$0x3FD9]  }
0x89: {  	s3 =	sld [smem:$0x3FFE];
	_ =	sdelay $0x1  }
0x8a: {  	s1 =	srdreg.scid  }
0x8b: {  	s0 =	sand.u32 $0x1, s1  }
0x8c: {  	s14 =	sshll.u32 s0, $0xA;
	s2 =	sadd.s32 s3, s2  }
0x8d: {  	s2 =	sadd.s32 s2, s14  }
0x8e: {  	[smem:$0x3FB4] =	sst s2  }
0x8f: {  	_ = 	snop  }
0x90: {  	s2 =	sld [smem:$0x3FD0];
	_ =	sdelay $0x2  }
0x91: {  	s15 =	simm.s32 $0xA;
	s4 =	simm.s32 $0x10  }
0x92: {  	[smem:s4], [sflag:s15] =	dma.local [hbm:s2], $0x1  }
0x93: {  	_ =	swait.eq [sflag:s15], $0x1  }
0x94: {  	[sflag:s15] =	ssyncset.done $0x0  }
0x95: {  	[sflag:s15] =	ssyncadd.s32 $0xFFFFFFFF  }
0x96: {  	s16 =	sld [smem:$0x11];
	(tm) =	ssettm $0x1  }
0x97: {  	s17 =	sld [smem:$0x3FFB];
	_ =	sdelay $0x3  }
0x98: {  	_ =	strace s17  }
0x99: {  	s3 =	sld [smem:$0x3FFC];
	_ =	sdelay $0x3  }
0x9a: {  	_ =	strace s3  }
0x9b: {  	s3 =	sld [smem:$0x3FFD];
	_ =	sdelay $0x3  }
0x9c: {  	_ =	strace s3  }
0x9d: {  	_ =	strace $0x8FFFFFFF  }
0x9e: {  	s18 =	sld [smem:$0x3FDB];
	_ =	sdelay $0x1  }
0x9f: {  	s19 =	simm.s32 $_scs_section_size  }
0xa0: {  	s5 =	simm.s32 $_size__tile_overlayer_lowered;
	s6 =	simm.s32 $_tile_overlayer_lowered  }
0xa1: {  	s22 =	simm.s32 $0x1BFF;
	s21 =	sshll.u32 s6, $0x1;
	s3 =	sadd.s32 s19, s18  }
0xa2: {  	s7 =	simm.s32 $0x0;
	s20 =	sshll.u32 s5, $0x1;
	s5 =	sadd.s32 s21, s3  }
0xa3: {  	[timem:s7], [sflag:s22] =	dma.local [hbm:s5], s20  }
0xa4: {  	_ =	swait.ge [sflag:s22], s20  }
0xa5: {  	s4 =	ssub.s32 $0x0, s20;
	[sflag:s22] =	ssyncset.done $0x0  }
0xa6: {  	[sflag:s22] =	ssyncadd.s32 s4;
	_ =	sdelay $0x1  }
0xa7: {  	s23 =	simm.s32 $0x1B8B  }
0xa8: {  	_ =	swait.ge [sflag:s23], $0x1  }
0xa9: {  	[sflag:s23] =	ssyncset.done $0x0  }
0xaa: {  	s25 =	simm.s32 $0x1B8E;
	s24 =	sld [smem:$0x3FFE];
	[sflag:s23] =	ssyncadd.s32 $0xFFFFFFFF  }
0xab: {  	s26 =	simm.s32 $execute0_lowered;
	[smem:$0x3FD2] =	sst s25  }
0xac: {  	s5 =	sshll.u32 s26, $0x1;
	_ =	strace $0x80000046;
	[dreg:$0x1] =	wrdreg $0xFFFFFFFF  }
0xad: {  	s28 =	simm.s32 $_size_execute0_lowered;
	s3 =	sadd.s32 s3, s5;
	[dreg:$0x0] =	wrdreg $0x0  }
0xae: {  	s5 =	sshll.u32 s28, $0x1;
	[dreg:$0x2] =	wrdreg s3  }
0xaf: {  	[dreg:$0x3] =	wrdreg s5  }
0xb0: {  	[dreg:$0x4] =	wrdreg $0xC0  }
0xb1: {  	_ =	task [dreg:s7], $0x5FFFF  }
0xb2: {  	[dreg:$0x1] =	wrdreg $0xFFFFFFFF  }
0xb3: {  	[dreg:$0x0] =	wrdreg $0x60  }
0xb4: {  	[dreg:$0x2] =	wrdreg s24  }
0xb5: {  	[dreg:$0x3] =	wrdreg s16  }
0xb6: {  	[dreg:$0x4] =	wrdreg $0x0  }
0xb7: {  	[dreg:$0x5] =	wrdreg $0x2780  }
0xb8: {  	[dreg:$0x6] =	wrdreg $0x9  }
0xb9: {  	_ =	task.clear_ibuf [dreg:s7], $0x7FFFF;
	_ =	strace $0x90000046  }
0xba: {  	s29 =	simm.s32 $0x9;
	_ =	strace $0x80000048  }
0xbb: {  	_ =	swait.ge [sflag:s29], $0x1  }
0xbc: {  	[sflag:s29] =	ssyncadd.s32 $0xFFFFFFFF  }
0xbd: {  	_ =	strace $0x90000048  }
0xbe: {  	_ =	sfence  }
0xbf: {  	s30 =	sld [smem:$0x0];
	_ =	sdelay $0x2  }
0xc0: {  	s31 =	sshll.u32 s1, $0xD;
	s1 =	sshrl.u32 s1, $0x2  }
0xc1: {  	s3 =	sand.u32 $0x4000, s31;
	s1 =	sadd.s32 s1, s30  }
0xc2: {  	s0 =	sor.u32 s3, s0;
	s1 =	sshll.u32 s1, $0x11  }
0xc3: {  	s0 =	sor.u32 s1, s0  }
0xc4: {  	s0 =	sadd.s32 $0x8F2B, s0  }
0xc5: {  	[sflag:s0] =	ssyncadd.remote.s32 $0x1  }
0xc6: {  	_ =	sfence.sel $0xFFFF  }
0xc7: {  	[dreg:$0x0] =	wrdreg $0xFFFFFFFF;
	(pc) =	sbr.abs _section_cstart, $3  }
0xc8: {  	[dreg:$0x1] =	wrdreg $0xFFFFFFFF  }
0xc9: {  	_ =	task.clear_ibuf [dreg:s7], $0x2FFFF;
	_ =	strace $0x9FFFFFFF  }
0xca: {  	(tm) =	ssettm $0x7FFFFFFF  }
0xcb: {  	_ =	shalt  }
tec
execute0_lowered:
.L_overlay_start_1:
0x0: {  	(tag) =	ssettag $0x1  }
0x1: {  	s0 =	rddreg [dreg:$0x0]  }
0x2: {  	s2 =	rddreg [dreg:$0x2]  }
0x3: {  	s3 =	rddreg [dreg:$0x3];
	s1 =	srdreg.scid  }
0x4: {  	s5 =	stileid.u32;
	s4 =	simm.s32 $0x0;
	s19 =	simm.s32 $0x670  }
0x5: {  	s20 =	simm.s32 $0x7F0;
	s28 =	simm.s32 $0x2;
	s29 =	simm.s32 $0x3  }
0x6: {  	s30 =	simm.s32 $0x4;
	s31 =	simm.s32 $0x0;
	s1 =	sand.u32 $0x1, s1  }
0x7: {  	s6 =	sshll.u32 s5, $0x1;
	[smem:$0x7FF] =	sst s4;
	s18 =	smul.u32 $0x60, s5  }
0x8: {  	s15 =	sadd.s32 $0x4400, s0;
	s17 =	sadd.s32 $0x23C00, s0;
	s7 =	smul.u32 $0x4F0, s1  }
0x9: {  	s6 =	sor.u32 s1, s6;
	s8 =	ssub.s32 $0x2, s1;
	s1 =	smul.u32 $0x30, s1  }
0xa: {  	p0 =	sne.s32 s5, $0x0;
	_ =	strace $0x80000047;
	s9 =	smul.u32 $0x30, s6  }
0xb: {  	s6 =	smul.u32 $0x180, s6;
	s21 =	sshrl.u32 s8, $0x1;
	s25 =	sadd.s32 s18, s15  }
0xc: {  	s26 =	sadd.s32 s18, s17;
	s18 =	simm.s32 $0x4F0;
	s0 =	sadd.s32 s7, s0  }
0xd: {  	s16 =	ssub.s32 s8, s21;
	s21 =	simm.s32 $0x970;
	s22 =	sadd.s32 s15, s9  }
0xe: {  	s6 =	sshrl.u32 s6, $0x3;
	s9 =	sadd.s32 s17, s9;
	s13 =	sadd.s32 $0x34400, s0  }
0xf: {  	s14 =	sadd.s32 $0x34E00, s0;
	[dreg:$0x5] =	wrdreg s22;
	s10 =	sadd.s32 $0x600, s6  }
0x10: {  	s11 =	sadd.s32 $0xC00, s6;
	s6 =	sadd.s32 $0x1200, s6;
	s22 =	simm.s32 $0x1  }
0x11: {  	s23 =	sadd.s32 s15, s10;
	s24 =	sadd.s32 s15, s11;
	s8 =	sadd.s32 s15, s6  }
0x12: {  	s10 =	sadd.s32 s17, s10;
	s11 =	sadd.s32 s17, s11;
	s12 =	sadd.s32 s17, s6  }
0x13: {  	s15 =	smax.u32 s16, $0x1;
	s16 =	sadd.s32 s1, s25;
	s17 =	sadd.s32 s1, s26  }
0x14: {  	s25 =	simm.s32 $0xB70;
	s26 =	simm.s32 $0x5;
	[dreg:$0x6] =	wrdreg s23  }
0x15: {  	[dreg:$0x7] =	wrdreg s24;
	s23 =	simm.s32 $0x80;
	s24 =	simm.s32 $0xAF0  }
.LBB2_1:
0x16: {  	s0 =	sshrl.u32 @!p0 s2, $0x3  }
0x17: {  	s5 =	simm.s32 @!p0 $0x1C05;
	s7 =	rddreg [dreg:$0x1];
	s6 =	simm.s32 @!p0 $0x5  }
0x18: {  	[spmem:s0], [sflag:s5] =	dma.local @!p0 [hbm:s7], $0x4F0  }
0x19: {  	_ =	swait.ge @!p0 [sflag:s6], $0x4F0  }
0x1a: {  	[sflag:s6] =	ssyncset.done @!p0 $0x0  }
0x1b: {  	s1 =	sshrl.u32 @!p0 s3, $0x3;
	[sflag:s6] =	ssyncadd.s32 @!p0 $0xFFFFFB10  }
0x1c: {  	[spmem:s1], [sflag:s5] =	dma.local @!p0 [hbm:s7], $0x4F0  }
0x1d: {  	_ =	swait.ge @!p0 [sflag:s6], $0x4F0  }
0x1e: {  	[sflag:s6] =	ssyncset.done @!p0 $0x0  }
0x1f: {  	[sflag:s6] =	ssyncadd.s32 @!p0 $0xFFFFFB10  }
0x20: {  	[bflag:$0x0] =	sbarrier.arrive $0xFFFF  }
0x21: {  	s7 =	rddreg [dreg:$0x5]  }
0x22: {  	[tilespmem:s18], [sflag:$0x1] =	stream.linear.gather [hbm4b:s7+s4], $0x180, $0x38;
	[tilespmem:$0xBF0] =	vst v63  }
0x23: {  	s6 =	rddreg [dreg:$0x6]  }
0x24: {  	[tilespmem:s19], [sflag:$0x2] =	stream.linear.gather [hbm4b:s6+s4], $0x180, $0x38;
	[tilespmem:$0xBF0] =	vst v63  }
0x25: {  	s7 =	rddreg [dreg:$0x7]  }
0x26: {  	[tilespmem:s20], [sflag:$0x3] =	stream.linear.gather [hbm4b:s7+s4], $0x180, $0x38;
	[tilespmem:$0xBF0] =	vst v63  }
0x27: {  	s5 =	simm.s32 $0x0  }
0x28: {  	[tilespmem:s21], [sflag:$0x4] =	stream.linear.gather [hbm4b:s8+s4], $0x180, $0x38;
	[tilespmem:$0xBF0] =	vst v63  }
.LBB2_2:
0x29: {  	_ =	swait.ge [sflag:s22], $0x180  }
0x2a: {  	[sflag:s22] =	ssyncset.done $0x0  }
0x2b: {  	[sflag:s22] =	ssyncadd.s32 $0xFFFFFE80  }
0x2c: {  	v0 =	vld [tilespmem:$0x570]  }
0x2d: {  	v1 =	vld [tilespmem:$0x5F0]  }
0x2e: {  	v2 =	vld [tilespmem:$0x580]  }
0x2f: {  	v3 =	vld [tilespmem:$0x600]  }
0x30: {  	v4 =	vld [tilespmem:$0x590]  }
0x31: {  	v61 =	vld [tilespmem:$0x610];
	[tilespmem:$0xAF0] =	vst v0  }
0x32: {  	v62 =	vld [tilespmem:$0x5A0];
	[tilespmem:$0xB70] =	vst v1  }
0x33: {  	v63 =	vld [tilespmem:$0x620];
	[tilespmem:$0xB00] =	vst v2  }
0x34: {  	v8 =	vld [tilespmem:$0x5B0];
	[tilespmem:$0xB80] =	vst v3  }
0x35: {  	v9 =	vld [tilespmem:$0x630];
	[tilespmem:$0xB10] =	vst v4  }
0x36: {  	v10 =	vld [tilespmem:$0x5C0];
	[tilespmem:$0xB90] =	vst v61  }
0x37: {  	v11 =	vld [tilespmem:$0x640];
	[tilespmem:$0xB20] =	vst v62  }
0x38: {  	v12 =	vld [tilespmem:$0x5D0];
	[tilespmem:$0xBA0] =	vst v63  }
0x39: {  	v13 =	vld [tilespmem:$0x650];
	[tilespmem:$0xB30] =	vst v8  }
0x3a: {  	v14 =	vld [tilespmem:$0x5E0];
	[tilespmem:$0xBB0] =	vst v9  }
0x3b: {  	v15 =	vld [tilespmem:$0x660];
	[tilespmem:$0xB40] =	vst v10  }
0x3c: {  	[tilespmem:$0xBC0] =	vst v11  }
0x3d: {  	[tilespmem:$0xB50] =	vst v12  }
0x3e: {  	[tilespmem:$0xBD0] =	vst v13  }
0x3f: {  	[tilespmem:$0xB60] =	vst v14  }
0x40: {  	[tilespmem:$0xBE0] =	vst v15  }
0x41: {  	[spmem:s2] =	stream.indirect.scatter.add.f32 [tilespmem:s25], [sflag:$0x5], $0x1, s24, s23, $0xb8;
	[tilespmem:$0xBF0] =	vst v63  }
0x42: {  	_ =	swait.ge [sflag:s26], $0x80  }
0x43: {  	s6 =	sadd.s32 s5, s16;
	[sflag:s26] =	ssyncset.done $0x0  }
0x44: {  	s7 =	sadd.s32 $0x1800, s6;
	[sflag:s26] =	ssyncadd.s32 $0xFFFFFF80  }
0x45: {  	[tilespmem:s18], [sflag:$0x1] =	stream.linear.gather [hbm4b:s7+s4], $0x180, $0x38;
	[tilespmem:$0xBF0] =	vst v63  }
0x46: {  	_ =	swait.ge [sflag:s28], $0x180  }
0x47: {  	[sflag:s28] =	ssyncset.done $0x0  }
0x48: {  	[sflag:s28] =	ssyncadd.s32 $0xFFFFFE80  }
0x49: {  	v16 =	vld [tilespmem:$0x6F0]  }
0x4a: {  	v17 =	vld [tilespmem:$0x770]  }
0x4b: {  	v18 =	vld [tilespmem:$0x700]  }
0x4c: {  	v19 =	vld [tilespmem:$0x780]  }
0x4d: {  	v20 =	vld [tilespmem:$0x710]  }
0x4e: {  	v21 =	vld [tilespmem:$0x790];
	[tilespmem:$0xAF0] =	vst v16  }
0x4f: {  	v22 =	vld [tilespmem:$0x720];
	[tilespmem:$0xB70] =	vst v17  }
0x50: {  	v23 =	vld [tilespmem:$0x7A0];
	[tilespmem:$0xB00] =	vst v18  }
0x51: {  	v24 =	vld [tilespmem:$0x730];
	[tilespmem:$0xB80] =	vst v19  }
0x52: {  	v25 =	vld [tilespmem:$0x7B0];
	[tilespmem:$0xB10] =	vst v20  }
0x53: {  	v26 =	vld [tilespmem:$0x740];
	[tilespmem:$0xB90] =	vst v21  }
0x54: {  	v27 =	vld [tilespmem:$0x7C0];
	[tilespmem:$0xB20] =	vst v22  }
0x55: {  	v28 =	vld [tilespmem:$0x750];
	[tilespmem:$0xBA0] =	vst v23  }
0x56: {  	v29 =	vld [tilespmem:$0x7D0];
	[tilespmem:$0xB30] =	vst v24  }
0x57: {  	v30 =	vld [tilespmem:$0x760];
	[tilespmem:$0xBB0] =	vst v25  }
0x58: {  	v31 =	vld [tilespmem:$0x7E0];
	[tilespmem:$0xB40] =	vst v26  }
0x59: {  	[tilespmem:$0xBC0] =	vst v27  }
0x5a: {  	[tilespmem:$0xB50] =	vst v28  }
0x5b: {  	[tilespmem:$0xBD0] =	vst v29  }
0x5c: {  	[tilespmem:$0xB60] =	vst v30  }
0x5d: {  	[tilespmem:$0xBE0] =	vst v31  }
0x5e: {  	[spmem:s2] =	stream.indirect.scatter.add.f32 [tilespmem:s25], [sflag:$0x5], $0x1, s24, s23, $0xb8;
	[tilespmem:$0xBF0] =	vst v63  }
0x5f: {  	_ =	swait.ge [sflag:s26], $0x80  }
0x60: {  	[sflag:s26] =	ssyncset.done $0x0  }
0x61: {  	s7 =	sadd.s32 $0x1E00, s6;
	[sflag:s26] =	ssyncadd.s32 $0xFFFFFF80  }
0x62: {  	[tilespmem:s19], [sflag:$0x2] =	stream.linear.gather [hbm4b:s7+s4], $0x180, $0x38;
	[tilespmem:$0xBF0] =	vst v63  }
0x63: {  	_ =	swait.ge [sflag:s29], $0x180  }
0x64: {  	[sflag:s29] =	ssyncset.done $0x0  }
0x65: {  	[sflag:s29] =	ssyncadd.s32 $0xFFFFFE80  }
0x66: {  	v32 =	vld [tilespmem:$0x870]  }
0x67: {  	v33 =	vld [tilespmem:$0x8F0]  }
0x68: {  	v34 =	vld [tilespmem:$0x880]  }
0x69: {  	v35 =	vld [tilespmem:$0x900]  }
0x6a: {  	v36 =	vld [tilespmem:$0x890]  }
0x6b: {  	v37 =	vld [tilespmem:$0x910];
	[tilespmem:$0xAF0] =	vst v32  }
0x6c: {  	v38 =	vld [tilespmem:$0x8A0];
	[tilespmem:$0xB70] =	vst v33  }
0x6d: {  	v39 =	vld [tilespmem:$0x920];
	[tilespmem:$0xB00] =	vst v34  }
0x6e: {  	v40 =	vld [tilespmem:$0x8B0];
	[tilespmem:$0xB80] =	vst v35  }
0x6f: {  	v41 =	vld [tilespmem:$0x930];
	[tilespmem:$0xB10] =	vst v36  }
0x70: {  	v42 =	vld [tilespmem:$0x8C0];
	[tilespmem:$0xB90] =	vst v37  }
0x71: {  	v43 =	vld [tilespmem:$0x940];
	[tilespmem:$0xB20] =	vst v38  }
0x72: {  	v44 =	vld [tilespmem:$0x8D0];
	[tilespmem:$0xBA0] =	vst v39  }
0x73: {  	v45 =	vld [tilespmem:$0x950];
	[tilespmem:$0xB30] =	vst v40  }
0x74: {  	v46 =	vld [tilespmem:$0x8E0];
	[tilespmem:$0xBB0] =	vst v41  }
0x75: {  	v47 =	vld [tilespmem:$0x960];
	[tilespmem:$0xB40] =	vst v42  }
0x76: {  	[tilespmem:$0xBC0] =	vst v43  }
0x77: {  	[tilespmem:$0xB50] =	vst v44  }
0x78: {  	[tilespmem:$0xBD0] =	vst v45  }
0x79: {  	[tilespmem:$0xB60] =	vst v46  }
0x7a: {  	[tilespmem:$0xBE0] =	vst v47  }
0x7b: {  	[spmem:s2] =	stream.indirect.scatter.add.f32 [tilespmem:s25], [sflag:$0x5], $0x1, s24, s23, $0xb8;
	[tilespmem:$0xBF0] =	vst v63  }
0x7c: {  	_ =	swait.ge [sflag:s26], $0x80  }
0x7d: {  	[sflag:s26] =	ssyncset.done $0x0  }
0x7e: {  	s7 =	sadd.s32 $0x2400, s6;
	[sflag:s26] =	ssyncadd.s32 $0xFFFFFF80  }
0x7f: {  	[tilespmem:s20], [sflag:$0x3] =	stream.linear.gather [hbm4b:s7+s4], $0x180, $0x38;
	[tilespmem:$0xBF0] =	vst v63  }
0x80: {  	_ =	swait.ge [sflag:s30], $0x180  }
0x81: {  	[sflag:s30] =	ssyncset.done $0x0  }
0x82: {  	[sflag:s30] =	ssyncadd.s32 $0xFFFFFE80  }
0x83: {  	v48 =	vld [tilespmem:$0x9F0]  }
0x84: {  	v49 =	vld [tilespmem:$0xA70]  }
0x85: {  	v50 =	vld [tilespmem:$0xA00]  }
0x86: {  	v51 =	vld [tilespmem:$0xA80]  }
0x87: {  	v52 =	vld [tilespmem:$0xA10]  }
0x88: {  	v53 =	vld [tilespmem:$0xA90];
	[tilespmem:$0xAF0] =	vst v48  }
0x89: {  	v54 =	vld [tilespmem:$0xA20];
	[tilespmem:$0xB70] =	vst v49  }
0x8a: {  	v55 =	vld [tilespmem:$0xAA0];
	[tilespmem:$0xB00] =	vst v50  }
0x8b: {  	v56 =	vld [tilespmem:$0xA30];
	[tilespmem:$0xB80] =	vst v51  }
0x8c: {  	v57 =	vld [tilespmem:$0xAB0];
	[tilespmem:$0xB10] =	vst v52  }
0x8d: {  	v58 =	vld [tilespmem:$0xA40];
	[tilespmem:$0xB90] =	vst v53  }
0x8e: {  	v59 =	vld [tilespmem:$0xAC0];
	[tilespmem:$0xB20] =	vst v54  }
0x8f: {  	v60 =	vld [tilespmem:$0xA50];
	[tilespmem:$0xBA0] =	vst v55  }
0x90: {  	v61 =	vld [tilespmem:$0xAD0];
	[tilespmem:$0xB30] =	vst v56  }
0x91: {  	v62 =	vld [tilespmem:$0xA60];
	[tilespmem:$0xBB0] =	vst v57  }
0x92: {  	v63 =	vld [tilespmem:$0xAE0];
	[tilespmem:$0xB40] =	vst v58  }
0x93: {  	[tilespmem:$0xBC0] =	vst v59  }
0x94: {  	[tilespmem:$0xB50] =	vst v60  }
0x95: {  	[tilespmem:$0xBD0] =	vst v61  }
0x96: {  	[tilespmem:$0xB60] =	vst v62  }
0x97: {  	p1 =	sne.s32 s5, $0x1C800;
	[tilespmem:$0xBE0] =	vst v63  }
0x98: {  	[spmem:s2] =	stream.indirect.scatter.add.f32 [tilespmem:s25], [sflag:$0x5], $0x1, s24, s23, $0xb8;
	[tilespmem:$0xBF0] =	vst v63  }
.Ltmp0:
0x99: {  	_ = 	snop;
	(pc) =	sbr.rel @p1 .LBB2_2-.Ltmp0, $4  }
0x9a: {  	_ =	swait.ge [sflag:s26], $0x80  }
0x9b: {  	[sflag:s26] =	ssyncset.done $0x0  }
0x9c: {  	s5 =	sadd.s32 $0x1800, s5;
	s6 =	sadd.s32 $0x2A00, s6;
	[sflag:s26] =	ssyncadd.s32 $0xFFFFFF80  }
0x9d: {  	[tilespmem:s21], [sflag:$0x4] =	stream.linear.gather [hbm4b:s6+s4], $0x180, $0x38;
	[tilespmem:$0xBF0] =	vst v63  }
0x9e: {  	_ =	swait.ge [sflag:s22], $0x180  }
0x9f: {  	[sflag:s22] =	ssyncset.done $0x0  }
0xa0: {  	[sflag:s22] =	ssyncadd.s32 $0xFFFFFE80  }
0xa1: {  	_ =	swait.ge [sflag:s28], $0x180  }
0xa2: {  	[sflag:s28] =	ssyncset.done $0x0  }
0xa3: {  	[sflag:s28] =	ssyncadd.s32 $0xFFFFFE80  }
0xa4: {  	_ =	swait.ge [sflag:s29], $0x180  }
0xa5: {  	[sflag:s29] =	ssyncset.done $0x0  }
0xa6: {  	[sflag:s29] =	ssyncadd.s32 $0xFFFFFE80  }
0xa7: {  	_ =	swait.ge [sflag:s30], $0x180  }
0xa8: {  	[sflag:s30] =	ssyncset.done $0x0  }
0xa9: {  	s5 =	simm.s32 $0x0;
	[sflag:s30] =	ssyncadd.s32 $0xFFFFFE80  }
0xaa: {  	[tilespmem:s18], [sflag:$0x1] =	stream.linear.gather [hbm4b:s9+s5], $0x180, $0x38;
	[tilespmem:$0xBF0] =	vst v63  }
0xab: {  	_ = 	snop  }
0xac: {  	[tilespmem:s19], [sflag:$0x2] =	stream.linear.gather [hbm4b:s10+s5], $0x180, $0x38;
	[tilespmem:$0xBF0] =	vst v63  }
0xad: {  	_ = 	snop  }
0xae: {  	[tilespmem:s20], [sflag:$0x3] =	stream.linear.gather [hbm4b:s11+s5], $0x180, $0x38;
	[tilespmem:$0xBF0] =	vst v63  }
0xaf: {  	_ = 	snop  }
0xb0: {  	[tilespmem:s21], [sflag:$0x4] =	stream.linear.gather [hbm4b:s12+s5], $0x180, $0x38;
	[tilespmem:$0xBF0] =	vst v63  }
.LBB2_4:
0xb1: {  	_ =	swait.ge [sflag:s22], $0x180  }
0xb2: {  	[sflag:s22] =	ssyncset.done $0x0  }
0xb3: {  	[sflag:s22] =	ssyncadd.s32 $0xFFFFFE80  }
0xb4: {  	v0 =	vld [tilespmem:$0x570]  }
0xb5: {  	v1 =	vld [tilespmem:$0x5F0]  }
0xb6: {  	v2 =	vld [tilespmem:$0x580]  }
0xb7: {  	v3 =	vld [tilespmem:$0x600]  }
0xb8: {  	v4 =	vld [tilespmem:$0x590]  }
0xb9: {  	v61 =	vld [tilespmem:$0x610];
	[tilespmem:$0xAF0] =	vst v0  }
0xba: {  	v62 =	vld [tilespmem:$0x5A0];
	[tilespmem:$0xB70] =	vst v1  }
0xbb: {  	v63 =	vld [tilespmem:$0x620];
	[tilespmem:$0xB00] =	vst v2  }
0xbc: {  	v8 =	vld [tilespmem:$0x5B0];
	[tilespmem:$0xB80] =	vst v3  }
0xbd: {  	v9 =	vld [tilespmem:$0x630];
	[tilespmem:$0xB10] =	vst v4  }
0xbe: {  	v10 =	vld [tilespmem:$0x5C0];
	[tilespmem:$0xB90] =	vst v61  }
0xbf: {  	v11 =	vld [tilespmem:$0x640];
	[tilespmem:$0xB20] =	vst v62  }
0xc0: {  	v12 =	vld [tilespmem:$0x5D0];
	[tilespmem:$0xBA0] =	vst v63  }
0xc1: {  	v13 =	vld [tilespmem:$0x650];
	[tilespmem:$0xB30] =	vst v8  }
0xc2: {  	v14 =	vld [tilespmem:$0x5E0];
	[tilespmem:$0xBB0] =	vst v9  }
0xc3: {  	v15 =	vld [tilespmem:$0x660];
	[tilespmem:$0xB40] =	vst v10  }
0xc4: {  	[tilespmem:$0xBC0] =	vst v11  }
0xc5: {  	[tilespmem:$0xB50] =	vst v12  }
0xc6: {  	[tilespmem:$0xBD0] =	vst v13  }
0xc7: {  	[tilespmem:$0xB60] =	vst v14  }
0xc8: {  	[tilespmem:$0xBE0] =	vst v15  }
0xc9: {  	[spmem:s3] =	stream.indirect.scatter.add.f32 [tilespmem:s25], [sflag:$0x5], $0x1, s24, s23, $0xb8;
	[tilespmem:$0xBF0] =	vst v63  }
0xca: {  	_ =	swait.ge [sflag:s26], $0x80  }
0xcb: {  	s6 =	sadd.s32 s5, s17;
	[sflag:s26] =	ssyncset.done $0x0  }
0xcc: {  	s7 =	sadd.s32 $0x1800, s6;
	[sflag:s26] =	ssyncadd.s32 $0xFFFFFF80  }
0xcd: {  	[tilespmem:s18], [sflag:$0x1] =	stream.linear.gather [hbm4b:s7+s4], $0x180, $0x38;
	[tilespmem:$0xBF0] =	vst v63  }
0xce: {  	_ =	swait.ge [sflag:s28], $0x180  }
0xcf: {  	[sflag:s28] =	ssyncset.done $0x0  }
0xd0: {  	[sflag:s28] =	ssyncadd.s32 $0xFFFFFE80  }
0xd1: {  	v16 =	vld [tilespmem:$0x6F0]  }
0xd2: {  	v17 =	vld [tilespmem:$0x770]  }
0xd3: {  	v18 =	vld [tilespmem:$0x700]  }
0xd4: {  	v19 =	vld [tilespmem:$0x780]  }
0xd5: {  	v20 =	vld [tilespmem:$0x710]  }
0xd6: {  	v21 =	vld [tilespmem:$0x790];
	[tilespmem:$0xAF0] =	vst v16  }
0xd7: {  	v22 =	vld [tilespmem:$0x720];
	[tilespmem:$0xB70] =	vst v17  }
0xd8: {  	v23 =	vld [tilespmem:$0x7A0];
	[tilespmem:$0xB00] =	vst v18  }
0xd9: {  	v24 =	vld [tilespmem:$0x730];
	[tilespmem:$0xB80] =	vst v19  }
0xda: {  	v25 =	vld [tilespmem:$0x7B0];
	[tilespmem:$0xB10] =	vst v20  }
0xdb: {  	v26 =	vld [tilespmem:$0x740];
	[tilespmem:$0xB90] =	vst v21  }
0xdc: {  	v27 =	vld [tilespmem:$0x7C0];
	[tilespmem:$0xB20] =	vst v22  }
0xdd: {  	v28 =	vld [tilespmem:$0x750];
	[tilespmem:$0xBA0] =	vst v23  }
0xde: {  	v29 =	vld [tilespmem:$0x7D0];
	[tilespmem:$0xB30] =	vst v24  }
0xdf: {  	v30 =	vld [tilespmem:$0x760];
	[tilespmem:$0xBB0] =	vst v25  }
0xe0: {  	v31 =	vld [tilespmem:$0x7E0];
	[tilespmem:$0xB40] =	vst v26  }
0xe1: {  	[tilespmem:$0xBC0] =	vst v27  }
0xe2: {  	[tilespmem:$0xB50] =	vst v28  }
0xe3: {  	[tilespmem:$0xBD0] =	vst v29  }
0xe4: {  	[tilespmem:$0xB60] =	vst v30  }
0xe5: {  	[tilespmem:$0xBE0] =	vst v31  }
0xe6: {  	[spmem:s3] =	stream.indirect.scatter.add.f32 [tilespmem:s25], [sflag:$0x5], $0x1, s24, s23, $0xb8;
	[tilespmem:$0xBF0] =	vst v63  }
0xe7: {  	_ =	swait.ge [sflag:s26], $0x80  }
0xe8: {  	[sflag:s26] =	ssyncset.done $0x0  }
0xe9: {  	s7 =	sadd.s32 $0x1E00, s6;
	[sflag:s26] =	ssyncadd.s32 $0xFFFFFF80  }
0xea: {  	[tilespmem:s19], [sflag:$0x2] =	stream.linear.gather [hbm4b:s7+s4], $0x180, $0x38;
	[tilespmem:$0xBF0] =	vst v63  }
0xeb: {  	_ =	swait.ge [sflag:s29], $0x180  }
0xec: {  	[sflag:s29] =	ssyncset.done $0x0  }
0xed: {  	[sflag:s29] =	ssyncadd.s32 $0xFFFFFE80  }
0xee: {  	v32 =	vld [tilespmem:$0x870]  }
0xef: {  	v33 =	vld [tilespmem:$0x8F0]  }
0xf0: {  	v34 =	vld [tilespmem:$0x880]  }
0xf1: {  	v35 =	vld [tilespmem:$0x900]  }
0xf2: {  	v36 =	vld [tilespmem:$0x890]  }
0xf3: {  	v37 =	vld [tilespmem:$0x910];
	[tilespmem:$0xAF0] =	vst v32  }
0xf4: {  	v38 =	vld [tilespmem:$0x8A0];
	[tilespmem:$0xB70] =	vst v33  }
0xf5: {  	v39 =	vld [tilespmem:$0x920];
	[tilespmem:$0xB00] =	vst v34  }
0xf6: {  	v40 =	vld [tilespmem:$0x8B0];
	[tilespmem:$0xB80] =	vst v35  }
0xf7: {  	v41 =	vld [tilespmem:$0x930];
	[tilespmem:$0xB10] =	vst v36  }
0xf8: {  	v42 =	vld [tilespmem:$0x8C0];
	[tilespmem:$0xB90] =	vst v37  }
0xf9: {  	v43 =	vld [tilespmem:$0x940];
	[tilespmem:$0xB20] =	vst v38  }
0xfa: {  	v44 =	vld [tilespmem:$0x8D0];
	[tilespmem:$0xBA0] =	vst v39  }
0xfb: {  	v45 =	vld [tilespmem:$0x950];
	[tilespmem:$0xB30] =	vst v40  }
0xfc: {  	v46 =	vld [tilespmem:$0x8E0];
	[tilespmem:$0xBB0] =	vst v41  }
0xfd: {  	v47 =	vld [tilespmem:$0x960];
	[tilespmem:$0xB40] =	vst v42  }
0xfe: {  	[tilespmem:$0xBC0] =	vst v43  }
0xff: {  	[tilespmem:$0xB50] =	vst v44  }
0x100: {  	[tilespmem:$0xBD0] =	vst v45  }
0x101: {  	[tilespmem:$0xB60] =	vst v46  }
0x102: {  	[tilespmem:$0xBE0] =	vst v47  }
0x103: {  	[spmem:s3] =	stream.indirect.scatter.add.f32 [tilespmem:s25], [sflag:$0x5], $0x1, s24, s23, $0xb8;
	[tilespmem:$0xBF0] =	vst v63  }
0x104: {  	_ =	swait.ge [sflag:s26], $0x80  }
0x105: {  	[sflag:s26] =	ssyncset.done $0x0  }
0x106: {  	s7 =	sadd.s32 $0x2400, s6;
	[sflag:s26] =	ssyncadd.s32 $0xFFFFFF80  }
0x107: {  	[tilespmem:s20], [sflag:$0x3] =	stream.linear.gather [hbm4b:s7+s4], $0x180, $0x38;
	[tilespmem:$0xBF0] =	vst v63  }
0x108: {  	_ =	swait.ge [sflag:s30], $0x180  }
0x109: {  	[sflag:s30] =	ssyncset.done $0x0  }
0x10a: {  	[sflag:s30] =	ssyncadd.s32 $0xFFFFFE80  }
0x10b: {  	v48 =	vld [tilespmem:$0x9F0]  }
0x10c: {  	v49 =	vld [tilespmem:$0xA70]  }
0x10d: {  	v50 =	vld [tilespmem:$0xA00]  }
0x10e: {  	v51 =	vld [tilespmem:$0xA80]  }
0x10f: {  	v52 =	vld [tilespmem:$0xA10]  }
0x110: {  	v53 =	vld [tilespmem:$0xA90];
	[tilespmem:$0xAF0] =	vst v48  }
0x111: {  	v54 =	vld [tilespmem:$0xA20];
	[tilespmem:$0xB70] =	vst v49  }
0x112: {  	v55 =	vld [tilespmem:$0xAA0];
	[tilespmem:$0xB00] =	vst v50  }
0x113: {  	v56 =	vld [tilespmem:$0xA30];
	[tilespmem:$0xB80] =	vst v51  }
0x114: {  	v57 =	vld [tilespmem:$0xAB0];
	[tilespmem:$0xB10] =	vst v52  }
0x115: {  	v58 =	vld [tilespmem:$0xA40];
	[tilespmem:$0xB90] =	vst v53  }
0x116: {  	v59 =	vld [tilespmem:$0xAC0];
	[tilespmem:$0xB20] =	vst v54  }
0x117: {  	v60 =	vld [tilespmem:$0xA50];
	[tilespmem:$0xBA0] =	vst v55  }
0x118: {  	v61 =	vld [tilespmem:$0xAD0];
	[tilespmem:$0xB30] =	vst v56  }
0x119: {  	v62 =	vld [tilespmem:$0xA60];
	[tilespmem:$0xBB0] =	vst v57  }
0x11a: {  	v63 =	vld [tilespmem:$0xAE0];
	[tilespmem:$0xB40] =	vst v58  }
0x11b: {  	[tilespmem:$0xBC0] =	vst v59  }
0x11c: {  	[tilespmem:$0xB50] =	vst v60  }
0x11d: {  	[tilespmem:$0xBD0] =	vst v61  }
0x11e: {  	[tilespmem:$0xB60] =	vst v62  }
0x11f: {  	p1 =	sne.s32 s5, $0xD800;
	[tilespmem:$0xBE0] =	vst v63  }
0x120: {  	[spmem:s3] =	stream.indirect.scatter.add.f32 [tilespmem:s25], [sflag:$0x5], $0x1, s24, s23, $0xb8;
	[tilespmem:$0xBF0] =	vst v63  }
.Ltmp1:
0x121: {  	_ = 	snop;
	(pc) =	sbr.rel @p1 .LBB2_4-.Ltmp1, $4  }
0x122: {  	_ =	swait.ge [sflag:s26], $0x80  }
0x123: {  	[sflag:s26] =	ssyncset.done $0x0  }
0x124: {  	s5 =	sadd.s32 $0x1800, s5;
	s6 =	sadd.s32 $0x2A00, s6;
	[sflag:s26] =	ssyncadd.s32 $0xFFFFFF80  }
0x125: {  	[tilespmem:s21], [sflag:$0x4] =	stream.linear.gather [hbm4b:s6+s4], $0x180, $0x38;
	[tilespmem:$0xBF0] =	vst v63  }
0x126: {  	_ =	swait.ge [sflag:s22], $0x180  }
0x127: {  	[sflag:s22] =	ssyncset.done $0x0  }
0x128: {  	[sflag:s22] =	ssyncadd.s32 $0xFFFFFE80  }
0x129: {  	_ =	swait.ge [sflag:s28], $0x180  }
0x12a: {  	[sflag:s28] =	ssyncset.done $0x0  }
0x12b: {  	[sflag:s28] =	ssyncadd.s32 $0xFFFFFE80  }
0x12c: {  	_ =	swait.ge [sflag:s29], $0x180  }
0x12d: {  	[sflag:s29] =	ssyncset.done $0x0  }
0x12e: {  	[sflag:s29] =	ssyncadd.s32 $0xFFFFFE80  }
0x12f: {  	_ =	swait.ge [sflag:s30], $0x180  }
0x130: {  	[sflag:s30] =	ssyncset.done $0x0  }
0x131: {  	[sflag:s30] =	ssyncadd.s32 $0xFFFFFE80  }
0x132: {  	s5 =	simm.s32 @!p0 $0x1C05;
	[bflag:$0x0] =	sbarrier.arrive $0xFFFF  }
0x133: {  	[hbm:s13], [sflag:s5] =	dma.local @!p0 [spmem:s0], $0x4F0  }
0x134: {  	s0 =	simm.s32 @!p0 $0x5  }
0x135: {  	s31 =	sadd.s32 $0x1, s31;
	_ =	swait.ge @!p0 [sflag:s0], $0x4F0  }
0x136: {  	p1 =	sne.s32 s31, s15;
	[sflag:s0] =	ssyncset.done @!p0 $0x0  }
.Ltmp2:
0x137: {  	[sflag:s0] =	ssyncadd.s32 @!p0 $0xFFFFFB10;
	(pc) =	sbr.rel @p1 .LBB2_1-.Ltmp2, $4  }
0x138: {  	[hbm:s14], [sflag:s5] =	dma.local @!p0 [spmem:s1], $0x4F0  }
0x139: {  	_ =	swait.ge @!p0 [sflag:s0], $0x4F0  }
0x13a: {  	[sflag:s0] =	ssyncset.done @!p0 $0x0  }
0x13b: {  	[sflag:s0] =	ssyncadd.s32 @!p0 $0xFFFFFB10  }
0x13c: {  	_ =	sfence.sel $0x180000  }
0x13d: {  	[bflag:$0x0] =	sbarrier.arrive $0xFFFF  }
0x13e: {  	_ =	strace $0x90000047  }
0x13f: {  	[bflag:$0x2] =	sbarrier.arrive $0xFFFF  }
0x140: {  	s0 =	rddreg [dreg:$0x4]  }
0x141: {  	s0 =	sadd.s32 @!p0 $0x100000, s0  }
0x142: {  	[sflag:s0] =	ssyncadd.tile.s32 @!p0 $0x1;
	_ =	shalt  }
.Lfunc_end2:
_tile_overlayer_lowered:
.L_overlay_start_2:
0x143: {  	(tag) =	ssettag $0x2  }
0x144: {  	s0 =	rddreg [dreg:$0x0];
	s2 =	stileid.u32  }
0x145: {  	s1 =	rddreg [dreg:$0x1];
	p0 =	sne.s32 s2, $0x0  }
0x146: {  	s3 =	rddreg [dreg:$0x2];
	[bflag:$0x3] =	sbarrier.arrive $0xFFFF;
	s2 =	simm.s32 @!p0 $0x1C05  }
0x147: {  	[timem:s3], [sflag:s2] =	dma.local @!p0 [hbm:s0], s1  }
0x148: {  	s0 =	simm.s32 @!p0 $0x5  }
0x149: {  	_ =	swait.ge @!p0 [sflag:s0], s1  }
0x14a: {  	s1 =	ssub.s32 @!p0 $0x0, s1;
	[sflag:s0] =	ssyncset.done @!p0 $0x0  }
0x14b: {  	[sflag:s0] =	ssyncadd.s32 @!p0 s1  }
0x14c: {  	[bflag:$0x3] =	sbarrier.arrive $0xFFFF  }
0x14d: {  	_ =	shalt  }

</sc_bundles>
